<compile_context>
chip_gen: v7x
topology: tpu7x:2x2x1
jax: 0.10.2.dev20260603
libtpu: 0.0.44.dev20260713+nightly
codegen_flags: <defaults>
</compile_context>

<pallas_src>
import functools

import jax
import jax.numpy as jnp
from jax import lax
from jax.experimental import pallas as pl
from jax.experimental.pallas import tpu as pltpu
from jax.experimental.pallas import tpu_sc as plsc

_B = 10000
_N = 3200000
_LANES = 16
_NW = 32
_B_PAD = 10112
_PER_W = _N // _NW
_CHUNK = 10000
_N_CHUNKS = _PER_W // _CHUNK
_SUB = _CHUNK // _LANES
_CAP = _SUB


def _sc_partial_sums(batch_idx, values):
    mesh = plsc.VectorSubcoreMesh(core_axis_name="c", subcore_axis_name="s")

    @functools.partial(
        pl.kernel,
        out_type=jax.ShapeDtypeStruct((_NW, _B_PAD), jnp.float32),
        mesh=mesh,
        scratch_types=[
            pltpu.VMEM((_CHUNK,), jnp.int32),
            pltpu.VMEM((_CHUNK,), jnp.int32),
            pltpu.VMEM((_CHUNK,), jnp.float32),
            pltpu.VMEM((_CHUNK,), jnp.float32),
            pltpu.VMEM((_B_PAD,), jnp.float32),
            pltpu.VMEM((_LANES * _CAP,), jnp.int32),
            pltpu.VMEM((_LANES * _CAP,), jnp.float32),
            pltpu.SemaphoreType.DMA,
            pltpu.SemaphoreType.DMA,
        ],
        compiler_params=pltpu.CompilerParams(needs_layout_passes=False),
    )
    def k(idx_hbm, val_hbm, out_hbm, idx0, idx1, val0, val1, acc,
          log_seg, log_sum, sem0, sem1):
        wid = lax.axis_index("s") * 2 + lax.axis_index("c")
        base = wid * _PER_W
        idx_bufs, val_bufs, sems = (idx0, idx1), (val0, val1), (sem0, sem1)
        lanebase = lax.iota(jnp.int32, _LANES) * _SUB
        lanecap = lax.iota(jnp.int32, _LANES) * _CAP

        def zero_body(i, _):
            for u in range(8):
                acc[pl.ds((i * 8 + u) * _LANES, _LANES)] = jnp.zeros(
                    (_LANES,), jnp.float32)
            return 0

        lax.fori_loop(0, _B_PAD // (8 * _LANES), zero_body, 0)

        def start(c):
            off = base + c * _CHUNK
            b = c & 1
            ci = pltpu.async_copy(
                idx_hbm.at[pl.ds(off, _CHUNK)], idx_bufs[b], sems[b])
            cv = pltpu.async_copy(
                val_hbm.at[pl.ds(off, _CHUNK)], val_bufs[b], sems[b])
            return ci, cv

        pending = {0: start(0)}
        for c in range(_N_CHUNKS):
            b = c & 1
            ci, cv = pending.pop(b)
            ci.wait()
            cv.wait()
            if c + 1 < _N_CHUNKS:
                pending[1 - b] = start(c + 1)
            ib, vb = idx_bufs[b], val_bufs[b]

            prev = plsc.load_gather(ib, [lanebase])
            run = plsc.load_gather(vb, [lanebase])

            @plsc.parallel_loop(1, _SUB, unroll=13,
                                carry=(prev, run, lanecap))
            def step(t, carry, ib=ib, vb=vb):
                prev, run, cur = carry
                ixs = lanebase + t
                iv = plsc.load_gather(ib, [ixs])
                vv = plsc.load_gather(vb, [ixs])
                neq = iv != prev
                plsc.store_scatter(log_seg, [cur], prev, mask=neq)
                plsc.store_scatter(log_sum, [cur], run, mask=neq)
                cur = cur + neq.astype(jnp.int32)
                run = jnp.where(neq, vv, run + vv)
                return iv, run, cur

            prev, run, cur = step
            plsc.addupdate_scatter(acc, [prev], run)

            counts = cur - lanecap
            maxc = jnp.max(counts)

            def replay(j, _):
                pos = lanecap + j
                seg = plsc.load_gather(log_seg, [pos])
                val = plsc.load_gather(log_sum, [pos])
                plsc.addupdate_scatter(acc, [seg], val, mask=j < counts)
                return 0

            lax.fori_loop(0, maxc, replay, 0)
        pltpu.sync_copy(acc, out_hbm.at[wid])

    return k(batch_idx, values)


def _combine(tensor, partials):
    def body(t_ref, p_ref, o_ref):
        refs = jnp.sum(p_ref[...], axis=0)
        o_ref[...] = t_ref[...] - refs[:_B]

    return pl.pallas_call(
        body,
        out_shape=jax.ShapeDtypeStruct((_B,), jnp.float32),
    )(tensor, partials)


def kernel(tensor, batch_idx, atomic_numbers, element_references):
    vals = atomic_numbers.astype(jnp.float32)
    partials = _sc_partial_sums(batch_idx, vals)
    return _combine(tensor, partials)

# --- scband reference (transcript-rebuilt; emitter-appended) ---
"""Pipeline reference for scband-element-references-23587960389771 (READ-ONLY COPY).

The authoritative reference and input builder live on the scoring server;
editing this copy changes nothing except your own understanding.
"""

import jax, jax.numpy as jnp
import numpy as np

B = 10000
N = 3200000
NUM_ELEM = 100

def setup_inputs(seed: int = 0) -> dict:
    key = jax.random.key(seed)
    k1, k2, k3 = jax.random.split(key, 3)
    tensor = jax.random.normal(k1, (B,), dtype=jnp.float32)
    batch_idx = jnp.sort(jax.random.randint(k2, (N,), 0, B))
    atomic_numbers = jax.random.randint(k3, (N,), 0, 84).astype(jnp.float32)
    element_references = jnp.zeros((NUM_ELEM,), dtype=jnp.float32)
    return {
        "tensor": tensor,
        "batch_idx": batch_idx,
        "atomic_numbers": atomic_numbers,
        "element_references": element_references,
    }

def reference(tensor, batch_idx, atomic_numbers, element_references):
    # Faithful translation of compute_references(..., operation='subtract'):
    #   refs = zeros(tensor.shape, dtype=elem_refs.dtype).scatter_reduce(0, batch_idx, atomic_numbers, reduce='sum')
    #   return tensor - refs
    src = atomic_numbers.astype(element_references.dtype)
    refs = jax.ops.segment_sum(src, batch_idx, num_segments=tensor.shape[0])
    return tensor - refs

if __name__ == "__main__":
    import jax
    _d = setup_inputs()
    print(jax.jit(kernel)(*tuple(_d.values())))

</pallas_src>

<mosaic_0001>
#map = affine_map<(d0, d1) -> (0)>
#map1 = affine_map<(d0, d1) -> (0, 0)>
module attributes {stable_mosaic.version = 14 : i64} {
  func.func @k(%arg0: i32, %arg1: i32, %arg2: memref<3200000xi32, #tpu.memory_space<hbm>>, %arg3: memref<3200000xf32, #tpu.memory_space<hbm>>, %arg4: memref<32x10112xf32, #tpu.memory_space<hbm>>, %arg5: memref<10000xi32, #tpu.memory_space<vmem>>, %arg6: memref<10000xi32, #tpu.memory_space<vmem>>, %arg7: memref<10000xf32, #tpu.memory_space<vmem>>, %arg8: memref<10000xf32, #tpu.memory_space<vmem>>, %arg9: memref<10112xf32, #tpu.memory_space<vmem>>, %arg10: memref<10000xi32, #tpu.memory_space<vmem>>, %arg11: memref<10000xf32, #tpu.memory_space<vmem>>, %arg12: memref<!tpu.dma_semaphore, #tpu.memory_space<semaphore_mem>>, %arg13: memref<!tpu.dma_semaphore, #tpu.memory_space<semaphore_mem>>) attributes {dimension_semantics = [#tpu.dimension_semantics<core_parallel>, #tpu.dimension_semantics<subcore_parallel>], iteration_bounds = array<i64: 2, 16>, scalar_prefetch = 0 : i64, scratch_operands = 9 : i64, tpu.core_type = #tpu.core_type<sc_vector_subcore>, window_params = [{transform_indices = #map}, {transform_indices = #map}, {transform_indices = #map1}]} {
    %mul3A = arith.constant 2 : i32
    %mul3A_0 = arith.muli %arg1, %mul3A : i32
    %add3A = arith.addi %mul3A_0, %arg0 : i32
    %mul3A_1 = arith.constant 100000 : i32
    %mul3A_2 = arith.muli %add3A, %mul3A_1 : i32
    %iota3A = tpu.iota {dimensions = array<i32: 0>} : vector<16xi32>
    %mul3A_3 = arith.constant 625 : i32
    %mul3A_4 = vector.broadcast %mul3A_3 : i32 to vector<16xi32>
    %mul3A_5 = arith.muli %iota3A, %mul3A_4 : vector<16xi32>
    %iota3A_6 = tpu.iota {dimensions = array<i32: 0>} : vector<16xi32>
    %mul3A_7 = arith.constant 625 : i32
    %mul3A_8 = vector.broadcast %mul3A_7 : i32 to vector<16xi32>
    %mul3A_9 = arith.muli %iota3A_6, %mul3A_8 : vector<16xi32>
    %scan3A = arith.constant 0 : i32
    %scan3A_10 = arith.constant 0 : i32
    %scan3A_11 = arith.constant 79 : i32
    %scan3A_12 = arith.addi %scan3A_10, %scan3A_11 : i32
    %scan3A_13 = arith.constant 1 : i32
    %scan3A_14 = scf.for %scan3A_379 = %scan3A_10 to %scan3A_12 step %scan3A_13 iter_args(%scan3A_380 = %scan3A) -> (i32)  : i32 {
      %broadcast_in_dim3A = arith.constant 0.000000e+00 : f32
      %broadcast_in_dim3A_381 = vector.broadcast %broadcast_in_dim3A : f32 to vector<16xf32>
      %mul3A_382 = arith.constant 8 : i32
      %mul3A_383 = arith.muli %scan3A_379, %mul3A_382 : i32
      %add3A_384 = arith.constant 0 : i32
      %add3A_385 = arith.addi %mul3A_383, %add3A_384 : i32
      %mul3A_386 = arith.constant 16 : i32
      %mul3A_387 = arith.muli %add3A_385, %mul3A_386 : i32
      %swap3A = arith.index_cast %mul3A_387 : i32 to index
      %swap3A_388 = tpu.vector_load %arg9[%swap3A] {strides = array<i32>} : memref<10112xf32, #tpu.memory_space<vmem>>, vector<16xf32>,
      tpu.vector_store %arg9[%swap3A], %broadcast_in_dim3A_381 {strides = array<i32>} : memref<10112xf32, #tpu.memory_space<vmem>>, vector<16xf32>,
      %broadcast_in_dim3A_389 = arith.constant 0.000000e+00 : f32
      %broadcast_in_dim3A_390 = vector.broadcast %broadcast_in_dim3A_389 : f32 to vector<16xf32>
      %mul3A_391 = arith.constant 8 : i32
      %mul3A_392 = arith.muli %scan3A_379, %mul3A_391 : i32
      %add3A_393 = arith.constant 1 : i32
      %add3A_394 = arith.addi %mul3A_392, %add3A_393 : i32
      %mul3A_395 = arith.constant 16 : i32
      %mul3A_396 = arith.muli %add3A_394, %mul3A_395 : i32
      %swap3A_397 = arith.index_cast %mul3A_396 : i32 to index
      %swap3A_398 = tpu.vector_load %arg9[%swap3A_397] {strides = array<i32>} : memref<10112xf32, #tpu.memory_space<vmem>>, vector<16xf32>,
      tpu.vector_store %arg9[%swap3A_397], %broadcast_in_dim3A_390 {strides = array<i32>} : memref<10112xf32, #tpu.memory_space<vmem>>, vector<16xf32>,
      %broadcast_in_dim3A_399 = arith.constant 0.000000e+00 : f32
      %broadcast_in_dim3A_400 = vector.broadcast %broadcast_in_dim3A_399 : f32 to vector<16xf32>
      %mul3A_401 = arith.constant 8 : i32
      %mul3A_402 = arith.muli %scan3A_379, %mul3A_401 : i32
      %add3A_403 = arith.constant 2 : i32
      %add3A_404 = arith.addi %mul3A_402, %add3A_403 : i32
      %mul3A_405 = arith.constant 16 : i32
      %mul3A_406 = arith.muli %add3A_404, %mul3A_405 : i32
      %swap3A_407 = arith.index_cast %mul3A_406 : i32 to index
      %swap3A_408 = tpu.vector_load %arg9[%swap3A_407] {strides = array<i32>} : memref<10112xf32, #tpu.memory_space<vmem>>, vector<16xf32>,
      tpu.vector_store %arg9[%swap3A_407], %broadcast_in_dim3A_400 {strides = array<i32>} : memref<10112xf32, #tpu.memory_space<vmem>>, vector<16xf32>,
      %broadcast_in_dim3A_409 = arith.constant 0.000000e+00 : f32
      %broadcast_in_dim3A_410 = vector.broadcast %broadcast_in_dim3A_409 : f32 to vector<16xf32>
      %mul3A_411 = arith.constant 8 : i32
      %mul3A_412 = arith.muli %scan3A_379, %mul3A_411 : i32
      %add3A_413 = arith.constant 3 : i32
      %add3A_414 = arith.addi %mul3A_412, %add3A_413 : i32
      %mul3A_415 = arith.constant 16 : i32
      %mul3A_416 = arith.muli %add3A_414, %mul3A_415 : i32
      %swap3A_417 = arith.index_cast %mul3A_416 : i32 to index
      %swap3A_418 = tpu.vector_load %arg9[%swap3A_417] {strides = array<i32>} : memref<10112xf32, #tpu.memory_space<vmem>>, vector<16xf32>,
      tpu.vector_store %arg9[%swap3A_417], %broadcast_in_dim3A_410 {strides = array<i32>} : memref<10112xf32, #tpu.memory_space<vmem>>, vector<16xf32>,
      %broadcast_in_dim3A_419 = arith.constant 0.000000e+00 : f32
      %broadcast_in_dim3A_420 = vector.broadcast %broadcast_in_dim3A_419 : f32 to vector<16xf32>
      %mul3A_421 = arith.constant 8 : i32
      %mul3A_422 = arith.muli %scan3A_379, %mul3A_421 : i32
      %add3A_423 = arith.constant 4 : i32
      %add3A_424 = arith.addi %mul3A_422, %add3A_423 : i32
      %mul3A_425 = arith.constant 16 : i32
      %mul3A_426 = arith.muli %add3A_424, %mul3A_425 : i32
      %swap3A_427 = arith.index_cast %mul3A_426 : i32 to index
      %swap3A_428 = tpu.vector_load %arg9[%swap3A_427] {strides = array<i32>} : memref<10112xf32, #tpu.memory_space<vmem>>, vector<16xf32>,
      tpu.vector_store %arg9[%swap3A_427], %broadcast_in_dim3A_420 {strides = array<i32>} : memref<10112xf32, #tpu.memory_space<vmem>>, vector<16xf32>,
      %broadcast_in_dim3A_429 = arith.constant 0.000000e+00 : f32
      %broadcast_in_dim3A_430 = vector.broadcast %broadcast_in_dim3A_429 : f32 to vector<16xf32>
      %mul3A_431 = arith.constant 8 : i32
      %mul3A_432 = arith.muli %scan3A_379, %mul3A_431 : i32
      %add3A_433 = arith.constant 5 : i32
      %add3A_434 = arith.addi %mul3A_432, %add3A_433 : i32
      %mul3A_435 = arith.constant 16 : i32
      %mul3A_436 = arith.muli %add3A_434, %mul3A_435 : i32
      %swap3A_437 = arith.index_cast %mul3A_436 : i32 to index
      %swap3A_438 = tpu.vector_load %arg9[%swap3A_437] {strides = array<i32>} : memref<10112xf32, #tpu.memory_space<vmem>>, vector<16xf32>,
      tpu.vector_store %arg9[%swap3A_437], %broadcast_in_dim3A_430 {strides = array<i32>} : memref<10112xf32, #tpu.memory_space<vmem>>, vector<16xf32>,
      %broadcast_in_dim3A_439 = arith.constant 0.000000e+00 : f32
      %broadcast_in_dim3A_440 = vector.broadcast %broadcast_in_dim3A_439 : f32 to vector<16xf32>
      %mul3A_441 = arith.constant 8 : i32
      %mul3A_442 = arith.muli %scan3A_379, %mul3A_441 : i32
      %add3A_443 = arith.constant 6 : i32
      %add3A_444 = arith.addi %mul3A_442, %add3A_443 : i32
      %mul3A_445 = arith.constant 16 : i32
      %mul3A_446 = arith.muli %add3A_444, %mul3A_445 : i32
      %swap3A_447 = arith.index_cast %mul3A_446 : i32 to index
      %swap3A_448 = tpu.vector_load %arg9[%swap3A_447] {strides = array<i32>} : memref<10112xf32, #tpu.memory_space<vmem>>, vector<16xf32>,
      tpu.vector_store %arg9[%swap3A_447], %broadcast_in_dim3A_440 {strides = array<i32>} : memref<10112xf32, #tpu.memory_space<vmem>>, vector<16xf32>,
      %broadcast_in_dim3A_449 = arith.constant 0.000000e+00 : f32
      %broadcast_in_dim3A_450 = vector.broadcast %broadcast_in_dim3A_449 : f32 to vector<16xf32>
      %mul3A_451 = arith.constant 8 : i32
      %mul3A_452 = arith.muli %scan3A_379, %mul3A_451 : i32
      %add3A_453 = arith.constant 7 : i32
      %add3A_454 = arith.addi %mul3A_452, %add3A_453 : i32
      %mul3A_455 = arith.constant 16 : i32
      %mul3A_456 = arith.muli %add3A_454, %mul3A_455 : i32
      %swap3A_457 = arith.index_cast %mul3A_456 : i32 to index
      %swap3A_458 = tpu.vector_load %arg9[%swap3A_457] {strides = array<i32>} : memref<10112xf32, #tpu.memory_space<vmem>>, vector<16xf32>,
      tpu.vector_store %arg9[%swap3A_457], %broadcast_in_dim3A_450 {strides = array<i32>} : memref<10112xf32, #tpu.memory_space<vmem>>, vector<16xf32>,
      %scan3A_459 = arith.constant 0 : i32
      scf.yield %scan3A_459 : i32
    }
    %scan3A_15 = arith.constant 79 : i32
    %add3A_16 = arith.constant 0 : i32
    %add3A_17 = arith.addi %mul3A_2, %add3A_16 : i32
    %dma_start3A = tpu.memref_slice %arg2[%add3A_17] : memref<3200000xi32, #tpu.memory_space<hbm>> -> memref<10000xi32, #tpu.memory_space<hbm>>
    %dma_start3A_18 = tpu.memref_slice %arg2[%add3A_17] : memref<3200000xi32, #tpu.memory_space<hbm>> -> memref<10000xi32, #tpu.memory_space<hbm>>
    tpu.enqueue_dma source(%dma_start3A_18 : memref<10000xi32, #tpu.memory_space<hbm>>) target(%arg5 : memref<10000xi32, #tpu.memory_space<vmem>>) target_semaphore(%arg12 : memref<!tpu.dma_semaphore, #tpu.memory_space<semaphore_mem>>)
    %dma_start3A_19 = tpu.memref_slice %arg3[%add3A_17] : memref<3200000xf32, #tpu.memory_space<hbm>> -> memref<10000xf32, #tpu.memory_space<hbm>>
    %dma_start3A_20 = tpu.memref_slice %arg3[%add3A_17] : memref<3200000xf32, #tpu.memory_space<hbm>> -> memref<10000xf32, #tpu.memory_space<hbm>>
    tpu.enqueue_dma source(%dma_start3A_20 : memref<10000xf32, #tpu.memory_space<hbm>>) target(%arg7 : memref<10000xf32, #tpu.memory_space<vmem>>) target_semaphore(%arg12 : memref<!tpu.dma_semaphore, #tpu.memory_space<semaphore_mem>>)
    %dma_wait3A = tpu.memref_slice %arg2[%add3A_17] : memref<3200000xi32, #tpu.memory_space<hbm>> -> memref<10000xi32, #tpu.memory_space<hbm>>
    %dma_wait3A_21 = tpu.memref_slice %arg2[%add3A_17] : memref<3200000xi32, #tpu.memory_space<hbm>> -> memref<10000xi32, #tpu.memory_space<hbm>>
    tpu.wait_dma2 semaphore(%arg12 : memref<!tpu.dma_semaphore, #tpu.memory_space<semaphore_mem>>) src(%dma_wait3A_21 : memref<10000xi32, #tpu.memory_space<hbm>>) dst(%arg5 : memref<10000xi32, #tpu.memory_space<vmem>>)
    %dma_wait3A_22 = tpu.memref_slice %arg3[%add3A_17] : memref<3200000xf32, #tpu.memory_space<hbm>> -> memref<10000xf32, #tpu.memory_space<hbm>>
    %dma_wait3A_23 = tpu.memref_slice %arg3[%add3A_17] : memref<3200000xf32, #tpu.memory_space<hbm>> -> memref<10000xf32, #tpu.memory_space<hbm>>
    tpu.wait_dma2 semaphore(%arg12 : memref<!tpu.dma_semaphore, #tpu.memory_space<semaphore_mem>>) src(%dma_wait3A_23 : memref<10000xf32, #tpu.memory_space<hbm>>) dst(%arg7 : memref<10000xf32, #tpu.memory_space<vmem>>)
    %add3A_24 = arith.constant 10000 : i32
    %add3A_25 = arith.addi %mul3A_2, %add3A_24 : i32
    %dma_start3A_26 = tpu.memref_slice %arg2[%add3A_25] : memref<3200000xi32, #tpu.memory_space<hbm>> -> memref<10000xi32, #tpu.memory_space<hbm>>
    %dma_start3A_27 = tpu.memref_slice %arg2[%add3A_25] : memref<3200000xi32, #tpu.memory_space<hbm>> -> memref<10000xi32, #tpu.memory_space<hbm>>
    tpu.enqueue_dma source(%dma_start3A_27 : memref<10000xi32, #tpu.memory_space<hbm>>) target(%arg6 : memref<10000xi32, #tpu.memory_space<vmem>>) target_semaphore(%arg13 : memref<!tpu.dma_semaphore, #tpu.memory_space<semaphore_mem>>)
    %dma_start3A_28 = tpu.memref_slice %arg3[%add3A_25] : memref<3200000xf32, #tpu.memory_space<hbm>> -> memref<10000xf32, #tpu.memory_space<hbm>>
    %dma_start3A_29 = tpu.memref_slice %arg3[%add3A_25] : memref<3200000xf32, #tpu.memory_space<hbm>> -> memref<10000xf32, #tpu.memory_space<hbm>>
    tpu.enqueue_dma source(%dma_start3A_29 : memref<10000xf32, #tpu.memory_space<hbm>>) target(%arg8 : memref<10000xf32, #tpu.memory_space<vmem>>) target_semaphore(%arg13 : memref<!tpu.dma_semaphore, #tpu.memory_space<semaphore_mem>>)
    %gather3A = tpu.vector_load_idx %arg5[%mul3A_5] : memref<10000xi32, #tpu.memory_space<vmem>>[vector<16xi32>], vector<16xi32>,
    %gather3A_30 = tpu.vector_load_idx %arg7[%mul3A_5] : memref<10000xf32, #tpu.memory_space<vmem>>[vector<16xi32>], vector<16xf32>,
    %parallel_loop3A = arith.constant 1 : i32
    %parallel_loop3A_31 = arith.constant 625 : i32
    %parallel_loop3A_32 = arith.constant 1 : i32
    %parallel_loop3A_33:3 = scf.for %parallel_loop3A_379 = %parallel_loop3A to %parallel_loop3A_31 step %parallel_loop3A_32 iter_args(%parallel_loop3A_380 = %gather3A, %parallel_loop3A_381 = %gather3A_30, %parallel_loop3A_382 = %mul3A_9) -> (vector<16xi32>, vector<16xf32>, vector<16xi32>)  : i32 {
      %parallel_loop3A_383 = vector.broadcast %parallel_loop3A_379 : i32 to vector<16xi32>
      %parallel_loop3A_384 = arith.addi %mul3A_5, %parallel_loop3A_383 : vector<16xi32>
      %parallel_loop3A_385 = tpu.vector_load_idx %arg5[%parallel_loop3A_384] : memref<10000xi32, #tpu.memory_space<vmem>>[vector<16xi32>], vector<16xi32>,
      %parallel_loop3A_386 = tpu.vector_load_idx %arg7[%parallel_loop3A_384] : memref<10000xf32, #tpu.memory_space<vmem>>[vector<16xi32>], vector<16xf32>,
      %parallel_loop3A_387 = arith.cmpi ne, %parallel_loop3A_385, %parallel_loop3A_380 : vector<16xi32>
      tpu.vector_store_idx %arg10[%parallel_loop3A_382], %parallel_loop3A_380 masked %parallel_loop3A_387 : memref<10000xi32, #tpu.memory_space<vmem>>[vector<16xi32>], vector<16xi32>, vector<16xi1>
      tpu.vector_store_idx %arg11[%parallel_loop3A_382], %parallel_loop3A_381 masked %parallel_loop3A_387 : memref<10000xf32, #tpu.memory_space<vmem>>[vector<16xi32>], vector<16xf32>, vector<16xi1>
      %parallel_loop3A_388 = arith.extui %parallel_loop3A_387 : vector<16xi1> to vector<16xi32>
      %parallel_loop3A_389 = arith.addi %parallel_loop3A_382, %parallel_loop3A_388 : vector<16xi32>
      %parallel_loop3A_390 = arith.addf %parallel_loop3A_381, %parallel_loop3A_386 : vector<16xf32>
      %parallel_loop3A_391 = arith.select %parallel_loop3A_387, %parallel_loop3A_386, %parallel_loop3A_390 : vector<16xi1>, vector<16xf32>
      scf.yield %parallel_loop3A_385, %parallel_loop3A_391, %parallel_loop3A_389 : vector<16xi32>, vector<16xf32>, vector<16xi32>
    } {sc.loop_unroll_factor = 13 : i64, sc.parallel_access}
    tpu.vector_store_idx %arg9[%parallel_loop3A_33#0], %parallel_loop3A_33#1 {add = true} : memref<10112xf32, #tpu.memory_space<vmem>>[vector<16xi32>], vector<16xf32>,
    %sub3A = arith.subi %parallel_loop3A_33#2, %mul3A_9 : vector<16xi32>
    %reduce_max3A = arith.constant true
    %reduce_max3A_34 = vector.broadcast %reduce_max3A : i1 to vector<16xi1>
    %reduce_max3A_35 = arith.constant -2147483648 : i32
    %reduce_max3A_36 = vector.broadcast %reduce_max3A_35 : i32 to vector<16xi32>
    %reduce_max3A_37 = arith.xori %sub3A, %reduce_max3A_36 : vector<16xi32>
    %reduce_max3A_38 = tpu.scan <max>, %reduce_max3A_37 masked %reduce_max3A_34 : vector<16xi32>, vector<16xi1> -> vector<16xi32>
    %reduce_max3A_39 = arith.xori %reduce_max3A_38, %reduce_max3A_36 : vector<16xi32>
    %reduce_max3A_40 = vector.extract %reduce_max3A_39[15] : i32 from vector<16xi32>
    %while3A = arith.constant 0 : i32
    %while3A_41 = arith.constant 0 : i32
    %while3A_42 = arith.subi %reduce_max3A_40, %while3A : i32
    %while3A_43 = arith.addi %while3A, %while3A_42 : i32
    %while3A_44 = arith.constant 1 : i32
    %while3A_45 = arith.divsi %while3A_42, %while3A_44 : i32
    %while3A_46 = arith.muli %while3A_45, %while3A_44 : i32
    %while3A_47 = arith.addi %while3A, %while3A_46 : i32
    %while3A_48 = arith.constant 1 : i32
    %while3A_49 = scf.for %while3A_379 = %while3A to %while3A_47 step %while3A_48 iter_args(%while3A_380 = %while3A_41) -> (i32)  : i32 {
      %add3A_381 = vector.broadcast %while3A_379 : i32 to vector<16xi32>
      %add3A_382 = arith.addi %mul3A_9, %add3A_381 : vector<16xi32>
      %gather3A_383 = tpu.vector_load_idx %arg10[%add3A_382] : memref<10000xi32, #tpu.memory_space<vmem>>[vector<16xi32>], vector<16xi32>,
      %gather3A_384 = tpu.vector_load_idx %arg11[%add3A_382] : memref<10000xf32, #tpu.memory_space<vmem>>[vector<16xi32>], vector<16xf32>,
      %lt3A = vector.broadcast %while3A_379 : i32 to vector<16xi32>
      %lt3A_385 = arith.cmpi slt, %lt3A, %sub3A : vector<16xi32>
      tpu.vector_store_idx %arg9[%gather3A_383], %gather3A_384 masked %lt3A_385 {add = true} : memref<10112xf32, #tpu.memory_space<vmem>>[vector<16xi32>], vector<16xf32>, vector<16xi1>
      %while3A_386 = arith.constant 0 : i32
      scf.yield %while3A_386 : i32
    }
    %while3A_50 = arith.constant 1 : i32
    %while3A_51 = scf.for %while3A_379 = %while3A_47 to %while3A_43 step %while3A_50 iter_args(%while3A_380 = %while3A_49) -> (i32)  : i32 {
      %add3A_381 = vector.broadcast %while3A_379 : i32 to vector<16xi32>
      %add3A_382 = arith.addi %mul3A_9, %add3A_381 : vector<16xi32>
      %gather3A_383 = tpu.vector_load_idx %arg10[%add3A_382] : memref<10000xi32, #tpu.memory_space<vmem>>[vector<16xi32>], vector<16xi32>,
      %gather3A_384 = tpu.vector_load_idx %arg11[%add3A_382] : memref<10000xf32, #tpu.memory_space<vmem>>[vector<16xi32>], vector<16xf32>,
      %lt3A = vector.broadcast %while3A_379 : i32 to vector<16xi32>
      %lt3A_385 = arith.cmpi slt, %lt3A, %sub3A : vector<16xi32>
      tpu.vector_store_idx %arg9[%gather3A_383], %gather3A_384 masked %lt3A_385 {add = true} : memref<10112xf32, #tpu.memory_space<vmem>>[vector<16xi32>], vector<16xf32>, vector<16xi1>
      %while3A_386 = arith.constant 0 : i32
      scf.yield %while3A_386 : i32
    }
    %dma_wait3A_52 = tpu.memref_slice %arg2[%add3A_25] : memref<3200000xi32, #tpu.memory_space<hbm>> -> memref<10000xi32, #tpu.memory_space<hbm>>
    %dma_wait3A_53 = tpu.memref_slice %arg2[%add3A_25] : memref<3200000xi32, #tpu.memory_space<hbm>> -> memref<10000xi32, #tpu.memory_space<hbm>>
    tpu.wait_dma2 semaphore(%arg13 : memref<!tpu.dma_semaphore, #tpu.memory_space<semaphore_mem>>) src(%dma_wait3A_53 : memref<10000xi32, #tpu.memory_space<hbm>>) dst(%arg6 : memref<10000xi32, #tpu.memory_space<vmem>>)
    %dma_wait3A_54 = tpu.memref_slice %arg3[%add3A_25] : memref<3200000xf32, #tpu.memory_space<hbm>> -> memref<10000xf32, #tpu.memory_space<hbm>>
    %dma_wait3A_55 = tpu.memref_slice %arg3[%add3A_25] : memref<3200000xf32, #tpu.memory_space<hbm>> -> memref<10000xf32, #tpu.memory_space<hbm>>
    tpu.wait_dma2 semaphore(%arg13 : memref<!tpu.dma_semaphore, #tpu.memory_space<semaphore_mem>>) src(%dma_wait3A_55 : memref<10000xf32, #tpu.memory_space<hbm>>) dst(%arg8 : memref<10000xf32, #tpu.memory_space<vmem>>)
    %add3A_56 = arith.constant 20000 : i32
    %add3A_57 = arith.addi %mul3A_2, %add3A_56 : i32
    %dma_start3A_58 = tpu.memref_slice %arg2[%add3A_57] : memref<3200000xi32, #tpu.memory_space<hbm>> -> memref<10000xi32, #tpu.memory_space<hbm>>
    %dma_start3A_59 = tpu.memref_slice %arg2[%add3A_57] : memref<3200000xi32, #tpu.memory_space<hbm>> -> memref<10000xi32, #tpu.memory_space<hbm>>
    tpu.enqueue_dma source(%dma_start3A_59 : memref<10000xi32, #tpu.memory_space<hbm>>) target(%arg5 : memref<10000xi32, #tpu.memory_space<vmem>>) target_semaphore(%arg12 : memref<!tpu.dma_semaphore, #tpu.memory_space<semaphore_mem>>)
    %dma_start3A_60 = tpu.memref_slice %arg3[%add3A_57] : memref<3200000xf32, #tpu.memory_space<hbm>> -> memref<10000xf32, #tpu.memory_space<hbm>>
    %dma_start3A_61 = tpu.memref_slice %arg3[%add3A_57] : memref<3200000xf32, #tpu.memory_space<hbm>> -> memref<10000xf32, #tpu.memory_space<hbm>>
    tpu.enqueue_dma source(%dma_start3A_61 : memref<10000xf32, #tpu.memory_space<hbm>>) target(%arg7 : memref<10000xf32, #tpu.memory_space<vmem>>) target_semaphore(%arg12 : memref<!tpu.dma_semaphore, #tpu.memory_space<semaphore_mem>>)
    %gather3A_62 = tpu.vector_load_idx %arg6[%mul3A_5] : memref<10000xi32, #tpu.memory_space<vmem>>[vector<16xi32>], vector<16xi32>,
    %gather3A_63 = tpu.vector_load_idx %arg8[%mul3A_5] : memref<10000xf32, #tpu.memory_space<vmem>>[vector<16xi32>], vector<16xf32>,
    %parallel_loop3A_64 = arith.constant 1 : i32
    %parallel_loop3A_65 = arith.constant 625 : i32
    %parallel_loop3A_66 = arith.constant 1 : i32
    %parallel_loop3A_67:3 = scf.for %parallel_loop3A_379 = %parallel_loop3A_64 to %parallel_loop3A_65 step %parallel_loop3A_66 iter_args(%parallel_loop3A_380 = %gather3A_62, %parallel_loop3A_381 = %gather3A_63, %parallel_loop3A_382 = %mul3A_9) -> (vector<16xi32>, vector<16xf32>, vector<16xi32>)  : i32 {
      %parallel_loop3A_383 = vector.broadcast %parallel_loop3A_379 : i32 to vector<16xi32>
      %parallel_loop3A_384 = arith.addi %mul3A_5, %parallel_loop3A_383 : vector<16xi32>
      %parallel_loop3A_385 = tpu.vector_load_idx %arg6[%parallel_loop3A_384] : memref<10000xi32, #tpu.memory_space<vmem>>[vector<16xi32>], vector<16xi32>,
      %parallel_loop3A_386 = tpu.vector_load_idx %arg8[%parallel_loop3A_384] : memref<10000xf32, #tpu.memory_space<vmem>>[vector<16xi32>], vector<16xf32>,
      %parallel_loop3A_387 = arith.cmpi ne, %parallel_loop3A_385, %parallel_loop3A_380 : vector<16xi32>
      tpu.vector_store_idx %arg10[%parallel_loop3A_382], %parallel_loop3A_380 masked %parallel_loop3A_387 : memref<10000xi32, #tpu.memory_space<vmem>>[vector<16xi32>], vector<16xi32>, vector<16xi1>
      tpu.vector_store_idx %arg11[%parallel_loop3A_382], %parallel_loop3A_381 masked %parallel_loop3A_387 : memref<10000xf32, #tpu.memory_space<vmem>>[vector<16xi32>], vector<16xf32>, vector<16xi1>
      %parallel_loop3A_388 = arith.extui %parallel_loop3A_387 : vector<16xi1> to vector<16xi32>
      %parallel_loop3A_389 = arith.addi %parallel_loop3A_382, %parallel_loop3A_388 : vector<16xi32>
      %parallel_loop3A_390 = arith.addf %parallel_loop3A_381, %parallel_loop3A_386 : vector<16xf32>
      %parallel_loop3A_391 = arith.select %parallel_loop3A_387, %parallel_loop3A_386, %parallel_loop3A_390 : vector<16xi1>, vector<16xf32>
      scf.yield %parallel_loop3A_385, %parallel_loop3A_391, %parallel_loop3A_389 : vector<16xi32>, vector<16xf32>, vector<16xi32>
    } {sc.loop_unroll_factor = 13 : i64, sc.parallel_access}
    tpu.vector_store_idx %arg9[%parallel_loop3A_67#0], %parallel_loop3A_67#1 {add = true} : memref<10112xf32, #tpu.memory_space<vmem>>[vector<16xi32>], vector<16xf32>,
    %sub3A_68 = arith.subi %parallel_loop3A_67#2, %mul3A_9 : vector<16xi32>
    %reduce_max3A_69 = arith.constant true
    %reduce_max3A_70 = vector.broadcast %reduce_max3A_69 : i1 to vector<16xi1>
    %reduce_max3A_71 = arith.constant -2147483648 : i32
    %reduce_max3A_72 = vector.broadcast %reduce_max3A_71 : i32 to vector<16xi32>
    %reduce_max3A_73 = arith.xori %sub3A_68, %reduce_max3A_72 : vector<16xi32>
    %reduce_max3A_74 = tpu.scan <max>, %reduce_max3A_73 masked %reduce_max3A_70 : vector<16xi32>, vector<16xi1> -> vector<16xi32>
    %reduce_max3A_75 = arith.xori %reduce_max3A_74, %reduce_max3A_72 : vector<16xi32>
    %reduce_max3A_76 = vector.extract %reduce_max3A_75[15] : i32 from vector<16xi32>
    %while3A_77 = arith.constant 0 : i32
    %while3A_78 = arith.constant 0 : i32
    %while3A_79 = arith.subi %reduce_max3A_76, %while3A_77 : i32
    %while3A_80 = arith.addi %while3A_77, %while3A_79 : i32
    %while3A_81 = arith.constant 1 : i32
    %while3A_82 = arith.divsi %while3A_79, %while3A_81 : i32
    %while3A_83 = arith.muli %while3A_82, %while3A_81 : i32
    %while3A_84 = arith.addi %while3A_77, %while3A_83 : i32
    %while3A_85 = arith.constant 1 : i32
    %while3A_86 = scf.for %while3A_379 = %while3A_77 to %while3A_84 step %while3A_85 iter_args(%while3A_380 = %while3A_78) -> (i32)  : i32 {
      %add3A_381 = vector.broadcast %while3A_379 : i32 to vector<16xi32>
      %add3A_382 = arith.addi %mul3A_9, %add3A_381 : vector<16xi32>
      %gather3A_383 = tpu.vector_load_idx %arg10[%add3A_382] : memref<10000xi32, #tpu.memory_space<vmem>>[vector<16xi32>], vector<16xi32>,
      %gather3A_384 = tpu.vector_load_idx %arg11[%add3A_382] : memref<10000xf32, #tpu.memory_space<vmem>>[vector<16xi32>], vector<16xf32>,
      %lt3A = vector.broadcast %while3A_379 : i32 to vector<16xi32>
      %lt3A_385 = arith.cmpi slt, %lt3A, %sub3A_68 : vector<16xi32>
      tpu.vector_store_idx %arg9[%gather3A_383], %gather3A_384 masked %lt3A_385 {add = true} : memref<10112xf32, #tpu.memory_space<vmem>>[vector<16xi32>], vector<16xf32>, vector<16xi1>
      %while3A_386 = arith.constant 0 : i32
      scf.yield %while3A_386 : i32
    }
    %while3A_87 = arith.constant 1 : i32
    %while3A_88 = scf.for %while3A_379 = %while3A_84 to %while3A_80 step %while3A_87 iter_args(%while3A_380 = %while3A_86) -> (i32)  : i32 {
      %add3A_381 = vector.broadcast %while3A_379 : i32 to vector<16xi32>
      %add3A_382 = arith.addi %mul3A_9, %add3A_381 : vector<16xi32>
      %gather3A_383 = tpu.vector_load_idx %arg10[%add3A_382] : memref<10000xi32, #tpu.memory_space<vmem>>[vector<16xi32>], vector<16xi32>,
      %gather3A_384 = tpu.vector_load_idx %arg11[%add3A_382] : memref<10000xf32, #tpu.memory_space<vmem>>[vector<16xi32>], vector<16xf32>,
      %lt3A = vector.broadcast %while3A_379 : i32 to vector<16xi32>
      %lt3A_385 = arith.cmpi slt, %lt3A, %sub3A_68 : vector<16xi32>
      tpu.vector_store_idx %arg9[%gather3A_383], %gather3A_384 masked %lt3A_385 {add = true} : memref<10112xf32, #tpu.memory_space<vmem>>[vector<16xi32>], vector<16xf32>, vector<16xi1>
      %while3A_386 = arith.constant 0 : i32
      scf.yield %while3A_386 : i32
    }
    %dma_wait3A_89 = tpu.memref_slice %arg2[%add3A_57] : memref<3200000xi32, #tpu.memory_space<hbm>> -> memref<10000xi32, #tpu.memory_space<hbm>>
    %dma_wait3A_90 = tpu.memref_slice %arg2[%add3A_57] : memref<3200000xi32, #tpu.memory_space<hbm>> -> memref<10000xi32, #tpu.memory_space<hbm>>
    tpu.wait_dma2 semaphore(%arg12 : memref<!tpu.dma_semaphore, #tpu.memory_space<semaphore_mem>>) src(%dma_wait3A_90 : memref<10000xi32, #tpu.memory_space<hbm>>) dst(%arg5 : memref<10000xi32, #tpu.memory_space<vmem>>)
    %dma_wait3A_91 = tpu.memref_slice %arg3[%add3A_57] : memref<3200000xf32, #tpu.memory_space<hbm>> -> memref<10000xf32, #tpu.memory_space<hbm>>
    %dma_wait3A_92 = tpu.memref_slice %arg3[%add3A_57] : memref<3200000xf32, #tpu.memory_space<hbm>> -> memref<10000xf32, #tpu.memory_space<hbm>>
    tpu.wait_dma2 semaphore(%arg12 : memref<!tpu.dma_semaphore, #tpu.memory_space<semaphore_mem>>) src(%dma_wait3A_92 : memref<10000xf32, #tpu.memory_space<hbm>>) dst(%arg7 : memref<10000xf32, #tpu.memory_space<vmem>>)
    %add3A_93 = arith.constant 30000 : i32
    %add3A_94 = arith.addi %mul3A_2, %add3A_93 : i32
    %dma_start3A_95 = tpu.memref_slice %arg2[%add3A_94] : memref<3200000xi32, #tpu.memory_space<hbm>> -> memref<10000xi32, #tpu.memory_space<hbm>>
    %dma_start3A_96 = tpu.memref_slice %arg2[%add3A_94] : memref<3200000xi32, #tpu.memory_space<hbm>> -> memref<10000xi32, #tpu.memory_space<hbm>>
    tpu.enqueue_dma source(%dma_start3A_96 : memref<10000xi32, #tpu.memory_space<hbm>>) target(%arg6 : memref<10000xi32, #tpu.memory_space<vmem>>) target_semaphore(%arg13 : memref<!tpu.dma_semaphore, #tpu.memory_space<semaphore_mem>>)
    %dma_start3A_97 = tpu.memref_slice %arg3[%add3A_94] : memref<3200000xf32, #tpu.memory_space<hbm>> -> memref<10000xf32, #tpu.memory_space<hbm>>
    %dma_start3A_98 = tpu.memref_slice %arg3[%add3A_94] : memref<3200000xf32, #tpu.memory_space<hbm>> -> memref<10000xf32, #tpu.memory_space<hbm>>
    tpu.enqueue_dma source(%dma_start3A_98 : memref<10000xf32, #tpu.memory_space<hbm>>) target(%arg8 : memref<10000xf32, #tpu.memory_space<vmem>>) target_semaphore(%arg13 : memref<!tpu.dma_semaphore, #tpu.memory_space<semaphore_mem>>)
    %gather3A_99 = tpu.vector_load_idx %arg5[%mul3A_5] : memref<10000xi32, #tpu.memory_space<vmem>>[vector<16xi32>], vector<16xi32>,
    %gather3A_100 = tpu.vector_load_idx %arg7[%mul3A_5] : memref<10000xf32, #tpu.memory_space<vmem>>[vector<16xi32>], vector<16xf32>,
    %parallel_loop3A_101 = arith.constant 1 : i32
    %parallel_loop3A_102 = arith.constant 625 : i32
    %parallel_loop3A_103 = arith.constant 1 : i32
    %parallel_loop3A_104:3 = scf.for %parallel_loop3A_379 = %parallel_loop3A_101 to %parallel_loop3A_102 step %parallel_loop3A_103 iter_args(%parallel_loop3A_380 = %gather3A_99, %parallel_loop3A_381 = %gather3A_100, %parallel_loop3A_382 = %mul3A_9) -> (vector<16xi32>, vector<16xf32>, vector<16xi32>)  : i32 {
      %parallel_loop3A_383 = vector.broadcast %parallel_loop3A_379 : i32 to vector<16xi32>
      %parallel_loop3A_384 = arith.addi %mul3A_5, %parallel_loop3A_383 : vector<16xi32>
      %parallel_loop3A_385 = tpu.vector_load_idx %arg5[%parallel_loop3A_384] : memref<10000xi32, #tpu.memory_space<vmem>>[vector<16xi32>], vector<16xi32>,
      %parallel_loop3A_386 = tpu.vector_load_idx %arg7[%parallel_loop3A_384] : memref<10000xf32, #tpu.memory_space<vmem>>[vector<16xi32>], vector<16xf32>,
      %parallel_loop3A_387 = arith.cmpi ne, %parallel_loop3A_385, %parallel_loop3A_380 : vector<16xi32>
      tpu.vector_store_idx %arg10[%parallel_loop3A_382], %parallel_loop3A_380 masked %parallel_loop3A_387 : memref<10000xi32, #tpu.memory_space<vmem>>[vector<16xi32>], vector<16xi32>, vector<16xi1>
      tpu.vector_store_idx %arg11[%parallel_loop3A_382], %parallel_loop3A_381 masked %parallel_loop3A_387 : memref<10000xf32, #tpu.memory_space<vmem>>[vector<16xi32>], vector<16xf32>, vector<16xi1>
      %parallel_loop3A_388 = arith.extui %parallel_loop3A_387 : vector<16xi1> to vector<16xi32>
      %parallel_loop3A_389 = arith.addi %parallel_loop3A_382, %parallel_loop3A_388 : vector<16xi32>
      %parallel_loop3A_390 = arith.addf %parallel_loop3A_381, %parallel_loop3A_386 : vector<16xf32>
      %parallel_loop3A_391 = arith.select %parallel_loop3A_387, %parallel_loop3A_386, %parallel_loop3A_390 : vector<16xi1>, vector<16xf32>
      scf.yield %parallel_loop3A_385, %parallel_loop3A_391, %parallel_loop3A_389 : vector<16xi32>, vector<16xf32>, vector<16xi32>
    } {sc.loop_unroll_factor = 13 : i64, sc.parallel_access}
    tpu.vector_store_idx %arg9[%parallel_loop3A_104#0], %parallel_loop3A_104#1 {add = true} : memref<10112xf32, #tpu.memory_space<vmem>>[vector<16xi32>], vector<16xf32>,
    %sub3A_105 = arith.subi %parallel_loop3A_104#2, %mul3A_9 : vector<16xi32>
    %reduce_max3A_106 = arith.constant true
    %reduce_max3A_107 = vector.broadcast %reduce_max3A_106 : i1 to vector<16xi1>
    %reduce_max3A_108 = arith.constant -2147483648 : i32
    %reduce_max3A_109 = vector.broadcast %reduce_max3A_108 : i32 to vector<16xi32>
    %reduce_max3A_110 = arith.xori %sub3A_105, %reduce_max3A_109 : vector<16xi32>
    %reduce_max3A_111 = tpu.scan <max>, %reduce_max3A_110 masked %reduce_max3A_107 : vector<16xi32>, vector<16xi1> -> vector<16xi32>
    %reduce_max3A_112 = arith.xori %reduce_max3A_111, %reduce_max3A_109 : vector<16xi32>
    %reduce_max3A_113 = vector.extract %reduce_max3A_112[15] : i32 from vector<16xi32>
    %while3A_114 = arith.constant 0 : i32
    %while3A_115 = arith.constant 0 : i32
    %while3A_116 = arith.subi %reduce_max3A_113, %while3A_114 : i32
    %while3A_117 = arith.addi %while3A_114, %while3A_116 : i32
    %while3A_118 = arith.constant 1 : i32
    %while3A_119 = arith.divsi %while3A_116, %while3A_118 : i32
    %while3A_120 = arith.muli %while3A_119, %while3A_118 : i32
    %while3A_121 = arith.addi %while3A_114, %while3A_120 : i32
    %while3A_122 = arith.constant 1 : i32
    %while3A_123 = scf.for %while3A_379 = %while3A_114 to %while3A_121 step %while3A_122 iter_args(%while3A_380 = %while3A_115) -> (i32)  : i32 {
      %add3A_381 = vector.broadcast %while3A_379 : i32 to vector<16xi32>
      %add3A_382 = arith.addi %mul3A_9, %add3A_381 : vector<16xi32>
      %gather3A_383 = tpu.vector_load_idx %arg10[%add3A_382] : memref<10000xi32, #tpu.memory_space<vmem>>[vector<16xi32>], vector<16xi32>,
      %gather3A_384 = tpu.vector_load_idx %arg11[%add3A_382] : memref<10000xf32, #tpu.memory_space<vmem>>[vector<16xi32>], vector<16xf32>,
      %lt3A = vector.broadcast %while3A_379 : i32 to vector<16xi32>
      %lt3A_385 = arith.cmpi slt, %lt3A, %sub3A_105 : vector<16xi32>
      tpu.vector_store_idx %arg9[%gather3A_383], %gather3A_384 masked %lt3A_385 {add = true} : memref<10112xf32, #tpu.memory_space<vmem>>[vector<16xi32>], vector<16xf32>, vector<16xi1>
      %while3A_386 = arith.constant 0 : i32
      scf.yield %while3A_386 : i32
    }
    %while3A_124 = arith.constant 1 : i32
    %while3A_125 = scf.for %while3A_379 = %while3A_121 to %while3A_117 step %while3A_124 iter_args(%while3A_380 = %while3A_123) -> (i32)  : i32 {
      %add3A_381 = vector.broadcast %while3A_379 : i32 to vector<16xi32>
      %add3A_382 = arith.addi %mul3A_9, %add3A_381 : vector<16xi32>
      %gather3A_383 = tpu.vector_load_idx %arg10[%add3A_382] : memref<10000xi32, #tpu.memory_space<vmem>>[vector<16xi32>], vector<16xi32>,
      %gather3A_384 = tpu.vector_load_idx %arg11[%add3A_382] : memref<10000xf32, #tpu.memory_space<vmem>>[vector<16xi32>], vector<16xf32>,
      %lt3A = vector.broadcast %while3A_379 : i32 to vector<16xi32>
      %lt3A_385 = arith.cmpi slt, %lt3A, %sub3A_105 : vector<16xi32>
      tpu.vector_store_idx %arg9[%gather3A_383], %gather3A_384 masked %lt3A_385 {add = true} : memref<10112xf32, #tpu.memory_space<vmem>>[vector<16xi32>], vector<16xf32>, vector<16xi1>
      %while3A_386 = arith.constant 0 : i32
      scf.yield %while3A_386 : i32
    }
    %dma_wait3A_126 = tpu.memref_slice %arg2[%add3A_94] : memref<3200000xi32, #tpu.memory_space<hbm>> -> memref<10000xi32, #tpu.memory_space<hbm>>
    %dma_wait3A_127 = tpu.memref_slice %arg2[%add3A_94] : memref<3200000xi32, #tpu.memory_space<hbm>> -> memref<10000xi32, #tpu.memory_space<hbm>>
    tpu.wait_dma2 semaphore(%arg13 : memref<!tpu.dma_semaphore, #tpu.memory_space<semaphore_mem>>) src(%dma_wait3A_127 : memref<10000xi32, #tpu.memory_space<hbm>>) dst(%arg6 : memref<10000xi32, #tpu.memory_space<vmem>>)
    %dma_wait3A_128 = tpu.memref_slice %arg3[%add3A_94] : memref<3200000xf32, #tpu.memory_space<hbm>> -> memref<10000xf32, #tpu.memory_space<hbm>>
    %dma_wait3A_129 = tpu.memref_slice %arg3[%add3A_94] : memref<3200000xf32, #tpu.memory_space<hbm>> -> memref<10000xf32, #tpu.memory_space<hbm>>
    tpu.wait_dma2 semaphore(%arg13 : memref<!tpu.dma_semaphore, #tpu.memory_space<semaphore_mem>>) src(%dma_wait3A_129 : memref<10000xf32, #tpu.memory_space<hbm>>) dst(%arg8 : memref<10000xf32, #tpu.memory_space<vmem>>)
    %add3A_130 = arith.constant 40000 : i32
    %add3A_131 = arith.addi %mul3A_2, %add3A_130 : i32
    %dma_start3A_132 = tpu.memref_slice %arg2[%add3A_131] : memref<3200000xi32, #tpu.memory_space<hbm>> -> memref<10000xi32, #tpu.memory_space<hbm>>
    %dma_start3A_133 = tpu.memref_slice %arg2[%add3A_131] : memref<3200000xi32, #tpu.memory_space<hbm>> -> memref<10000xi32, #tpu.memory_space<hbm>>
    tpu.enqueue_dma source(%dma_start3A_133 : memref<10000xi32, #tpu.memory_space<hbm>>) target(%arg5 : memref<10000xi32, #tpu.memory_space<vmem>>) target_semaphore(%arg12 : memref<!tpu.dma_semaphore, #tpu.memory_space<semaphore_mem>>)
    %dma_start3A_134 = tpu.memref_slice %arg3[%add3A_131] : memref<3200000xf32, #tpu.memory_space<hbm>> -> memref<10000xf32, #tpu.memory_space<hbm>>
    %dma_start3A_135 = tpu.memref_slice %arg3[%add3A_131] : memref<3200000xf32, #tpu.memory_space<hbm>> -> memref<10000xf32, #tpu.memory_space<hbm>>
    tpu.enqueue_dma source(%dma_start3A_135 : memref<10000xf32, #tpu.memory_space<hbm>>) target(%arg7 : memref<10000xf32, #tpu.memory_space<vmem>>) target_semaphore(%arg12 : memref<!tpu.dma_semaphore, #tpu.memory_space<semaphore_mem>>)
    %gather3A_136 = tpu.vector_load_idx %arg6[%mul3A_5] : memref<10000xi32, #tpu.memory_space<vmem>>[vector<16xi32>], vector<16xi32>,
    %gather3A_137 = tpu.vector_load_idx %arg8[%mul3A_5] : memref<10000xf32, #tpu.memory_space<vmem>>[vector<16xi32>], vector<16xf32>,
    %parallel_loop3A_138 = arith.constant 1 : i32
    %parallel_loop3A_139 = arith.constant 625 : i32
    %parallel_loop3A_140 = arith.constant 1 : i32
    %parallel_loop3A_141:3 = scf.for %parallel_loop3A_379 = %parallel_loop3A_138 to %parallel_loop3A_139 step %parallel_loop3A_140 iter_args(%parallel_loop3A_380 = %gather3A_136, %parallel_loop3A_381 = %gather3A_137, %parallel_loop3A_382 = %mul3A_9) -> (vector<16xi32>, vector<16xf32>, vector<16xi32>)  : i32 {
      %parallel_loop3A_383 = vector.broadcast %parallel_loop3A_379 : i32 to vector<16xi32>
      %parallel_loop3A_384 = arith.addi %mul3A_5, %parallel_loop3A_383 : vector<16xi32>
      %parallel_loop3A_385 = tpu.vector_load_idx %arg6[%parallel_loop3A_384] : memref<10000xi32, #tpu.memory_space<vmem>>[vector<16xi32>], vector<16xi32>,
      %parallel_loop3A_386 = tpu.vector_load_idx %arg8[%parallel_loop3A_384] : memref<10000xf32, #tpu.memory_space<vmem>>[vector<16xi32>], vector<16xf32>,
      %parallel_loop3A_387 = arith.cmpi ne, %parallel_loop3A_385, %parallel_loop3A_380 : vector<16xi32>
      tpu.vector_store_idx %arg10[%parallel_loop3A_382], %parallel_loop3A_380 masked %parallel_loop3A_387 : memref<10000xi32, #tpu.memory_space<vmem>>[vector<16xi32>], vector<16xi32>, vector<16xi1>
      tpu.vector_store_idx %arg11[%parallel_loop3A_382], %parallel_loop3A_381 masked %parallel_loop3A_387 : memref<10000xf32, #tpu.memory_space<vmem>>[vector<16xi32>], vector<16xf32>, vector<16xi1>
      %parallel_loop3A_388 = arith.extui %parallel_loop3A_387 : vector<16xi1> to vector<16xi32>
      %parallel_loop3A_389 = arith.addi %parallel_loop3A_382, %parallel_loop3A_388 : vector<16xi32>
      %parallel_loop3A_390 = arith.addf %parallel_loop3A_381, %parallel_loop3A_386 : vector<16xf32>
      %parallel_loop3A_391 = arith.select %parallel_loop3A_387, %parallel_loop3A_386, %parallel_loop3A_390 : vector<16xi1>, vector<16xf32>
      scf.yield %parallel_loop3A_385, %parallel_loop3A_391, %parallel_loop3A_389 : vector<16xi32>, vector<16xf32>, vector<16xi32>
    } {sc.loop_unroll_factor = 13 : i64, sc.parallel_access}
    tpu.vector_store_idx %arg9[%parallel_loop3A_141#0], %parallel_loop3A_141#1 {add = true} : memref<10112xf32, #tpu.memory_space<vmem>>[vector<16xi32>], vector<16xf32>,
    %sub3A_142 = arith.subi %parallel_loop3A_141#2, %mul3A_9 : vector<16xi32>
    %reduce_max3A_143 = arith.constant true
    %reduce_max3A_144 = vector.broadcast %reduce_max3A_143 : i1 to vector<16xi1>
    %reduce_max3A_145 = arith.constant -2147483648 : i32
    %reduce_max3A_146 = vector.broadcast %reduce_max3A_145 : i32 to vector<16xi32>
    %reduce_max3A_147 = arith.xori %sub3A_142, %reduce_max3A_146 : vector<16xi32>
    %reduce_max3A_148 = tpu.scan <max>, %reduce_max3A_147 masked %reduce_max3A_144 : vector<16xi32>, vector<16xi1> -> vector<16xi32>
    %reduce_max3A_149 = arith.xori %reduce_max3A_148, %reduce_max3A_146 : vector<16xi32>
    %reduce_max3A_150 = vector.extract %reduce_max3A_149[15] : i32 from vector<16xi32>
    %while3A_151 = arith.constant 0 : i32
    %while3A_152 = arith.constant 0 : i32
    %while3A_153 = arith.subi %reduce_max3A_150, %while3A_151 : i32
    %while3A_154 = arith.addi %while3A_151, %while3A_153 : i32
    %while3A_155 = arith.constant 1 : i32
    %while3A_156 = arith.divsi %while3A_153, %while3A_155 : i32
    %while3A_157 = arith.muli %while3A_156, %while3A_155 : i32
    %while3A_158 = arith.addi %while3A_151, %while3A_157 : i32
    %while3A_159 = arith.constant 1 : i32
    %while3A_160 = scf.for %while3A_379 = %while3A_151 to %while3A_158 step %while3A_159 iter_args(%while3A_380 = %while3A_152) -> (i32)  : i32 {
      %add3A_381 = vector.broadcast %while3A_379 : i32 to vector<16xi32>
      %add3A_382 = arith.addi %mul3A_9, %add3A_381 : vector<16xi32>
      %gather3A_383 = tpu.vector_load_idx %arg10[%add3A_382] : memref<10000xi32, #tpu.memory_space<vmem>>[vector<16xi32>], vector<16xi32>,
      %gather3A_384 = tpu.vector_load_idx %arg11[%add3A_382] : memref<10000xf32, #tpu.memory_space<vmem>>[vector<16xi32>], vector<16xf32>,
      %lt3A = vector.broadcast %while3A_379 : i32 to vector<16xi32>
      %lt3A_385 = arith.cmpi slt, %lt3A, %sub3A_142 : vector<16xi32>
      tpu.vector_store_idx %arg9[%gather3A_383], %gather3A_384 masked %lt3A_385 {add = true} : memref<10112xf32, #tpu.memory_space<vmem>>[vector<16xi32>], vector<16xf32>, vector<16xi1>
      %while3A_386 = arith.constant 0 : i32
      scf.yield %while3A_386 : i32
    }
    %while3A_161 = arith.constant 1 : i32
    %while3A_162 = scf.for %while3A_379 = %while3A_158 to %while3A_154 step %while3A_161 iter_args(%while3A_380 = %while3A_160) -> (i32)  : i32 {
      %add3A_381 = vector.broadcast %while3A_379 : i32 to vector<16xi32>
      %add3A_382 = arith.addi %mul3A_9, %add3A_381 : vector<16xi32>
      %gather3A_383 = tpu.vector_load_idx %arg10[%add3A_382] : memref<10000xi32, #tpu.memory_space<vmem>>[vector<16xi32>], vector<16xi32>,
      %gather3A_384 = tpu.vector_load_idx %arg11[%add3A_382] : memref<10000xf32, #tpu.memory_space<vmem>>[vector<16xi32>], vector<16xf32>,
      %lt3A = vector.broadcast %while3A_379 : i32 to vector<16xi32>
      %lt3A_385 = arith.cmpi slt, %lt3A, %sub3A_142 : vector<16xi32>
      tpu.vector_store_idx %arg9[%gather3A_383], %gather3A_384 masked %lt3A_385 {add = true} : memref<10112xf32, #tpu.memory_space<vmem>>[vector<16xi32>], vector<16xf32>, vector<16xi1>
      %while3A_386 = arith.constant 0 : i32
      scf.yield %while3A_386 : i32
    }
    %dma_wait3A_163 = tpu.memref_slice %arg2[%add3A_131] : memref<3200000xi32, #tpu.memory_space<hbm>> -> memref<10000xi32, #tpu.memory_space<hbm>>
    %dma_wait3A_164 = tpu.memref_slice %arg2[%add3A_131] : memref<3200000xi32, #tpu.memory_space<hbm>> -> memref<10000xi32, #tpu.memory_space<hbm>>
    tpu.wait_dma2 semaphore(%arg12 : memref<!tpu.dma_semaphore, #tpu.memory_space<semaphore_mem>>) src(%dma_wait3A_164 : memref<10000xi32, #tpu.memory_space<hbm>>) dst(%arg5 : memref<10000xi32, #tpu.memory_space<vmem>>)
    %dma_wait3A_165 = tpu.memref_slice %arg3[%add3A_131] : memref<3200000xf32, #tpu.memory_space<hbm>> -> memref<10000xf32, #tpu.memory_space<hbm>>
    %dma_wait3A_166 = tpu.memref_slice %arg3[%add3A_131] : memref<3200000xf32, #tpu.memory_space<hbm>> -> memref<10000xf32, #tpu.memory_space<hbm>>
    tpu.wait_dma2 semaphore(%arg12 : memref<!tpu.dma_semaphore, #tpu.memory_space<semaphore_mem>>) src(%dma_wait3A_166 : memref<10000xf32, #tpu.memory_space<hbm>>) dst(%arg7 : memref<10000xf32, #tpu.memory_space<vmem>>)
    %add3A_167 = arith.constant 50000 : i32
    %add3A_168 = arith.addi %mul3A_2, %add3A_167 : i32
    %dma_start3A_169 = tpu.memref_slice %arg2[%add3A_168] : memref<3200000xi32, #tpu.memory_space<hbm>> -> memref<10000xi32, #tpu.memory_space<hbm>>
    %dma_start3A_170 = tpu.memref_slice %arg2[%add3A_168] : memref<3200000xi32, #tpu.memory_space<hbm>> -> memref<10000xi32, #tpu.memory_space<hbm>>
    tpu.enqueue_dma source(%dma_start3A_170 : memref<10000xi32, #tpu.memory_space<hbm>>) target(%arg6 : memref<10000xi32, #tpu.memory_space<vmem>>) target_semaphore(%arg13 : memref<!tpu.dma_semaphore, #tpu.memory_space<semaphore_mem>>)
    %dma_start3A_171 = tpu.memref_slice %arg3[%add3A_168] : memref<3200000xf32, #tpu.memory_space<hbm>> -> memref<10000xf32, #tpu.memory_space<hbm>>
    %dma_start3A_172 = tpu.memref_slice %arg3[%add3A_168] : memref<3200000xf32, #tpu.memory_space<hbm>> -> memref<10000xf32, #tpu.memory_space<hbm>>
    tpu.enqueue_dma source(%dma_start3A_172 : memref<10000xf32, #tpu.memory_space<hbm>>) target(%arg8 : memref<10000xf32, #tpu.memory_space<vmem>>) target_semaphore(%arg13 : memref<!tpu.dma_semaphore, #tpu.memory_space<semaphore_mem>>)
    %gather3A_173 = tpu.vector_load_idx %arg5[%mul3A_5] : memref<10000xi32, #tpu.memory_space<vmem>>[vector<16xi32>], vector<16xi32>,
    %gather3A_174 = tpu.vector_load_idx %arg7[%mul3A_5] : memref<10000xf32, #tpu.memory_space<vmem>>[vector<16xi32>], vector<16xf32>,
    %parallel_loop3A_175 = arith.constant 1 : i32
    %parallel_loop3A_176 = arith.constant 625 : i32
    %parallel_loop3A_177 = arith.constant 1 : i32
    %parallel_loop3A_178:3 = scf.for %parallel_loop3A_379 = %parallel_loop3A_175 to %parallel_loop3A_176 step %parallel_loop3A_177 iter_args(%parallel_loop3A_380 = %gather3A_173, %parallel_loop3A_381 = %gather3A_174, %parallel_loop3A_382 = %mul3A_9) -> (vector<16xi32>, vector<16xf32>, vector<16xi32>)  : i32 {
      %parallel_loop3A_383 = vector.broadcast %parallel_loop3A_379 : i32 to vector<16xi32>
      %parallel_loop3A_384 = arith.addi %mul3A_5, %parallel_loop3A_383 : vector<16xi32>
      %parallel_loop3A_385 = tpu.vector_load_idx %arg5[%parallel_loop3A_384] : memref<10000xi32, #tpu.memory_space<vmem>>[vector<16xi32>], vector<16xi32>,
      %parallel_loop3A_386 = tpu.vector_load_idx %arg7[%parallel_loop3A_384] : memref<10000xf32, #tpu.memory_space<vmem>>[vector<16xi32>], vector<16xf32>,
      %parallel_loop3A_387 = arith.cmpi ne, %parallel_loop3A_385, %parallel_loop3A_380 : vector<16xi32>
      tpu.vector_store_idx %arg10[%parallel_loop3A_382], %parallel_loop3A_380 masked %parallel_loop3A_387 : memref<10000xi32, #tpu.memory_space<vmem>>[vector<16xi32>], vector<16xi32>, vector<16xi1>
      tpu.vector_store_idx %arg11[%parallel_loop3A_382], %parallel_loop3A_381 masked %parallel_loop3A_387 : memref<10000xf32, #tpu.memory_space<vmem>>[vector<16xi32>], vector<16xf32>, vector<16xi1>
      %parallel_loop3A_388 = arith.extui %parallel_loop3A_387 : vector<16xi1> to vector<16xi32>
      %parallel_loop3A_389 = arith.addi %parallel_loop3A_382, %parallel_loop3A_388 : vector<16xi32>
      %parallel_loop3A_390 = arith.addf %parallel_loop3A_381, %parallel_loop3A_386 : vector<16xf32>
      %parallel_loop3A_391 = arith.select %parallel_loop3A_387, %parallel_loop3A_386, %parallel_loop3A_390 : vector<16xi1>, vector<16xf32>
      scf.yield %parallel_loop3A_385, %parallel_loop3A_391, %parallel_loop3A_389 : vector<16xi32>, vector<16xf32>, vector<16xi32>
    } {sc.loop_unroll_factor = 13 : i64, sc.parallel_access}
    tpu.vector_store_idx %arg9[%parallel_loop3A_178#0], %parallel_loop3A_178#1 {add = true} : memref<10112xf32, #tpu.memory_space<vmem>>[vector<16xi32>], vector<16xf32>,
    %sub3A_179 = arith.subi %parallel_loop3A_178#2, %mul3A_9 : vector<16xi32>
    %reduce_max3A_180 = arith.constant true
    %reduce_max3A_181 = vector.broadcast %reduce_max3A_180 : i1 to vector<16xi1>
    %reduce_max3A_182 = arith.constant -2147483648 : i32
    %reduce_max3A_183 = vector.broadcast %reduce_max3A_182 : i32 to vector<16xi32>
    %reduce_max3A_184 = arith.xori %sub3A_179, %reduce_max3A_183 : vector<16xi32>
    %reduce_max3A_185 = tpu.scan <max>, %reduce_max3A_184 masked %reduce_max3A_181 : vector<16xi32>, vector<16xi1> -> vector<16xi32>
    %reduce_max3A_186 = arith.xori %reduce_max3A_185, %reduce_max3A_183 : vector<16xi32>
    %reduce_max3A_187 = vector.extract %reduce_max3A_186[15] : i32 from vector<16xi32>
    %while3A_188 = arith.constant 0 : i32
    %while3A_189 = arith.constant 0 : i32
    %while3A_190 = arith.subi %reduce_max3A_187, %while3A_188 : i32
    %while3A_191 = arith.addi %while3A_188, %while3A_190 : i32
    %while3A_192 = arith.constant 1 : i32
    %while3A_193 = arith.divsi %while3A_190, %while3A_192 : i32
    %while3A_194 = arith.muli %while3A_193, %while3A_192 : i32
    %while3A_195 = arith.addi %while3A_188, %while3A_194 : i32
    %while3A_196 = arith.constant 1 : i32
    %while3A_197 = scf.for %while3A_379 = %while3A_188 to %while3A_195 step %while3A_196 iter_args(%while3A_380 = %while3A_189) -> (i32)  : i32 {
      %add3A_381 = vector.broadcast %while3A_379 : i32 to vector<16xi32>
      %add3A_382 = arith.addi %mul3A_9, %add3A_381 : vector<16xi32>
      %gather3A_383 = tpu.vector_load_idx %arg10[%add3A_382] : memref<10000xi32, #tpu.memory_space<vmem>>[vector<16xi32>], vector<16xi32>,
      %gather3A_384 = tpu.vector_load_idx %arg11[%add3A_382] : memref<10000xf32, #tpu.memory_space<vmem>>[vector<16xi32>], vector<16xf32>,
      %lt3A = vector.broadcast %while3A_379 : i32 to vector<16xi32>
      %lt3A_385 = arith.cmpi slt, %lt3A, %sub3A_179 : vector<16xi32>
      tpu.vector_store_idx %arg9[%gather3A_383], %gather3A_384 masked %lt3A_385 {add = true} : memref<10112xf32, #tpu.memory_space<vmem>>[vector<16xi32>], vector<16xf32>, vector<16xi1>
      %while3A_386 = arith.constant 0 : i32
      scf.yield %while3A_386 : i32
    }
    %while3A_198 = arith.constant 1 : i32
    %while3A_199 = scf.for %while3A_379 = %while3A_195 to %while3A_191 step %while3A_198 iter_args(%while3A_380 = %while3A_197) -> (i32)  : i32 {
      %add3A_381 = vector.broadcast %while3A_379 : i32 to vector<16xi32>
      %add3A_382 = arith.addi %mul3A_9, %add3A_381 : vector<16xi32>
      %gather3A_383 = tpu.vector_load_idx %arg10[%add3A_382] : memref<10000xi32, #tpu.memory_space<vmem>>[vector<16xi32>], vector<16xi32>,
      %gather3A_384 = tpu.vector_load_idx %arg11[%add3A_382] : memref<10000xf32, #tpu.memory_space<vmem>>[vector<16xi32>], vector<16xf32>,
      %lt3A = vector.broadcast %while3A_379 : i32 to vector<16xi32>
      %lt3A_385 = arith.cmpi slt, %lt3A, %sub3A_179 : vector<16xi32>
      tpu.vector_store_idx %arg9[%gather3A_383], %gather3A_384 masked %lt3A_385 {add = true} : memref<10112xf32, #tpu.memory_space<vmem>>[vector<16xi32>], vector<16xf32>, vector<16xi1>
      %while3A_386 = arith.constant 0 : i32
      scf.yield %while3A_386 : i32
    }
    %dma_wait3A_200 = tpu.memref_slice %arg2[%add3A_168] : memref<3200000xi32, #tpu.memory_space<hbm>> -> memref<10000xi32, #tpu.memory_space<hbm>>
    %dma_wait3A_201 = tpu.memref_slice %arg2[%add3A_168] : memref<3200000xi32, #tpu.memory_space<hbm>> -> memref<10000xi32, #tpu.memory_space<hbm>>
    tpu.wait_dma2 semaphore(%arg13 : memref<!tpu.dma_semaphore, #tpu.memory_space<semaphore_mem>>) src(%dma_wait3A_201 : memref<10000xi32, #tpu.memory_space<hbm>>) dst(%arg6 : memref<10000xi32, #tpu.memory_space<vmem>>)
    %dma_wait3A_202 = tpu.memref_slice %arg3[%add3A_168] : memref<3200000xf32, #tpu.memory_space<hbm>> -> memref<10000xf32, #tpu.memory_space<hbm>>
    %dma_wait3A_203 = tpu.memref_slice %arg3[%add3A_168] : memref<3200000xf32, #tpu.memory_space<hbm>> -> memref<10000xf32, #tpu.memory_space<hbm>>
    tpu.wait_dma2 semaphore(%arg13 : memref<!tpu.dma_semaphore, #tpu.memory_space<semaphore_mem>>) src(%dma_wait3A_203 : memref<10000xf32, #tpu.memory_space<hbm>>) dst(%arg8 : memref<10000xf32, #tpu.memory_space<vmem>>)
    %add3A_204 = arith.constant 60000 : i32
    %add3A_205 = arith.addi %mul3A_2, %add3A_204 : i32
    %dma_start3A_206 = tpu.memref_slice %arg2[%add3A_205] : memref<3200000xi32, #tpu.memory_space<hbm>> -> memref<10000xi32, #tpu.memory_space<hbm>>
    %dma_start3A_207 = tpu.memref_slice %arg2[%add3A_205] : memref<3200000xi32, #tpu.memory_space<hbm>> -> memref<10000xi32, #tpu.memory_space<hbm>>
    tpu.enqueue_dma source(%dma_start3A_207 : memref<10000xi32, #tpu.memory_space<hbm>>) target(%arg5 : memref<10000xi32, #tpu.memory_space<vmem>>) target_semaphore(%arg12 : memref<!tpu.dma_semaphore, #tpu.memory_space<semaphore_mem>>)
    %dma_start3A_208 = tpu.memref_slice %arg3[%add3A_205] : memref<3200000xf32, #tpu.memory_space<hbm>> -> memref<10000xf32, #tpu.memory_space<hbm>>
    %dma_start3A_209 = tpu.memref_slice %arg3[%add3A_205] : memref<3200000xf32, #tpu.memory_space<hbm>> -> memref<10000xf32, #tpu.memory_space<hbm>>
    tpu.enqueue_dma source(%dma_start3A_209 : memref<10000xf32, #tpu.memory_space<hbm>>) target(%arg7 : memref<10000xf32, #tpu.memory_space<vmem>>) target_semaphore(%arg12 : memref<!tpu.dma_semaphore, #tpu.memory_space<semaphore_mem>>)
    %gather3A_210 = tpu.vector_load_idx %arg6[%mul3A_5] : memref<10000xi32, #tpu.memory_space<vmem>>[vector<16xi32>], vector<16xi32>,
    %gather3A_211 = tpu.vector_load_idx %arg8[%mul3A_5] : memref<10000xf32, #tpu.memory_space<vmem>>[vector<16xi32>], vector<16xf32>,
    %parallel_loop3A_212 = arith.constant 1 : i32
    %parallel_loop3A_213 = arith.constant 625 : i32
    %parallel_loop3A_214 = arith.constant 1 : i32
    %parallel_loop3A_215:3 = scf.for %parallel_loop3A_379 = %parallel_loop3A_212 to %parallel_loop3A_213 step %parallel_loop3A_214 iter_args(%parallel_loop3A_380 = %gather3A_210, %parallel_loop3A_381 = %gather3A_211, %parallel_loop3A_382 = %mul3A_9) -> (vector<16xi32>, vector<16xf32>, vector<16xi32>)  : i32 {
      %parallel_loop3A_383 = vector.broadcast %parallel_loop3A_379 : i32 to vector<16xi32>
      %parallel_loop3A_384 = arith.addi %mul3A_5, %parallel_loop3A_383 : vector<16xi32>
      %parallel_loop3A_385 = tpu.vector_load_idx %arg6[%parallel_loop3A_384] : memref<10000xi32, #tpu.memory_space<vmem>>[vector<16xi32>], vector<16xi32>,
      %parallel_loop3A_386 = tpu.vector_load_idx %arg8[%parallel_loop3A_384] : memref<10000xf32, #tpu.memory_space<vmem>>[vector<16xi32>], vector<16xf32>,
      %parallel_loop3A_387 = arith.cmpi ne, %parallel_loop3A_385, %parallel_loop3A_380 : vector<16xi32>
      tpu.vector_store_idx %arg10[%parallel_loop3A_382], %parallel_loop3A_380 masked %parallel_loop3A_387 : memref<10000xi32, #tpu.memory_space<vmem>>[vector<16xi32>], vector<16xi32>, vector<16xi1>
      tpu.vector_store_idx %arg11[%parallel_loop3A_382], %parallel_loop3A_381 masked %parallel_loop3A_387 : memref<10000xf32, #tpu.memory_space<vmem>>[vector<16xi32>], vector<16xf32>, vector<16xi1>
      %parallel_loop3A_388 = arith.extui %parallel_loop3A_387 : vector<16xi1> to vector<16xi32>
      %parallel_loop3A_389 = arith.addi %parallel_loop3A_382, %parallel_loop3A_388 : vector<16xi32>
      %parallel_loop3A_390 = arith.addf %parallel_loop3A_381, %parallel_loop3A_386 : vector<16xf32>
      %parallel_loop3A_391 = arith.select %parallel_loop3A_387, %parallel_loop3A_386, %parallel_loop3A_390 : vector<16xi1>, vector<16xf32>
      scf.yield %parallel_loop3A_385, %parallel_loop3A_391, %parallel_loop3A_389 : vector<16xi32>, vector<16xf32>, vector<16xi32>
    } {sc.loop_unroll_factor = 13 : i64, sc.parallel_access}
    tpu.vector_store_idx %arg9[%parallel_loop3A_215#0], %parallel_loop3A_215#1 {add = true} : memref<10112xf32, #tpu.memory_space<vmem>>[vector<16xi32>], vector<16xf32>,
    %sub3A_216 = arith.subi %parallel_loop3A_215#2, %mul3A_9 : vector<16xi32>
    %reduce_max3A_217 = arith.constant true
    %reduce_max3A_218 = vector.broadcast %reduce_max3A_217 : i1 to vector<16xi1>
    %reduce_max3A_219 = arith.constant -2147483648 : i32
    %reduce_max3A_220 = vector.broadcast %reduce_max3A_219 : i32 to vector<16xi32>
    %reduce_max3A_221 = arith.xori %sub3A_216, %reduce_max3A_220 : vector<16xi32>
    %reduce_max3A_222 = tpu.scan <max>, %reduce_max3A_221 masked %reduce_max3A_218 : vector<16xi32>, vector<16xi1> -> vector<16xi32>
    %reduce_max3A_223 = arith.xori %reduce_max3A_222, %reduce_max3A_220 : vector<16xi32>
    %reduce_max3A_224 = vector.extract %reduce_max3A_223[15] : i32 from vector<16xi32>
    %while3A_225 = arith.constant 0 : i32
    %while3A_226 = arith.constant 0 : i32
    %while3A_227 = arith.subi %reduce_max3A_224, %while3A_225 : i32
    %while3A_228 = arith.addi %while3A_225, %while3A_227 : i32
    %while3A_229 = arith.constant 1 : i32
    %while3A_230 = arith.divsi %while3A_227, %while3A_229 : i32
    %while3A_231 = arith.muli %while3A_230, %while3A_229 : i32
    %while3A_232 = arith.addi %while3A_225, %while3A_231 : i32
    %while3A_233 = arith.constant 1 : i32
    %while3A_234 = scf.for %while3A_379 = %while3A_225 to %while3A_232 step %while3A_233 iter_args(%while3A_380 = %while3A_226) -> (i32)  : i32 {
      %add3A_381 = vector.broadcast %while3A_379 : i32 to vector<16xi32>
      %add3A_382 = arith.addi %mul3A_9, %add3A_381 : vector<16xi32>
      %gather3A_383 = tpu.vector_load_idx %arg10[%add3A_382] : memref<10000xi32, #tpu.memory_space<vmem>>[vector<16xi32>], vector<16xi32>,
      %gather3A_384 = tpu.vector_load_idx %arg11[%add3A_382] : memref<10000xf32, #tpu.memory_space<vmem>>[vector<16xi32>], vector<16xf32>,
      %lt3A = vector.broadcast %while3A_379 : i32 to vector<16xi32>
      %lt3A_385 = arith.cmpi slt, %lt3A, %sub3A_216 : vector<16xi32>
      tpu.vector_store_idx %arg9[%gather3A_383], %gather3A_384 masked %lt3A_385 {add = true} : memref<10112xf32, #tpu.memory_space<vmem>>[vector<16xi32>], vector<16xf32>, vector<16xi1>
      %while3A_386 = arith.constant 0 : i32
      scf.yield %while3A_386 : i32
    }
    %while3A_235 = arith.constant 1 : i32
    %while3A_236 = scf.for %while3A_379 = %while3A_232 to %while3A_228 step %while3A_235 iter_args(%while3A_380 = %while3A_234) -> (i32)  : i32 {
      %add3A_381 = vector.broadcast %while3A_379 : i32 to vector<16xi32>
      %add3A_382 = arith.addi %mul3A_9, %add3A_381 : vector<16xi32>
      %gather3A_383 = tpu.vector_load_idx %arg10[%add3A_382] : memref<10000xi32, #tpu.memory_space<vmem>>[vector<16xi32>], vector<16xi32>,
      %gather3A_384 = tpu.vector_load_idx %arg11[%add3A_382] : memref<10000xf32, #tpu.memory_space<vmem>>[vector<16xi32>], vector<16xf32>,
      %lt3A = vector.broadcast %while3A_379 : i32 to vector<16xi32>
      %lt3A_385 = arith.cmpi slt, %lt3A, %sub3A_216 : vector<16xi32>
      tpu.vector_store_idx %arg9[%gather3A_383], %gather3A_384 masked %lt3A_385 {add = true} : memref<10112xf32, #tpu.memory_space<vmem>>[vector<16xi32>], vector<16xf32>, vector<16xi1>
      %while3A_386 = arith.constant 0 : i32
      scf.yield %while3A_386 : i32
    }
    %dma_wait3A_237 = tpu.memref_slice %arg2[%add3A_205] : memref<3200000xi32, #tpu.memory_space<hbm>> -> memref<10000xi32, #tpu.memory_space<hbm>>
    %dma_wait3A_238 = tpu.memref_slice %arg2[%add3A_205] : memref<3200000xi32, #tpu.memory_space<hbm>> -> memref<10000xi32, #tpu.memory_space<hbm>>
    tpu.wait_dma2 semaphore(%arg12 : memref<!tpu.dma_semaphore, #tpu.memory_space<semaphore_mem>>) src(%dma_wait3A_238 : memref<10000xi32, #tpu.memory_space<hbm>>) dst(%arg5 : memref<10000xi32, #tpu.memory_space<vmem>>)
    %dma_wait3A_239 = tpu.memref_slice %arg3[%add3A_205] : memref<3200000xf32, #tpu.memory_space<hbm>> -> memref<10000xf32, #tpu.memory_space<hbm>>
    %dma_wait3A_240 = tpu.memref_slice %arg3[%add3A_205] : memref<3200000xf32, #tpu.memory_space<hbm>> -> memref<10000xf32, #tpu.memory_space<hbm>>
    tpu.wait_dma2 semaphore(%arg12 : memref<!tpu.dma_semaphore, #tpu.memory_space<semaphore_mem>>) src(%dma_wait3A_240 : memref<10000xf32, #tpu.memory_space<hbm>>) dst(%arg7 : memref<10000xf32, #tpu.memory_space<vmem>>)
    %add3A_241 = arith.constant 70000 : i32
    %add3A_242 = arith.addi %mul3A_2, %add3A_241 : i32
    %dma_start3A_243 = tpu.memref_slice %arg2[%add3A_242] : memref<3200000xi32, #tpu.memory_space<hbm>> -> memref<10000xi32, #tpu.memory_space<hbm>>
    %dma_start3A_244 = tpu.memref_slice %arg2[%add3A_242] : memref<3200000xi32, #tpu.memory_space<hbm>> -> memref<10000xi32, #tpu.memory_space<hbm>>
    tpu.enqueue_dma source(%dma_start3A_244 : memref<10000xi32, #tpu.memory_space<hbm>>) target(%arg6 : memref<10000xi32, #tpu.memory_space<vmem>>) target_semaphore(%arg13 : memref<!tpu.dma_semaphore, #tpu.memory_space<semaphore_mem>>)
    %dma_start3A_245 = tpu.memref_slice %arg3[%add3A_242] : memref<3200000xf32, #tpu.memory_space<hbm>> -> memref<10000xf32, #tpu.memory_space<hbm>>
    %dma_start3A_246 = tpu.memref_slice %arg3[%add3A_242] : memref<3200000xf32, #tpu.memory_space<hbm>> -> memref<10000xf32, #tpu.memory_space<hbm>>
    tpu.enqueue_dma source(%dma_start3A_246 : memref<10000xf32, #tpu.memory_space<hbm>>) target(%arg8 : memref<10000xf32, #tpu.memory_space<vmem>>) target_semaphore(%arg13 : memref<!tpu.dma_semaphore, #tpu.memory_space<semaphore_mem>>)
    %gather3A_247 = tpu.vector_load_idx %arg5[%mul3A_5] : memref<10000xi32, #tpu.memory_space<vmem>>[vector<16xi32>], vector<16xi32>,
    %gather3A_248 = tpu.vector_load_idx %arg7[%mul3A_5] : memref<10000xf32, #tpu.memory_space<vmem>>[vector<16xi32>], vector<16xf32>,
    %parallel_loop3A_249 = arith.constant 1 : i32
    %parallel_loop3A_250 = arith.constant 625 : i32
    %parallel_loop3A_251 = arith.constant 1 : i32
    %parallel_loop3A_252:3 = scf.for %parallel_loop3A_379 = %parallel_loop3A_249 to %parallel_loop3A_250 step %parallel_loop3A_251 iter_args(%parallel_loop3A_380 = %gather3A_247, %parallel_loop3A_381 = %gather3A_248, %parallel_loop3A_382 = %mul3A_9) -> (vector<16xi32>, vector<16xf32>, vector<16xi32>)  : i32 {
      %parallel_loop3A_383 = vector.broadcast %parallel_loop3A_379 : i32 to vector<16xi32>
      %parallel_loop3A_384 = arith.addi %mul3A_5, %parallel_loop3A_383 : vector<16xi32>
      %parallel_loop3A_385 = tpu.vector_load_idx %arg5[%parallel_loop3A_384] : memref<10000xi32, #tpu.memory_space<vmem>>[vector<16xi32>], vector<16xi32>,
      %parallel_loop3A_386 = tpu.vector_load_idx %arg7[%parallel_loop3A_384] : memref<10000xf32, #tpu.memory_space<vmem>>[vector<16xi32>], vector<16xf32>,
      %parallel_loop3A_387 = arith.cmpi ne, %parallel_loop3A_385, %parallel_loop3A_380 : vector<16xi32>
      tpu.vector_store_idx %arg10[%parallel_loop3A_382], %parallel_loop3A_380 masked %parallel_loop3A_387 : memref<10000xi32, #tpu.memory_space<vmem>>[vector<16xi32>], vector<16xi32>, vector<16xi1>
      tpu.vector_store_idx %arg11[%parallel_loop3A_382], %parallel_loop3A_381 masked %parallel_loop3A_387 : memref<10000xf32, #tpu.memory_space<vmem>>[vector<16xi32>], vector<16xf32>, vector<16xi1>
      %parallel_loop3A_388 = arith.extui %parallel_loop3A_387 : vector<16xi1> to vector<16xi32>
      %parallel_loop3A_389 = arith.addi %parallel_loop3A_382, %parallel_loop3A_388 : vector<16xi32>
      %parallel_loop3A_390 = arith.addf %parallel_loop3A_381, %parallel_loop3A_386 : vector<16xf32>
      %parallel_loop3A_391 = arith.select %parallel_loop3A_387, %parallel_loop3A_386, %parallel_loop3A_390 : vector<16xi1>, vector<16xf32>
      scf.yield %parallel_loop3A_385, %parallel_loop3A_391, %parallel_loop3A_389 : vector<16xi32>, vector<16xf32>, vector<16xi32>
    } {sc.loop_unroll_factor = 13 : i64, sc.parallel_access}
    tpu.vector_store_idx %arg9[%parallel_loop3A_252#0], %parallel_loop3A_252#1 {add = true} : memref<10112xf32, #tpu.memory_space<vmem>>[vector<16xi32>], vector<16xf32>,
    %sub3A_253 = arith.subi %parallel_loop3A_252#2, %mul3A_9 : vector<16xi32>
    %reduce_max3A_254 = arith.constant true
    %reduce_max3A_255 = vector.broadcast %reduce_max3A_254 : i1 to vector<16xi1>
    %reduce_max3A_256 = arith.constant -2147483648 : i32
    %reduce_max3A_257 = vector.broadcast %reduce_max3A_256 : i32 to vector<16xi32>
    %reduce_max3A_258 = arith.xori %sub3A_253, %reduce_max3A_257 : vector<16xi32>
    %reduce_max3A_259 = tpu.scan <max>, %reduce_max3A_258 masked %reduce_max3A_255 : vector<16xi32>, vector<16xi1> -> vector<16xi32>
    %reduce_max3A_260 = arith.xori %reduce_max3A_259, %reduce_max3A_257 : vector<16xi32>
    %reduce_max3A_261 = vector.extract %reduce_max3A_260[15] : i32 from vector<16xi32>
    %while3A_262 = arith.constant 0 : i32
    %while3A_263 = arith.constant 0 : i32
    %while3A_264 = arith.subi %reduce_max3A_261, %while3A_262 : i32
    %while3A_265 = arith.addi %while3A_262, %while3A_264 : i32
    %while3A_266 = arith.constant 1 : i32
    %while3A_267 = arith.divsi %while3A_264, %while3A_266 : i32
    %while3A_268 = arith.muli %while3A_267, %while3A_266 : i32
    %while3A_269 = arith.addi %while3A_262, %while3A_268 : i32
    %while3A_270 = arith.constant 1 : i32
    %while3A_271 = scf.for %while3A_379 = %while3A_262 to %while3A_269 step %while3A_270 iter_args(%while3A_380 = %while3A_263) -> (i32)  : i32 {
      %add3A_381 = vector.broadcast %while3A_379 : i32 to vector<16xi32>
      %add3A_382 = arith.addi %mul3A_9, %add3A_381 : vector<16xi32>
      %gather3A_383 = tpu.vector_load_idx %arg10[%add3A_382] : memref<10000xi32, #tpu.memory_space<vmem>>[vector<16xi32>], vector<16xi32>,
      %gather3A_384 = tpu.vector_load_idx %arg11[%add3A_382] : memref<10000xf32, #tpu.memory_space<vmem>>[vector<16xi32>], vector<16xf32>,
      %lt3A = vector.broadcast %while3A_379 : i32 to vector<16xi32>
      %lt3A_385 = arith.cmpi slt, %lt3A, %sub3A_253 : vector<16xi32>
      tpu.vector_store_idx %arg9[%gather3A_383], %gather3A_384 masked %lt3A_385 {add = true} : memref<10112xf32, #tpu.memory_space<vmem>>[vector<16xi32>], vector<16xf32>, vector<16xi1>
      %while3A_386 = arith.constant 0 : i32
      scf.yield %while3A_386 : i32
    }
    %while3A_272 = arith.constant 1 : i32
    %while3A_273 = scf.for %while3A_379 = %while3A_269 to %while3A_265 step %while3A_272 iter_args(%while3A_380 = %while3A_271) -> (i32)  : i32 {
      %add3A_381 = vector.broadcast %while3A_379 : i32 to vector<16xi32>
      %add3A_382 = arith.addi %mul3A_9, %add3A_381 : vector<16xi32>
      %gather3A_383 = tpu.vector_load_idx %arg10[%add3A_382] : memref<10000xi32, #tpu.memory_space<vmem>>[vector<16xi32>], vector<16xi32>,
      %gather3A_384 = tpu.vector_load_idx %arg11[%add3A_382] : memref<10000xf32, #tpu.memory_space<vmem>>[vector<16xi32>], vector<16xf32>,
      %lt3A = vector.broadcast %while3A_379 : i32 to vector<16xi32>
      %lt3A_385 = arith.cmpi slt, %lt3A, %sub3A_253 : vector<16xi32>
      tpu.vector_store_idx %arg9[%gather3A_383], %gather3A_384 masked %lt3A_385 {add = true} : memref<10112xf32, #tpu.memory_space<vmem>>[vector<16xi32>], vector<16xf32>, vector<16xi1>
      %while3A_386 = arith.constant 0 : i32
      scf.yield %while3A_386 : i32
    }
    %dma_wait3A_274 = tpu.memref_slice %arg2[%add3A_242] : memref<3200000xi32, #tpu.memory_space<hbm>> -> memref<10000xi32, #tpu.memory_space<hbm>>
    %dma_wait3A_275 = tpu.memref_slice %arg2[%add3A_242] : memref<3200000xi32, #tpu.memory_space<hbm>> -> memref<10000xi32, #tpu.memory_space<hbm>>
    tpu.wait_dma2 semaphore(%arg13 : memref<!tpu.dma_semaphore, #tpu.memory_space<semaphore_mem>>) src(%dma_wait3A_275 : memref<10000xi32, #tpu.memory_space<hbm>>) dst(%arg6 : memref<10000xi32, #tpu.memory_space<vmem>>)
    %dma_wait3A_276 = tpu.memref_slice %arg3[%add3A_242] : memref<3200000xf32, #tpu.memory_space<hbm>> -> memref<10000xf32, #tpu.memory_space<hbm>>
    %dma_wait3A_277 = tpu.memref_slice %arg3[%add3A_242] : memref<3200000xf32, #tpu.memory_space<hbm>> -> memref<10000xf32, #tpu.memory_space<hbm>>
    tpu.wait_dma2 semaphore(%arg13 : memref<!tpu.dma_semaphore, #tpu.memory_space<semaphore_mem>>) src(%dma_wait3A_277 : memref<10000xf32, #tpu.memory_space<hbm>>) dst(%arg8 : memref<10000xf32, #tpu.memory_space<vmem>>)
    %add3A_278 = arith.constant 80000 : i32
    %add3A_279 = arith.addi %mul3A_2, %add3A_278 : i32
    %dma_start3A_280 = tpu.memref_slice %arg2[%add3A_279] : memref<3200000xi32, #tpu.memory_space<hbm>> -> memref<10000xi32, #tpu.memory_space<hbm>>
    %dma_start3A_281 = tpu.memref_slice %arg2[%add3A_279] : memref<3200000xi32, #tpu.memory_space<hbm>> -> memref<10000xi32, #tpu.memory_space<hbm>>
    tpu.enqueue_dma source(%dma_start3A_281 : memref<10000xi32, #tpu.memory_space<hbm>>) target(%arg5 : memref<10000xi32, #tpu.memory_space<vmem>>) target_semaphore(%arg12 : memref<!tpu.dma_semaphore, #tpu.memory_space<semaphore_mem>>)
    %dma_start3A_282 = tpu.memref_slice %arg3[%add3A_279] : memref<3200000xf32, #tpu.memory_space<hbm>> -> memref<10000xf32, #tpu.memory_space<hbm>>
    %dma_start3A_283 = tpu.memref_slice %arg3[%add3A_279] : memref<3200000xf32, #tpu.memory_space<hbm>> -> memref<10000xf32, #tpu.memory_space<hbm>>
    tpu.enqueue_dma source(%dma_start3A_283 : memref<10000xf32, #tpu.memory_space<hbm>>) target(%arg7 : memref<10000xf32, #tpu.memory_space<vmem>>) target_semaphore(%arg12 : memref<!tpu.dma_semaphore, #tpu.memory_space<semaphore_mem>>)
    %gather3A_284 = tpu.vector_load_idx %arg6[%mul3A_5] : memref<10000xi32, #tpu.memory_space<vmem>>[vector<16xi32>], vector<16xi32>,
    %gather3A_285 = tpu.vector_load_idx %arg8[%mul3A_5] : memref<10000xf32, #tpu.memory_space<vmem>>[vector<16xi32>], vector<16xf32>,
    %parallel_loop3A_286 = arith.constant 1 : i32
    %parallel_loop3A_287 = arith.constant 625 : i32
    %parallel_loop3A_288 = arith.constant 1 : i32
    %parallel_loop3A_289:3 = scf.for %parallel_loop3A_379 = %parallel_loop3A_286 to %parallel_loop3A_287 step %parallel_loop3A_288 iter_args(%parallel_loop3A_380 = %gather3A_284, %parallel_loop3A_381 = %gather3A_285, %parallel_loop3A_382 = %mul3A_9) -> (vector<16xi32>, vector<16xf32>, vector<16xi32>)  : i32 {
      %parallel_loop3A_383 = vector.broadcast %parallel_loop3A_379 : i32 to vector<16xi32>
      %parallel_loop3A_384 = arith.addi %mul3A_5, %parallel_loop3A_383 : vector<16xi32>
      %parallel_loop3A_385 = tpu.vector_load_idx %arg6[%parallel_loop3A_384] : memref<10000xi32, #tpu.memory_space<vmem>>[vector<16xi32>], vector<16xi32>,
      %parallel_loop3A_386 = tpu.vector_load_idx %arg8[%parallel_loop3A_384] : memref<10000xf32, #tpu.memory_space<vmem>>[vector<16xi32>], vector<16xf32>,
      %parallel_loop3A_387 = arith.cmpi ne, %parallel_loop3A_385, %parallel_loop3A_380 : vector<16xi32>
      tpu.vector_store_idx %arg10[%parallel_loop3A_382], %parallel_loop3A_380 masked %parallel_loop3A_387 : memref<10000xi32, #tpu.memory_space<vmem>>[vector<16xi32>], vector<16xi32>, vector<16xi1>
      tpu.vector_store_idx %arg11[%parallel_loop3A_382], %parallel_loop3A_381 masked %parallel_loop3A_387 : memref<10000xf32, #tpu.memory_space<vmem>>[vector<16xi32>], vector<16xf32>, vector<16xi1>
      %parallel_loop3A_388 = arith.extui %parallel_loop3A_387 : vector<16xi1> to vector<16xi32>
      %parallel_loop3A_389 = arith.addi %parallel_loop3A_382, %parallel_loop3A_388 : vector<16xi32>
      %parallel_loop3A_390 = arith.addf %parallel_loop3A_381, %parallel_loop3A_386 : vector<16xf32>
      %parallel_loop3A_391 = arith.select %parallel_loop3A_387, %parallel_loop3A_386, %parallel_loop3A_390 : vector<16xi1>, vector<16xf32>
      scf.yield %parallel_loop3A_385, %parallel_loop3A_391, %parallel_loop3A_389 : vector<16xi32>, vector<16xf32>, vector<16xi32>
    } {sc.loop_unroll_factor = 13 : i64, sc.parallel_access}
    tpu.vector_store_idx %arg9[%parallel_loop3A_289#0], %parallel_loop3A_289#1 {add = true} : memref<10112xf32, #tpu.memory_space<vmem>>[vector<16xi32>], vector<16xf32>,
    %sub3A_290 = arith.subi %parallel_loop3A_289#2, %mul3A_9 : vector<16xi32>
    %reduce_max3A_291 = arith.constant true
    %reduce_max3A_292 = vector.broadcast %reduce_max3A_291 : i1 to vector<16xi1>
    %reduce_max3A_293 = arith.constant -2147483648 : i32
    %reduce_max3A_294 = vector.broadcast %reduce_max3A_293 : i32 to vector<16xi32>
    %reduce_max3A_295 = arith.xori %sub3A_290, %reduce_max3A_294 : vector<16xi32>
    %reduce_max3A_296 = tpu.scan <max>, %reduce_max3A_295 masked %reduce_max3A_292 : vector<16xi32>, vector<16xi1> -> vector<16xi32>
    %reduce_max3A_297 = arith.xori %reduce_max3A_296, %reduce_max3A_294 : vector<16xi32>
    %reduce_max3A_298 = vector.extract %reduce_max3A_297[15] : i32 from vector<16xi32>
    %while3A_299 = arith.constant 0 : i32
    %while3A_300 = arith.constant 0 : i32
    %while3A_301 = arith.subi %reduce_max3A_298, %while3A_299 : i32
    %while3A_302 = arith.addi %while3A_299, %while3A_301 : i32
    %while3A_303 = arith.constant 1 : i32
    %while3A_304 = arith.divsi %while3A_301, %while3A_303 : i32
    %while3A_305 = arith.muli %while3A_304, %while3A_303 : i32
    %while3A_306 = arith.addi %while3A_299, %while3A_305 : i32
    %while3A_307 = arith.constant 1 : i32
    %while3A_308 = scf.for %while3A_379 = %while3A_299 to %while3A_306 step %while3A_307 iter_args(%while3A_380 = %while3A_300) -> (i32)  : i32 {
      %add3A_381 = vector.broadcast %while3A_379 : i32 to vector<16xi32>
      %add3A_382 = arith.addi %mul3A_9, %add3A_381 : vector<16xi32>
      %gather3A_383 = tpu.vector_load_idx %arg10[%add3A_382] : memref<10000xi32, #tpu.memory_space<vmem>>[vector<16xi32>], vector<16xi32>,
      %gather3A_384 = tpu.vector_load_idx %arg11[%add3A_382] : memref<10000xf32, #tpu.memory_space<vmem>>[vector<16xi32>], vector<16xf32>,
      %lt3A = vector.broadcast %while3A_379 : i32 to vector<16xi32>
      %lt3A_385 = arith.cmpi slt, %lt3A, %sub3A_290 : vector<16xi32>
      tpu.vector_store_idx %arg9[%gather3A_383], %gather3A_384 masked %lt3A_385 {add = true} : memref<10112xf32, #tpu.memory_space<vmem>>[vector<16xi32>], vector<16xf32>, vector<16xi1>
      %while3A_386 = arith.constant 0 : i32
      scf.yield %while3A_386 : i32
    }
    %while3A_309 = arith.constant 1 : i32
    %while3A_310 = scf.for %while3A_379 = %while3A_306 to %while3A_302 step %while3A_309 iter_args(%while3A_380 = %while3A_308) -> (i32)  : i32 {
      %add3A_381 = vector.broadcast %while3A_379 : i32 to vector<16xi32>
      %add3A_382 = arith.addi %mul3A_9, %add3A_381 : vector<16xi32>
      %gather3A_383 = tpu.vector_load_idx %arg10[%add3A_382] : memref<10000xi32, #tpu.memory_space<vmem>>[vector<16xi32>], vector<16xi32>,
      %gather3A_384 = tpu.vector_load_idx %arg11[%add3A_382] : memref<10000xf32, #tpu.memory_space<vmem>>[vector<16xi32>], vector<16xf32>,
      %lt3A = vector.broadcast %while3A_379 : i32 to vector<16xi32>
      %lt3A_385 = arith.cmpi slt, %lt3A, %sub3A_290 : vector<16xi32>
      tpu.vector_store_idx %arg9[%gather3A_383], %gather3A_384 masked %lt3A_385 {add = true} : memref<10112xf32, #tpu.memory_space<vmem>>[vector<16xi32>], vector<16xf32>, vector<16xi1>
      %while3A_386 = arith.constant 0 : i32
      scf.yield %while3A_386 : i32
    }
    %dma_wait3A_311 = tpu.memref_slice %arg2[%add3A_279] : memref<3200000xi32, #tpu.memory_space<hbm>> -> memref<10000xi32, #tpu.memory_space<hbm>>
    %dma_wait3A_312 = tpu.memref_slice %arg2[%add3A_279] : memref<3200000xi32, #tpu.memory_space<hbm>> -> memref<10000xi32, #tpu.memory_space<hbm>>
    tpu.wait_dma2 semaphore(%arg12 : memref<!tpu.dma_semaphore, #tpu.memory_space<semaphore_mem>>) src(%dma_wait3A_312 : memref<10000xi32, #tpu.memory_space<hbm>>) dst(%arg5 : memref<10000xi32, #tpu.memory_space<vmem>>)
    %dma_wait3A_313 = tpu.memref_slice %arg3[%add3A_279] : memref<3200000xf32, #tpu.memory_space<hbm>> -> memref<10000xf32, #tpu.memory_space<hbm>>
    %dma_wait3A_314 = tpu.memref_slice %arg3[%add3A_279] : memref<3200000xf32, #tpu.memory_space<hbm>> -> memref<10000xf32, #tpu.memory_space<hbm>>
    tpu.wait_dma2 semaphore(%arg12 : memref<!tpu.dma_semaphore, #tpu.memory_space<semaphore_mem>>) src(%dma_wait3A_314 : memref<10000xf32, #tpu.memory_space<hbm>>) dst(%arg7 : memref<10000xf32, #tpu.memory_space<vmem>>)
    %add3A_315 = arith.constant 90000 : i32
    %add3A_316 = arith.addi %mul3A_2, %add3A_315 : i32
    %dma_start3A_317 = tpu.memref_slice %arg2[%add3A_316] : memref<3200000xi32, #tpu.memory_space<hbm>> -> memref<10000xi32, #tpu.memory_space<hbm>>
    %dma_start3A_318 = tpu.memref_slice %arg2[%add3A_316] : memref<3200000xi32, #tpu.memory_space<hbm>> -> memref<10000xi32, #tpu.memory_space<hbm>>
    tpu.enqueue_dma source(%dma_start3A_318 : memref<10000xi32, #tpu.memory_space<hbm>>) target(%arg6 : memref<10000xi32, #tpu.memory_space<vmem>>) target_semaphore(%arg13 : memref<!tpu.dma_semaphore, #tpu.memory_space<semaphore_mem>>)
    %dma_start3A_319 = tpu.memref_slice %arg3[%add3A_316] : memref<3200000xf32, #tpu.memory_space<hbm>> -> memref<10000xf32, #tpu.memory_space<hbm>>
    %dma_start3A_320 = tpu.memref_slice %arg3[%add3A_316] : memref<3200000xf32, #tpu.memory_space<hbm>> -> memref<10000xf32, #tpu.memory_space<hbm>>
    tpu.enqueue_dma source(%dma_start3A_320 : memref<10000xf32, #tpu.memory_space<hbm>>) target(%arg8 : memref<10000xf32, #tpu.memory_space<vmem>>) target_semaphore(%arg13 : memref<!tpu.dma_semaphore, #tpu.memory_space<semaphore_mem>>)
    %gather3A_321 = tpu.vector_load_idx %arg5[%mul3A_5] : memref<10000xi32, #tpu.memory_space<vmem>>[vector<16xi32>], vector<16xi32>,
    %gather3A_322 = tpu.vector_load_idx %arg7[%mul3A_5] : memref<10000xf32, #tpu.memory_space<vmem>>[vector<16xi32>], vector<16xf32>,
    %parallel_loop3A_323 = arith.constant 1 : i32
    %parallel_loop3A_324 = arith.constant 625 : i32
    %parallel_loop3A_325 = arith.constant 1 : i32
    %parallel_loop3A_326:3 = scf.for %parallel_loop3A_379 = %parallel_loop3A_323 to %parallel_loop3A_324 step %parallel_loop3A_325 iter_args(%parallel_loop3A_380 = %gather3A_321, %parallel_loop3A_381 = %gather3A_322, %parallel_loop3A_382 = %mul3A_9) -> (vector<16xi32>, vector<16xf32>, vector<16xi32>)  : i32 {
      %parallel_loop3A_383 = vector.broadcast %parallel_loop3A_379 : i32 to vector<16xi32>
      %parallel_loop3A_384 = arith.addi %mul3A_5, %parallel_loop3A_383 : vector<16xi32>
      %parallel_loop3A_385 = tpu.vector_load_idx %arg5[%parallel_loop3A_384] : memref<10000xi32, #tpu.memory_space<vmem>>[vector<16xi32>], vector<16xi32>,
      %parallel_loop3A_386 = tpu.vector_load_idx %arg7[%parallel_loop3A_384] : memref<10000xf32, #tpu.memory_space<vmem>>[vector<16xi32>], vector<16xf32>,
      %parallel_loop3A_387 = arith.cmpi ne, %parallel_loop3A_385, %parallel_loop3A_380 : vector<16xi32>
      tpu.vector_store_idx %arg10[%parallel_loop3A_382], %parallel_loop3A_380 masked %parallel_loop3A_387 : memref<10000xi32, #tpu.memory_space<vmem>>[vector<16xi32>], vector<16xi32>, vector<16xi1>
      tpu.vector_store_idx %arg11[%parallel_loop3A_382], %parallel_loop3A_381 masked %parallel_loop3A_387 : memref<10000xf32, #tpu.memory_space<vmem>>[vector<16xi32>], vector<16xf32>, vector<16xi1>
      %parallel_loop3A_388 = arith.extui %parallel_loop3A_387 : vector<16xi1> to vector<16xi32>
      %parallel_loop3A_389 = arith.addi %parallel_loop3A_382, %parallel_loop3A_388 : vector<16xi32>
      %parallel_loop3A_390 = arith.addf %parallel_loop3A_381, %parallel_loop3A_386 : vector<16xf32>
      %parallel_loop3A_391 = arith.select %parallel_loop3A_387, %parallel_loop3A_386, %parallel_loop3A_390 : vector<16xi1>, vector<16xf32>
      scf.yield %parallel_loop3A_385, %parallel_loop3A_391, %parallel_loop3A_389 : vector<16xi32>, vector<16xf32>, vector<16xi32>
    } {sc.loop_unroll_factor = 13 : i64, sc.parallel_access}
    tpu.vector_store_idx %arg9[%parallel_loop3A_326#0], %parallel_loop3A_326#1 {add = true} : memref<10112xf32, #tpu.memory_space<vmem>>[vector<16xi32>], vector<16xf32>,
    %sub3A_327 = arith.subi %parallel_loop3A_326#2, %mul3A_9 : vector<16xi32>
    %reduce_max3A_328 = arith.constant true
    %reduce_max3A_329 = vector.broadcast %reduce_max3A_328 : i1 to vector<16xi1>
    %reduce_max3A_330 = arith.constant -2147483648 : i32
    %reduce_max3A_331 = vector.broadcast %reduce_max3A_330 : i32 to vector<16xi32>
    %reduce_max3A_332 = arith.xori %sub3A_327, %reduce_max3A_331 : vector<16xi32>
    %reduce_max3A_333 = tpu.scan <max>, %reduce_max3A_332 masked %reduce_max3A_329 : vector<16xi32>, vector<16xi1> -> vector<16xi32>
    %reduce_max3A_334 = arith.xori %reduce_max3A_333, %reduce_max3A_331 : vector<16xi32>
    %reduce_max3A_335 = vector.extract %reduce_max3A_334[15] : i32 from vector<16xi32>
    %while3A_336 = arith.constant 0 : i32
    %while3A_337 = arith.constant 0 : i32
    %while3A_338 = arith.subi %reduce_max3A_335, %while3A_336 : i32
    %while3A_339 = arith.addi %while3A_336, %while3A_338 : i32
    %while3A_340 = arith.constant 1 : i32
    %while3A_341 = arith.divsi %while3A_338, %while3A_340 : i32
    %while3A_342 = arith.muli %while3A_341, %while3A_340 : i32
    %while3A_343 = arith.addi %while3A_336, %while3A_342 : i32
    %while3A_344 = arith.constant 1 : i32
    %while3A_345 = scf.for %while3A_379 = %while3A_336 to %while3A_343 step %while3A_344 iter_args(%while3A_380 = %while3A_337) -> (i32)  : i32 {
      %add3A_381 = vector.broadcast %while3A_379 : i32 to vector<16xi32>
      %add3A_382 = arith.addi %mul3A_9, %add3A_381 : vector<16xi32>
      %gather3A_383 = tpu.vector_load_idx %arg10[%add3A_382] : memref<10000xi32, #tpu.memory_space<vmem>>[vector<16xi32>], vector<16xi32>,
      %gather3A_384 = tpu.vector_load_idx %arg11[%add3A_382] : memref<10000xf32, #tpu.memory_space<vmem>>[vector<16xi32>], vector<16xf32>,
      %lt3A = vector.broadcast %while3A_379 : i32 to vector<16xi32>
      %lt3A_385 = arith.cmpi slt, %lt3A, %sub3A_327 : vector<16xi32>
      tpu.vector_store_idx %arg9[%gather3A_383], %gather3A_384 masked %lt3A_385 {add = true} : memref<10112xf32, #tpu.memory_space<vmem>>[vector<16xi32>], vector<16xf32>, vector<16xi1>
      %while3A_386 = arith.constant 0 : i32
      scf.yield %while3A_386 : i32
    }
    %while3A_346 = arith.constant 1 : i32
    %while3A_347 = scf.for %while3A_379 = %while3A_343 to %while3A_339 step %while3A_346 iter_args(%while3A_380 = %while3A_345) -> (i32)  : i32 {
      %add3A_381 = vector.broadcast %while3A_379 : i32 to vector<16xi32>
      %add3A_382 = arith.addi %mul3A_9, %add3A_381 : vector<16xi32>
      %gather3A_383 = tpu.vector_load_idx %arg10[%add3A_382] : memref<10000xi32, #tpu.memory_space<vmem>>[vector<16xi32>], vector<16xi32>,
      %gather3A_384 = tpu.vector_load_idx %arg11[%add3A_382] : memref<10000xf32, #tpu.memory_space<vmem>>[vector<16xi32>], vector<16xf32>,
      %lt3A = vector.broadcast %while3A_379 : i32 to vector<16xi32>
      %lt3A_385 = arith.cmpi slt, %lt3A, %sub3A_327 : vector<16xi32>
      tpu.vector_store_idx %arg9[%gather3A_383], %gather3A_384 masked %lt3A_385 {add = true} : memref<10112xf32, #tpu.memory_space<vmem>>[vector<16xi32>], vector<16xf32>, vector<16xi1>
      %while3A_386 = arith.constant 0 : i32
      scf.yield %while3A_386 : i32
    }
    %dma_wait3A_348 = tpu.memref_slice %arg2[%add3A_316] : memref<3200000xi32, #tpu.memory_space<hbm>> -> memref<10000xi32, #tpu.memory_space<hbm>>
    %dma_wait3A_349 = tpu.memref_slice %arg2[%add3A_316] : memref<3200000xi32, #tpu.memory_space<hbm>> -> memref<10000xi32, #tpu.memory_space<hbm>>
    tpu.wait_dma2 semaphore(%arg13 : memref<!tpu.dma_semaphore, #tpu.memory_space<semaphore_mem>>) src(%dma_wait3A_349 : memref<10000xi32, #tpu.memory_space<hbm>>) dst(%arg6 : memref<10000xi32, #tpu.memory_space<vmem>>)
    %dma_wait3A_350 = tpu.memref_slice %arg3[%add3A_316] : memref<3200000xf32, #tpu.memory_space<hbm>> -> memref<10000xf32, #tpu.memory_space<hbm>>
    %dma_wait3A_351 = tpu.memref_slice %arg3[%add3A_316] : memref<3200000xf32, #tpu.memory_space<hbm>> -> memref<10000xf32, #tpu.memory_space<hbm>>
    tpu.wait_dma2 semaphore(%arg13 : memref<!tpu.dma_semaphore, #tpu.memory_space<semaphore_mem>>) src(%dma_wait3A_351 : memref<10000xf32, #tpu.memory_space<hbm>>) dst(%arg8 : memref<10000xf32, #tpu.memory_space<vmem>>)
    %gather3A_352 = tpu.vector_load_idx %arg6[%mul3A_5] : memref<10000xi32, #tpu.memory_space<vmem>>[vector<16xi32>], vector<16xi32>,
    %gather3A_353 = tpu.vector_load_idx %arg8[%mul3A_5] : memref<10000xf32, #tpu.memory_space<vmem>>[vector<16xi32>], vector<16xf32>,
    %parallel_loop3A_354 = arith.constant 1 : i32
    %parallel_loop3A_355 = arith.constant 625 : i32
    %parallel_loop3A_356 = arith.constant 1 : i32
    %parallel_loop3A_357:3 = scf.for %parallel_loop3A_379 = %parallel_loop3A_354 to %parallel_loop3A_355 step %parallel_loop3A_356 iter_args(%parallel_loop3A_380 = %gather3A_352, %parallel_loop3A_381 = %gather3A_353, %parallel_loop3A_382 = %mul3A_9) -> (vector<16xi32>, vector<16xf32>, vector<16xi32>)  : i32 {
      %parallel_loop3A_383 = vector.broadcast %parallel_loop3A_379 : i32 to vector<16xi32>
      %parallel_loop3A_384 = arith.addi %mul3A_5, %parallel_loop3A_383 : vector<16xi32>
      %parallel_loop3A_385 = tpu.vector_load_idx %arg6[%parallel_loop3A_384] : memref<10000xi32, #tpu.memory_space<vmem>>[vector<16xi32>], vector<16xi32>,
      %parallel_loop3A_386 = tpu.vector_load_idx %arg8[%parallel_loop3A_384] : memref<10000xf32, #tpu.memory_space<vmem>>[vector<16xi32>], vector<16xf32>,
      %parallel_loop3A_387 = arith.cmpi ne, %parallel_loop3A_385, %parallel_loop3A_380 : vector<16xi32>
      tpu.vector_store_idx %arg10[%parallel_loop3A_382], %parallel_loop3A_380 masked %parallel_loop3A_387 : memref<10000xi32, #tpu.memory_space<vmem>>[vector<16xi32>], vector<16xi32>, vector<16xi1>
      tpu.vector_store_idx %arg11[%parallel_loop3A_382], %parallel_loop3A_381 masked %parallel_loop3A_387 : memref<10000xf32, #tpu.memory_space<vmem>>[vector<16xi32>], vector<16xf32>, vector<16xi1>
      %parallel_loop3A_388 = arith.extui %parallel_loop3A_387 : vector<16xi1> to vector<16xi32>
      %parallel_loop3A_389 = arith.addi %parallel_loop3A_382, %parallel_loop3A_388 : vector<16xi32>
      %parallel_loop3A_390 = arith.addf %parallel_loop3A_381, %parallel_loop3A_386 : vector<16xf32>
      %parallel_loop3A_391 = arith.select %parallel_loop3A_387, %parallel_loop3A_386, %parallel_loop3A_390 : vector<16xi1>, vector<16xf32>
      scf.yield %parallel_loop3A_385, %parallel_loop3A_391, %parallel_loop3A_389 : vector<16xi32>, vector<16xf32>, vector<16xi32>
    } {sc.loop_unroll_factor = 13 : i64, sc.parallel_access}
    tpu.vector_store_idx %arg9[%parallel_loop3A_357#0], %parallel_loop3A_357#1 {add = true} : memref<10112xf32, #tpu.memory_space<vmem>>[vector<16xi32>], vector<16xf32>,
    %sub3A_358 = arith.subi %parallel_loop3A_357#2, %mul3A_9 : vector<16xi32>
    %reduce_max3A_359 = arith.constant true
    %reduce_max3A_360 = vector.broadcast %reduce_max3A_359 : i1 to vector<16xi1>
    %reduce_max3A_361 = arith.constant -2147483648 : i32
    %reduce_max3A_362 = vector.broadcast %reduce_max3A_361 : i32 to vector<16xi32>
    %reduce_max3A_363 = arith.xori %sub3A_358, %reduce_max3A_362 : vector<16xi32>
    %reduce_max3A_364 = tpu.scan <max>, %reduce_max3A_363 masked %reduce_max3A_360 : vector<16xi32>, vector<16xi1> -> vector<16xi32>
    %reduce_max3A_365 = arith.xori %reduce_max3A_364, %reduce_max3A_362 : vector<16xi32>
    %reduce_max3A_366 = vector.extract %reduce_max3A_365[15] : i32 from vector<16xi32>
    %while3A_367 = arith.constant 0 : i32
    %while3A_368 = arith.constant 0 : i32
    %while3A_369 = arith.subi %reduce_max3A_366, %while3A_367 : i32
    %while3A_370 = arith.addi %while3A_367, %while3A_369 : i32
    %while3A_371 = arith.constant 1 : i32
    %while3A_372 = arith.divsi %while3A_369, %while3A_371 : i32
    %while3A_373 = arith.muli %while3A_372, %while3A_371 : i32
    %while3A_374 = arith.addi %while3A_367, %while3A_373 : i32
    %while3A_375 = arith.constant 1 : i32
    %while3A_376 = scf.for %while3A_379 = %while3A_367 to %while3A_374 step %while3A_375 iter_args(%while3A_380 = %while3A_368) -> (i32)  : i32 {
      %add3A_381 = vector.broadcast %while3A_379 : i32 to vector<16xi32>
      %add3A_382 = arith.addi %mul3A_9, %add3A_381 : vector<16xi32>
      %gather3A_383 = tpu.vector_load_idx %arg10[%add3A_382] : memref<10000xi32, #tpu.memory_space<vmem>>[vector<16xi32>], vector<16xi32>,
      %gather3A_384 = tpu.vector_load_idx %arg11[%add3A_382] : memref<10000xf32, #tpu.memory_space<vmem>>[vector<16xi32>], vector<16xf32>,
      %lt3A = vector.broadcast %while3A_379 : i32 to vector<16xi32>
      %lt3A_385 = arith.cmpi slt, %lt3A, %sub3A_358 : vector<16xi32>
      tpu.vector_store_idx %arg9[%gather3A_383], %gather3A_384 masked %lt3A_385 {add = true} : memref<10112xf32, #tpu.memory_space<vmem>>[vector<16xi32>], vector<16xf32>, vector<16xi1>
      %while3A_386 = arith.constant 0 : i32
      scf.yield %while3A_386 : i32
    }
    %while3A_377 = arith.constant 1 : i32
    %while3A_378 = scf.for %while3A_379 = %while3A_374 to %while3A_370 step %while3A_377 iter_args(%while3A_380 = %while3A_376) -> (i32)  : i32 {
      %add3A_381 = vector.broadcast %while3A_379 : i32 to vector<16xi32>
      %add3A_382 = arith.addi %mul3A_9, %add3A_381 : vector<16xi32>
      %gather3A_383 = tpu.vector_load_idx %arg10[%add3A_382] : memref<10000xi32, #tpu.memory_space<vmem>>[vector<16xi32>], vector<16xi32>,
      %gather3A_384 = tpu.vector_load_idx %arg11[%add3A_382] : memref<10000xf32, #tpu.memory_space<vmem>>[vector<16xi32>], vector<16xf32>,
      %lt3A = vector.broadcast %while3A_379 : i32 to vector<16xi32>
      %lt3A_385 = arith.cmpi slt, %lt3A, %sub3A_358 : vector<16xi32>
      tpu.vector_store_idx %arg9[%gather3A_383], %gather3A_384 masked %lt3A_385 {add = true} : memref<10112xf32, #tpu.memory_space<vmem>>[vector<16xi32>], vector<16xf32>, vector<16xi1>
      %while3A_386 = arith.constant 0 : i32
      scf.yield %while3A_386 : i32
    }
    "tpu.region"() ({
      %run_scoped3A = tpu.sem_alloc : memref<!tpu.dma_semaphore, #tpu.memory_space<semaphore_mem>>
      %dma_start3A_379 = arith.constant 0 : i32
      %dma_start3A_380 = tpu.memref_slice %arg4[%add3A, %dma_start3A_379] : memref<32x10112xf32, #tpu.memory_space<hbm>> -> memref<1x10112xf32, #tpu.memory_space<hbm>>
      %dma_start3A_381 = tpu.memref_squeeze %dma_start3A_380 : memref<1x10112xf32, #tpu.memory_space<hbm>> -> memref<10112xf32, #tpu.memory_space<hbm>>
      %dma_start3A_382 = arith.constant 0 : i32
      %dma_start3A_383 = tpu.memref_slice %arg4[%add3A, %dma_start3A_382] : memref<32x10112xf32, #tpu.memory_space<hbm>> -> memref<1x10112xf32, #tpu.memory_space<hbm>>
      %dma_start3A_384 = tpu.memref_squeeze %dma_start3A_383 : memref<1x10112xf32, #tpu.memory_space<hbm>> -> memref<10112xf32, #tpu.memory_space<hbm>>
      tpu.enqueue_dma source(%arg9 : memref<10112xf32, #tpu.memory_space<vmem>>) target(%dma_start3A_384 : memref<10112xf32, #tpu.memory_space<hbm>>) target_semaphore(%run_scoped3A : memref<!tpu.dma_semaphore, #tpu.memory_space<semaphore_mem>>)
      %dma_wait3A_385 = arith.constant 0 : i32
      %dma_wait3A_386 = tpu.memref_slice %arg4[%add3A, %dma_wait3A_385] : memref<32x10112xf32, #tpu.memory_space<hbm>> -> memref<1x10112xf32, #tpu.memory_space<hbm>>
      %dma_wait3A_387 = tpu.memref_squeeze %dma_wait3A_386 : memref<1x10112xf32, #tpu.memory_space<hbm>> -> memref<10112xf32, #tpu.memory_space<hbm>>
      %dma_wait3A_388 = arith.constant 0 : i32
      %dma_wait3A_389 = tpu.memref_slice %arg4[%add3A, %dma_wait3A_388] : memref<32x10112xf32, #tpu.memory_space<hbm>> -> memref<1x10112xf32, #tpu.memory_space<hbm>>
      %dma_wait3A_390 = tpu.memref_squeeze %dma_wait3A_389 : memref<1x10112xf32, #tpu.memory_space<hbm>> -> memref<10112xf32, #tpu.memory_space<hbm>>
      tpu.wait_dma2 semaphore(%run_scoped3A : memref<!tpu.dma_semaphore, #tpu.memory_space<semaphore_mem>>) src(%arg9 : memref<10112xf32, #tpu.memory_space<vmem>>) dst(%dma_wait3A_390 : memref<10112xf32, #tpu.memory_space<hbm>>)
      tpu.yield
    }) : () -> ()
    return
  }
}

module attributes {stable_mosaic.version = 14 : i64} {
  func.func @body(%arg0: memref<10000xf32, #tpu.memory_space<vmem>>, %arg1: memref<32x10112xf32, #tpu.memory_space<vmem>>, %arg2: memref<10000xf32, #tpu.memory_space<vmem>>) attributes {dimension_semantics = [], scalar_prefetch = 0 : i64, scratch_operands = 0 : i64, tpu.core_type = #tpu.core_type<tc>} {
    %get3A = arith.constant 0 : index
    %get3A_0 = arith.constant 0 : index
    %get3A_1 = vector.load %arg1[%get3A, %get3A_0] : memref<32x10112xf32, #tpu.memory_space<vmem>>, vector<32x10112xf32>
    %reduce_sum3A = arith.constant dense<0.000000e+00> : vector<10112xf32>
    %reduce_sum3A_2 = vector.multi_reduction <add>, %get3A_1, %reduce_sum3A [0] : vector<32x10112xf32> to vector<10112xf32>
    %get3A_3 = arith.constant 0 : index
    %get3A_4 = vector.load %arg0[%get3A_3] : memref<10000xf32, #tpu.memory_space<vmem>>, vector<10000xf32>
    %slice3A = vector.extract_strided_slice %reduce_sum3A_2 {offsets = [0], sizes = [10000], strides = [1]} : vector<10112xf32> to vector<10000xf32>
    %sub3A = arith.subf %get3A_4, %slice3A : vector<10000xf32>
    %swap3A = arith.constant 0 : index
    %swap3A_5 = vector.load %arg2[%swap3A] : memref<10000xf32, #tpu.memory_space<vmem>>, vector<10000xf32>
    tpu.vector_store %arg2[%swap3A], %sub3A {strides = array<i32>} : memref<10000xf32, #tpu.memory_space<vmem>>, vector<10000xf32>,
    return
  }
}

</mosaic_0001>

<sc_bundles>
// kernel: kernel.4.cloned.1.call-start
scs
__scs_entry_jumppad:
0x0: {  	(pc) =	sbr.rel $0x88, $3  }
0x1: {  	(tag) =	ssettag $0x0;
	lr =	simm.s32 $0x1  }
0x2: {  	[smem:$0x3F9E] =	sst lr;
	_ =	strace $0xD0000000  }
0x3: {  	_ = 	snop  }
0x4: {  	_ = 	snop  }
0x5: {  	_ = 	snop  }
0x6: {  	_ = 	snop  }
0x7: {  	_ = 	snop  }
__scs_overlays_trampoline_lowered:
0x8: {  	[smem:$0x3FAD] =	sst s0  }
0x9: {  	[smem:$0x3FAE] =	sst s1  }
0xa: {  	[smem:$0x3FAF] =	sst s2  }
0xb: {  	[smem:$0x3FB0] =	sst s3  }
0xc: {  	[smem:$0x3FB1] =	sst s4  }
0xd: {  	[smem:$0x3FB2] =	sst s5  }
0xe: {  	[smem:$0x3FB3] =	sst s6  }
0xf: {  	[smem:$0x3FB4] =	sst s7  }
0x10: {  	[smem:$0x3FB5] =	sst s8  }
0x11: {  	[smem:$0x3FB6] =	sst s9;
	s0 =	simm.s32 @!p0 $0x0  }
0x12: {  	s1 =	sld [smem:$0x3F9C];
	s0 =	simm.s32 @p0 $0x1  }
0x13: {  	[smem:$0x3FB7] =	sst s0;
	s0 =	simm.s32 @!p1 $0x0  }
0x14: {  	s2 =	sld [smem:$0x3F9B];
	s0 =	simm.s32 @p1 $0x1  }
0x15: {  	[smem:$0x3FB8] =	sst s0;
	s0 =	simm.s32 @!p2 $0x0  }
0x16: {  	s3 =	sld [smem:$0x3FDB];
	s0 =	simm.s32 @p2 $0x1  }
0x17: {  	s4 =	simm.s32 $0x1BF5;
	[smem:$0x3FBA] =	sst s0  }
0x18: {  	s0 =	sld [smem:$0x3F9D];
	_ =	swait.ge [sflag:s4], $0x0  }
0x19: {  	s7 =	sld [smem:$0x3F9E]  }
0x1a: {  	s8 =	sadd.s32 $0xFFFFE003, lr  }
0x1b: {  	s9 =	sadd.s32 $0xFFFFFEF7, lr;
	s5 =	simm.s32 $0xFFFFFFFF;
	p2 =	slt.u32 s8, $0xFFFFF086  }
0x1c: {  	p1 =	slt.u32 s9, $0xF7A;
	s5 =	simm.s32 @!p2 $0x0  }
0x1d: {  	s5 =	simm.s32 @p1 $0x1;
	p0 =	seq.s32 s7, s2  }
0x1e: {  	s7 =	smul.u32 @!p0 $0xF7A, s2;
	p2 =	seq.s32 @!p0 s5, $0x0  }
0x1f: {  	s9 =	smul.u32 $0xF7A, s1;
	s8 =	simm.s32 @!p0 $0x1BF5;
	p2 =	por !p2, p0  }
0x20: {  	[sflag:s8] =	ssyncset.s32 @!p0 $0xFFFFF086;
	s6 =	sadd.s32 @!p0 s3, s7;
	s7 =	simm.s32 @!p0 $0x108  }
0x21: {  	s3 =	sadd.s32 s3, s9;
	s6 =	sadd.s32 @!p0 $0x88, s6;
	s7 =	simm.s32 @p2 $0x1082  }
0x22: {  	[simem:s7], [sflag:s8] =	dma.local @!p0 [hbm:s6], $0xF7A  }
0x23: {  	s9 =	sor.u32 $0xD0000000, s2;
	s6 =	simm.s32 $0x108;
	_ =	swait.ge @!p0 [sflag:s8], $0x0  }
0x24: {  	s3 =	sadd.s32 $0x88, s3;
	s6 =	simm.s32 @!p1 $0x1082;
	[sflag:s4] =	ssyncset.s32 $0xFFFFF086  }
0x25: {  	[simem:s6], [sflag:s4] =	dma.local [hbm:s3], $0xF7A  }
0x26: {  	[smem:$0x3F9E] =	sst s1;
	(tag) =	ssettag s2;
	_ =	strace s9  }
0x27: {  	s1 =	sld [smem:$0x3FAE]  }
0x28: {  	s2 =	sld [smem:$0x3FAF]  }
0x29: {  	s4 =	sld [smem:$0x3FB1]  }
0x2a: {  	p0 =	seq.s32 s5, $0x0;
	s5 =	sld [smem:$0x3FB2]  }
0x2b: {  	s6 =	sld [smem:$0x3FB3]  }
0x2c: {  	s7 =	sld [smem:$0x3FB4]  }
0x2d: {  	s3 =	simm.s32 $0x108;
	s8 =	sld [smem:$0x3FB5]  }
0x2e: {  	s3 =	simm.s32 @!p0 $0x1082;
	s9 =	sld [smem:$0x3FB6]  }
0x2f: {  	lr =	sadd.s32 s0, s3;
	s0 =	sld [smem:$0x3FAD]  }
0x30: {  	s3 =	sld [smem:$0x3FB0]  }
0x31: {  	[smem:$0x3FB9] =	sst s10  }
0x32: {  	s10 =	sld [smem:$0x3FB7];
	_ =	sdelay $0x3  }
0x33: {  	p0 =	seq.s32 s10, $0x1;
	s10 =	sld [smem:$0x3FB9];
	_ =	sdelay $0x3  }
0x34: {  	[smem:$0x3FB9] =	sst s10  }
0x35: {  	s10 =	sld [smem:$0x3FB8];
	_ =	sdelay $0x3  }
0x36: {  	p1 =	seq.s32 s10, $0x1;
	s10 =	sld [smem:$0x3FB9];
	_ =	sdelay $0x3  }
0x37: {  	[smem:$0x3FB9] =	sst s10  }
0x38: {  	s10 =	sld [smem:$0x3FBA]  }
0x39: {  	_ = 	snop;
	(pc) =	sbr.ind lr, $3  }
0x3a: {  	_ = 	snop  }
0x3b: {  	_ = 	snop  }
0x3c: {  	p2 =	seq.s32 s10, $0x1;
	s10 =	sld [smem:$0x3FB9]  }
0x3d: {  	_ =	shalt  }
0x3e: {  	_ =	shalt  }
0x3f: {  	_ =	shalt  }
0x40: {  	_ =	shalt  }
0x41: {  	_ =	shalt  }
0x42: {  	_ =	shalt  }
0x43: {  	_ =	shalt  }
0x44: {  	_ =	shalt  }
0x45: {  	_ =	shalt  }
0x46: {  	_ =	shalt  }
0x47: {  	_ =	shalt  }
0x48: {  	_ =	shalt  }
0x49: {  	_ =	shalt  }
0x4a: {  	_ =	shalt  }
0x4b: {  	_ =	shalt  }
0x4c: {  	_ =	shalt  }
0x4d: {  	_ =	shalt  }
0x4e: {  	_ =	shalt  }
0x4f: {  	_ =	shalt  }
0x50: {  	_ =	shalt  }
0x51: {  	_ =	shalt  }
0x52: {  	_ =	shalt  }
0x53: {  	_ =	shalt  }
0x54: {  	_ =	shalt  }
0x55: {  	_ =	shalt  }
0x56: {  	_ =	shalt  }
0x57: {  	_ =	shalt  }
0x58: {  	_ =	shalt  }
0x59: {  	_ =	shalt  }
0x5a: {  	_ =	shalt  }
0x5b: {  	_ =	shalt  }
0x5c: {  	_ =	shalt  }
0x5d: {  	_ =	shalt  }
0x5e: {  	_ =	shalt  }
0x5f: {  	_ =	shalt  }
0x60: {  	_ =	shalt  }
0x61: {  	_ =	shalt  }
0x62: {  	_ =	shalt  }
0x63: {  	_ =	shalt  }
0x64: {  	_ =	shalt  }
0x65: {  	_ =	shalt  }
0x66: {  	_ =	shalt  }
0x67: {  	_ =	shalt  }
0x68: {  	_ =	shalt  }
0x69: {  	_ =	shalt  }
0x6a: {  	_ =	shalt  }
0x6b: {  	_ =	shalt  }
0x6c: {  	_ =	shalt  }
0x6d: {  	_ =	shalt  }
0x6e: {  	_ =	shalt  }
0x6f: {  	_ =	shalt  }
0x70: {  	_ =	shalt  }
0x71: {  	_ =	shalt  }
0x72: {  	_ =	shalt  }
0x73: {  	_ =	shalt  }
0x74: {  	_ =	shalt  }
0x75: {  	_ =	shalt  }
0x76: {  	_ =	shalt  }
0x77: {  	_ =	shalt  }
0x78: {  	_ =	shalt  }
0x79: {  	_ =	shalt  }
0x7a: {  	_ =	shalt  }
0x7b: {  	_ =	shalt  }
0x7c: {  	_ =	shalt  }
0x7d: {  	_ =	shalt  }
0x7e: {  	_ =	shalt  }
0x7f: {  	_ =	shalt  }
0x80: {  	_ =	shalt  }
0x81: {  	_ =	shalt  }
0x82: {  	_ =	shalt  }
0x83: {  	_ =	shalt  }
0x84: {  	_ =	shalt  }
0x85: {  	_ =	shalt  }
0x86: {  	_ =	shalt  }
0x87: {  	_ =	shalt  }
.Lfunc_end0:
.L_simem_size_0:
called_computation_lowered:
.L_overlay_start_0:
0x88: {  	s2 =	sld [smem:$0x3FD9]  }
0x89: {  	s3 =	sld [smem:$0x3FFE];
	_ =	sdelay $0x1  }
0x8a: {  	s1 =	srdreg.scid  }
0x8b: {  	s0 =	sand.u32 $0x1, s1  }
0x8c: {  	s17 =	sshll.u32 s0, $0xA;
	s2 =	sadd.s32 s3, s2  }
0x8d: {  	s2 =	sadd.s32 s2, s17  }
0x8e: {  	[smem:$0x3FC5] =	sst s2  }
0x8f: {  	_ = 	snop  }
0x90: {  	s2 =	sld [smem:$0x3FC8]  }
0x91: {  	s18 =	sld [smem:$0x3FC7];
	(tm) =	ssettm $0x1  }
0x92: {  	s4 =	sld [smem:$0x3FFB];
	_ =	sdelay $0x3  }
0x93: {  	_ =	strace s4  }
0x94: {  	s4 =	sld [smem:$0x3FFC];
	_ =	sdelay $0x3  }
0x95: {  	_ =	strace s4  }
0x96: {  	s4 =	sld [smem:$0x3FFD];
	_ =	sdelay $0x3  }
0x97: {  	_ =	strace s4  }
0x98: {  	_ =	strace $0x8FFFFFFF  }
0x99: {  	s19 =	sld [smem:$0x3FDB];
	_ =	sdelay $0x1  }
0x9a: {  	s5 =	simm.s32 $_scs_section_size  }
0x9b: {  	s6 =	simm.s32 $_size__tile_overlayer_lowered;
	s7 =	simm.s32 $_tile_overlayer_lowered  }
0x9c: {  	s22 =	simm.s32 $0x1BFF;
	s21 =	sshll.u32 s7, $0x1;
	s4 =	sadd.s32 s5, s19  }
0x9d: {  	s8 =	simm.s32 $0x0;
	s20 =	sshll.u32 s6, $0x1;
	s6 =	sadd.s32 s21, s4  }
0x9e: {  	[timem:s8], [sflag:s22] =	dma.local [hbm:s6], s20  }
0x9f: {  	_ =	swait.ge [sflag:s22], s20  }
0xa0: {  	s5 =	ssub.s32 $0x0, s20;
	[sflag:s22] =	ssyncset.done $0x0  }
0xa1: {  	[sflag:s22] =	ssyncadd.s32 s5;
	_ =	sdelay $0x1  }
0xa2: {  	s23 =	simm.s32 $0x1B8B  }
0xa3: {  	_ =	swait.ge [sflag:s23], $0x1  }
0xa4: {  	[sflag:s23] =	ssyncset.done $0x0  }
0xa5: {  	s25 =	simm.s32 $0x1B8E;
	s24 =	sld [smem:$0x3FFE];
	[sflag:s23] =	ssyncadd.s32 $0xFFFFFFFF  }
0xa6: {  	s26 =	simm.s32 $execute0_lowered;
	[smem:$0x3FD2] =	sst s25  }
0xa7: {  	s6 =	sshll.u32 s26, $0x1;
	_ =	strace $0x80000046;
	[dreg:$0x1] =	wrdreg $0xFFFFFFFF  }
0xa8: {  	s28 =	simm.s32 $_size_execute0_lowered;
	s4 =	sadd.s32 s4, s6;
	[dreg:$0x0] =	wrdreg $0x0  }
0xa9: {  	s6 =	sshll.u32 s28, $0x1;
	[dreg:$0x2] =	wrdreg s4  }
0xaa: {  	[dreg:$0x3] =	wrdreg s6  }
0xab: {  	[dreg:$0x4] =	wrdreg $0xC0  }
0xac: {  	_ =	task [dreg:s8], $0x5FFFF  }
0xad: {  	[dreg:$0x1] =	wrdreg $0xFFFFFFFF  }
0xae: {  	[dreg:$0x0] =	wrdreg $0x60  }
0xaf: {  	[dreg:$0x2] =	wrdreg s2  }
0xb0: {  	[dreg:$0x3] =	wrdreg s18  }
0xb1: {  	[dreg:$0x4] =	wrdreg s24  }
0xb2: {  	[dreg:$0x5] =	wrdreg $0x9  }
0xb3: {  	_ =	task.clear_ibuf [dreg:s8], $0x6FFFF;
	_ =	strace $0x90000046  }
0xb4: {  	s29 =	simm.s32 $0x9;
	_ =	strace $0x80000048  }
0xb5: {  	_ =	swait.ge [sflag:s29], $0x1  }
0xb6: {  	[sflag:s29] =	ssyncadd.s32 $0xFFFFFFFF  }
0xb7: {  	_ =	strace $0x90000048  }
0xb8: {  	_ =	sfence  }
0xb9: {  	s30 =	sld [smem:$0x0];
	_ =	sdelay $0x2  }
0xba: {  	s31 =	sshll.u32 s1, $0xD;
	s1 =	sshrl.u32 s1, $0x2  }
0xbb: {  	s3 =	sand.u32 $0x4000, s31;
	s1 =	sadd.s32 s1, s30  }
0xbc: {  	s0 =	sor.u32 s3, s0;
	s1 =	sshll.u32 s1, $0x11  }
0xbd: {  	s0 =	sor.u32 s1, s0  }
0xbe: {  	s0 =	sadd.s32 $0x8F2B, s0  }
0xbf: {  	[sflag:s0] =	ssyncadd.remote.s32 $0x1  }
0xc0: {  	_ =	sfence.sel $0xFFFF  }
0xc1: {  	[dreg:$0x0] =	wrdreg $0xFFFFFFFF;
	(pc) =	sbr.abs _section_cstart, $3  }
0xc2: {  	[dreg:$0x1] =	wrdreg $0xFFFFFFFF  }
0xc3: {  	_ =	task.clear_ibuf [dreg:s8], $0x2FFFF;
	_ =	strace $0x9FFFFFFF  }
0xc4: {  	(tm) =	ssettm $0x7FFFFFFF  }
0xc5: {  	_ =	shalt  }
tec
execute0_lowered:
.L_overlay_start_1:
0x0: {  	(tag) =	ssettag $0x1  }
0x1: {  	s0 =	rddreg [dreg:$0x0]  }
0x2: {  	s1 =	rddreg [dreg:$0x1];
	s2 =	srdreg.scid  }
0x3: {  	s6 =	stileid.u32;
	s3 =	rddreg [dreg:$0x2];
	s28 =	simm.s32 $0x7680  }
0x4: {  	s29 =	simm.s32 $0xC580;
	s30 =	simm.s32 $0xED00;
	s31 =	simm.s32 $0x9E00  }
0x5: {  	s4 =	sand.u32 $0x1, s2;
	s13 =	sshll.u32 s6, $0x1;
	s6 =	sshrl.u32 s6, $0x2  }
0x6: {  	s2 =	simm.s32 $0x0;
	s5 =	sor.u32 s4, s13;
	s6 =	smul.u32 $0x13C00, s6  }
0x7: {  	[smem:$0x7FF] =	sst s2;
	s7 =	sshll.u32 s5, $0x7;
	s5 =	smul.u32 $0x186A0, s5  }
0x8: {  	s4 =	ssub.s32 $0x2, s4;
	_ =	strace $0x80000047;
	s7 =	sand.u32 $0x380, s7  }
0x9: {  	s14 =	sshrl.u32 s4, $0x1;
	s6 =	sor.u32 s6, s7;
	s5 =	sshrl.u32 s5, $0x3  }
0xa: {  	s4 =	ssub.s32 s4, s14;
	s6 =	sshrl.u32 s6, $0x3;
	s15 =	sadd.s32 s0, s5  }
0xb: {  	s16 =	sadd.s32 s1, s5;
	s17 =	sadd.s32 $0x4E2, s5;
	s19 =	sadd.s32 $0x9C4, s5  }
0xc: {  	s21 =	sadd.s32 $0xEA6, s5;
	s22 =	sadd.s32 $0x1388, s5;
	s23 =	sadd.s32 $0x186A, s5  }
0xd: {  	s24 =	sadd.s32 $0x1D4C, s5;
	s25 =	sadd.s32 $0x222E, s5;
	s26 =	sadd.s32 $0x2710, s5  }
0xe: {  	s5 =	sadd.s32 $0x2BF2, s5;
	s3 =	sadd.s32 s6, s3;
	[dreg:$0x4] =	wrdreg s15  }
0xf: {  	[dreg:$0x5] =	wrdreg s16;
	s18 =	sadd.s32 s0, s17;
	s6 =	sadd.s32 s1, s17  }
0x10: {  	s20 =	sadd.s32 s0, s19;
	s8 =	sadd.s32 s1, s19;
	s9 =	sadd.s32 s0, s21  }
0x11: {  	s10 =	sadd.s32 s1, s21;
	s11 =	sadd.s32 s0, s22;
	s12 =	sadd.s32 s1, s22  }
0x12: {  	s13 =	sadd.s32 s0, s23;
	s14 =	sadd.s32 s1, s23;
	s15 =	sadd.s32 s0, s24  }
0x13: {  	s16 =	sadd.s32 s1, s24;
	s17 =	sadd.s32 s0, s25;
	s19 =	sadd.s32 s0, s26  }
.Ltmp0:
0x14: {  	s21 =	sadd.s32 s0, s5;
	[dreg:$0x6] =	wrdreg s18;
	(pc) =	sbr.rel .LBB2_1-.Ltmp0, $4  }
0x15: {  	s22 =	sadd.s32 s1, s5;
	s24 =	smax.u32 s4, $0x1;
	[dreg:$0x7] =	wrdreg s6  }
0x16: {  	s0 =	simm.s32 $0x3;
	[dreg:$0x8] =	wrdreg s20;
	s18 =	sadd.s32 s1, s25  }
0x17: {  	v0 =	vlaneseq.u32;
	s20 =	sadd.s32 s1, s26;
	s23 =	sadd.s32 $0x800, s3;
	s25 =	simm.s32 $0x4F00  }
0x18: {  	v1 =	vimm.f32 $0.0e+00;
	v3 =	vimm.s32 $0x0;
	v2 =	vmul.u32 $0x271, v0;
	s26 =	simm.s32 $0x2780;
	s1 =	simm.s32 $0x2;
	s3 =	simm.s32 $0x0  }
.LBB2_62:
0x19: {  	_ =	sdelay $0x2  }
0x1a: {  	vm0 =	vlt.s32 v7, v4  }
0x1b: {  	v4 =	vld.idx.msk [tilespmem:v6+s30+$0x0], $0xffff;
	_ =	sdelay $0x4  }
0x1c: {  	[tilespmem:v5+s31+$0x0] =	vst.idx.add.f32.msk vm0, v4  }
.LBB2_63:
0x1d: {  	s3 =	sadd.s32 $0x1, s3  }
0x1e: {  	p0 =	sne.s32 s3, s24  }
.Ltmp1:
0x1f: {  	s4 =	simm.s32 $0x80;
	s5 =	simm.s32 $0x400;
	(pc) =	sbr.rel @!p0 .LBB2_64-.Ltmp1, $4  }
0x20: {  	[hbm4b:s23+s4] =	stream.strided.scatter [tilespmem:s31], [sflag:$0x3], $0x2780, s5, s4, $0x38;
	[tilespmem:$0x11480] =	vst v63  }
0x21: {  	_ =	swait.ge [sflag:s0], $0x2780  }
0x22: {  	[sflag:s0] =	ssyncset.done $0x0  }
0x23: {  	[sflag:s0] =	ssyncadd.s32 $0xFFFFD880  }
.LBB2_1:
0x24: {  	s4 =	simm.s32 $0x0;
	s5 =	simm.s32 $0x200  }
.LBB2_2:
0x25: {  	p0 =	sne.s32 s5, $0x9C00;
	[tilespmem:s4+$0x9E70] =	vst v1  }
0x26: {  	[tilespmem:s4+$0x9E00] =	vst v1  }
0x27: {  	[tilespmem:s4+$0x9E10] =	vst v1  }
.Ltmp2:
0x28: {  	[tilespmem:s4+$0x9E20] =	vst v1;
	(pc) =	sbr.rel @p0 .LBB2_2-.Ltmp2, $4  }
0x29: {  	[tilespmem:s4+$0x9E30] =	vst v1  }
0x2a: {  	[tilespmem:s4+$0x9E40] =	vst v1  }
0x2b: {  	[tilespmem:s4+$0x9E50] =	vst v1  }
0x2c: {  	[tilespmem:s4+$0x9E60] =	vst v1;
	s4 =	sshra.s32 s5, $0x2;
	s5 =	sadd.s32 $0x200, s5  }
0x2d: {  	[tilespmem:s4+$0x9E70] =	vst v1  }
0x2e: {  	[tilespmem:s4+$0x9E00] =	vst v1  }
0x2f: {  	[tilespmem:s4+$0x9E10] =	vst v1  }
0x30: {  	[tilespmem:s4+$0x9E20] =	vst v1  }
0x31: {  	[tilespmem:s4+$0x9E30] =	vst v1  }
0x32: {  	[tilespmem:s4+$0x9E40] =	vst v1  }
0x33: {  	[tilespmem:s4+$0x9E50] =	vst v1  }
0x34: {  	[tilespmem:s4+$0x9E60] =	vst v1;
	s5 =	rddreg [dreg:$0x4]  }
0x35: {  	[tilespmem:s2], [sflag:$0x1] =	stream.linear.gather [hbm4b:s5+s2], $0x2710, $0x38;
	[tilespmem:$0x11480] =	vst v63  }
0x36: {  	s6 =	rddreg [dreg:$0x5];
	s7 =	simm.s32 $0x1  }
0x37: {  	[tilespmem:s25], [sflag:$0x1] =	stream.linear.gather [hbm4b:s6+s2], $0x2710, $0x38;
	[tilespmem:$0x11480] =	vst v63  }
0x38: {  	_ =	swait.ge [sflag:s7], $0x2710  }
0x39: {  	[sflag:s7] =	ssyncset.done $0x0  }
0x3a: {  	[sflag:s7] =	ssyncadd.s32 $0xFFFFD8F0  }
0x3b: {  	_ =	swait.ge [sflag:s7], $0x2710  }
0x3c: {  	[sflag:s7] =	ssyncset.done $0x0  }
0x3d: {  	s5 =	rddreg [dreg:$0x6];
	[sflag:s7] =	ssyncadd.s32 $0xFFFFD8F0  }
0x3e: {  	v4 =	vadd.s32 s7, v2;
	[tilespmem:s26], [sflag:$0x2] =	stream.linear.gather [hbm4b:s5+s2], $0x2710, $0x38;
	[tilespmem:$0x11480] =	vst v63  }
0x3f: {  	s6 =	rddreg [dreg:$0x7];
	s7 =	simm.s32 $0x2  }
0x40: {  	[tilespmem:s28], [sflag:$0x2] =	stream.linear.gather [hbm4b:s6+s2], $0x2710, $0x38;
	[tilespmem:$0x11480] =	vst v63  }
0x41: {  	v6 =	vadd.s32 s7, v2;
	v5 =	vld.idx.msk [tilespmem:v2+s2+$0x0], $0xffff  }
0x42: {  	v7 =	vld.idx.msk [tilespmem:v2+s25+$0x0], $0xffff  }
0x43: {  	s5 =	simm.s32 $0x3;
	v8 =	vld.idx.msk [tilespmem:v4+s25+$0x0], $0xffff  }
0x44: {  	v9 =	vadd.s32 s5, v2;
	v4 =	vld.idx.msk [tilespmem:v4+s2+$0x0], $0xffff  }
0x45: {  	s7 =	simm.s32 $0x5  }
0x46: {  	v13 =	vadd.s32 s7, v2;
	s6 =	simm.s32 $0x4;
	v10 =	vld.idx.msk [tilespmem:v6+s25+$0x0], $0xffff  }
0x47: {  	v11 =	vadd.s32 s6, v2;
	v6 =	vld.idx.msk [tilespmem:v6+s2+$0x0], $0xffff  }
0x48: {  	v12 =	vadd.f32 v8, v7  }
0x49: {  	s6 =	simm.s32 $0x7;
	v14 =	vld.idx.msk [tilespmem:v9+s25+$0x0], $0xffff;
	vm0 =	vne.s32 v4, v5  }
0x4a: {  	v16 =	vadd.s32 s6, v2;
	v9 =	vld.idx.msk [tilespmem:v9+s2+$0x0], $0xffff;
	v8 =	vsel vm0, v8, v12  }
0x4b: {  	s5 =	simm.s32 $0x6;
	v18 =	vld.idx.msk [tilespmem:v13+s2+$0x0], $0xffff;
	v15 =	vadd.f32 v10, v8  }
0x4c: {  	v17 =	vld.idx.msk [tilespmem:v11+s25+$0x0], $0xffff;
	v12 =	vadd.s32 s5, v2;
	vm1 =	vne.s32 v6, v4  }
0x4d: {  	v11 =	vld.idx.msk [tilespmem:v11+s2+$0x0], $0xffff;
	s5 =	simm.s32 $0x9;
	v10 =	vsel vm1, v10, v15  }
0x4e: {  	v13 =	vld.idx.msk [tilespmem:v13+s25+$0x0], $0xffff;
	v20 =	vsel vm0, $0x1, v3;
	v21 =	vadd.s32 s5, v2;
	v19 =	vadd.f32 v14, v10  }
0x4f: {  	s7 =	simm.s32 $0x8;
	v51 =	vld.idx.msk [tilespmem:v16+s2+$0x0], $0xffff;
	v20 =	vadd.s32 v20, v2;
	vm3 =	vne.s32 v9, v6;
	v23 =	vsel vm1, $0x1, v3  }
0x50: {  	s6 =	simm.s32 $0xA;
	v16 =	vld.idx.msk [tilespmem:v16+s25+$0x0], $0xffff;
	v23 =	vadd.s32 v23, v20;
	v15 =	vadd.s32 s7, v2;
	v14 =	vsel vm3, v14, v19  }
0x51: {  	v27 =	vadd.s32 s6, v2;
	v24 =	vsel vm3, $0x1, v3;
	[tilespmem:v2+s29+$0x0] =	vst.idx.msk vm0, v5;
	v22 =	vld.idx.msk [tilespmem:v12+s2+$0x0], $0xffff;
	v25 =	vadd.f32 v17, v14  }
0x52: {  	vm5 =	vne.s32 v11, v9;
	v5 =	vadd.s32 v24, v23;
	v12 =	vld.idx.msk [tilespmem:v12+s25+$0x0], $0xffff;
	[tilespmem:v2+s30+$0x0] =	vst.idx.msk vm0, v7  }
0x53: {  	v7 =	vsel vm5, $0x1, v3;
	vm0 =	vne.s32 v18, v11;
	v53 =	vld.idx.msk [tilespmem:v21+s2+$0x0], $0xffff;
	v17 =	vsel vm5, v17, v25  }
0x54: {  	v7 =	vadd.s32 v7, v5;
	[tilespmem:v20+s29+$0x0] =	vst.idx.msk vm1, v4;
	v4 =	vsel vm0, $0x1, v3;
	v26 =	vadd.f32 v13, v17  }
0x55: {  	s7 =	simm.s32 $0xB;
	[tilespmem:v23+s29+$0x0] =	vst.idx.msk vm3, v6;
	v4 =	vadd.s32 v4, v7;
	v52 =	vld.idx.msk [tilespmem:v15+s2+$0x0], $0xffff  }
0x56: {  	[tilespmem:v23+s30+$0x0] =	vst.idx.msk vm3, v10;
	v10 =	vadd.s32 s7, v2;
	vm2 =	vne.s32 v22, v18;
	v13 =	vsel vm0, v13, v26  }
0x57: {  	s5 =	simm.s32 $0xC;
	[tilespmem:v20+s30+$0x0] =	vst.idx.msk vm1, v8;
	vm4 =	vne.s32 v51, v22;
	v6 =	vsel vm2, $0x1, v3;
	v54 =	vadd.f32 v12, v13  }
0x58: {  	s6 =	simm.s32 $0xD;
	[tilespmem:v5+s29+$0x0] =	vst.idx.msk vm5, v9;
	v9 =	vld.idx.msk [tilespmem:v15+s25+$0x0], $0xffff;
	v15 =	vadd.s32 s5, v2;
	v6 =	vadd.s32 v6, v4  }
0x59: {  	v57 =	vadd.s32 s6, v2;
	v8 =	vld.idx.msk [tilespmem:v27+s2+$0x0], $0xffff;
	[tilespmem:v5+s30+$0x0] =	vst.idx.msk vm5, v14;
	v5 =	vsel vm2, v12, v54  }
0x5a: {  	v56 =	vld.idx.msk [tilespmem:v21+s25+$0x0], $0xffff;
	v55 =	vsel vm4, $0x1, v3;
	vm14 =	vne.s32 v52, v51;
	v12 =	vadd.f32 v16, v5  }
0x5b: {  	[tilespmem:v7+s29+$0x0] =	vst.idx.msk vm0, v11;
	vm3 =	vne.s32 v53, v52;
	v11 =	vadd.s32 v55, v6;
	v14 =	vsel vm14, $0x1, v3  }
0x5c: {  	v58 =	vld.idx.msk [tilespmem:v10+s2+$0x0], $0xffff;
	v14 =	vadd.s32 v14, v11;
	[tilespmem:v4+s29+$0x0] =	vst.idx.msk vm2, v18;
	v12 =	vsel vm4, v16, v12  }
0x5d: {  	v60 =	vld.idx.msk [tilespmem:v15+s2+$0x0], $0xffff;
	[tilespmem:v6+s29+$0x0] =	vst.idx.msk vm4, v22;
	v61 =	vadd.f32 v9, v12  }
0x5e: {  	vm1 =	vne.s32 v8, v53;
	v59 =	vsel vm3, $0x1, v3;
	[tilespmem:v6+s30+$0x0] =	vst.idx.msk vm4, v5;
	v6 =	vld.idx.msk [tilespmem:v27+s25+$0x0], $0xffff  }
0x5f: {  	[tilespmem:v4+s30+$0x0] =	vst.idx.msk vm2, v13;
	v16 =	vadd.s32 v59, v14;
	v4 =	vsel vm14, v9, v61  }
0x60: {  	v5 =	vld.idx.msk [tilespmem:v57+s2+$0x0], $0xffff;
	[tilespmem:v11+s29+$0x0] =	vst.idx.msk vm14, v51;
	v9 =	vsel vm1, $0x1, v3;
	v13 =	vadd.f32 v56, v4  }
0x61: {  	vm2 =	vne.s32 v58, v8;
	[tilespmem:v14+s29+$0x0] =	vst.idx.msk vm3, v52;
	v62 =	vadd.s32 v9, v16;
	v9 =	vld.idx.msk [tilespmem:v10+s25+$0x0], $0xffff  }
0x62: {  	s4 =	simm.s32 $0xE;
	vm15 =	vne.s32 v60, v58;
	[tilespmem:v11+s30+$0x0] =	vst.idx.msk vm14, v12;
	v11 =	vsel vm2, $0x1, v3;
	v10 =	vsel vm3, v56, v13  }
0x63: {  	s7 =	simm.s32 $0xF;
	[tilespmem:v14+s30+$0x0] =	vst.idx.msk vm3, v4;
	v12 =	vadd.s32 v11, v62;
	v13 =	vadd.s32 s4, v2;
	v4 =	vadd.f32 v6, v10  }
0x64: {  	v63 =	vadd.s32 s7, v2;
	[tilespmem:v7+s30+$0x0] =	vst.idx.msk vm0, v17;
	v14 =	vld.idx.msk [tilespmem:v15+s25+$0x0], $0xffff  }
0x65: {  	[tilespmem:v16+s29+$0x0] =	vst.idx.msk vm1, v53;
	vm0 =	vne.s32 v5, v60;
	v4 =	vsel vm1, v6, v4;
	v6 =	vsel vm15, $0x1, v3  }
0x66: {  	[tilespmem:v16+s30+$0x0] =	vst.idx.msk vm1, v10;
	v7 =	vadd.f32 v9, v4;
	v15 =	vadd.s32 v6, v12  }
0x67: {  	v11 =	vld.idx.msk [tilespmem:v57+s25+$0x0], $0xffff;
	[tilespmem:v62+s29+$0x0] =	vst.idx.msk vm2, v8  }
0x68: {  	s6 =	simm.s32 $0x10;
	[tilespmem:v12+s29+$0x0] =	vst.idx.msk vm15, v58;
	v6 =	vsel vm2, v9, v7;
	v9 =	vld.idx.msk [tilespmem:v13+s25+$0x0], $0xffff  }
0x69: {  	[tilespmem:v12+s30+$0x0] =	vst.idx.msk vm15, v6;
	v8 =	vadd.f32 v14, v6;
	v6 =	vld.idx.msk [tilespmem:v13+s2+$0x0], $0xffff;
	v13 =	vadd.s32 s6, v2  }
0x6a: {  	s7 =	simm.s32 $0x11;
	v10 =	vld.idx.msk [tilespmem:v63+s25+$0x0], $0xffff;
	[tilespmem:v62+s30+$0x0] =	vst.idx.msk vm2, v4;
	v7 =	vsel vm0, $0x1, v3  }
0x6b: {  	v7 =	vadd.s32 v7, v15;
	s6 =	simm.s32 $0x12;
	v12 =	vadd.s32 s7, v2;
	v8 =	vsel vm15, v14, v8;
	[tilespmem:v15+s29+$0x0] =	vst.idx.msk vm0, v60  }
0x6c: {  	s5 =	simm.s32 $0x1B;
	v4 =	vadd.s32 s6, v2;
	s6 =	simm.s32 $0x13;
	[tilespmem:v15+s30+$0x0] =	vst.idx.msk vm0, v8;
	v14 =	vadd.f32 v11, v8;
	v8 =	vld.idx.msk [tilespmem:v63+s2+$0x0], $0xffff  }
.LBB2_4:
0x6d: {  	p0 =	slt.u32 s5, $0x264  }
0x6e: {  	v15 =	vld.idx.msk [tilespmem:v13+s2+$0x0], $0xffff;
	v16 =	vadd.s32 s6, v2;
	s7 =	sadd.s32 $0x6, s4;
	v11 =	vsel vm0, v11, v14;
	s6 =	smov.u32 s5;
	s5 =	sadd.s32 $0xD, s5  }
0x6f: {  	v14 =	vadd.f32 v9, v11;
	v13 =	vld.idx.msk [tilespmem:v13+s25+$0x0], $0xffff;
	v17 =	vadd.s32 s7, v2;
	s7 =	sadd.s32 $0x7, s4  }
0x70: {  	vm0 =	vne.s32 v6, v5;
	v18 =	vld.idx.msk [tilespmem:v12+s2+$0x0], $0xffff;
	v19 =	vadd.s32 s7, v2  }
0x71: {  	v20 =	vsel vm0, $0x1, v3;
	s7 =	sadd.s32 $0x8, s4;
	v9 =	vsel vm0, v9, v14;
	v12 =	vld.idx.msk [tilespmem:v12+s25+$0x0], $0xffff  }
0x72: {  	v22 =	vadd.s32 s7, v2;
	v14 =	vadd.f32 v10, v9;
	v21 =	vld.idx.msk [tilespmem:v4+s2+$0x0], $0xffff  }
0x73: {  	v20 =	vadd.s32 v20, v7;
	vm1 =	vne.s32 v8, v6;
	v23 =	vld.idx.msk [tilespmem:v16+s2+$0x0], $0xffff  }
0x74: {  	v24 =	vsel vm1, $0x1, v3;
	vm4 =	vne.s32 v15, v8;
	v10 =	vsel vm1, v10, v14;
	v14 =	vld.idx.msk [tilespmem:v17+s2+$0x0], $0xffff  }
0x75: {  	v24 =	vadd.s32 v24, v20;
	v25 =	vsel vm4, $0x1, v3;
	v26 =	vadd.f32 v13, v10;
	v4 =	vld.idx.msk [tilespmem:v4+s25+$0x0], $0xffff  }
0x76: {  	vm2 =	vne.s32 v18, v15;
	[tilespmem:v7+s29+$0x0] =	vst.idx.msk vm0, v5;
	v5 =	vadd.s32 v25, v24;
	v25 =	vld.idx.msk [tilespmem:v19+s2+$0x0], $0xffff  }
0x77: {  	s7 =	sadd.s32 $0x9, s4;
	[tilespmem:v7+s30+$0x0] =	vst.idx.msk vm0, v11;
	v7 =	vsel vm4, v13, v26;
	v11 =	vsel vm2, $0x1, v3;
	v13 =	vld.idx.msk [tilespmem:v22+s2+$0x0], $0xffff  }
0x78: {  	vm0 =	vne.s32 v21, v18;
	v11 =	vadd.s32 v11, v5;
	v26 =	vadd.f32 v12, v7;
	v16 =	vld.idx.msk [tilespmem:v16+s25+$0x0], $0xffff  }
0x79: {  	v27 =	vadd.s32 s7, v2;
	vm3 =	vne.s32 v23, v21;
	[tilespmem:v20+s29+$0x0] =	vst.idx.msk vm1, v6;
	v6 =	vsel vm0, $0x1, v3;
	v17 =	vld.idx.msk [tilespmem:v17+s25+$0x0], $0xffff  }
0x7a: {  	vm5 =	vne.s32 v14, v23;
	[tilespmem:v24+s29+$0x0] =	vst.idx.msk vm4, v8;
	v8 =	vsel vm2, v12, v26;
	v12 =	vsel vm3, $0x1, v3  }
0x7b: {  	v6 =	vadd.s32 v6, v11;
	[tilespmem:v24+s30+$0x0] =	vst.idx.msk vm4, v10;
	v10 =	vadd.f32 v4, v8;
	v24 =	vsel vm5, $0x1, v3  }
0x7c: {  	s7 =	sadd.s32 $0xA, s4;
	v12 =	vadd.s32 v12, v6;
	vm4 =	vne.s32 v25, v14;
	[tilespmem:v5+s29+$0x0] =	vst.idx.msk vm2, v15;
	v15 =	vld.idx.msk [tilespmem:v19+s25+$0x0], $0xffff  }
0x7d: {  	[tilespmem:v5+s30+$0x0] =	vst.idx.msk vm2, v7;
	v4 =	vsel vm0, v4, v10;
	vm2 =	vne.s32 v13, v25;
	v7 =	vadd.s32 s7, v2;
	s7 =	sadd.s32 $0xB, s4  }
0x7e: {  	[tilespmem:v20+s30+$0x0] =	vst.idx.msk vm1, v9;
	v5 =	vadd.f32 v16, v4;
	v9 =	vsel vm2, $0x1, v3;
	v10 =	vld.idx.msk [tilespmem:v27+s2+$0x0], $0xffff;
	v19 =	vadd.s32 s7, v2  }
0x7f: {  	v20 =	vsel vm4, $0x1, v3;
	[tilespmem:v11+s29+$0x0] =	vst.idx.msk vm0, v18;
	v18 =	vadd.s32 v24, v12  }
0x80: {  	s7 =	sadd.s32 $0xC, s4;
	s4 =	smov.u32 s6;
	[tilespmem:v6+s29+$0x0] =	vst.idx.msk vm3, v21;
	v5 =	vsel vm3, v16, v5;
	v16 =	vadd.s32 v20, v18;
	v20 =	vld.idx.msk [tilespmem:v22+s25+$0x0], $0xffff  }
0x81: {  	v22 =	vadd.s32 s7, v2;
	[tilespmem:v12+s29+$0x0] =	vst.idx.msk vm5, v23;
	v21 =	vadd.f32 v17, v5;
	v9 =	vadd.s32 v9, v16  }
0x82: {  	[tilespmem:v12+s30+$0x0] =	vst.idx.msk vm5, v5;
	v12 =	vld.idx.msk [tilespmem:v7+s2+$0x0], $0xffff  }
0x83: {  	[tilespmem:v6+s30+$0x0] =	vst.idx.msk vm3, v4;
	v4 =	vsel vm5, v17, v21;
	v17 =	vld.idx.msk [tilespmem:v19+s2+$0x0], $0xffff  }
0x84: {  	vm3 =	vne.s32 v10, v13;
	[tilespmem:v18+s29+$0x0] =	vst.idx.msk vm4, v14;
	v5 =	vadd.f32 v15, v4;
	v6 =	vld.idx.msk [tilespmem:v27+s25+$0x0], $0xffff  }
0x85: {  	v14 =	vsel vm3, $0x1, v3;
	[tilespmem:v16+s29+$0x0] =	vst.idx.msk vm2, v25  }
0x86: {  	v14 =	vadd.s32 v14, v9;
	[tilespmem:v18+s30+$0x0] =	vst.idx.msk vm4, v4;
	v4 =	vsel vm4, v15, v5;
	v5 =	vld.idx.msk [tilespmem:v22+s2+$0x0], $0xffff  }
0x87: {  	[tilespmem:v16+s30+$0x0] =	vst.idx.msk vm2, v4;
	v4 =	vadd.f32 v20, v4;
	v15 =	vld.idx.msk [tilespmem:v7+s25+$0x0], $0xffff  }
0x88: {  	vm1 =	vne.s32 v12, v10;
	[tilespmem:v11+s30+$0x0] =	vst.idx.msk vm0, v8  }
0x89: {  	v7 =	vsel vm1, $0x1, v3;
	v4 =	vsel vm2, v20, v4;
	vm2 =	vne.s32 v17, v12  }
0x8a: {  	v16 =	vadd.s32 v7, v14;
	[tilespmem:v9+s29+$0x0] =	vst.idx.msk vm3, v13;
	v8 =	vadd.f32 v6, v4;
	v18 =	vld.idx.msk [tilespmem:v19+s25+$0x0], $0xffff  }
0x8b: {  	v19 =	vadd.s32 s4, v2;
	[tilespmem:v9+s30+$0x0] =	vst.idx.msk vm3, v4  }
0x8c: {  	vm0 =	vne.s32 v5, v17;
	v4 =	vsel vm3, v6, v8;
	v6 =	vsel vm2, $0x1, v3  }
0x8d: {  	s6 =	sadd.s32 $0x1, s4;
	v8 =	vadd.f32 v15, v4;
	v20 =	vadd.s32 v6, v16;
	v11 =	vld.idx.msk [tilespmem:v22+s25+$0x0], $0xffff;
	v6 =	vsel vm0, $0x1, v3  }
0x8e: {  	v21 =	vadd.s32 s6, v2;
	[tilespmem:v14+s29+$0x0] =	vst.idx.msk vm1, v10;
	v7 =	vadd.s32 v6, v20  }
0x8f: {  	s6 =	sadd.s32 $0x2, s4;
	v6 =	vsel vm1, v15, v8;
	[tilespmem:v16+s29+$0x0] =	vst.idx.msk vm2, v12  }
.Ltmp3:
0x90: {  	v13 =	vadd.s32 s6, v2;
	v9 =	vld.idx.msk [tilespmem:v19+s25+$0x0], $0xffff;
	[tilespmem:v16+s30+$0x0] =	vst.idx.msk vm2, v6;
	v8 =	vadd.f32 v18, v6;
	(pc) =	sbr.rel @p0 .LBB2_4-.Ltmp3, $4  }
0x91: {  	s6 =	sadd.s32 $0x3, s4;
	v6 =	vld.idx.msk [tilespmem:v19+s2+$0x0], $0xffff;
	[tilespmem:v14+s30+$0x0] =	vst.idx.msk vm1, v4  }
0x92: {  	v12 =	vadd.s32 s6, v2;
	s6 =	sadd.s32 $0x4, s4;
	v8 =	vsel vm2, v18, v8;
	[tilespmem:v20+s29+$0x0] =	vst.idx.msk vm0, v17  }
0x93: {  	v4 =	vadd.s32 s6, v2;
	v10 =	vld.idx.msk [tilespmem:v21+s25+$0x0], $0xffff;
	[tilespmem:v20+s30+$0x0] =	vst.idx.msk vm0, v8;
	v14 =	vadd.f32 v11, v8  }
0x94: {  	s6 =	sadd.s32 $0x5, s4;
	v8 =	vld.idx.msk [tilespmem:v21+s2+$0x0], $0xffff  }
0x95: {  	_ =	sdelay $0x3  }
0x96: {  	v56 =	vld.idx.msk [tilespmem:v13+s2+$0x0], $0xffff;
	v15 =	vadd.s32 s6, v2;
	s5 =	sadd.s32 $0x6, s4  }
0x97: {  	v11 =	vsel vm0, v11, v14;
	v57 =	vld.idx.msk [tilespmem:v13+s25+$0x0], $0xffff;
	s7 =	sadd.s32 $0x7, s4;
	v17 =	vadd.s32 s5, v2  }
0x98: {  	v18 =	vld.idx.msk [tilespmem:v12+s2+$0x0], $0xffff;
	s6 =	sadd.s32 $0x8, s4;
	v16 =	vadd.f32 v9, v11;
	v19 =	vadd.s32 s7, v2  }
0x99: {  	v22 =	vld.idx.msk [tilespmem:v4+s2+$0x0], $0xffff;
	vm1 =	vne.s32 v6, v5;
	v21 =	vadd.s32 s6, v2  }
0x9a: {  	s7 =	sadd.s32 $0x9, s4;
	s6 =	sadd.s32 $0xA, s4;
	v20 =	vsel vm1, $0x1, v3;
	v16 =	vsel vm1, v9, v16;
	v9 =	vld.idx.msk [tilespmem:v12+s25+$0x0], $0xffff  }
0x9b: {  	v24 =	vadd.s32 s7, v2;
	v59 =	vadd.s32 s6, v2;
	s7 =	sadd.s32 $0xB, s4;
	v20 =	vadd.s32 v20, v7;
	v25 =	vld.idx.msk [tilespmem:v15+s2+$0x0], $0xffff  }
0x9c: {  	s6 =	sadd.s32 $0xC, s4;
	v28 =	vadd.s32 s7, v2;
	v58 =	vadd.f32 v10, v16;
	vm0 =	vne.s32 v8, v6;
	v26 =	vld.idx.msk [tilespmem:v17+s2+$0x0], $0xffff  }
0x9d: {  	v31 =	vadd.s32 s6, v2;
	v23 =	vsel vm0, $0x1, v3;
	vm5 =	vne.s32 v56, v8;
	v30 =	vld.idx.msk [tilespmem:v19+s2+$0x0], $0xffff  }
0x9e: {  	vm10 =	vne.s32 v18, v56;
	vm2 =	vne.s32 v22, v18;
	v10 =	vsel vm0, v10, v58;
	v33 =	vld.idx.msk [tilespmem:v21+s2+$0x0], $0xffff  }
0x9f: {  	v23 =	vadd.s32 v23, v20;
	v27 =	vsel vm5, $0x1, v3;
	v29 =	vadd.f32 v57, v10  }
0xa0: {  	v32 =	vsel vm10, $0x1, v3;
	v35 =	vsel vm2, $0x1, v3;
	v27 =	vadd.s32 v27, v23;
	v61 =	vld.idx.msk [tilespmem:v24+s2+$0x0], $0xffff  }
0xa1: {  	v36 =	vld.idx.msk [tilespmem:v59+s2+$0x0], $0xffff;
	v60 =	vadd.s32 v32, v27;
	v13 =	vsel vm5, v57, v29;
	vm7 =	vne.s32 v25, v22  }
0xa2: {  	v38 =	vld.idx.msk [tilespmem:v28+s2+$0x0], $0xffff;
	v35 =	vadd.s32 v35, v60;
	v34 =	vadd.f32 v9, v13;
	v37 =	vsel vm7, $0x1, v3  }
0xa3: {  	v40 =	vld.idx.msk [tilespmem:v31+s2+$0x0], $0xffff;
	vm12 =	vne.s32 v26, v25;
	vm11 =	vne.s32 v30, v26;
	vm8 =	vne.s32 v33, v30  }
0xa4: {  	v43 =	vld.idx.msk [tilespmem:v4+s25+$0x0], $0xffff;
	v39 =	vsel vm12, $0x1, v3;
	v37 =	vadd.s32 v37, v35;
	v41 =	vsel vm11, $0x1, v3  }
0xa5: {  	v42 =	vsel vm8, $0x1, v3;
	vm6 =	vne.s32 v61, v33;
	v39 =	vadd.s32 v39, v37  }
0xa6: {  	vm3 =	vne.s32 v36, v61;
	v34 =	vsel vm10, v9, v34;
	v41 =	vadd.s32 v41, v39  }
0xa7: {  	v4 =	vsel vm6, $0x1, v3;
	vm9 =	vne.s32 v38, v36;
	v42 =	vadd.s32 v42, v41  }
0xa8: {  	v15 =	vld.idx.msk [tilespmem:v15+s25+$0x0], $0xffff;
	vm4 =	vne.s32 v40, v38;
	v44 =	vadd.s32 v4, v42;
	v4 =	vsel vm3, $0x1, v3  }
0xa9: {  	v62 =	vadd.f32 v43, v34;
	v45 =	vadd.s32 v4, v44;
	v4 =	vsel vm9, $0x1, v3  }
0xaa: {  	v47 =	vsel vm4, $0x1, v3;
	v46 =	vadd.s32 v4, v45;
	v4 =	vmul.u32 $0xFFFFFD8F, v0  }
0xab: {  	[tilespmem:v7+s29+$0x0] =	vst.idx.msk vm1, v5;
	v5 =	vld.idx.msk [tilespmem:v17+s25+$0x0], $0xffff;
	v9 =	vadd.s32 v47, v46  }
0xac: {  	[tilespmem:v7+s30+$0x0] =	vst.idx.msk vm1, v11;
	v7 =	vsel vm2, v43, v62;
	v9 =	vadd.s32 v4, v9  }
0xad: {  	[tilespmem:v23+s29+$0x0] =	vst.idx.msk vm5, v8;
	v8 =	vadd.f32 v15, v7;
	v63 =	vxor.u32 $0x80000000, v9  }
0xae: {  	(xrf0) =	vmax.scan.msk.u32 $0xffff, v63  }
0xaf: {  	v8 =	vsel vm7, v15, v8  }
0xb0: {  	v11 =	vadd.f32 v5, v8;
	_ =	sdelay $0x3  }
0xb1: {  	[tilespmem:v23+s30+$0x0] =	vst.idx.msk vm5, v10;
	v10 =	vld.idx.msk [tilespmem:v19+s25+$0x0], $0xffff;
	v5 =	vsel vm12, v5, v11;
	v11, _, _ =	vpop (xrf0)  }
0xb2: {  	[tilespmem:v20+s29+$0x0] =	vst.idx.msk vm0, v6;
	(v2sf) =	vpush v11, $0xF  }
0xb3: {  	[tilespmem:v20+s30+$0x0] =	vst.idx.msk vm0, v16  }
0xb4: {  	v6 =	vld.idx.msk [tilespmem:v21+s25+$0x0], $0xffff;
	[tilespmem:v27+s29+$0x0] =	vst.idx.msk vm10, v56  }
0xb5: {  	[tilespmem:v27+s30+$0x0] =	vst.idx.msk vm10, v13  }
0xb6: {  	[tilespmem:v37+s29+$0x0] =	vst.idx.msk vm12, v25;
	v11 =	vadd.f32 v10, v5  }
0xb7: {  	[tilespmem:v37+s30+$0x0] =	vst.idx.msk vm12, v8;
	v8 =	vld.idx.msk [tilespmem:v24+s25+$0x0], $0xffff  }
0xb8: {  	[tilespmem:v35+s29+$0x0] =	vst.idx.msk vm7, v22;
	v10 =	vsel vm11, v10, v11  }
0xb9: {  	[tilespmem:v35+s30+$0x0] =	vst.idx.msk vm7, v7;
	v7 =	vadd.f32 v6, v10  }
0xba: {  	[tilespmem:v39+s29+$0x0] =	vst.idx.msk vm11, v26;
	v11 =	vld.idx.msk [tilespmem:v59+s25+$0x0], $0xffff  }
0xbb: {  	[tilespmem:v39+s30+$0x0] =	vst.idx.msk vm11, v5;
	v5 =	vsel vm8, v6, v7  }
0xbc: {  	[tilespmem:v60+s29+$0x0] =	vst.idx.msk vm2, v18;
	v6 =	vadd.f32 v8, v5  }
0xbd: {  	[tilespmem:v60+s30+$0x0] =	vst.idx.msk vm2, v34;
	v7 =	vld.idx.msk [tilespmem:v28+s25+$0x0], $0xffff  }
0xbe: {  	[tilespmem:v41+s29+$0x0] =	vst.idx.msk vm8, v30;
	v6 =	vsel vm6, v8, v6  }
0xbf: {  	[tilespmem:v42+s29+$0x0] =	vst.idx.msk vm6, v33;
	v8 =	vadd.f32 v11, v6  }
0xc0: {  	[tilespmem:v41+s30+$0x0] =	vst.idx.msk vm8, v10;
	v10 =	vld.idx.msk [tilespmem:v31+s25+$0x0], $0xffff  }
0xc1: {  	[tilespmem:v42+s30+$0x0] =	vst.idx.msk vm6, v5;
	v5 =	vsel vm3, v11, v8;
	s7 =	spop (v2sf)  }
0xc2: {  	[tilespmem:v44+s29+$0x0] =	vst.idx.msk vm3, v61;
	v8 =	vadd.f32 v7, v5;
	s4 =	sxor.u32 $0x80000000, s7  }
0xc3: {  	[tilespmem:v45+s29+$0x0] =	vst.idx.msk vm9, v36;
	p0 =	slt.s32 s4, $0x1  }
.Ltmp4:
0xc4: {  	[tilespmem:v45+s30+$0x0] =	vst.idx.msk vm9, v5;
	v5 =	vsel vm9, v7, v8;
	(pc) =	sbr.rel @p0 .LBB2_9-.Ltmp4, $4  }
0xc5: {  	[tilespmem:v44+s30+$0x0] =	vst.idx.msk vm3, v6;
	v6 =	vadd.f32 v10, v5  }
0xc6: {  	[tilespmem:v46+s29+$0x0] =	vst.idx.msk vm4, v38  }
0xc7: {  	[tilespmem:v46+s30+$0x0] =	vst.idx.msk vm4, v5;
	v5 =	vsel vm4, v10, v6  }
0xc8: {  	s6 =	simm.s32 $0x0;
	[tilespmem:v40+s31+$0x0] =	vst.idx.add.f32.msk $0xffff, v5  }
0xc9: {  	v6 =	vadd.s32 s6, v2  }
0xca: {  	p0 =	sne.s32 s4, $0x1  }
.Ltmp5:
0xcb: {  	_ = 	snop;
	(pc) =	sbr.rel @!p0 .LBB2_8-.Ltmp5, $3  }
0xcc: {  	_ =	sdelay $0x1  }
0xcd: {  	v5 =	vld.idx.msk [tilespmem:v6+s29+$0x0], $0xffff  }
0xce: {  	s5 =	simm.s32 $0x1;
	v7 =	vmov s6  }
.LBB2_7:
0xcf: {  	v8 =	vld.idx.msk [tilespmem:v6+s30+$0x0], $0xffff;
	vm0 =	vlt.s32 v7, v9;
	s6 =	smov.u32 s5;
	s5 =	sadd.s32 $0x1, s5  }
0xd0: {  	p0 =	sne.s32 s4, s5  }
0xd1: {  	v6 =	vadd.s32 s6, v2;
	_ =	sdelay $0x1  }
.Ltmp6:
0xd2: {  	(pc) =	sbr.rel @p0 .LBB2_7-.Ltmp6, $4  }
0xd3: {  	_ = 	snop  }
0xd4: {  	[tilespmem:v5+s31+$0x0] =	vst.idx.add.f32.msk vm0, v8  }
0xd5: {  	v5 =	vld.idx.msk [tilespmem:v6+s29+$0x0], $0xffff  }
0xd6: {  	v7 =	vmov s6  }
.LBB2_8:
0xd7: {  	_ =	sdelay $0x2  }
0xd8: {  	vm0 =	vlt.s32 v7, v9  }
0xd9: {  	v6 =	vld.idx.msk [tilespmem:v6+s30+$0x0], $0xffff;
	_ =	sdelay $0x4  }
0xda: {  	[tilespmem:v5+s31+$0x0] =	vst.idx.add.f32.msk vm0, v6  }
.LBB2_9:
0xdb: {  	_ =	swait.ge [sflag:s1], $0x2710  }
0xdc: {  	[sflag:s1] =	ssyncset.done $0x0  }
0xdd: {  	[sflag:s1] =	ssyncadd.s32 $0xFFFFD8F0  }
0xde: {  	_ =	swait.ge [sflag:s1], $0x2710  }
0xdf: {  	[sflag:s1] =	ssyncset.done $0x0  }
0xe0: {  	s5 =	simm.s32 $0x1;
	s4 =	rddreg [dreg:$0x8];
	[sflag:s1] =	ssyncadd.s32 $0xFFFFD8F0  }
0xe1: {  	v5 =	vadd.s32 s5, v2;
	[tilespmem:s2], [sflag:$0x1] =	stream.linear.gather [hbm4b:s4+s2], $0x2710, $0x38;
	[tilespmem:$0x11480] =	vst v63  }
0xe2: {  	s6 =	simm.s32 $0x2  }
0xe3: {  	v7 =	vadd.s32 s6, v2;
	[tilespmem:s25], [sflag:$0x1] =	stream.linear.gather [hbm4b:s8+s2], $0x2710, $0x38;
	[tilespmem:$0x11480] =	vst v63  }
0xe4: {  	s7 =	simm.s32 $0x3;
	v6 =	vld.idx.msk [tilespmem:v2+s26+$0x0], $0xffff  }
0xe5: {  	v10 =	vadd.s32 s7, v2;
	v8 =	vld.idx.msk [tilespmem:v2+s28+$0x0], $0xffff  }
0xe6: {  	v9 =	vld.idx.msk [tilespmem:v5+s28+$0x0], $0xffff  }
0xe7: {  	v5 =	vld.idx.msk [tilespmem:v5+s26+$0x0], $0xffff  }
0xe8: {  	s5 =	simm.s32 $0x4;
	v11 =	vld.idx.msk [tilespmem:v7+s28+$0x0], $0xffff  }
0xe9: {  	v12 =	vadd.s32 s5, v2;
	v7 =	vld.idx.msk [tilespmem:v7+s26+$0x0], $0xffff  }
0xea: {  	v15 =	vld.idx.msk [tilespmem:v10+s28+$0x0], $0xffff  }
0xeb: {  	s6 =	simm.s32 $0x5;
	v10 =	vld.idx.msk [tilespmem:v10+s26+$0x0], $0xffff  }
0xec: {  	v14 =	vadd.s32 s6, v2;
	v13 =	vadd.f32 v9, v8  }
0xed: {  	s5 =	simm.s32 $0x7;
	vm0 =	vne.s32 v5, v6  }
0xee: {  	v17 =	vadd.s32 s5, v2;
	v18 =	vld.idx.msk [tilespmem:v12+s28+$0x0], $0xffff;
	v9 =	vsel vm0, v9, v13  }
0xef: {  	s7 =	simm.s32 $0x6;
	v12 =	vld.idx.msk [tilespmem:v12+s26+$0x0], $0xffff;
	v16 =	vadd.f32 v11, v9  }
0xf0: {  	vm1 =	vne.s32 v7, v5;
	vm3 =	vne.s32 v10, v7;
	v13 =	vadd.s32 s7, v2  }
0xf1: {  	v19 =	vld.idx.msk [tilespmem:v14+s26+$0x0], $0xffff;
	v21 =	vsel vm0, $0x1, v3;
	v24 =	vsel vm1, $0x1, v3;
	s7 =	simm.s32 $0x9;
	v11 =	vsel vm1, v11, v16  }
0xf2: {  	v14 =	vld.idx.msk [tilespmem:v14+s28+$0x0], $0xffff;
	v21 =	vadd.s32 v21, v2;
	v22 =	vadd.s32 s7, v2;
	v20 =	vadd.f32 v15, v11  }
0xf3: {  	s6 =	simm.s32 $0x8;
	v53 =	vld.idx.msk [tilespmem:v17+s26+$0x0], $0xffff;
	v24 =	vadd.s32 v24, v21  }
0xf4: {  	v17 =	vld.idx.msk [tilespmem:v17+s28+$0x0], $0xffff;
	vm5 =	vne.s32 v12, v10;
	v16 =	vadd.s32 s6, v2;
	v15 =	vsel vm3, v15, v20  }
0xf5: {  	s5 =	simm.s32 $0xA;
	v25 =	vsel vm3, $0x1, v3;
	[tilespmem:v2+s29+$0x0] =	vst.idx.msk vm0, v6;
	v23 =	vld.idx.msk [tilespmem:v13+s26+$0x0], $0xffff;
	v26 =	vadd.f32 v18, v15  }
0xf6: {  	v28 =	vadd.s32 s5, v2;
	v6 =	vadd.s32 v25, v24;
	v13 =	vld.idx.msk [tilespmem:v13+s28+$0x0], $0xffff;
	[tilespmem:v2+s30+$0x0] =	vst.idx.msk vm0, v8;
	v8 =	vsel vm5, $0x1, v3  }
0xf7: {  	vm0 =	vne.s32 v19, v12;
	[tilespmem:v21+s29+$0x0] =	vst.idx.msk vm1, v5;
	v55 =	vld.idx.msk [tilespmem:v22+s26+$0x0], $0xffff;
	v18 =	vsel vm5, v18, v26  }
0xf8: {  	v8 =	vadd.s32 v8, v6;
	v5 =	vsel vm0, $0x1, v3;
	[tilespmem:v24+s29+$0x0] =	vst.idx.msk vm3, v7;
	v27 =	vadd.f32 v14, v18  }
0xf9: {  	s6 =	simm.s32 $0xB;
	[tilespmem:v21+s30+$0x0] =	vst.idx.msk vm1, v9;
	v5 =	vadd.s32 v5, v8;
	v54 =	vld.idx.msk [tilespmem:v16+s26+$0x0], $0xffff  }
0xfa: {  	[tilespmem:v24+s30+$0x0] =	vst.idx.msk vm3, v11;
	v11 =	vadd.s32 s6, v2;
	vm2 =	vne.s32 v23, v19;
	v14 =	vsel vm0, v14, v27  }
0xfb: {  	s7 =	simm.s32 $0xC;
	v9 =	vld.idx.msk [tilespmem:v28+s26+$0x0], $0xffff;
	vm4 =	vne.s32 v53, v23;
	v7 =	vsel vm2, $0x1, v3;
	v56 =	vadd.f32 v13, v14  }
0xfc: {  	s5 =	simm.s32 $0xD;
	[tilespmem:v6+s29+$0x0] =	vst.idx.msk vm5, v10;
	v10 =	vld.idx.msk [tilespmem:v16+s28+$0x0], $0xffff;
	v16 =	vadd.s32 s7, v2;
	v7 =	vadd.s32 v7, v5  }
0xfd: {  	v59 =	vadd.s32 s5, v2;
	v58 =	vld.idx.msk [tilespmem:v22+s28+$0x0], $0xffff;
	[tilespmem:v6+s30+$0x0] =	vst.idx.msk vm5, v15;
	v6 =	vsel vm2, v13, v56  }
0xfe: {  	v57 =	vsel vm4, $0x1, v3;
	[tilespmem:v8+s29+$0x0] =	vst.idx.msk vm0, v12;
	vm14 =	vne.s32 v54, v53;
	v13 =	vadd.f32 v17, v6  }
0xff: {  	[tilespmem:v8+s30+$0x0] =	vst.idx.msk vm0, v18;
	vm3 =	vne.s32 v55, v54;
	v12 =	vadd.s32 v57, v7;
	v15 =	vsel vm14, $0x1, v3  }
0x100: {  	v60 =	vld.idx.msk [tilespmem:v11+s26+$0x0], $0xffff;
	v15 =	vadd.s32 v15, v12;
	[tilespmem:v5+s29+$0x0] =	vst.idx.msk vm2, v19;
	v13 =	vsel vm4, v17, v13  }
0x101: {  	v61 =	vld.idx.msk [tilespmem:v16+s26+$0x0], $0xffff;
	[tilespmem:v7+s29+$0x0] =	vst.idx.msk vm4, v23;
	v62 =	vadd.f32 v10, v13  }
0x102: {  	vm1 =	vne.s32 v9, v55;
	v17 =	vsel vm3, $0x1, v3;
	[tilespmem:v7+s30+$0x0] =	vst.idx.msk vm4, v6;
	v6 =	vld.idx.msk [tilespmem:v28+s28+$0x0], $0xffff  }
0x103: {  	[tilespmem:v5+s30+$0x0] =	vst.idx.msk vm2, v14;
	v5 =	vld.idx.msk [tilespmem:v59+s26+$0x0], $0xffff;
	v17 =	vadd.s32 v17, v15;
	v7 =	vsel vm14, v10, v62  }
0x104: {  	[tilespmem:v12+s29+$0x0] =	vst.idx.msk vm14, v53;
	v10 =	vsel vm1, $0x1, v3;
	v14 =	vadd.f32 v58, v7  }
0x105: {  	vm2 =	vne.s32 v60, v9;
	[tilespmem:v15+s29+$0x0] =	vst.idx.msk vm3, v54;
	v63 =	vadd.s32 v10, v17;
	v10 =	vld.idx.msk [tilespmem:v11+s28+$0x0], $0xffff  }
0x106: {  	s4 =	simm.s32 $0xE;
	vm15 =	vne.s32 v61, v60;
	[tilespmem:v12+s30+$0x0] =	vst.idx.msk vm14, v13;
	v12 =	vsel vm2, $0x1, v3;
	v11 =	vsel vm3, v58, v14  }
0x107: {  	[tilespmem:v15+s30+$0x0] =	vst.idx.msk vm3, v7;
	v13 =	vadd.s32 v12, v63;
	v14 =	vadd.s32 s4, v2;
	v7 =	vadd.f32 v6, v11  }
0x108: {  	s5 =	simm.s32 $0xF;
	v8 =	vld.idx.msk [tilespmem:v16+s28+$0x0], $0xffff;
	vm0 =	vne.s32 v5, v61;
	[tilespmem:v17+s29+$0x0] =	vst.idx.msk vm1, v55  }
0x109: {  	[tilespmem:v17+s30+$0x0] =	vst.idx.msk vm1, v11;
	v17 =	vadd.s32 s5, v2;
	v15 =	vsel vm1, v6, v7;
	v6 =	vsel vm15, $0x1, v3  }
0x10a: {  	v7 =	vadd.f32 v10, v15;
	v16 =	vadd.s32 v6, v13  }
0x10b: {  	v12 =	vld.idx.msk [tilespmem:v59+s28+$0x0], $0xffff;
	[tilespmem:v63+s29+$0x0] =	vst.idx.msk vm2, v9  }
0x10c: {  	s6 =	simm.s32 $0x10;
	[tilespmem:v13+s29+$0x0] =	vst.idx.msk vm15, v60;
	v6 =	vsel vm2, v10, v7;
	v10 =	vld.idx.msk [tilespmem:v14+s28+$0x0], $0xffff  }
0x10d: {  	[tilespmem:v13+s30+$0x0] =	vst.idx.msk vm15, v6;
	v9 =	vadd.f32 v8, v6;
	v6 =	vld.idx.msk [tilespmem:v14+s26+$0x0], $0xffff;
	v14 =	vadd.s32 s6, v2  }
0x10e: {  	s7 =	simm.s32 $0x11;
	[tilespmem:v63+s30+$0x0] =	vst.idx.msk vm2, v15;
	v7 =	vsel vm0, $0x1, v3;
	v11 =	vld.idx.msk [tilespmem:v17+s28+$0x0], $0xffff  }
0x10f: {  	v7 =	vadd.s32 v7, v16;
	s6 =	simm.s32 $0x12;
	v13 =	vadd.s32 s7, v2;
	v8 =	vsel vm15, v8, v9;
	[tilespmem:v16+s29+$0x0] =	vst.idx.msk vm0, v61  }
0x110: {  	s5 =	simm.s32 $0x1B;
	v9 =	vadd.s32 s6, v2;
	s6 =	simm.s32 $0x13;
	[tilespmem:v16+s30+$0x0] =	vst.idx.msk vm0, v8;
	v15 =	vadd.f32 v12, v8;
	v8 =	vld.idx.msk [tilespmem:v17+s26+$0x0], $0xffff  }
.LBB2_10:
0x111: {  	p0 =	slt.u32 s5, $0x264  }
0x112: {  	v16 =	vld.idx.msk [tilespmem:v14+s26+$0x0], $0xffff;
	v17 =	vadd.s32 s6, v2;
	s7 =	sadd.s32 $0x6, s4;
	v12 =	vsel vm0, v12, v15;
	s6 =	smov.u32 s5;
	s5 =	sadd.s32 $0xD, s5  }
0x113: {  	v15 =	vadd.f32 v10, v12;
	v14 =	vld.idx.msk [tilespmem:v14+s28+$0x0], $0xffff;
	v18 =	vadd.s32 s7, v2;
	s7 =	sadd.s32 $0x7, s4  }
0x114: {  	vm0 =	vne.s32 v6, v5;
	v19 =	vld.idx.msk [tilespmem:v13+s26+$0x0], $0xffff;
	v20 =	vadd.s32 s7, v2  }
0x115: {  	v21 =	vsel vm0, $0x1, v3;
	s7 =	sadd.s32 $0x8, s4;
	v10 =	vsel vm0, v10, v15;
	v13 =	vld.idx.msk [tilespmem:v13+s28+$0x0], $0xffff  }
0x116: {  	v23 =	vadd.s32 s7, v2;
	v15 =	vadd.f32 v11, v10;
	v22 =	vld.idx.msk [tilespmem:v9+s26+$0x0], $0xffff  }
0x117: {  	v21 =	vadd.s32 v21, v7;
	vm1 =	vne.s32 v8, v6;
	v24 =	vld.idx.msk [tilespmem:v17+s26+$0x0], $0xffff  }
0x118: {  	v25 =	vsel vm1, $0x1, v3;
	vm4 =	vne.s32 v16, v8;
	v11 =	vsel vm1, v11, v15;
	v15 =	vld.idx.msk [tilespmem:v18+s26+$0x0], $0xffff  }
0x119: {  	v25 =	vadd.s32 v25, v21;
	v26 =	vsel vm4, $0x1, v3;
	v27 =	vadd.f32 v14, v11;
	v9 =	vld.idx.msk [tilespmem:v9+s28+$0x0], $0xffff  }
0x11a: {  	vm2 =	vne.s32 v19, v16;
	[tilespmem:v7+s29+$0x0] =	vst.idx.msk vm0, v5;
	v5 =	vadd.s32 v26, v25;
	v26 =	vld.idx.msk [tilespmem:v20+s26+$0x0], $0xffff  }
0x11b: {  	s7 =	sadd.s32 $0x9, s4;
	[tilespmem:v7+s30+$0x0] =	vst.idx.msk vm0, v12;
	v7 =	vsel vm4, v14, v27;
	v12 =	vsel vm2, $0x1, v3;
	v14 =	vld.idx.msk [tilespmem:v23+s26+$0x0], $0xffff  }
0x11c: {  	vm0 =	vne.s32 v22, v19;
	v12 =	vadd.s32 v12, v5;
	v27 =	vadd.f32 v13, v7;
	v17 =	vld.idx.msk [tilespmem:v17+s28+$0x0], $0xffff  }
0x11d: {  	v28 =	vadd.s32 s7, v2;
	vm3 =	vne.s32 v24, v22;
	[tilespmem:v21+s29+$0x0] =	vst.idx.msk vm1, v6;
	v6 =	vsel vm0, $0x1, v3;
	v18 =	vld.idx.msk [tilespmem:v18+s28+$0x0], $0xffff  }
0x11e: {  	vm5 =	vne.s32 v15, v24;
	[tilespmem:v25+s29+$0x0] =	vst.idx.msk vm4, v8;
	v8 =	vsel vm2, v13, v27;
	v13 =	vsel vm3, $0x1, v3  }
0x11f: {  	v6 =	vadd.s32 v6, v12;
	[tilespmem:v25+s30+$0x0] =	vst.idx.msk vm4, v11;
	v11 =	vadd.f32 v9, v8;
	v25 =	vsel vm5, $0x1, v3  }
0x120: {  	s7 =	sadd.s32 $0xA, s4;
	v13 =	vadd.s32 v13, v6;
	vm4 =	vne.s32 v26, v15;
	[tilespmem:v5+s29+$0x0] =	vst.idx.msk vm2, v16;
	v16 =	vld.idx.msk [tilespmem:v20+s28+$0x0], $0xffff  }
0x121: {  	[tilespmem:v5+s30+$0x0] =	vst.idx.msk vm2, v7;
	v5 =	vsel vm0, v9, v11;
	vm2 =	vne.s32 v14, v26;
	v7 =	vadd.s32 s7, v2;
	s7 =	sadd.s32 $0xB, s4  }
0x122: {  	[tilespmem:v21+s30+$0x0] =	vst.idx.msk vm1, v10;
	v9 =	vadd.f32 v17, v5;
	v10 =	vsel vm2, $0x1, v3;
	v11 =	vld.idx.msk [tilespmem:v28+s26+$0x0], $0xffff;
	v20 =	vadd.s32 s7, v2  }
0x123: {  	v21 =	vsel vm4, $0x1, v3;
	[tilespmem:v12+s29+$0x0] =	vst.idx.msk vm0, v19;
	v19 =	vadd.s32 v25, v13  }
0x124: {  	s7 =	sadd.s32 $0xC, s4;
	s4 =	smov.u32 s6;
	[tilespmem:v6+s29+$0x0] =	vst.idx.msk vm3, v22;
	v9 =	vsel vm3, v17, v9;
	v17 =	vadd.s32 v21, v19;
	v21 =	vld.idx.msk [tilespmem:v23+s28+$0x0], $0xffff  }
0x125: {  	v23 =	vadd.s32 s7, v2;
	[tilespmem:v13+s29+$0x0] =	vst.idx.msk vm5, v24;
	v22 =	vadd.f32 v18, v9;
	v10 =	vadd.s32 v10, v17  }
0x126: {  	[tilespmem:v13+s30+$0x0] =	vst.idx.msk vm5, v9;
	v9 =	vld.idx.msk [tilespmem:v7+s26+$0x0], $0xffff  }
0x127: {  	[tilespmem:v6+s30+$0x0] =	vst.idx.msk vm3, v5;
	v5 =	vsel vm5, v18, v22;
	v18 =	vld.idx.msk [tilespmem:v20+s26+$0x0], $0xffff  }
0x128: {  	vm3 =	vne.s32 v11, v14;
	[tilespmem:v19+s29+$0x0] =	vst.idx.msk vm4, v15;
	v6 =	vadd.f32 v16, v5;
	v13 =	vld.idx.msk [tilespmem:v28+s28+$0x0], $0xffff  }
0x129: {  	v15 =	vsel vm3, $0x1, v3;
	[tilespmem:v17+s29+$0x0] =	vst.idx.msk vm2, v26  }
0x12a: {  	v15 =	vadd.s32 v15, v10;
	[tilespmem:v19+s30+$0x0] =	vst.idx.msk vm4, v5;
	v6 =	vsel vm4, v16, v6;
	v5 =	vld.idx.msk [tilespmem:v23+s26+$0x0], $0xffff  }
0x12b: {  	[tilespmem:v17+s30+$0x0] =	vst.idx.msk vm2, v6;
	v6 =	vadd.f32 v21, v6;
	v16 =	vld.idx.msk [tilespmem:v7+s28+$0x0], $0xffff  }
0x12c: {  	vm1 =	vne.s32 v9, v11;
	[tilespmem:v12+s30+$0x0] =	vst.idx.msk vm0, v8  }
0x12d: {  	v7 =	vsel vm1, $0x1, v3;
	v6 =	vsel vm2, v21, v6;
	vm2 =	vne.s32 v18, v9  }
0x12e: {  	v17 =	vadd.s32 v7, v15;
	[tilespmem:v10+s29+$0x0] =	vst.idx.msk vm3, v14;
	v8 =	vadd.f32 v13, v6;
	v19 =	vld.idx.msk [tilespmem:v20+s28+$0x0], $0xffff  }
0x12f: {  	v20 =	vadd.s32 s4, v2;
	[tilespmem:v10+s30+$0x0] =	vst.idx.msk vm3, v6  }
0x130: {  	v6 =	vsel vm2, $0x1, v3;
	vm0 =	vne.s32 v5, v18;
	v8 =	vsel vm3, v13, v8  }
0x131: {  	s6 =	sadd.s32 $0x1, s4;
	v21 =	vadd.s32 v6, v17;
	v6 =	vsel vm0, $0x1, v3;
	v10 =	vadd.f32 v16, v8;
	v12 =	vld.idx.msk [tilespmem:v23+s28+$0x0], $0xffff  }
0x132: {  	v22 =	vadd.s32 s6, v2;
	v7 =	vadd.s32 v6, v21;
	[tilespmem:v15+s29+$0x0] =	vst.idx.msk vm1, v11  }
0x133: {  	s6 =	sadd.s32 $0x2, s4;
	v6 =	vsel vm1, v16, v10;
	[tilespmem:v17+s29+$0x0] =	vst.idx.msk vm2, v9  }
.Ltmp7:
0x134: {  	v14 =	vadd.s32 s6, v2;
	v10 =	vld.idx.msk [tilespmem:v20+s28+$0x0], $0xffff;
	[tilespmem:v17+s30+$0x0] =	vst.idx.msk vm2, v6;
	v9 =	vadd.f32 v19, v6;
	(pc) =	sbr.rel @p0 .LBB2_10-.Ltmp7, $4  }
0x135: {  	s6 =	sadd.s32 $0x3, s4;
	v6 =	vld.idx.msk [tilespmem:v20+s26+$0x0], $0xffff;
	[tilespmem:v15+s30+$0x0] =	vst.idx.msk vm1, v8  }
0x136: {  	v13 =	vadd.s32 s6, v2;
	s6 =	sadd.s32 $0x4, s4;
	v8 =	vsel vm2, v19, v9;
	[tilespmem:v21+s29+$0x0] =	vst.idx.msk vm0, v18  }
0x137: {  	v9 =	vadd.s32 s6, v2;
	v11 =	vld.idx.msk [tilespmem:v22+s28+$0x0], $0xffff;
	[tilespmem:v21+s30+$0x0] =	vst.idx.msk vm0, v8;
	v15 =	vadd.f32 v12, v8  }
0x138: {  	s6 =	sadd.s32 $0x5, s4;
	v8 =	vld.idx.msk [tilespmem:v22+s26+$0x0], $0xffff  }
0x139: {  	_ =	sdelay $0x2  }
0x13a: {  	v16 =	vadd.s32 s6, v2;
	s5 =	sadd.s32 $0x6, s4  }
0x13b: {  	v56 =	vld.idx.msk [tilespmem:v14+s26+$0x0], $0xffff;
	s7 =	sadd.s32 $0x7, s4;
	v18 =	vadd.s32 s5, v2  }
0x13c: {  	v12 =	vsel vm0, v12, v15;
	v19 =	vld.idx.msk [tilespmem:v13+s26+$0x0], $0xffff;
	s6 =	sadd.s32 $0x8, s4;
	v20 =	vadd.s32 s7, v2  }
0x13d: {  	v23 =	vld.idx.msk [tilespmem:v9+s26+$0x0], $0xffff;
	v17 =	vadd.f32 v10, v12;
	vm1 =	vne.s32 v6, v5;
	v22 =	vadd.s32 s6, v2;
	s7 =	sadd.s32 $0x9, s4;
	s6 =	sadd.s32 $0xA, s4  }
0x13e: {  	v21 =	vsel vm1, $0x1, v3;
	v25 =	vadd.s32 s7, v2;
	v59 =	vadd.s32 s6, v2;
	s7 =	sadd.s32 $0xB, s4  }
0x13f: {  	s6 =	sadd.s32 $0xC, s4;
	v10 =	vsel vm1, v10, v17;
	v21 =	vadd.s32 v21, v7;
	v29 =	vadd.s32 s7, v2;
	v26 =	vld.idx.msk [tilespmem:v16+s26+$0x0], $0xffff  }
0x140: {  	v32 =	vadd.s32 s6, v2;
	v17 =	vadd.f32 v11, v10;
	vm0 =	vne.s32 v8, v6;
	v27 =	vld.idx.msk [tilespmem:v18+s26+$0x0], $0xffff  }
0x141: {  	v24 =	vsel vm0, $0x1, v3;
	vm5 =	vne.s32 v56, v8;
	vm10 =	vne.s32 v19, v56;
	v31 =	vld.idx.msk [tilespmem:v20+s26+$0x0], $0xffff  }
0x142: {  	vm2 =	vne.s32 v23, v19;
	v24 =	vadd.s32 v24, v21;
	v28 =	vsel vm5, $0x1, v3;
	v34 =	vld.idx.msk [tilespmem:v22+s26+$0x0], $0xffff  }
0x143: {  	v11 =	vsel vm0, v11, v17;
	v33 =	vsel vm10, $0x1, v3;
	v28 =	vadd.s32 v28, v24;
	v61 =	vld.idx.msk [tilespmem:v25+s26+$0x0], $0xffff  }
0x144: {  	v36 =	vsel vm2, $0x1, v3;
	v37 =	vld.idx.msk [tilespmem:v59+s26+$0x0], $0xffff;
	v60 =	vadd.s32 v33, v28;
	vm7 =	vne.s32 v26, v23  }
0x145: {  	v39 =	vld.idx.msk [tilespmem:v29+s26+$0x0], $0xffff;
	v36 =	vadd.s32 v36, v60;
	v38 =	vsel vm7, $0x1, v3;
	vm12 =	vne.s32 v27, v26  }
0x146: {  	v41 =	vld.idx.msk [tilespmem:v32+s26+$0x0], $0xffff;
	vm11 =	vne.s32 v31, v27;
	v40 =	vsel vm12, $0x1, v3;
	v38 =	vadd.s32 v38, v36  }
0x147: {  	v57 =	vld.idx.msk [tilespmem:v14+s28+$0x0], $0xffff;
	vm8 =	vne.s32 v34, v31;
	v42 =	vsel vm11, $0x1, v3;
	v40 =	vadd.s32 v40, v38  }
0x148: {  	v43 =	vsel vm8, $0x1, v3;
	vm6 =	vne.s32 v61, v34;
	v42 =	vadd.s32 v42, v40  }
0x149: {  	v44 =	vld.idx.msk [tilespmem:v9+s28+$0x0], $0xffff;
	vm3 =	vne.s32 v37, v61;
	v9 =	vsel vm6, $0x1, v3;
	v43 =	vadd.s32 v43, v42  }
0x14a: {  	v58 =	vld.idx.msk [tilespmem:v13+s28+$0x0], $0xffff;
	vm9 =	vne.s32 v39, v37;
	v45 =	vadd.s32 v9, v43;
	v9 =	vsel vm3, $0x1, v3  }
0x14b: {  	vm4 =	vne.s32 v41, v39;
	v46 =	vadd.s32 v9, v45;
	v9 =	vsel vm9, $0x1, v3  }
0x14c: {  	v30 =	vadd.f32 v57, v11;
	v47 =	vadd.s32 v9, v46;
	v9 =	vsel vm4, $0x1, v3  }
0x14d: {  	v9 =	vadd.s32 v9, v47  }
0x14e: {  	v14 =	vsel vm5, v57, v30;
	v9 =	vadd.s32 v4, v9  }
0x14f: {  	v35 =	vadd.f32 v58, v14;
	v62 =	vxor.u32 $0x80000000, v9  }
0x150: {  	v16 =	vld.idx.msk [tilespmem:v16+s28+$0x0], $0xffff;
	(xrf0) =	vmax.scan.msk.u32 $0xffff, v62  }
0x151: {  	[tilespmem:v7+s29+$0x0] =	vst.idx.msk vm1, v5;
	v13 =	vsel vm10, v58, v35  }
0x152: {  	[tilespmem:v7+s30+$0x0] =	vst.idx.msk vm1, v12;
	v35 =	vadd.f32 v44, v13  }
0x153: {  	v5 =	vld.idx.msk [tilespmem:v18+s28+$0x0], $0xffff;
	[tilespmem:v21+s29+$0x0] =	vst.idx.msk vm0, v6  }
0x154: {  	[tilespmem:v24+s29+$0x0] =	vst.idx.msk vm5, v8;
	v7 =	vsel vm2, v44, v35  }
0x155: {  	[tilespmem:v21+s30+$0x0] =	vst.idx.msk vm0, v10;
	v8 =	vadd.f32 v16, v7  }
0x156: {  	[tilespmem:v24+s30+$0x0] =	vst.idx.msk vm5, v11;
	v11 =	vld.idx.msk [tilespmem:v20+s28+$0x0], $0xffff;
	v10, _, _ =	vpop (xrf0)  }
0x157: {  	v8 =	vsel vm7, v16, v8;
	(v2sf) =	vpush v10, $0xF  }
0x158: {  	v63 =	vadd.f32 v5, v8  }
0x159: {  	v6 =	vld.idx.msk [tilespmem:v22+s28+$0x0], $0xffff;
	[tilespmem:v28+s29+$0x0] =	vst.idx.msk vm10, v56  }
0x15a: {  	[tilespmem:v28+s30+$0x0] =	vst.idx.msk vm10, v14;
	v5 =	vsel vm12, v5, v63  }
0x15b: {  	[tilespmem:v38+s29+$0x0] =	vst.idx.msk vm12, v26;
	v10 =	vadd.f32 v11, v5  }
0x15c: {  	[tilespmem:v38+s30+$0x0] =	vst.idx.msk vm12, v8;
	v8 =	vld.idx.msk [tilespmem:v25+s28+$0x0], $0xffff  }
0x15d: {  	[tilespmem:v36+s29+$0x0] =	vst.idx.msk vm7, v23;
	v10 =	vsel vm11, v11, v10  }
0x15e: {  	[tilespmem:v36+s30+$0x0] =	vst.idx.msk vm7, v7;
	v7 =	vadd.f32 v6, v10  }
0x15f: {  	[tilespmem:v40+s29+$0x0] =	vst.idx.msk vm11, v27;
	v11 =	vld.idx.msk [tilespmem:v59+s28+$0x0], $0xffff  }
0x160: {  	[tilespmem:v40+s30+$0x0] =	vst.idx.msk vm11, v5;
	v5 =	vsel vm8, v6, v7  }
0x161: {  	[tilespmem:v60+s29+$0x0] =	vst.idx.msk vm2, v19;
	v6 =	vadd.f32 v8, v5  }
0x162: {  	[tilespmem:v60+s30+$0x0] =	vst.idx.msk vm2, v13;
	v7 =	vld.idx.msk [tilespmem:v29+s28+$0x0], $0xffff  }
0x163: {  	[tilespmem:v42+s29+$0x0] =	vst.idx.msk vm8, v31;
	v6 =	vsel vm6, v8, v6  }
0x164: {  	[tilespmem:v43+s29+$0x0] =	vst.idx.msk vm6, v34;
	v8 =	vadd.f32 v11, v6  }
0x165: {  	[tilespmem:v42+s30+$0x0] =	vst.idx.msk vm8, v10;
	v10 =	vld.idx.msk [tilespmem:v32+s28+$0x0], $0xffff  }
0x166: {  	[tilespmem:v43+s30+$0x0] =	vst.idx.msk vm6, v5;
	v5 =	vsel vm3, v11, v8;
	s7 =	spop (v2sf)  }
0x167: {  	[tilespmem:v45+s29+$0x0] =	vst.idx.msk vm3, v61;
	v8 =	vadd.f32 v7, v5;
	s4 =	sxor.u32 $0x80000000, s7  }
0x168: {  	[tilespmem:v46+s29+$0x0] =	vst.idx.msk vm9, v37;
	p0 =	slt.s32 s4, $0x1  }
.Ltmp8:
0x169: {  	[tilespmem:v46+s30+$0x0] =	vst.idx.msk vm9, v5;
	v5 =	vsel vm9, v7, v8;
	(pc) =	sbr.rel @p0 .LBB2_15-.Ltmp8, $4  }
0x16a: {  	[tilespmem:v45+s30+$0x0] =	vst.idx.msk vm3, v6;
	v6 =	vadd.f32 v10, v5  }
0x16b: {  	[tilespmem:v47+s29+$0x0] =	vst.idx.msk vm4, v39  }
0x16c: {  	[tilespmem:v47+s30+$0x0] =	vst.idx.msk vm4, v5;
	v5 =	vsel vm4, v10, v6  }
0x16d: {  	s6 =	simm.s32 $0x0;
	[tilespmem:v41+s31+$0x0] =	vst.idx.add.f32.msk $0xffff, v5  }
0x16e: {  	v6 =	vadd.s32 s6, v2  }
0x16f: {  	p0 =	sne.s32 s4, $0x1  }
.Ltmp9:
0x170: {  	_ = 	snop;
	(pc) =	sbr.rel @!p0 .LBB2_14-.Ltmp9, $3  }
0x171: {  	_ =	sdelay $0x1  }
0x172: {  	v5 =	vld.idx.msk [tilespmem:v6+s29+$0x0], $0xffff  }
0x173: {  	s5 =	simm.s32 $0x1;
	v7 =	vmov s6  }
.LBB2_13:
0x174: {  	v8 =	vld.idx.msk [tilespmem:v6+s30+$0x0], $0xffff;
	vm0 =	vlt.s32 v7, v9;
	s6 =	smov.u32 s5;
	s5 =	sadd.s32 $0x1, s5  }
0x175: {  	p0 =	sne.s32 s4, s5  }
0x176: {  	v6 =	vadd.s32 s6, v2;
	_ =	sdelay $0x1  }
.Ltmp10:
0x177: {  	(pc) =	sbr.rel @p0 .LBB2_13-.Ltmp10, $4  }
0x178: {  	_ = 	snop  }
0x179: {  	[tilespmem:v5+s31+$0x0] =	vst.idx.add.f32.msk vm0, v8  }
0x17a: {  	v5 =	vld.idx.msk [tilespmem:v6+s29+$0x0], $0xffff  }
0x17b: {  	v7 =	vmov s6  }
.LBB2_14:
0x17c: {  	_ =	sdelay $0x2  }
0x17d: {  	vm0 =	vlt.s32 v7, v9  }
0x17e: {  	v6 =	vld.idx.msk [tilespmem:v6+s30+$0x0], $0xffff;
	_ =	sdelay $0x4  }
0x17f: {  	[tilespmem:v5+s31+$0x0] =	vst.idx.add.f32.msk vm0, v6  }
.LBB2_15:
0x180: {  	s4 =	simm.s32 $0x1  }
0x181: {  	_ =	swait.ge [sflag:s4], $0x2710  }
0x182: {  	[sflag:s4] =	ssyncset.done $0x0  }
0x183: {  	[sflag:s4] =	ssyncadd.s32 $0xFFFFD8F0  }
0x184: {  	_ =	swait.ge [sflag:s4], $0x2710  }
0x185: {  	[sflag:s4] =	ssyncset.done $0x0  }
0x186: {  	[sflag:s4] =	ssyncadd.s32 $0xFFFFD8F0  }
0x187: {  	v5 =	vadd.s32 s4, v2;
	[tilespmem:s26], [sflag:$0x2] =	stream.linear.gather [hbm4b:s9+s2], $0x2710, $0x38;
	[tilespmem:$0x11480] =	vst v63  }
0x188: {  	s6 =	simm.s32 $0x2  }
0x189: {  	v7 =	vadd.s32 s6, v2;
	[tilespmem:s28], [sflag:$0x2] =	stream.linear.gather [hbm4b:s10+s2], $0x2710, $0x38;
	[tilespmem:$0x11480] =	vst v63  }
0x18a: {  	s7 =	simm.s32 $0x3;
	v6 =	vld.idx.msk [tilespmem:v2+s2+$0x0], $0xffff  }
0x18b: {  	v10 =	vadd.s32 s7, v2;
	v8 =	vld.idx.msk [tilespmem:v2+s25+$0x0], $0xffff  }
0x18c: {  	v9 =	vld.idx.msk [tilespmem:v5+s25+$0x0], $0xffff  }
0x18d: {  	v5 =	vld.idx.msk [tilespmem:v5+s2+$0x0], $0xffff  }
0x18e: {  	s5 =	simm.s32 $0x4;
	v11 =	vld.idx.msk [tilespmem:v7+s25+$0x0], $0xffff  }
0x18f: {  	v12 =	vadd.s32 s5, v2;
	v7 =	vld.idx.msk [tilespmem:v7+s2+$0x0], $0xffff  }
0x190: {  	v15 =	vld.idx.msk [tilespmem:v10+s25+$0x0], $0xffff  }
0x191: {  	s6 =	simm.s32 $0x5;
	v10 =	vld.idx.msk [tilespmem:v10+s2+$0x0], $0xffff  }
0x192: {  	v14 =	vadd.s32 s6, v2;
	v13 =	vadd.f32 v9, v8  }
0x193: {  	s5 =	simm.s32 $0x7;
	vm0 =	vne.s32 v5, v6  }
0x194: {  	v17 =	vadd.s32 s5, v2;
	v18 =	vld.idx.msk [tilespmem:v12+s25+$0x0], $0xffff;
	v9 =	vsel vm0, v9, v13  }
0x195: {  	s7 =	simm.s32 $0x6;
	v12 =	vld.idx.msk [tilespmem:v12+s2+$0x0], $0xffff;
	v16 =	vadd.f32 v11, v9  }
0x196: {  	vm1 =	vne.s32 v7, v5;
	vm3 =	vne.s32 v10, v7;
	v13 =	vadd.s32 s7, v2  }
0x197: {  	v19 =	vld.idx.msk [tilespmem:v14+s2+$0x0], $0xffff;
	v21 =	vsel vm0, $0x1, v3;
	v24 =	vsel vm1, $0x1, v3;
	s7 =	simm.s32 $0x9;
	v11 =	vsel vm1, v11, v16  }
0x198: {  	v14 =	vld.idx.msk [tilespmem:v14+s25+$0x0], $0xffff;
	v21 =	vadd.s32 v21, v2;
	v22 =	vadd.s32 s7, v2;
	v20 =	vadd.f32 v15, v11  }
0x199: {  	s6 =	simm.s32 $0x8;
	v53 =	vld.idx.msk [tilespmem:v17+s2+$0x0], $0xffff;
	v24 =	vadd.s32 v24, v21  }
0x19a: {  	v17 =	vld.idx.msk [tilespmem:v17+s25+$0x0], $0xffff;
	vm5 =	vne.s32 v12, v10;
	v16 =	vadd.s32 s6, v2;
	v15 =	vsel vm3, v15, v20  }
0x19b: {  	s5 =	simm.s32 $0xA;
	v25 =	vsel vm3, $0x1, v3;
	[tilespmem:v2+s29+$0x0] =	vst.idx.msk vm0, v6;
	v23 =	vld.idx.msk [tilespmem:v13+s2+$0x0], $0xffff;
	v26 =	vadd.f32 v18, v15  }
0x19c: {  	v28 =	vadd.s32 s5, v2;
	v6 =	vadd.s32 v25, v24;
	v13 =	vld.idx.msk [tilespmem:v13+s25+$0x0], $0xffff;
	[tilespmem:v2+s30+$0x0] =	vst.idx.msk vm0, v8;
	v8 =	vsel vm5, $0x1, v3  }
0x19d: {  	vm0 =	vne.s32 v19, v12;
	[tilespmem:v21+s29+$0x0] =	vst.idx.msk vm1, v5;
	v55 =	vld.idx.msk [tilespmem:v22+s2+$0x0], $0xffff;
	v18 =	vsel vm5, v18, v26  }
0x19e: {  	v8 =	vadd.s32 v8, v6;
	v5 =	vsel vm0, $0x1, v3;
	[tilespmem:v24+s29+$0x0] =	vst.idx.msk vm3, v7;
	v27 =	vadd.f32 v14, v18  }
0x19f: {  	s6 =	simm.s32 $0xB;
	[tilespmem:v21+s30+$0x0] =	vst.idx.msk vm1, v9;
	v5 =	vadd.s32 v5, v8;
	v54 =	vld.idx.msk [tilespmem:v16+s2+$0x0], $0xffff  }
0x1a0: {  	[tilespmem:v24+s30+$0x0] =	vst.idx.msk vm3, v11;
	v11 =	vadd.s32 s6, v2;
	vm2 =	vne.s32 v23, v19;
	v14 =	vsel vm0, v14, v27  }
0x1a1: {  	s7 =	simm.s32 $0xC;
	v9 =	vld.idx.msk [tilespmem:v28+s2+$0x0], $0xffff;
	vm4 =	vne.s32 v53, v23;
	v7 =	vsel vm2, $0x1, v3;
	v56 =	vadd.f32 v13, v14  }
0x1a2: {  	s5 =	simm.s32 $0xD;
	[tilespmem:v6+s29+$0x0] =	vst.idx.msk vm5, v10;
	v10 =	vld.idx.msk [tilespmem:v16+s25+$0x0], $0xffff;
	v16 =	vadd.s32 s7, v2;
	v7 =	vadd.s32 v7, v5  }
0x1a3: {  	v59 =	vadd.s32 s5, v2;
	v58 =	vld.idx.msk [tilespmem:v22+s25+$0x0], $0xffff;
	[tilespmem:v6+s30+$0x0] =	vst.idx.msk vm5, v15;
	v6 =	vsel vm2, v13, v56  }
0x1a4: {  	v57 =	vsel vm4, $0x1, v3;
	[tilespmem:v8+s29+$0x0] =	vst.idx.msk vm0, v12;
	vm14 =	vne.s32 v54, v53;
	v13 =	vadd.f32 v17, v6  }
0x1a5: {  	[tilespmem:v8+s30+$0x0] =	vst.idx.msk vm0, v18;
	vm3 =	vne.s32 v55, v54;
	v12 =	vadd.s32 v57, v7;
	v15 =	vsel vm14, $0x1, v3  }
0x1a6: {  	v60 =	vld.idx.msk [tilespmem:v11+s2+$0x0], $0xffff;
	v15 =	vadd.s32 v15, v12;
	[tilespmem:v5+s29+$0x0] =	vst.idx.msk vm2, v19;
	v13 =	vsel vm4, v17, v13  }
0x1a7: {  	v61 =	vld.idx.msk [tilespmem:v16+s2+$0x0], $0xffff;
	[tilespmem:v7+s29+$0x0] =	vst.idx.msk vm4, v23;
	v62 =	vadd.f32 v10, v13  }
0x1a8: {  	vm1 =	vne.s32 v9, v55;
	v17 =	vsel vm3, $0x1, v3;
	[tilespmem:v7+s30+$0x0] =	vst.idx.msk vm4, v6;
	v6 =	vld.idx.msk [tilespmem:v28+s25+$0x0], $0xffff  }
0x1a9: {  	[tilespmem:v5+s30+$0x0] =	vst.idx.msk vm2, v14;
	v5 =	vld.idx.msk [tilespmem:v59+s2+$0x0], $0xffff;
	v17 =	vadd.s32 v17, v15;
	v7 =	vsel vm14, v10, v62  }
0x1aa: {  	[tilespmem:v12+s29+$0x0] =	vst.idx.msk vm14, v53;
	v10 =	vsel vm1, $0x1, v3;
	v14 =	vadd.f32 v58, v7  }
0x1ab: {  	vm2 =	vne.s32 v60, v9;
	[tilespmem:v15+s29+$0x0] =	vst.idx.msk vm3, v54;
	v63 =	vadd.s32 v10, v17;
	v10 =	vld.idx.msk [tilespmem:v11+s25+$0x0], $0xffff  }
0x1ac: {  	s4 =	simm.s32 $0xE;
	vm15 =	vne.s32 v61, v60;
	[tilespmem:v12+s30+$0x0] =	vst.idx.msk vm14, v13;
	v12 =	vsel vm2, $0x1, v3;
	v11 =	vsel vm3, v58, v14  }
0x1ad: {  	[tilespmem:v15+s30+$0x0] =	vst.idx.msk vm3, v7;
	v13 =	vadd.s32 v12, v63;
	v14 =	vadd.s32 s4, v2;
	v7 =	vadd.f32 v6, v11  }
0x1ae: {  	s5 =	simm.s32 $0xF;
	v8 =	vld.idx.msk [tilespmem:v16+s25+$0x0], $0xffff;
	vm0 =	vne.s32 v5, v61;
	[tilespmem:v17+s29+$0x0] =	vst.idx.msk vm1, v55  }
0x1af: {  	[tilespmem:v17+s30+$0x0] =	vst.idx.msk vm1, v11;
	v17 =	vadd.s32 s5, v2;
	v15 =	vsel vm1, v6, v7;
	v6 =	vsel vm15, $0x1, v3  }
0x1b0: {  	v7 =	vadd.f32 v10, v15;
	v16 =	vadd.s32 v6, v13  }
0x1b1: {  	v12 =	vld.idx.msk [tilespmem:v59+s25+$0x0], $0xffff;
	[tilespmem:v63+s29+$0x0] =	vst.idx.msk vm2, v9  }
0x1b2: {  	s6 =	simm.s32 $0x10;
	[tilespmem:v13+s29+$0x0] =	vst.idx.msk vm15, v60;
	v6 =	vsel vm2, v10, v7;
	v10 =	vld.idx.msk [tilespmem:v14+s25+$0x0], $0xffff  }
0x1b3: {  	[tilespmem:v13+s30+$0x0] =	vst.idx.msk vm15, v6;
	v9 =	vadd.f32 v8, v6;
	v6 =	vld.idx.msk [tilespmem:v14+s2+$0x0], $0xffff;
	v14 =	vadd.s32 s6, v2  }
0x1b4: {  	s7 =	simm.s32 $0x11;
	[tilespmem:v63+s30+$0x0] =	vst.idx.msk vm2, v15;
	v7 =	vsel vm0, $0x1, v3;
	v11 =	vld.idx.msk [tilespmem:v17+s25+$0x0], $0xffff  }
0x1b5: {  	v7 =	vadd.s32 v7, v16;
	s6 =	simm.s32 $0x12;
	v13 =	vadd.s32 s7, v2;
	v8 =	vsel vm15, v8, v9;
	[tilespmem:v16+s29+$0x0] =	vst.idx.msk vm0, v61  }
0x1b6: {  	s5 =	simm.s32 $0x1B;
	v9 =	vadd.s32 s6, v2;
	s6 =	simm.s32 $0x13;
	[tilespmem:v16+s30+$0x0] =	vst.idx.msk vm0, v8;
	v15 =	vadd.f32 v12, v8;
	v8 =	vld.idx.msk [tilespmem:v17+s2+$0x0], $0xffff  }
.LBB2_16:
0x1b7: {  	p0 =	slt.u32 s5, $0x264  }
0x1b8: {  	v16 =	vld.idx.msk [tilespmem:v14+s2+$0x0], $0xffff;
	v17 =	vadd.s32 s6, v2;
	s7 =	sadd.s32 $0x6, s4;
	v12 =	vsel vm0, v12, v15;
	s6 =	smov.u32 s5;
	s5 =	sadd.s32 $0xD, s5  }
0x1b9: {  	v15 =	vadd.f32 v10, v12;
	v14 =	vld.idx.msk [tilespmem:v14+s25+$0x0], $0xffff;
	v18 =	vadd.s32 s7, v2;
	s7 =	sadd.s32 $0x7, s4  }
0x1ba: {  	vm0 =	vne.s32 v6, v5;
	v19 =	vld.idx.msk [tilespmem:v13+s2+$0x0], $0xffff;
	v20 =	vadd.s32 s7, v2  }
0x1bb: {  	v21 =	vsel vm0, $0x1, v3;
	s7 =	sadd.s32 $0x8, s4;
	v10 =	vsel vm0, v10, v15;
	v13 =	vld.idx.msk [tilespmem:v13+s25+$0x0], $0xffff  }
0x1bc: {  	v23 =	vadd.s32 s7, v2;
	v15 =	vadd.f32 v11, v10;
	v22 =	vld.idx.msk [tilespmem:v9+s2+$0x0], $0xffff  }
0x1bd: {  	v21 =	vadd.s32 v21, v7;
	vm1 =	vne.s32 v8, v6;
	v24 =	vld.idx.msk [tilespmem:v17+s2+$0x0], $0xffff  }
0x1be: {  	v25 =	vsel vm1, $0x1, v3;
	vm4 =	vne.s32 v16, v8;
	v11 =	vsel vm1, v11, v15;
	v15 =	vld.idx.msk [tilespmem:v18+s2+$0x0], $0xffff  }
0x1bf: {  	v25 =	vadd.s32 v25, v21;
	v26 =	vsel vm4, $0x1, v3;
	v27 =	vadd.f32 v14, v11;
	v9 =	vld.idx.msk [tilespmem:v9+s25+$0x0], $0xffff  }
0x1c0: {  	vm2 =	vne.s32 v19, v16;
	[tilespmem:v7+s29+$0x0] =	vst.idx.msk vm0, v5;
	v5 =	vadd.s32 v26, v25;
	v26 =	vld.idx.msk [tilespmem:v20+s2+$0x0], $0xffff  }
0x1c1: {  	s7 =	sadd.s32 $0x9, s4;
	[tilespmem:v7+s30+$0x0] =	vst.idx.msk vm0, v12;
	v7 =	vsel vm4, v14, v27;
	v12 =	vsel vm2, $0x1, v3;
	v14 =	vld.idx.msk [tilespmem:v23+s2+$0x0], $0xffff  }
0x1c2: {  	vm0 =	vne.s32 v22, v19;
	v12 =	vadd.s32 v12, v5;
	v27 =	vadd.f32 v13, v7;
	v17 =	vld.idx.msk [tilespmem:v17+s25+$0x0], $0xffff  }
0x1c3: {  	v28 =	vadd.s32 s7, v2;
	vm3 =	vne.s32 v24, v22;
	[tilespmem:v21+s29+$0x0] =	vst.idx.msk vm1, v6;
	v6 =	vsel vm0, $0x1, v3;
	v18 =	vld.idx.msk [tilespmem:v18+s25+$0x0], $0xffff  }
0x1c4: {  	vm5 =	vne.s32 v15, v24;
	[tilespmem:v25+s29+$0x0] =	vst.idx.msk vm4, v8;
	v8 =	vsel vm2, v13, v27;
	v13 =	vsel vm3, $0x1, v3  }
0x1c5: {  	v6 =	vadd.s32 v6, v12;
	[tilespmem:v25+s30+$0x0] =	vst.idx.msk vm4, v11;
	v11 =	vadd.f32 v9, v8;
	v25 =	vsel vm5, $0x1, v3  }
0x1c6: {  	s7 =	sadd.s32 $0xA, s4;
	v13 =	vadd.s32 v13, v6;
	vm4 =	vne.s32 v26, v15;
	[tilespmem:v5+s29+$0x0] =	vst.idx.msk vm2, v16;
	v16 =	vld.idx.msk [tilespmem:v20+s25+$0x0], $0xffff  }
0x1c7: {  	[tilespmem:v5+s30+$0x0] =	vst.idx.msk vm2, v7;
	v5 =	vsel vm0, v9, v11;
	vm2 =	vne.s32 v14, v26;
	v7 =	vadd.s32 s7, v2;
	s7 =	sadd.s32 $0xB, s4  }
0x1c8: {  	[tilespmem:v21+s30+$0x0] =	vst.idx.msk vm1, v10;
	v9 =	vadd.f32 v17, v5;
	v10 =	vsel vm2, $0x1, v3;
	v11 =	vld.idx.msk [tilespmem:v28+s2+$0x0], $0xffff;
	v20 =	vadd.s32 s7, v2  }
0x1c9: {  	v21 =	vsel vm4, $0x1, v3;
	[tilespmem:v12+s29+$0x0] =	vst.idx.msk vm0, v19;
	v19 =	vadd.s32 v25, v13  }
0x1ca: {  	s7 =	sadd.s32 $0xC, s4;
	s4 =	smov.u32 s6;
	[tilespmem:v6+s29+$0x0] =	vst.idx.msk vm3, v22;
	v9 =	vsel vm3, v17, v9;
	v17 =	vadd.s32 v21, v19;
	v21 =	vld.idx.msk [tilespmem:v23+s25+$0x0], $0xffff  }
0x1cb: {  	v23 =	vadd.s32 s7, v2;
	[tilespmem:v13+s29+$0x0] =	vst.idx.msk vm5, v24;
	v22 =	vadd.f32 v18, v9;
	v10 =	vadd.s32 v10, v17  }
0x1cc: {  	[tilespmem:v13+s30+$0x0] =	vst.idx.msk vm5, v9;
	v9 =	vld.idx.msk [tilespmem:v7+s2+$0x0], $0xffff  }
0x1cd: {  	[tilespmem:v6+s30+$0x0] =	vst.idx.msk vm3, v5;
	v5 =	vsel vm5, v18, v22;
	v18 =	vld.idx.msk [tilespmem:v20+s2+$0x0], $0xffff  }
0x1ce: {  	vm3 =	vne.s32 v11, v14;
	[tilespmem:v19+s29+$0x0] =	vst.idx.msk vm4, v15;
	v6 =	vadd.f32 v16, v5;
	v13 =	vld.idx.msk [tilespmem:v28+s25+$0x0], $0xffff  }
0x1cf: {  	v15 =	vsel vm3, $0x1, v3;
	[tilespmem:v17+s29+$0x0] =	vst.idx.msk vm2, v26  }
0x1d0: {  	v15 =	vadd.s32 v15, v10;
	[tilespmem:v19+s30+$0x0] =	vst.idx.msk vm4, v5;
	v6 =	vsel vm4, v16, v6;
	v5 =	vld.idx.msk [tilespmem:v23+s2+$0x0], $0xffff  }
0x1d1: {  	[tilespmem:v17+s30+$0x0] =	vst.idx.msk vm2, v6;
	v6 =	vadd.f32 v21, v6;
	v16 =	vld.idx.msk [tilespmem:v7+s25+$0x0], $0xffff  }
0x1d2: {  	vm1 =	vne.s32 v9, v11;
	[tilespmem:v12+s30+$0x0] =	vst.idx.msk vm0, v8  }
0x1d3: {  	v7 =	vsel vm1, $0x1, v3;
	v6 =	vsel vm2, v21, v6;
	vm2 =	vne.s32 v18, v9  }
0x1d4: {  	v17 =	vadd.s32 v7, v15;
	[tilespmem:v10+s29+$0x0] =	vst.idx.msk vm3, v14;
	v8 =	vadd.f32 v13, v6;
	v19 =	vld.idx.msk [tilespmem:v20+s25+$0x0], $0xffff  }
0x1d5: {  	v20 =	vadd.s32 s4, v2;
	[tilespmem:v10+s30+$0x0] =	vst.idx.msk vm3, v6  }
0x1d6: {  	v6 =	vsel vm2, $0x1, v3;
	vm0 =	vne.s32 v5, v18;
	v8 =	vsel vm3, v13, v8  }
0x1d7: {  	s6 =	sadd.s32 $0x1, s4;
	v21 =	vadd.s32 v6, v17;
	v6 =	vsel vm0, $0x1, v3;
	v10 =	vadd.f32 v16, v8;
	v12 =	vld.idx.msk [tilespmem:v23+s25+$0x0], $0xffff  }
0x1d8: {  	v22 =	vadd.s32 s6, v2;
	v7 =	vadd.s32 v6, v21;
	[tilespmem:v15+s29+$0x0] =	vst.idx.msk vm1, v11  }
0x1d9: {  	s6 =	sadd.s32 $0x2, s4;
	v6 =	vsel vm1, v16, v10;
	[tilespmem:v17+s29+$0x0] =	vst.idx.msk vm2, v9  }
.Ltmp11:
0x1da: {  	v14 =	vadd.s32 s6, v2;
	v10 =	vld.idx.msk [tilespmem:v20+s25+$0x0], $0xffff;
	[tilespmem:v17+s30+$0x0] =	vst.idx.msk vm2, v6;
	v9 =	vadd.f32 v19, v6;
	(pc) =	sbr.rel @p0 .LBB2_16-.Ltmp11, $4  }
0x1db: {  	s6 =	sadd.s32 $0x3, s4;
	v6 =	vld.idx.msk [tilespmem:v20+s2+$0x0], $0xffff;
	[tilespmem:v15+s30+$0x0] =	vst.idx.msk vm1, v8  }
0x1dc: {  	v13 =	vadd.s32 s6, v2;
	s6 =	sadd.s32 $0x4, s4;
	v8 =	vsel vm2, v19, v9;
	[tilespmem:v21+s29+$0x0] =	vst.idx.msk vm0, v18  }
0x1dd: {  	v9 =	vadd.s32 s6, v2;
	v11 =	vld.idx.msk [tilespmem:v22+s25+$0x0], $0xffff;
	[tilespmem:v21+s30+$0x0] =	vst.idx.msk vm0, v8;
	v15 =	vadd.f32 v12, v8  }
0x1de: {  	s6 =	sadd.s32 $0x5, s4;
	v8 =	vld.idx.msk [tilespmem:v22+s2+$0x0], $0xffff  }
0x1df: {  	_ =	sdelay $0x2  }
0x1e0: {  	v16 =	vadd.s32 s6, v2;
	s5 =	sadd.s32 $0x6, s4  }
0x1e1: {  	v56 =	vld.idx.msk [tilespmem:v14+s2+$0x0], $0xffff;
	s7 =	sadd.s32 $0x7, s4;
	v18 =	vadd.s32 s5, v2  }
0x1e2: {  	v12 =	vsel vm0, v12, v15;
	v19 =	vld.idx.msk [tilespmem:v13+s2+$0x0], $0xffff;
	s6 =	sadd.s32 $0x8, s4;
	v20 =	vadd.s32 s7, v2  }
0x1e3: {  	v23 =	vld.idx.msk [tilespmem:v9+s2+$0x0], $0xffff;
	v17 =	vadd.f32 v10, v12;
	vm1 =	vne.s32 v6, v5;
	v22 =	vadd.s32 s6, v2;
	s7 =	sadd.s32 $0x9, s4;
	s6 =	sadd.s32 $0xA, s4  }
0x1e4: {  	v21 =	vsel vm1, $0x1, v3;
	v25 =	vadd.s32 s7, v2;
	v59 =	vadd.s32 s6, v2;
	s7 =	sadd.s32 $0xB, s4  }
0x1e5: {  	s6 =	sadd.s32 $0xC, s4;
	v10 =	vsel vm1, v10, v17;
	v21 =	vadd.s32 v21, v7;
	v29 =	vadd.s32 s7, v2;
	v26 =	vld.idx.msk [tilespmem:v16+s2+$0x0], $0xffff  }
0x1e6: {  	v32 =	vadd.s32 s6, v2;
	v17 =	vadd.f32 v11, v10;
	vm0 =	vne.s32 v8, v6;
	v27 =	vld.idx.msk [tilespmem:v18+s2+$0x0], $0xffff  }
0x1e7: {  	v24 =	vsel vm0, $0x1, v3;
	vm5 =	vne.s32 v56, v8;
	vm10 =	vne.s32 v19, v56;
	v31 =	vld.idx.msk [tilespmem:v20+s2+$0x0], $0xffff  }
0x1e8: {  	vm2 =	vne.s32 v23, v19;
	v24 =	vadd.s32 v24, v21;
	v28 =	vsel vm5, $0x1, v3;
	v34 =	vld.idx.msk [tilespmem:v22+s2+$0x0], $0xffff  }
0x1e9: {  	v11 =	vsel vm0, v11, v17;
	v33 =	vsel vm10, $0x1, v3;
	v28 =	vadd.s32 v28, v24;
	v61 =	vld.idx.msk [tilespmem:v25+s2+$0x0], $0xffff  }
0x1ea: {  	v36 =	vsel vm2, $0x1, v3;
	v37 =	vld.idx.msk [tilespmem:v59+s2+$0x0], $0xffff;
	v60 =	vadd.s32 v33, v28;
	vm7 =	vne.s32 v26, v23  }
0x1eb: {  	v39 =	vld.idx.msk [tilespmem:v29+s2+$0x0], $0xffff;
	v36 =	vadd.s32 v36, v60;
	v38 =	vsel vm7, $0x1, v3;
	vm12 =	vne.s32 v27, v26  }
0x1ec: {  	v41 =	vld.idx.msk [tilespmem:v32+s2+$0x0], $0xffff;
	vm11 =	vne.s32 v31, v27;
	v40 =	vsel vm12, $0x1, v3;
	v38 =	vadd.s32 v38, v36  }
0x1ed: {  	v57 =	vld.idx.msk [tilespmem:v14+s25+$0x0], $0xffff;
	vm8 =	vne.s32 v34, v31;
	v42 =	vsel vm11, $0x1, v3;
	v40 =	vadd.s32 v40, v38  }
0x1ee: {  	v43 =	vsel vm8, $0x1, v3;
	vm6 =	vne.s32 v61, v34;
	v42 =	vadd.s32 v42, v40  }
0x1ef: {  	v44 =	vld.idx.msk [tilespmem:v9+s25+$0x0], $0xffff;
	vm3 =	vne.s32 v37, v61;
	v9 =	vsel vm6, $0x1, v3;
	v43 =	vadd.s32 v43, v42  }
0x1f0: {  	v58 =	vld.idx.msk [tilespmem:v13+s25+$0x0], $0xffff;
	vm9 =	vne.s32 v39, v37;
	v45 =	vadd.s32 v9, v43;
	v9 =	vsel vm3, $0x1, v3  }
0x1f1: {  	vm4 =	vne.s32 v41, v39;
	v46 =	vadd.s32 v9, v45;
	v9 =	vsel vm9, $0x1, v3  }
0x1f2: {  	v30 =	vadd.f32 v57, v11;
	v47 =	vadd.s32 v9, v46;
	v9 =	vsel vm4, $0x1, v3  }
0x1f3: {  	v9 =	vadd.s32 v9, v47  }
0x1f4: {  	v14 =	vsel vm5, v57, v30;
	v9 =	vadd.s32 v4, v9  }
0x1f5: {  	v35 =	vadd.f32 v58, v14;
	v62 =	vxor.u32 $0x80000000, v9  }
0x1f6: {  	v16 =	vld.idx.msk [tilespmem:v16+s25+$0x0], $0xffff;
	(xrf0) =	vmax.scan.msk.u32 $0xffff, v62  }
0x1f7: {  	[tilespmem:v7+s29+$0x0] =	vst.idx.msk vm1, v5;
	v13 =	vsel vm10, v58, v35  }
0x1f8: {  	[tilespmem:v7+s30+$0x0] =	vst.idx.msk vm1, v12;
	v35 =	vadd.f32 v44, v13  }
0x1f9: {  	v5 =	vld.idx.msk [tilespmem:v18+s25+$0x0], $0xffff;
	[tilespmem:v21+s29+$0x0] =	vst.idx.msk vm0, v6  }
0x1fa: {  	[tilespmem:v24+s29+$0x0] =	vst.idx.msk vm5, v8;
	v7 =	vsel vm2, v44, v35  }
0x1fb: {  	[tilespmem:v21+s30+$0x0] =	vst.idx.msk vm0, v10;
	v8 =	vadd.f32 v16, v7  }
0x1fc: {  	[tilespmem:v24+s30+$0x0] =	vst.idx.msk vm5, v11;
	v11 =	vld.idx.msk [tilespmem:v20+s25+$0x0], $0xffff;
	v10, _, _ =	vpop (xrf0)  }
0x1fd: {  	v8 =	vsel vm7, v16, v8;
	(v2sf) =	vpush v10, $0xF  }
0x1fe: {  	v63 =	vadd.f32 v5, v8  }
0x1ff: {  	v6 =	vld.idx.msk [tilespmem:v22+s25+$0x0], $0xffff;
	[tilespmem:v28+s29+$0x0] =	vst.idx.msk vm10, v56  }
0x200: {  	[tilespmem:v28+s30+$0x0] =	vst.idx.msk vm10, v14;
	v5 =	vsel vm12, v5, v63  }
0x201: {  	[tilespmem:v38+s29+$0x0] =	vst.idx.msk vm12, v26;
	v10 =	vadd.f32 v11, v5  }
0x202: {  	[tilespmem:v38+s30+$0x0] =	vst.idx.msk vm12, v8;
	v8 =	vld.idx.msk [tilespmem:v25+s25+$0x0], $0xffff  }
0x203: {  	[tilespmem:v36+s29+$0x0] =	vst.idx.msk vm7, v23;
	v10 =	vsel vm11, v11, v10  }
0x204: {  	[tilespmem:v36+s30+$0x0] =	vst.idx.msk vm7, v7;
	v7 =	vadd.f32 v6, v10  }
0x205: {  	[tilespmem:v40+s29+$0x0] =	vst.idx.msk vm11, v27;
	v11 =	vld.idx.msk [tilespmem:v59+s25+$0x0], $0xffff  }
0x206: {  	[tilespmem:v40+s30+$0x0] =	vst.idx.msk vm11, v5;
	v5 =	vsel vm8, v6, v7  }
0x207: {  	[tilespmem:v60+s29+$0x0] =	vst.idx.msk vm2, v19;
	v6 =	vadd.f32 v8, v5  }
0x208: {  	[tilespmem:v60+s30+$0x0] =	vst.idx.msk vm2, v13;
	v7 =	vld.idx.msk [tilespmem:v29+s25+$0x0], $0xffff  }
0x209: {  	[tilespmem:v42+s29+$0x0] =	vst.idx.msk vm8, v31;
	v6 =	vsel vm6, v8, v6  }
0x20a: {  	[tilespmem:v43+s29+$0x0] =	vst.idx.msk vm6, v34;
	v8 =	vadd.f32 v11, v6  }
0x20b: {  	[tilespmem:v42+s30+$0x0] =	vst.idx.msk vm8, v10;
	v10 =	vld.idx.msk [tilespmem:v32+s25+$0x0], $0xffff  }
0x20c: {  	[tilespmem:v43+s30+$0x0] =	vst.idx.msk vm6, v5;
	v5 =	vsel vm3, v11, v8;
	s7 =	spop (v2sf)  }
0x20d: {  	[tilespmem:v45+s29+$0x0] =	vst.idx.msk vm3, v61;
	v8 =	vadd.f32 v7, v5;
	s4 =	sxor.u32 $0x80000000, s7  }
0x20e: {  	[tilespmem:v46+s29+$0x0] =	vst.idx.msk vm9, v37;
	p0 =	slt.s32 s4, $0x1  }
.Ltmp12:
0x20f: {  	[tilespmem:v46+s30+$0x0] =	vst.idx.msk vm9, v5;
	v5 =	vsel vm9, v7, v8;
	(pc) =	sbr.rel @p0 .LBB2_21-.Ltmp12, $4  }
0x210: {  	[tilespmem:v45+s30+$0x0] =	vst.idx.msk vm3, v6;
	v6 =	vadd.f32 v10, v5  }
0x211: {  	[tilespmem:v47+s29+$0x0] =	vst.idx.msk vm4, v39  }
0x212: {  	[tilespmem:v47+s30+$0x0] =	vst.idx.msk vm4, v5;
	v5 =	vsel vm4, v10, v6  }
0x213: {  	s6 =	simm.s32 $0x0;
	[tilespmem:v41+s31+$0x0] =	vst.idx.add.f32.msk $0xffff, v5  }
0x214: {  	v6 =	vadd.s32 s6, v2  }
0x215: {  	p0 =	sne.s32 s4, $0x1  }
.Ltmp13:
0x216: {  	_ = 	snop;
	(pc) =	sbr.rel @!p0 .LBB2_20-.Ltmp13, $3  }
0x217: {  	_ =	sdelay $0x1  }
0x218: {  	v5 =	vld.idx.msk [tilespmem:v6+s29+$0x0], $0xffff  }
0x219: {  	s5 =	simm.s32 $0x1;
	v7 =	vmov s6  }
.LBB2_19:
0x21a: {  	v8 =	vld.idx.msk [tilespmem:v6+s30+$0x0], $0xffff;
	vm0 =	vlt.s32 v7, v9;
	s6 =	smov.u32 s5;
	s5 =	sadd.s32 $0x1, s5  }
0x21b: {  	p0 =	sne.s32 s4, s5  }
0x21c: {  	v6 =	vadd.s32 s6, v2;
	_ =	sdelay $0x1  }
.Ltmp14:
0x21d: {  	(pc) =	sbr.rel @p0 .LBB2_19-.Ltmp14, $4  }
0x21e: {  	_ = 	snop  }
0x21f: {  	[tilespmem:v5+s31+$0x0] =	vst.idx.add.f32.msk vm0, v8  }
0x220: {  	v5 =	vld.idx.msk [tilespmem:v6+s29+$0x0], $0xffff  }
0x221: {  	v7 =	vmov s6  }
.LBB2_20:
0x222: {  	_ =	sdelay $0x2  }
0x223: {  	vm0 =	vlt.s32 v7, v9  }
0x224: {  	v6 =	vld.idx.msk [tilespmem:v6+s30+$0x0], $0xffff;
	_ =	sdelay $0x4  }
0x225: {  	[tilespmem:v5+s31+$0x0] =	vst.idx.add.f32.msk vm0, v6  }
.LBB2_21:
0x226: {  	_ =	swait.ge [sflag:s1], $0x2710  }
0x227: {  	[sflag:s1] =	ssyncset.done $0x0  }
0x228: {  	[sflag:s1] =	ssyncadd.s32 $0xFFFFD8F0  }
0x229: {  	_ =	swait.ge [sflag:s1], $0x2710  }
0x22a: {  	[sflag:s1] =	ssyncset.done $0x0  }
0x22b: {  	s4 =	simm.s32 $0x1;
	[sflag:s1] =	ssyncadd.s32 $0xFFFFD8F0  }
0x22c: {  	v5 =	vadd.s32 s4, v2;
	[tilespmem:s2], [sflag:$0x1] =	stream.linear.gather [hbm4b:s11+s2], $0x2710, $0x38;
	[tilespmem:$0x11480] =	vst v63  }
0x22d: {  	s6 =	simm.s32 $0x2  }
0x22e: {  	v7 =	vadd.s32 s6, v2;
	[tilespmem:s25], [sflag:$0x1] =	stream.linear.gather [hbm4b:s12+s2], $0x2710, $0x38;
	[tilespmem:$0x11480] =	vst v63  }
0x22f: {  	s7 =	simm.s32 $0x3;
	v6 =	vld.idx.msk [tilespmem:v2+s26+$0x0], $0xffff  }
0x230: {  	v10 =	vadd.s32 s7, v2;
	v8 =	vld.idx.msk [tilespmem:v2+s28+$0x0], $0xffff  }
0x231: {  	v9 =	vld.idx.msk [tilespmem:v5+s28+$0x0], $0xffff  }
0x232: {  	v5 =	vld.idx.msk [tilespmem:v5+s26+$0x0], $0xffff  }
0x233: {  	s5 =	simm.s32 $0x4;
	v11 =	vld.idx.msk [tilespmem:v7+s28+$0x0], $0xffff  }
0x234: {  	v12 =	vadd.s32 s5, v2;
	v7 =	vld.idx.msk [tilespmem:v7+s26+$0x0], $0xffff  }
0x235: {  	v15 =	vld.idx.msk [tilespmem:v10+s28+$0x0], $0xffff  }
0x236: {  	s6 =	simm.s32 $0x5;
	v10 =	vld.idx.msk [tilespmem:v10+s26+$0x0], $0xffff  }
0x237: {  	v14 =	vadd.s32 s6, v2;
	v13 =	vadd.f32 v9, v8  }
0x238: {  	s5 =	simm.s32 $0x7;
	vm0 =	vne.s32 v5, v6  }
0x239: {  	v17 =	vadd.s32 s5, v2;
	v18 =	vld.idx.msk [tilespmem:v12+s28+$0x0], $0xffff;
	v9 =	vsel vm0, v9, v13  }
0x23a: {  	s7 =	simm.s32 $0x6;
	v12 =	vld.idx.msk [tilespmem:v12+s26+$0x0], $0xffff;
	v16 =	vadd.f32 v11, v9  }
0x23b: {  	vm1 =	vne.s32 v7, v5;
	vm3 =	vne.s32 v10, v7;
	v13 =	vadd.s32 s7, v2  }
0x23c: {  	v19 =	vld.idx.msk [tilespmem:v14+s26+$0x0], $0xffff;
	v21 =	vsel vm0, $0x1, v3;
	v24 =	vsel vm1, $0x1, v3;
	s7 =	simm.s32 $0x9;
	v11 =	vsel vm1, v11, v16  }
0x23d: {  	v14 =	vld.idx.msk [tilespmem:v14+s28+$0x0], $0xffff;
	v21 =	vadd.s32 v21, v2;
	v22 =	vadd.s32 s7, v2;
	v20 =	vadd.f32 v15, v11  }
0x23e: {  	s6 =	simm.s32 $0x8;
	v53 =	vld.idx.msk [tilespmem:v17+s26+$0x0], $0xffff;
	v24 =	vadd.s32 v24, v21  }
0x23f: {  	v17 =	vld.idx.msk [tilespmem:v17+s28+$0x0], $0xffff;
	vm5 =	vne.s32 v12, v10;
	v16 =	vadd.s32 s6, v2;
	v15 =	vsel vm3, v15, v20  }
0x240: {  	s5 =	simm.s32 $0xA;
	v25 =	vsel vm3, $0x1, v3;
	[tilespmem:v2+s29+$0x0] =	vst.idx.msk vm0, v6;
	v23 =	vld.idx.msk [tilespmem:v13+s26+$0x0], $0xffff;
	v26 =	vadd.f32 v18, v15  }
0x241: {  	v28 =	vadd.s32 s5, v2;
	v6 =	vadd.s32 v25, v24;
	v13 =	vld.idx.msk [tilespmem:v13+s28+$0x0], $0xffff;
	[tilespmem:v2+s30+$0x0] =	vst.idx.msk vm0, v8;
	v8 =	vsel vm5, $0x1, v3  }
0x242: {  	vm0 =	vne.s32 v19, v12;
	[tilespmem:v21+s29+$0x0] =	vst.idx.msk vm1, v5;
	v55 =	vld.idx.msk [tilespmem:v22+s26+$0x0], $0xffff;
	v18 =	vsel vm5, v18, v26  }
0x243: {  	v8 =	vadd.s32 v8, v6;
	v5 =	vsel vm0, $0x1, v3;
	[tilespmem:v24+s29+$0x0] =	vst.idx.msk vm3, v7;
	v27 =	vadd.f32 v14, v18  }
0x244: {  	s6 =	simm.s32 $0xB;
	[tilespmem:v21+s30+$0x0] =	vst.idx.msk vm1, v9;
	v5 =	vadd.s32 v5, v8;
	v54 =	vld.idx.msk [tilespmem:v16+s26+$0x0], $0xffff  }
0x245: {  	[tilespmem:v24+s30+$0x0] =	vst.idx.msk vm3, v11;
	v11 =	vadd.s32 s6, v2;
	vm2 =	vne.s32 v23, v19;
	v14 =	vsel vm0, v14, v27  }
0x246: {  	s7 =	simm.s32 $0xC;
	v9 =	vld.idx.msk [tilespmem:v28+s26+$0x0], $0xffff;
	vm4 =	vne.s32 v53, v23;
	v7 =	vsel vm2, $0x1, v3;
	v56 =	vadd.f32 v13, v14  }
0x247: {  	s5 =	simm.s32 $0xD;
	[tilespmem:v6+s29+$0x0] =	vst.idx.msk vm5, v10;
	v10 =	vld.idx.msk [tilespmem:v16+s28+$0x0], $0xffff;
	v16 =	vadd.s32 s7, v2;
	v7 =	vadd.s32 v7, v5  }
0x248: {  	v59 =	vadd.s32 s5, v2;
	v58 =	vld.idx.msk [tilespmem:v22+s28+$0x0], $0xffff;
	[tilespmem:v6+s30+$0x0] =	vst.idx.msk vm5, v15;
	v6 =	vsel vm2, v13, v56  }
0x249: {  	v57 =	vsel vm4, $0x1, v3;
	[tilespmem:v8+s29+$0x0] =	vst.idx.msk vm0, v12;
	vm14 =	vne.s32 v54, v53;
	v13 =	vadd.f32 v17, v6  }
0x24a: {  	[tilespmem:v8+s30+$0x0] =	vst.idx.msk vm0, v18;
	vm3 =	vne.s32 v55, v54;
	v12 =	vadd.s32 v57, v7;
	v15 =	vsel vm14, $0x1, v3  }
0x24b: {  	v60 =	vld.idx.msk [tilespmem:v11+s26+$0x0], $0xffff;
	v15 =	vadd.s32 v15, v12;
	[tilespmem:v5+s29+$0x0] =	vst.idx.msk vm2, v19;
	v13 =	vsel vm4, v17, v13  }
0x24c: {  	v61 =	vld.idx.msk [tilespmem:v16+s26+$0x0], $0xffff;
	[tilespmem:v7+s29+$0x0] =	vst.idx.msk vm4, v23;
	v62 =	vadd.f32 v10, v13  }
0x24d: {  	vm1 =	vne.s32 v9, v55;
	v17 =	vsel vm3, $0x1, v3;
	[tilespmem:v7+s30+$0x0] =	vst.idx.msk vm4, v6;
	v6 =	vld.idx.msk [tilespmem:v28+s28+$0x0], $0xffff  }
0x24e: {  	[tilespmem:v5+s30+$0x0] =	vst.idx.msk vm2, v14;
	v5 =	vld.idx.msk [tilespmem:v59+s26+$0x0], $0xffff;
	v17 =	vadd.s32 v17, v15;
	v7 =	vsel vm14, v10, v62  }
0x24f: {  	[tilespmem:v12+s29+$0x0] =	vst.idx.msk vm14, v53;
	v10 =	vsel vm1, $0x1, v3;
	v14 =	vadd.f32 v58, v7  }
0x250: {  	vm2 =	vne.s32 v60, v9;
	[tilespmem:v15+s29+$0x0] =	vst.idx.msk vm3, v54;
	v63 =	vadd.s32 v10, v17;
	v10 =	vld.idx.msk [tilespmem:v11+s28+$0x0], $0xffff  }
0x251: {  	s4 =	simm.s32 $0xE;
	vm15 =	vne.s32 v61, v60;
	[tilespmem:v12+s30+$0x0] =	vst.idx.msk vm14, v13;
	v12 =	vsel vm2, $0x1, v3;
	v11 =	vsel vm3, v58, v14  }
0x252: {  	[tilespmem:v15+s30+$0x0] =	vst.idx.msk vm3, v7;
	v13 =	vadd.s32 v12, v63;
	v14 =	vadd.s32 s4, v2;
	v7 =	vadd.f32 v6, v11  }
0x253: {  	s5 =	simm.s32 $0xF;
	v8 =	vld.idx.msk [tilespmem:v16+s28+$0x0], $0xffff;
	vm0 =	vne.s32 v5, v61;
	[tilespmem:v17+s29+$0x0] =	vst.idx.msk vm1, v55  }
0x254: {  	[tilespmem:v17+s30+$0x0] =	vst.idx.msk vm1, v11;
	v17 =	vadd.s32 s5, v2;
	v15 =	vsel vm1, v6, v7;
	v6 =	vsel vm15, $0x1, v3  }
0x255: {  	v7 =	vadd.f32 v10, v15;
	v16 =	vadd.s32 v6, v13  }
0x256: {  	v12 =	vld.idx.msk [tilespmem:v59+s28+$0x0], $0xffff;
	[tilespmem:v63+s29+$0x0] =	vst.idx.msk vm2, v9  }
0x257: {  	s6 =	simm.s32 $0x10;
	[tilespmem:v13+s29+$0x0] =	vst.idx.msk vm15, v60;
	v6 =	vsel vm2, v10, v7;
	v10 =	vld.idx.msk [tilespmem:v14+s28+$0x0], $0xffff  }
0x258: {  	[tilespmem:v13+s30+$0x0] =	vst.idx.msk vm15, v6;
	v9 =	vadd.f32 v8, v6;
	v6 =	vld.idx.msk [tilespmem:v14+s26+$0x0], $0xffff;
	v14 =	vadd.s32 s6, v2  }
0x259: {  	s7 =	simm.s32 $0x11;
	[tilespmem:v63+s30+$0x0] =	vst.idx.msk vm2, v15;
	v7 =	vsel vm0, $0x1, v3;
	v11 =	vld.idx.msk [tilespmem:v17+s28+$0x0], $0xffff  }
0x25a: {  	v7 =	vadd.s32 v7, v16;
	s6 =	simm.s32 $0x12;
	v13 =	vadd.s32 s7, v2;
	v8 =	vsel vm15, v8, v9;
	[tilespmem:v16+s29+$0x0] =	vst.idx.msk vm0, v61  }
0x25b: {  	s5 =	simm.s32 $0x1B;
	v9 =	vadd.s32 s6, v2;
	s6 =	simm.s32 $0x13;
	[tilespmem:v16+s30+$0x0] =	vst.idx.msk vm0, v8;
	v15 =	vadd.f32 v12, v8;
	v8 =	vld.idx.msk [tilespmem:v17+s26+$0x0], $0xffff  }
.LBB2_22:
0x25c: {  	p0 =	slt.u32 s5, $0x264  }
0x25d: {  	v16 =	vld.idx.msk [tilespmem:v14+s26+$0x0], $0xffff;
	v17 =	vadd.s32 s6, v2;
	s7 =	sadd.s32 $0x6, s4;
	v12 =	vsel vm0, v12, v15;
	s6 =	smov.u32 s5;
	s5 =	sadd.s32 $0xD, s5  }
0x25e: {  	v15 =	vadd.f32 v10, v12;
	v14 =	vld.idx.msk [tilespmem:v14+s28+$0x0], $0xffff;
	v18 =	vadd.s32 s7, v2;
	s7 =	sadd.s32 $0x7, s4  }
0x25f: {  	vm0 =	vne.s32 v6, v5;
	v19 =	vld.idx.msk [tilespmem:v13+s26+$0x0], $0xffff;
	v20 =	vadd.s32 s7, v2  }
0x260: {  	v21 =	vsel vm0, $0x1, v3;
	s7 =	sadd.s32 $0x8, s4;
	v10 =	vsel vm0, v10, v15;
	v13 =	vld.idx.msk [tilespmem:v13+s28+$0x0], $0xffff  }
0x261: {  	v23 =	vadd.s32 s7, v2;
	v15 =	vadd.f32 v11, v10;
	v22 =	vld.idx.msk [tilespmem:v9+s26+$0x0], $0xffff  }
0x262: {  	v21 =	vadd.s32 v21, v7;
	vm1 =	vne.s32 v8, v6;
	v24 =	vld.idx.msk [tilespmem:v17+s26+$0x0], $0xffff  }
0x263: {  	v25 =	vsel vm1, $0x1, v3;
	vm4 =	vne.s32 v16, v8;
	v11 =	vsel vm1, v11, v15;
	v15 =	vld.idx.msk [tilespmem:v18+s26+$0x0], $0xffff  }
0x264: {  	v25 =	vadd.s32 v25, v21;
	v26 =	vsel vm4, $0x1, v3;
	v27 =	vadd.f32 v14, v11;
	v9 =	vld.idx.msk [tilespmem:v9+s28+$0x0], $0xffff  }
0x265: {  	vm2 =	vne.s32 v19, v16;
	[tilespmem:v7+s29+$0x0] =	vst.idx.msk vm0, v5;
	v5 =	vadd.s32 v26, v25;
	v26 =	vld.idx.msk [tilespmem:v20+s26+$0x0], $0xffff  }
0x266: {  	s7 =	sadd.s32 $0x9, s4;
	[tilespmem:v7+s30+$0x0] =	vst.idx.msk vm0, v12;
	v7 =	vsel vm4, v14, v27;
	v12 =	vsel vm2, $0x1, v3;
	v14 =	vld.idx.msk [tilespmem:v23+s26+$0x0], $0xffff  }
0x267: {  	vm0 =	vne.s32 v22, v19;
	v12 =	vadd.s32 v12, v5;
	v27 =	vadd.f32 v13, v7;
	v17 =	vld.idx.msk [tilespmem:v17+s28+$0x0], $0xffff  }
0x268: {  	v28 =	vadd.s32 s7, v2;
	vm3 =	vne.s32 v24, v22;
	[tilespmem:v21+s29+$0x0] =	vst.idx.msk vm1, v6;
	v6 =	vsel vm0, $0x1, v3;
	v18 =	vld.idx.msk [tilespmem:v18+s28+$0x0], $0xffff  }
0x269: {  	vm5 =	vne.s32 v15, v24;
	[tilespmem:v25+s29+$0x0] =	vst.idx.msk vm4, v8;
	v8 =	vsel vm2, v13, v27;
	v13 =	vsel vm3, $0x1, v3  }
0x26a: {  	v6 =	vadd.s32 v6, v12;
	[tilespmem:v25+s30+$0x0] =	vst.idx.msk vm4, v11;
	v11 =	vadd.f32 v9, v8;
	v25 =	vsel vm5, $0x1, v3  }
0x26b: {  	s7 =	sadd.s32 $0xA, s4;
	v13 =	vadd.s32 v13, v6;
	vm4 =	vne.s32 v26, v15;
	[tilespmem:v5+s29+$0x0] =	vst.idx.msk vm2, v16;
	v16 =	vld.idx.msk [tilespmem:v20+s28+$0x0], $0xffff  }
0x26c: {  	[tilespmem:v5+s30+$0x0] =	vst.idx.msk vm2, v7;
	v5 =	vsel vm0, v9, v11;
	vm2 =	vne.s32 v14, v26;
	v7 =	vadd.s32 s7, v2;
	s7 =	sadd.s32 $0xB, s4  }
0x26d: {  	[tilespmem:v21+s30+$0x0] =	vst.idx.msk vm1, v10;
	v9 =	vadd.f32 v17, v5;
	v10 =	vsel vm2, $0x1, v3;
	v11 =	vld.idx.msk [tilespmem:v28+s26+$0x0], $0xffff;
	v20 =	vadd.s32 s7, v2  }
0x26e: {  	v21 =	vsel vm4, $0x1, v3;
	[tilespmem:v12+s29+$0x0] =	vst.idx.msk vm0, v19;
	v19 =	vadd.s32 v25, v13  }
0x26f: {  	s7 =	sadd.s32 $0xC, s4;
	s4 =	smov.u32 s6;
	[tilespmem:v6+s29+$0x0] =	vst.idx.msk vm3, v22;
	v9 =	vsel vm3, v17, v9;
	v17 =	vadd.s32 v21, v19;
	v21 =	vld.idx.msk [tilespmem:v23+s28+$0x0], $0xffff  }
0x270: {  	v23 =	vadd.s32 s7, v2;
	[tilespmem:v13+s29+$0x0] =	vst.idx.msk vm5, v24;
	v22 =	vadd.f32 v18, v9;
	v10 =	vadd.s32 v10, v17  }
0x271: {  	[tilespmem:v13+s30+$0x0] =	vst.idx.msk vm5, v9;
	v9 =	vld.idx.msk [tilespmem:v7+s26+$0x0], $0xffff  }
0x272: {  	[tilespmem:v6+s30+$0x0] =	vst.idx.msk vm3, v5;
	v5 =	vsel vm5, v18, v22;
	v18 =	vld.idx.msk [tilespmem:v20+s26+$0x0], $0xffff  }
0x273: {  	vm3 =	vne.s32 v11, v14;
	[tilespmem:v19+s29+$0x0] =	vst.idx.msk vm4, v15;
	v6 =	vadd.f32 v16, v5;
	v13 =	vld.idx.msk [tilespmem:v28+s28+$0x0], $0xffff  }
0x274: {  	v15 =	vsel vm3, $0x1, v3;
	[tilespmem:v17+s29+$0x0] =	vst.idx.msk vm2, v26  }
0x275: {  	v15 =	vadd.s32 v15, v10;
	[tilespmem:v19+s30+$0x0] =	vst.idx.msk vm4, v5;
	v6 =	vsel vm4, v16, v6;
	v5 =	vld.idx.msk [tilespmem:v23+s26+$0x0], $0xffff  }
0x276: {  	[tilespmem:v17+s30+$0x0] =	vst.idx.msk vm2, v6;
	v6 =	vadd.f32 v21, v6;
	v16 =	vld.idx.msk [tilespmem:v7+s28+$0x0], $0xffff  }
0x277: {  	vm1 =	vne.s32 v9, v11;
	[tilespmem:v12+s30+$0x0] =	vst.idx.msk vm0, v8  }
0x278: {  	v7 =	vsel vm1, $0x1, v3;
	v6 =	vsel vm2, v21, v6;
	vm2 =	vne.s32 v18, v9  }
0x279: {  	v17 =	vadd.s32 v7, v15;
	[tilespmem:v10+s29+$0x0] =	vst.idx.msk vm3, v14;
	v8 =	vadd.f32 v13, v6;
	v19 =	vld.idx.msk [tilespmem:v20+s28+$0x0], $0xffff  }
0x27a: {  	v20 =	vadd.s32 s4, v2;
	[tilespmem:v10+s30+$0x0] =	vst.idx.msk vm3, v6  }
0x27b: {  	v6 =	vsel vm2, $0x1, v3;
	vm0 =	vne.s32 v5, v18;
	v8 =	vsel vm3, v13, v8  }
0x27c: {  	s6 =	sadd.s32 $0x1, s4;
	v21 =	vadd.s32 v6, v17;
	v6 =	vsel vm0, $0x1, v3;
	v10 =	vadd.f32 v16, v8;
	v12 =	vld.idx.msk [tilespmem:v23+s28+$0x0], $0xffff  }
0x27d: {  	v22 =	vadd.s32 s6, v2;
	v7 =	vadd.s32 v6, v21;
	[tilespmem:v15+s29+$0x0] =	vst.idx.msk vm1, v11  }
0x27e: {  	s6 =	sadd.s32 $0x2, s4;
	v6 =	vsel vm1, v16, v10;
	[tilespmem:v17+s29+$0x0] =	vst.idx.msk vm2, v9  }
.Ltmp15:
0x27f: {  	v14 =	vadd.s32 s6, v2;
	v10 =	vld.idx.msk [tilespmem:v20+s28+$0x0], $0xffff;
	[tilespmem:v17+s30+$0x0] =	vst.idx.msk vm2, v6;
	v9 =	vadd.f32 v19, v6;
	(pc) =	sbr.rel @p0 .LBB2_22-.Ltmp15, $4  }
0x280: {  	s6 =	sadd.s32 $0x3, s4;
	v6 =	vld.idx.msk [tilespmem:v20+s26+$0x0], $0xffff;
	[tilespmem:v15+s30+$0x0] =	vst.idx.msk vm1, v8  }
0x281: {  	v13 =	vadd.s32 s6, v2;
	s6 =	sadd.s32 $0x4, s4;
	v8 =	vsel vm2, v19, v9;
	[tilespmem:v21+s29+$0x0] =	vst.idx.msk vm0, v18  }
0x282: {  	v9 =	vadd.s32 s6, v2;
	v11 =	vld.idx.msk [tilespmem:v22+s28+$0x0], $0xffff;
	[tilespmem:v21+s30+$0x0] =	vst.idx.msk vm0, v8;
	v15 =	vadd.f32 v12, v8  }
0x283: {  	s6 =	sadd.s32 $0x5, s4;
	v8 =	vld.idx.msk [tilespmem:v22+s26+$0x0], $0xffff  }
0x284: {  	_ =	sdelay $0x2  }
0x285: {  	v16 =	vadd.s32 s6, v2;
	s5 =	sadd.s32 $0x6, s4  }
0x286: {  	v56 =	vld.idx.msk [tilespmem:v14+s26+$0x0], $0xffff;
	s7 =	sadd.s32 $0x7, s4;
	v18 =	vadd.s32 s5, v2  }
0x287: {  	v12 =	vsel vm0, v12, v15;
	v19 =	vld.idx.msk [tilespmem:v13+s26+$0x0], $0xffff;
	s6 =	sadd.s32 $0x8, s4;
	v20 =	vadd.s32 s7, v2  }
0x288: {  	v23 =	vld.idx.msk [tilespmem:v9+s26+$0x0], $0xffff;
	v17 =	vadd.f32 v10, v12;
	vm1 =	vne.s32 v6, v5;
	v22 =	vadd.s32 s6, v2;
	s7 =	sadd.s32 $0x9, s4;
	s6 =	sadd.s32 $0xA, s4  }
0x289: {  	v21 =	vsel vm1, $0x1, v3;
	v25 =	vadd.s32 s7, v2;
	v59 =	vadd.s32 s6, v2;
	s7 =	sadd.s32 $0xB, s4  }
0x28a: {  	s6 =	sadd.s32 $0xC, s4;
	v10 =	vsel vm1, v10, v17;
	v21 =	vadd.s32 v21, v7;
	v29 =	vadd.s32 s7, v2;
	v26 =	vld.idx.msk [tilespmem:v16+s26+$0x0], $0xffff  }
0x28b: {  	v32 =	vadd.s32 s6, v2;
	v17 =	vadd.f32 v11, v10;
	vm0 =	vne.s32 v8, v6;
	v27 =	vld.idx.msk [tilespmem:v18+s26+$0x0], $0xffff  }
0x28c: {  	v24 =	vsel vm0, $0x1, v3;
	vm5 =	vne.s32 v56, v8;
	vm10 =	vne.s32 v19, v56;
	v31 =	vld.idx.msk [tilespmem:v20+s26+$0x0], $0xffff  }
0x28d: {  	vm2 =	vne.s32 v23, v19;
	v24 =	vadd.s32 v24, v21;
	v28 =	vsel vm5, $0x1, v3;
	v34 =	vld.idx.msk [tilespmem:v22+s26+$0x0], $0xffff  }
0x28e: {  	v11 =	vsel vm0, v11, v17;
	v33 =	vsel vm10, $0x1, v3;
	v28 =	vadd.s32 v28, v24;
	v61 =	vld.idx.msk [tilespmem:v25+s26+$0x0], $0xffff  }
0x28f: {  	v36 =	vsel vm2, $0x1, v3;
	v37 =	vld.idx.msk [tilespmem:v59+s26+$0x0], $0xffff;
	v60 =	vadd.s32 v33, v28;
	vm7 =	vne.s32 v26, v23  }
0x290: {  	v39 =	vld.idx.msk [tilespmem:v29+s26+$0x0], $0xffff;
	v36 =	vadd.s32 v36, v60;
	v38 =	vsel vm7, $0x1, v3;
	vm12 =	vne.s32 v27, v26  }
0x291: {  	v41 =	vld.idx.msk [tilespmem:v32+s26+$0x0], $0xffff;
	vm11 =	vne.s32 v31, v27;
	v40 =	vsel vm12, $0x1, v3;
	v38 =	vadd.s32 v38, v36  }
0x292: {  	v57 =	vld.idx.msk [tilespmem:v14+s28+$0x0], $0xffff;
	vm8 =	vne.s32 v34, v31;
	v42 =	vsel vm11, $0x1, v3;
	v40 =	vadd.s32 v40, v38  }
0x293: {  	v43 =	vsel vm8, $0x1, v3;
	vm6 =	vne.s32 v61, v34;
	v42 =	vadd.s32 v42, v40  }
0x294: {  	v44 =	vld.idx.msk [tilespmem:v9+s28+$0x0], $0xffff;
	vm3 =	vne.s32 v37, v61;
	v9 =	vsel vm6, $0x1, v3;
	v43 =	vadd.s32 v43, v42  }
0x295: {  	v58 =	vld.idx.msk [tilespmem:v13+s28+$0x0], $0xffff;
	vm9 =	vne.s32 v39, v37;
	v45 =	vadd.s32 v9, v43;
	v9 =	vsel vm3, $0x1, v3  }
0x296: {  	vm4 =	vne.s32 v41, v39;
	v46 =	vadd.s32 v9, v45;
	v9 =	vsel vm9, $0x1, v3  }
0x297: {  	v30 =	vadd.f32 v57, v11;
	v47 =	vadd.s32 v9, v46;
	v9 =	vsel vm4, $0x1, v3  }
0x298: {  	v9 =	vadd.s32 v9, v47  }
0x299: {  	v14 =	vsel vm5, v57, v30;
	v9 =	vadd.s32 v4, v9  }
0x29a: {  	v35 =	vadd.f32 v58, v14;
	v62 =	vxor.u32 $0x80000000, v9  }
0x29b: {  	v16 =	vld.idx.msk [tilespmem:v16+s28+$0x0], $0xffff;
	(xrf0) =	vmax.scan.msk.u32 $0xffff, v62  }
0x29c: {  	[tilespmem:v7+s29+$0x0] =	vst.idx.msk vm1, v5;
	v13 =	vsel vm10, v58, v35  }
0x29d: {  	[tilespmem:v7+s30+$0x0] =	vst.idx.msk vm1, v12;
	v35 =	vadd.f32 v44, v13  }
0x29e: {  	v5 =	vld.idx.msk [tilespmem:v18+s28+$0x0], $0xffff;
	[tilespmem:v21+s29+$0x0] =	vst.idx.msk vm0, v6  }
0x29f: {  	[tilespmem:v24+s29+$0x0] =	vst.idx.msk vm5, v8;
	v7 =	vsel vm2, v44, v35  }
0x2a0: {  	[tilespmem:v21+s30+$0x0] =	vst.idx.msk vm0, v10;
	v8 =	vadd.f32 v16, v7  }
0x2a1: {  	[tilespmem:v24+s30+$0x0] =	vst.idx.msk vm5, v11;
	v11 =	vld.idx.msk [tilespmem:v20+s28+$0x0], $0xffff;
	v10, _, _ =	vpop (xrf0)  }
0x2a2: {  	v8 =	vsel vm7, v16, v8;
	(v2sf) =	vpush v10, $0xF  }
0x2a3: {  	v63 =	vadd.f32 v5, v8  }
0x2a4: {  	v6 =	vld.idx.msk [tilespmem:v22+s28+$0x0], $0xffff;
	[tilespmem:v28+s29+$0x0] =	vst.idx.msk vm10, v56  }
0x2a5: {  	[tilespmem:v28+s30+$0x0] =	vst.idx.msk vm10, v14;
	v5 =	vsel vm12, v5, v63  }
0x2a6: {  	[tilespmem:v38+s29+$0x0] =	vst.idx.msk vm12, v26;
	v10 =	vadd.f32 v11, v5  }
0x2a7: {  	[tilespmem:v38+s30+$0x0] =	vst.idx.msk vm12, v8;
	v8 =	vld.idx.msk [tilespmem:v25+s28+$0x0], $0xffff  }
0x2a8: {  	[tilespmem:v36+s29+$0x0] =	vst.idx.msk vm7, v23;
	v10 =	vsel vm11, v11, v10  }
0x2a9: {  	[tilespmem:v36+s30+$0x0] =	vst.idx.msk vm7, v7;
	v7 =	vadd.f32 v6, v10  }
0x2aa: {  	[tilespmem:v40+s29+$0x0] =	vst.idx.msk vm11, v27;
	v11 =	vld.idx.msk [tilespmem:v59+s28+$0x0], $0xffff  }
0x2ab: {  	[tilespmem:v40+s30+$0x0] =	vst.idx.msk vm11, v5;
	v5 =	vsel vm8, v6, v7  }
0x2ac: {  	[tilespmem:v60+s29+$0x0] =	vst.idx.msk vm2, v19;
	v6 =	vadd.f32 v8, v5  }
0x2ad: {  	[tilespmem:v60+s30+$0x0] =	vst.idx.msk vm2, v13;
	v7 =	vld.idx.msk [tilespmem:v29+s28+$0x0], $0xffff  }
0x2ae: {  	[tilespmem:v42+s29+$0x0] =	vst.idx.msk vm8, v31;
	v6 =	vsel vm6, v8, v6  }
0x2af: {  	[tilespmem:v43+s29+$0x0] =	vst.idx.msk vm6, v34;
	v8 =	vadd.f32 v11, v6  }
0x2b0: {  	[tilespmem:v42+s30+$0x0] =	vst.idx.msk vm8, v10;
	v10 =	vld.idx.msk [tilespmem:v32+s28+$0x0], $0xffff  }
0x2b1: {  	[tilespmem:v43+s30+$0x0] =	vst.idx.msk vm6, v5;
	v5 =	vsel vm3, v11, v8;
	s7 =	spop (v2sf)  }
0x2b2: {  	[tilespmem:v45+s29+$0x0] =	vst.idx.msk vm3, v61;
	v8 =	vadd.f32 v7, v5;
	s4 =	sxor.u32 $0x80000000, s7  }
0x2b3: {  	[tilespmem:v46+s29+$0x0] =	vst.idx.msk vm9, v37;
	p0 =	slt.s32 s4, $0x1  }
.Ltmp16:
0x2b4: {  	[tilespmem:v46+s30+$0x0] =	vst.idx.msk vm9, v5;
	v5 =	vsel vm9, v7, v8;
	(pc) =	sbr.rel @p0 .LBB2_27-.Ltmp16, $4  }
0x2b5: {  	[tilespmem:v45+s30+$0x0] =	vst.idx.msk vm3, v6;
	v6 =	vadd.f32 v10, v5  }
0x2b6: {  	[tilespmem:v47+s29+$0x0] =	vst.idx.msk vm4, v39  }
0x2b7: {  	[tilespmem:v47+s30+$0x0] =	vst.idx.msk vm4, v5;
	v5 =	vsel vm4, v10, v6  }
0x2b8: {  	s6 =	simm.s32 $0x0;
	[tilespmem:v41+s31+$0x0] =	vst.idx.add.f32.msk $0xffff, v5  }
0x2b9: {  	v6 =	vadd.s32 s6, v2  }
0x2ba: {  	p0 =	sne.s32 s4, $0x1  }
.Ltmp17:
0x2bb: {  	_ = 	snop;
	(pc) =	sbr.rel @!p0 .LBB2_26-.Ltmp17, $3  }
0x2bc: {  	_ =	sdelay $0x1  }
0x2bd: {  	v5 =	vld.idx.msk [tilespmem:v6+s29+$0x0], $0xffff  }
0x2be: {  	s5 =	simm.s32 $0x1;
	v7 =	vmov s6  }
.LBB2_25:
0x2bf: {  	v8 =	vld.idx.msk [tilespmem:v6+s30+$0x0], $0xffff;
	vm0 =	vlt.s32 v7, v9;
	s6 =	smov.u32 s5;
	s5 =	sadd.s32 $0x1, s5  }
0x2c0: {  	p0 =	sne.s32 s4, s5  }
0x2c1: {  	v6 =	vadd.s32 s6, v2;
	_ =	sdelay $0x1  }
.Ltmp18:
0x2c2: {  	(pc) =	sbr.rel @p0 .LBB2_25-.Ltmp18, $4  }
0x2c3: {  	_ = 	snop  }
0x2c4: {  	[tilespmem:v5+s31+$0x0] =	vst.idx.add.f32.msk vm0, v8  }
0x2c5: {  	v5 =	vld.idx.msk [tilespmem:v6+s29+$0x0], $0xffff  }
0x2c6: {  	v7 =	vmov s6  }
.LBB2_26:
0x2c7: {  	_ =	sdelay $0x2  }
0x2c8: {  	vm0 =	vlt.s32 v7, v9  }
0x2c9: {  	v6 =	vld.idx.msk [tilespmem:v6+s30+$0x0], $0xffff;
	_ =	sdelay $0x4  }
0x2ca: {  	[tilespmem:v5+s31+$0x0] =	vst.idx.add.f32.msk vm0, v6  }
.LBB2_27:
0x2cb: {  	s4 =	simm.s32 $0x1  }
0x2cc: {  	_ =	swait.ge [sflag:s4], $0x2710  }
0x2cd: {  	[sflag:s4] =	ssyncset.done $0x0  }
0x2ce: {  	[sflag:s4] =	ssyncadd.s32 $0xFFFFD8F0  }
0x2cf: {  	_ =	swait.ge [sflag:s4], $0x2710  }
0x2d0: {  	[sflag:s4] =	ssyncset.done $0x0  }
0x2d1: {  	[sflag:s4] =	ssyncadd.s32 $0xFFFFD8F0  }
0x2d2: {  	v5 =	vadd.s32 s4, v2;
	[tilespmem:s26], [sflag:$0x2] =	stream.linear.gather [hbm4b:s13+s2], $0x2710, $0x38;
	[tilespmem:$0x11480] =	vst v63  }
0x2d3: {  	s6 =	simm.s32 $0x2  }
0x2d4: {  	v7 =	vadd.s32 s6, v2;
	[tilespmem:s28], [sflag:$0x2] =	stream.linear.gather [hbm4b:s14+s2], $0x2710, $0x38;
	[tilespmem:$0x11480] =	vst v63  }
0x2d5: {  	s7 =	simm.s32 $0x3;
	v6 =	vld.idx.msk [tilespmem:v2+s2+$0x0], $0xffff  }
0x2d6: {  	v10 =	vadd.s32 s7, v2;
	v8 =	vld.idx.msk [tilespmem:v2+s25+$0x0], $0xffff  }
0x2d7: {  	v9 =	vld.idx.msk [tilespmem:v5+s25+$0x0], $0xffff  }
0x2d8: {  	v5 =	vld.idx.msk [tilespmem:v5+s2+$0x0], $0xffff  }
0x2d9: {  	s5 =	simm.s32 $0x4;
	v11 =	vld.idx.msk [tilespmem:v7+s25+$0x0], $0xffff  }
0x2da: {  	v12 =	vadd.s32 s5, v2;
	v7 =	vld.idx.msk [tilespmem:v7+s2+$0x0], $0xffff  }
0x2db: {  	v15 =	vld.idx.msk [tilespmem:v10+s25+$0x0], $0xffff  }
0x2dc: {  	s6 =	simm.s32 $0x5;
	v10 =	vld.idx.msk [tilespmem:v10+s2+$0x0], $0xffff  }
0x2dd: {  	v14 =	vadd.s32 s6, v2;
	v13 =	vadd.f32 v9, v8  }
0x2de: {  	s5 =	simm.s32 $0x7;
	vm0 =	vne.s32 v5, v6  }
0x2df: {  	v17 =	vadd.s32 s5, v2;
	v18 =	vld.idx.msk [tilespmem:v12+s25+$0x0], $0xffff;
	v9 =	vsel vm0, v9, v13  }
0x2e0: {  	s7 =	simm.s32 $0x6;
	v12 =	vld.idx.msk [tilespmem:v12+s2+$0x0], $0xffff;
	v16 =	vadd.f32 v11, v9  }
0x2e1: {  	vm1 =	vne.s32 v7, v5;
	vm3 =	vne.s32 v10, v7;
	v13 =	vadd.s32 s7, v2  }
0x2e2: {  	v19 =	vld.idx.msk [tilespmem:v14+s2+$0x0], $0xffff;
	v21 =	vsel vm0, $0x1, v3;
	v24 =	vsel vm1, $0x1, v3;
	s7 =	simm.s32 $0x9;
	v11 =	vsel vm1, v11, v16  }
0x2e3: {  	v14 =	vld.idx.msk [tilespmem:v14+s25+$0x0], $0xffff;
	v21 =	vadd.s32 v21, v2;
	v22 =	vadd.s32 s7, v2;
	v20 =	vadd.f32 v15, v11  }
0x2e4: {  	s6 =	simm.s32 $0x8;
	v53 =	vld.idx.msk [tilespmem:v17+s2+$0x0], $0xffff;
	v24 =	vadd.s32 v24, v21  }
0x2e5: {  	v17 =	vld.idx.msk [tilespmem:v17+s25+$0x0], $0xffff;
	vm5 =	vne.s32 v12, v10;
	v16 =	vadd.s32 s6, v2;
	v15 =	vsel vm3, v15, v20  }
0x2e6: {  	s5 =	simm.s32 $0xA;
	v25 =	vsel vm3, $0x1, v3;
	[tilespmem:v2+s29+$0x0] =	vst.idx.msk vm0, v6;
	v23 =	vld.idx.msk [tilespmem:v13+s2+$0x0], $0xffff;
	v26 =	vadd.f32 v18, v15  }
0x2e7: {  	v28 =	vadd.s32 s5, v2;
	v6 =	vadd.s32 v25, v24;
	v13 =	vld.idx.msk [tilespmem:v13+s25+$0x0], $0xffff;
	[tilespmem:v2+s30+$0x0] =	vst.idx.msk vm0, v8;
	v8 =	vsel vm5, $0x1, v3  }
0x2e8: {  	vm0 =	vne.s32 v19, v12;
	[tilespmem:v21+s29+$0x0] =	vst.idx.msk vm1, v5;
	v55 =	vld.idx.msk [tilespmem:v22+s2+$0x0], $0xffff;
	v18 =	vsel vm5, v18, v26  }
0x2e9: {  	v8 =	vadd.s32 v8, v6;
	v5 =	vsel vm0, $0x1, v3;
	[tilespmem:v24+s29+$0x0] =	vst.idx.msk vm3, v7;
	v27 =	vadd.f32 v14, v18  }
0x2ea: {  	s6 =	simm.s32 $0xB;
	[tilespmem:v21+s30+$0x0] =	vst.idx.msk vm1, v9;
	v5 =	vadd.s32 v5, v8;
	v54 =	vld.idx.msk [tilespmem:v16+s2+$0x0], $0xffff  }
0x2eb: {  	[tilespmem:v24+s30+$0x0] =	vst.idx.msk vm3, v11;
	v11 =	vadd.s32 s6, v2;
	vm2 =	vne.s32 v23, v19;
	v14 =	vsel vm0, v14, v27  }
0x2ec: {  	s7 =	simm.s32 $0xC;
	v9 =	vld.idx.msk [tilespmem:v28+s2+$0x0], $0xffff;
	vm4 =	vne.s32 v53, v23;
	v7 =	vsel vm2, $0x1, v3;
	v56 =	vadd.f32 v13, v14  }
0x2ed: {  	s5 =	simm.s32 $0xD;
	[tilespmem:v6+s29+$0x0] =	vst.idx.msk vm5, v10;
	v10 =	vld.idx.msk [tilespmem:v16+s25+$0x0], $0xffff;
	v16 =	vadd.s32 s7, v2;
	v7 =	vadd.s32 v7, v5  }
0x2ee: {  	v59 =	vadd.s32 s5, v2;
	v58 =	vld.idx.msk [tilespmem:v22+s25+$0x0], $0xffff;
	[tilespmem:v6+s30+$0x0] =	vst.idx.msk vm5, v15;
	v6 =	vsel vm2, v13, v56  }
0x2ef: {  	v57 =	vsel vm4, $0x1, v3;
	[tilespmem:v8+s29+$0x0] =	vst.idx.msk vm0, v12;
	vm14 =	vne.s32 v54, v53;
	v13 =	vadd.f32 v17, v6  }
0x2f0: {  	[tilespmem:v8+s30+$0x0] =	vst.idx.msk vm0, v18;
	vm3 =	vne.s32 v55, v54;
	v12 =	vadd.s32 v57, v7;
	v15 =	vsel vm14, $0x1, v3  }
0x2f1: {  	v60 =	vld.idx.msk [tilespmem:v11+s2+$0x0], $0xffff;
	v15 =	vadd.s32 v15, v12;
	[tilespmem:v5+s29+$0x0] =	vst.idx.msk vm2, v19;
	v13 =	vsel vm4, v17, v13  }
0x2f2: {  	v61 =	vld.idx.msk [tilespmem:v16+s2+$0x0], $0xffff;
	[tilespmem:v7+s29+$0x0] =	vst.idx.msk vm4, v23;
	v62 =	vadd.f32 v10, v13  }
0x2f3: {  	vm1 =	vne.s32 v9, v55;
	v17 =	vsel vm3, $0x1, v3;
	[tilespmem:v7+s30+$0x0] =	vst.idx.msk vm4, v6;
	v6 =	vld.idx.msk [tilespmem:v28+s25+$0x0], $0xffff  }
0x2f4: {  	[tilespmem:v5+s30+$0x0] =	vst.idx.msk vm2, v14;
	v5 =	vld.idx.msk [tilespmem:v59+s2+$0x0], $0xffff;
	v17 =	vadd.s32 v17, v15;
	v7 =	vsel vm14, v10, v62  }
0x2f5: {  	[tilespmem:v12+s29+$0x0] =	vst.idx.msk vm14, v53;
	v10 =	vsel vm1, $0x1, v3;
	v14 =	vadd.f32 v58, v7  }
0x2f6: {  	vm2 =	vne.s32 v60, v9;
	[tilespmem:v15+s29+$0x0] =	vst.idx.msk vm3, v54;
	v63 =	vadd.s32 v10, v17;
	v10 =	vld.idx.msk [tilespmem:v11+s25+$0x0], $0xffff  }
0x2f7: {  	s4 =	simm.s32 $0xE;
	vm15 =	vne.s32 v61, v60;
	[tilespmem:v12+s30+$0x0] =	vst.idx.msk vm14, v13;
	v12 =	vsel vm2, $0x1, v3;
	v11 =	vsel vm3, v58, v14  }
0x2f8: {  	[tilespmem:v15+s30+$0x0] =	vst.idx.msk vm3, v7;
	v13 =	vadd.s32 v12, v63;
	v14 =	vadd.s32 s4, v2;
	v7 =	vadd.f32 v6, v11  }
0x2f9: {  	s5 =	simm.s32 $0xF;
	v8 =	vld.idx.msk [tilespmem:v16+s25+$0x0], $0xffff;
	vm0 =	vne.s32 v5, v61;
	[tilespmem:v17+s29+$0x0] =	vst.idx.msk vm1, v55  }
0x2fa: {  	[tilespmem:v17+s30+$0x0] =	vst.idx.msk vm1, v11;
	v17 =	vadd.s32 s5, v2;
	v15 =	vsel vm1, v6, v7;
	v6 =	vsel vm15, $0x1, v3  }
0x2fb: {  	v7 =	vadd.f32 v10, v15;
	v16 =	vadd.s32 v6, v13  }
0x2fc: {  	v12 =	vld.idx.msk [tilespmem:v59+s25+$0x0], $0xffff;
	[tilespmem:v63+s29+$0x0] =	vst.idx.msk vm2, v9  }
0x2fd: {  	s6 =	simm.s32 $0x10;
	[tilespmem:v13+s29+$0x0] =	vst.idx.msk vm15, v60;
	v6 =	vsel vm2, v10, v7;
	v10 =	vld.idx.msk [tilespmem:v14+s25+$0x0], $0xffff  }
0x2fe: {  	[tilespmem:v13+s30+$0x0] =	vst.idx.msk vm15, v6;
	v9 =	vadd.f32 v8, v6;
	v6 =	vld.idx.msk [tilespmem:v14+s2+$0x0], $0xffff;
	v14 =	vadd.s32 s6, v2  }
0x2ff: {  	s7 =	simm.s32 $0x11;
	[tilespmem:v63+s30+$0x0] =	vst.idx.msk vm2, v15;
	v7 =	vsel vm0, $0x1, v3;
	v11 =	vld.idx.msk [tilespmem:v17+s25+$0x0], $0xffff  }
0x300: {  	v7 =	vadd.s32 v7, v16;
	s6 =	simm.s32 $0x12;
	v13 =	vadd.s32 s7, v2;
	v8 =	vsel vm15, v8, v9;
	[tilespmem:v16+s29+$0x0] =	vst.idx.msk vm0, v61  }
0x301: {  	s5 =	simm.s32 $0x1B;
	v9 =	vadd.s32 s6, v2;
	s6 =	simm.s32 $0x13;
	[tilespmem:v16+s30+$0x0] =	vst.idx.msk vm0, v8;
	v15 =	vadd.f32 v12, v8;
	v8 =	vld.idx.msk [tilespmem:v17+s2+$0x0], $0xffff  }
.LBB2_28:
0x302: {  	p0 =	slt.u32 s5, $0x264  }
0x303: {  	v16 =	vld.idx.msk [tilespmem:v14+s2+$0x0], $0xffff;
	v17 =	vadd.s32 s6, v2;
	s7 =	sadd.s32 $0x6, s4;
	v12 =	vsel vm0, v12, v15;
	s6 =	smov.u32 s5;
	s5 =	sadd.s32 $0xD, s5  }
0x304: {  	v15 =	vadd.f32 v10, v12;
	v14 =	vld.idx.msk [tilespmem:v14+s25+$0x0], $0xffff;
	v18 =	vadd.s32 s7, v2;
	s7 =	sadd.s32 $0x7, s4  }
0x305: {  	vm0 =	vne.s32 v6, v5;
	v19 =	vld.idx.msk [tilespmem:v13+s2+$0x0], $0xffff;
	v20 =	vadd.s32 s7, v2  }
0x306: {  	v21 =	vsel vm0, $0x1, v3;
	s7 =	sadd.s32 $0x8, s4;
	v10 =	vsel vm0, v10, v15;
	v13 =	vld.idx.msk [tilespmem:v13+s25+$0x0], $0xffff  }
0x307: {  	v23 =	vadd.s32 s7, v2;
	v15 =	vadd.f32 v11, v10;
	v22 =	vld.idx.msk [tilespmem:v9+s2+$0x0], $0xffff  }
0x308: {  	v21 =	vadd.s32 v21, v7;
	vm1 =	vne.s32 v8, v6;
	v24 =	vld.idx.msk [tilespmem:v17+s2+$0x0], $0xffff  }
0x309: {  	v25 =	vsel vm1, $0x1, v3;
	vm4 =	vne.s32 v16, v8;
	v11 =	vsel vm1, v11, v15;
	v15 =	vld.idx.msk [tilespmem:v18+s2+$0x0], $0xffff  }
0x30a: {  	v25 =	vadd.s32 v25, v21;
	v26 =	vsel vm4, $0x1, v3;
	v27 =	vadd.f32 v14, v11;
	v9 =	vld.idx.msk [tilespmem:v9+s25+$0x0], $0xffff  }
0x30b: {  	vm2 =	vne.s32 v19, v16;
	[tilespmem:v7+s29+$0x0] =	vst.idx.msk vm0, v5;
	v5 =	vadd.s32 v26, v25;
	v26 =	vld.idx.msk [tilespmem:v20+s2+$0x0], $0xffff  }
0x30c: {  	s7 =	sadd.s32 $0x9, s4;
	[tilespmem:v7+s30+$0x0] =	vst.idx.msk vm0, v12;
	v7 =	vsel vm4, v14, v27;
	v12 =	vsel vm2, $0x1, v3;
	v14 =	vld.idx.msk [tilespmem:v23+s2+$0x0], $0xffff  }
0x30d: {  	vm0 =	vne.s32 v22, v19;
	v12 =	vadd.s32 v12, v5;
	v27 =	vadd.f32 v13, v7;
	v17 =	vld.idx.msk [tilespmem:v17+s25+$0x0], $0xffff  }
0x30e: {  	v28 =	vadd.s32 s7, v2;
	vm3 =	vne.s32 v24, v22;
	[tilespmem:v21+s29+$0x0] =	vst.idx.msk vm1, v6;
	v6 =	vsel vm0, $0x1, v3;
	v18 =	vld.idx.msk [tilespmem:v18+s25+$0x0], $0xffff  }
0x30f: {  	vm5 =	vne.s32 v15, v24;
	[tilespmem:v25+s29+$0x0] =	vst.idx.msk vm4, v8;
	v8 =	vsel vm2, v13, v27;
	v13 =	vsel vm3, $0x1, v3  }
0x310: {  	v6 =	vadd.s32 v6, v12;
	[tilespmem:v25+s30+$0x0] =	vst.idx.msk vm4, v11;
	v11 =	vadd.f32 v9, v8;
	v25 =	vsel vm5, $0x1, v3  }
0x311: {  	s7 =	sadd.s32 $0xA, s4;
	v13 =	vadd.s32 v13, v6;
	vm4 =	vne.s32 v26, v15;
	[tilespmem:v5+s29+$0x0] =	vst.idx.msk vm2, v16;
	v16 =	vld.idx.msk [tilespmem:v20+s25+$0x0], $0xffff  }
0x312: {  	[tilespmem:v5+s30+$0x0] =	vst.idx.msk vm2, v7;
	v5 =	vsel vm0, v9, v11;
	vm2 =	vne.s32 v14, v26;
	v7 =	vadd.s32 s7, v2;
	s7 =	sadd.s32 $0xB, s4  }
0x313: {  	[tilespmem:v21+s30+$0x0] =	vst.idx.msk vm1, v10;
	v9 =	vadd.f32 v17, v5;
	v10 =	vsel vm2, $0x1, v3;
	v11 =	vld.idx.msk [tilespmem:v28+s2+$0x0], $0xffff;
	v20 =	vadd.s32 s7, v2  }
0x314: {  	v21 =	vsel vm4, $0x1, v3;
	[tilespmem:v12+s29+$0x0] =	vst.idx.msk vm0, v19;
	v19 =	vadd.s32 v25, v13  }
0x315: {  	s7 =	sadd.s32 $0xC, s4;
	s4 =	smov.u32 s6;
	[tilespmem:v6+s29+$0x0] =	vst.idx.msk vm3, v22;
	v9 =	vsel vm3, v17, v9;
	v17 =	vadd.s32 v21, v19;
	v21 =	vld.idx.msk [tilespmem:v23+s25+$0x0], $0xffff  }
0x316: {  	v23 =	vadd.s32 s7, v2;
	[tilespmem:v13+s29+$0x0] =	vst.idx.msk vm5, v24;
	v22 =	vadd.f32 v18, v9;
	v10 =	vadd.s32 v10, v17  }
0x317: {  	[tilespmem:v13+s30+$0x0] =	vst.idx.msk vm5, v9;
	v9 =	vld.idx.msk [tilespmem:v7+s2+$0x0], $0xffff  }
0x318: {  	[tilespmem:v6+s30+$0x0] =	vst.idx.msk vm3, v5;
	v5 =	vsel vm5, v18, v22;
	v18 =	vld.idx.msk [tilespmem:v20+s2+$0x0], $0xffff  }
0x319: {  	vm3 =	vne.s32 v11, v14;
	[tilespmem:v19+s29+$0x0] =	vst.idx.msk vm4, v15;
	v6 =	vadd.f32 v16, v5;
	v13 =	vld.idx.msk [tilespmem:v28+s25+$0x0], $0xffff  }
0x31a: {  	v15 =	vsel vm3, $0x1, v3;
	[tilespmem:v17+s29+$0x0] =	vst.idx.msk vm2, v26  }
0x31b: {  	v15 =	vadd.s32 v15, v10;
	[tilespmem:v19+s30+$0x0] =	vst.idx.msk vm4, v5;
	v6 =	vsel vm4, v16, v6;
	v5 =	vld.idx.msk [tilespmem:v23+s2+$0x0], $0xffff  }
0x31c: {  	[tilespmem:v17+s30+$0x0] =	vst.idx.msk vm2, v6;
	v6 =	vadd.f32 v21, v6;
	v16 =	vld.idx.msk [tilespmem:v7+s25+$0x0], $0xffff  }
0x31d: {  	vm1 =	vne.s32 v9, v11;
	[tilespmem:v12+s30+$0x0] =	vst.idx.msk vm0, v8  }
0x31e: {  	v7 =	vsel vm1, $0x1, v3;
	v6 =	vsel vm2, v21, v6;
	vm2 =	vne.s32 v18, v9  }
0x31f: {  	v17 =	vadd.s32 v7, v15;
	[tilespmem:v10+s29+$0x0] =	vst.idx.msk vm3, v14;
	v8 =	vadd.f32 v13, v6;
	v19 =	vld.idx.msk [tilespmem:v20+s25+$0x0], $0xffff  }
0x320: {  	v20 =	vadd.s32 s4, v2;
	[tilespmem:v10+s30+$0x0] =	vst.idx.msk vm3, v6  }
0x321: {  	v6 =	vsel vm2, $0x1, v3;
	vm0 =	vne.s32 v5, v18;
	v8 =	vsel vm3, v13, v8  }
0x322: {  	s6 =	sadd.s32 $0x1, s4;
	v21 =	vadd.s32 v6, v17;
	v6 =	vsel vm0, $0x1, v3;
	v10 =	vadd.f32 v16, v8;
	v12 =	vld.idx.msk [tilespmem:v23+s25+$0x0], $0xffff  }
0x323: {  	v22 =	vadd.s32 s6, v2;
	v7 =	vadd.s32 v6, v21;
	[tilespmem:v15+s29+$0x0] =	vst.idx.msk vm1, v11  }
0x324: {  	s6 =	sadd.s32 $0x2, s4;
	v6 =	vsel vm1, v16, v10;
	[tilespmem:v17+s29+$0x0] =	vst.idx.msk vm2, v9  }
.Ltmp19:
0x325: {  	v14 =	vadd.s32 s6, v2;
	v10 =	vld.idx.msk [tilespmem:v20+s25+$0x0], $0xffff;
	[tilespmem:v17+s30+$0x0] =	vst.idx.msk vm2, v6;
	v9 =	vadd.f32 v19, v6;
	(pc) =	sbr.rel @p0 .LBB2_28-.Ltmp19, $4  }
0x326: {  	s6 =	sadd.s32 $0x3, s4;
	v6 =	vld.idx.msk [tilespmem:v20+s2+$0x0], $0xffff;
	[tilespmem:v15+s30+$0x0] =	vst.idx.msk vm1, v8  }
0x327: {  	v13 =	vadd.s32 s6, v2;
	s6 =	sadd.s32 $0x4, s4;
	v8 =	vsel vm2, v19, v9;
	[tilespmem:v21+s29+$0x0] =	vst.idx.msk vm0, v18  }
0x328: {  	v9 =	vadd.s32 s6, v2;
	v11 =	vld.idx.msk [tilespmem:v22+s25+$0x0], $0xffff;
	[tilespmem:v21+s30+$0x0] =	vst.idx.msk vm0, v8;
	v15 =	vadd.f32 v12, v8  }
0x329: {  	s6 =	sadd.s32 $0x5, s4;
	v8 =	vld.idx.msk [tilespmem:v22+s2+$0x0], $0xffff  }
0x32a: {  	_ =	sdelay $0x2  }
0x32b: {  	v16 =	vadd.s32 s6, v2;
	s5 =	sadd.s32 $0x6, s4  }
0x32c: {  	v56 =	vld.idx.msk [tilespmem:v14+s2+$0x0], $0xffff;
	s7 =	sadd.s32 $0x7, s4;
	v18 =	vadd.s32 s5, v2  }
0x32d: {  	v12 =	vsel vm0, v12, v15;
	v19 =	vld.idx.msk [tilespmem:v13+s2+$0x0], $0xffff;
	s6 =	sadd.s32 $0x8, s4;
	v20 =	vadd.s32 s7, v2  }
0x32e: {  	v23 =	vld.idx.msk [tilespmem:v9+s2+$0x0], $0xffff;
	v17 =	vadd.f32 v10, v12;
	vm1 =	vne.s32 v6, v5;
	v22 =	vadd.s32 s6, v2;
	s7 =	sadd.s32 $0x9, s4;
	s6 =	sadd.s32 $0xA, s4  }
0x32f: {  	v21 =	vsel vm1, $0x1, v3;
	v25 =	vadd.s32 s7, v2;
	v59 =	vadd.s32 s6, v2;
	s7 =	sadd.s32 $0xB, s4  }
0x330: {  	s6 =	sadd.s32 $0xC, s4;
	v10 =	vsel vm1, v10, v17;
	v21 =	vadd.s32 v21, v7;
	v29 =	vadd.s32 s7, v2;
	v26 =	vld.idx.msk [tilespmem:v16+s2+$0x0], $0xffff  }
0x331: {  	v32 =	vadd.s32 s6, v2;
	v17 =	vadd.f32 v11, v10;
	vm0 =	vne.s32 v8, v6;
	v27 =	vld.idx.msk [tilespmem:v18+s2+$0x0], $0xffff  }
0x332: {  	v24 =	vsel vm0, $0x1, v3;
	vm5 =	vne.s32 v56, v8;
	vm10 =	vne.s32 v19, v56;
	v31 =	vld.idx.msk [tilespmem:v20+s2+$0x0], $0xffff  }
0x333: {  	vm2 =	vne.s32 v23, v19;
	v24 =	vadd.s32 v24, v21;
	v28 =	vsel vm5, $0x1, v3;
	v34 =	vld.idx.msk [tilespmem:v22+s2+$0x0], $0xffff  }
0x334: {  	v11 =	vsel vm0, v11, v17;
	v33 =	vsel vm10, $0x1, v3;
	v28 =	vadd.s32 v28, v24;
	v61 =	vld.idx.msk [tilespmem:v25+s2+$0x0], $0xffff  }
0x335: {  	v36 =	vsel vm2, $0x1, v3;
	v37 =	vld.idx.msk [tilespmem:v59+s2+$0x0], $0xffff;
	v60 =	vadd.s32 v33, v28;
	vm7 =	vne.s32 v26, v23  }
0x336: {  	v39 =	vld.idx.msk [tilespmem:v29+s2+$0x0], $0xffff;
	v36 =	vadd.s32 v36, v60;
	v38 =	vsel vm7, $0x1, v3;
	vm12 =	vne.s32 v27, v26  }
0x337: {  	v41 =	vld.idx.msk [tilespmem:v32+s2+$0x0], $0xffff;
	vm11 =	vne.s32 v31, v27;
	v40 =	vsel vm12, $0x1, v3;
	v38 =	vadd.s32 v38, v36  }
0x338: {  	v57 =	vld.idx.msk [tilespmem:v14+s25+$0x0], $0xffff;
	vm8 =	vne.s32 v34, v31;
	v42 =	vsel vm11, $0x1, v3;
	v40 =	vadd.s32 v40, v38  }
0x339: {  	v43 =	vsel vm8, $0x1, v3;
	vm6 =	vne.s32 v61, v34;
	v42 =	vadd.s32 v42, v40  }
0x33a: {  	v44 =	vld.idx.msk [tilespmem:v9+s25+$0x0], $0xffff;
	vm3 =	vne.s32 v37, v61;
	v9 =	vsel vm6, $0x1, v3;
	v43 =	vadd.s32 v43, v42  }
0x33b: {  	v58 =	vld.idx.msk [tilespmem:v13+s25+$0x0], $0xffff;
	vm9 =	vne.s32 v39, v37;
	v45 =	vadd.s32 v9, v43;
	v9 =	vsel vm3, $0x1, v3  }
0x33c: {  	vm4 =	vne.s32 v41, v39;
	v46 =	vadd.s32 v9, v45;
	v9 =	vsel vm9, $0x1, v3  }
0x33d: {  	v30 =	vadd.f32 v57, v11;
	v47 =	vadd.s32 v9, v46;
	v9 =	vsel vm4, $0x1, v3  }
0x33e: {  	v9 =	vadd.s32 v9, v47  }
0x33f: {  	v14 =	vsel vm5, v57, v30;
	v9 =	vadd.s32 v4, v9  }
0x340: {  	v35 =	vadd.f32 v58, v14;
	v62 =	vxor.u32 $0x80000000, v9  }
0x341: {  	v16 =	vld.idx.msk [tilespmem:v16+s25+$0x0], $0xffff;
	(xrf0) =	vmax.scan.msk.u32 $0xffff, v62  }
0x342: {  	[tilespmem:v7+s29+$0x0] =	vst.idx.msk vm1, v5;
	v13 =	vsel vm10, v58, v35  }
0x343: {  	[tilespmem:v7+s30+$0x0] =	vst.idx.msk vm1, v12;
	v35 =	vadd.f32 v44, v13  }
0x344: {  	v5 =	vld.idx.msk [tilespmem:v18+s25+$0x0], $0xffff;
	[tilespmem:v21+s29+$0x0] =	vst.idx.msk vm0, v6  }
0x345: {  	[tilespmem:v24+s29+$0x0] =	vst.idx.msk vm5, v8;
	v7 =	vsel vm2, v44, v35  }
0x346: {  	[tilespmem:v21+s30+$0x0] =	vst.idx.msk vm0, v10;
	v8 =	vadd.f32 v16, v7  }
0x347: {  	[tilespmem:v24+s30+$0x0] =	vst.idx.msk vm5, v11;
	v11 =	vld.idx.msk [tilespmem:v20+s25+$0x0], $0xffff;
	v10, _, _ =	vpop (xrf0)  }
0x348: {  	v8 =	vsel vm7, v16, v8;
	(v2sf) =	vpush v10, $0xF  }
0x349: {  	v63 =	vadd.f32 v5, v8  }
0x34a: {  	v6 =	vld.idx.msk [tilespmem:v22+s25+$0x0], $0xffff;
	[tilespmem:v28+s29+$0x0] =	vst.idx.msk vm10, v56  }
0x34b: {  	[tilespmem:v28+s30+$0x0] =	vst.idx.msk vm10, v14;
	v5 =	vsel vm12, v5, v63  }
0x34c: {  	[tilespmem:v38+s29+$0x0] =	vst.idx.msk vm12, v26;
	v10 =	vadd.f32 v11, v5  }
0x34d: {  	[tilespmem:v38+s30+$0x0] =	vst.idx.msk vm12, v8;
	v8 =	vld.idx.msk [tilespmem:v25+s25+$0x0], $0xffff  }
0x34e: {  	[tilespmem:v36+s29+$0x0] =	vst.idx.msk vm7, v23;
	v10 =	vsel vm11, v11, v10  }
0x34f: {  	[tilespmem:v36+s30+$0x0] =	vst.idx.msk vm7, v7;
	v7 =	vadd.f32 v6, v10  }
0x350: {  	[tilespmem:v40+s29+$0x0] =	vst.idx.msk vm11, v27;
	v11 =	vld.idx.msk [tilespmem:v59+s25+$0x0], $0xffff  }
0x351: {  	[tilespmem:v40+s30+$0x0] =	vst.idx.msk vm11, v5;
	v5 =	vsel vm8, v6, v7  }
0x352: {  	[tilespmem:v60+s29+$0x0] =	vst.idx.msk vm2, v19;
	v6 =	vadd.f32 v8, v5  }
0x353: {  	[tilespmem:v60+s30+$0x0] =	vst.idx.msk vm2, v13;
	v7 =	vld.idx.msk [tilespmem:v29+s25+$0x0], $0xffff  }
0x354: {  	[tilespmem:v42+s29+$0x0] =	vst.idx.msk vm8, v31;
	v6 =	vsel vm6, v8, v6  }
0x355: {  	[tilespmem:v43+s29+$0x0] =	vst.idx.msk vm6, v34;
	v8 =	vadd.f32 v11, v6  }
0x356: {  	[tilespmem:v42+s30+$0x0] =	vst.idx.msk vm8, v10;
	v10 =	vld.idx.msk [tilespmem:v32+s25+$0x0], $0xffff  }
0x357: {  	[tilespmem:v43+s30+$0x0] =	vst.idx.msk vm6, v5;
	v5 =	vsel vm3, v11, v8;
	s7 =	spop (v2sf)  }
0x358: {  	[tilespmem:v45+s29+$0x0] =	vst.idx.msk vm3, v61;
	v8 =	vadd.f32 v7, v5;
	s4 =	sxor.u32 $0x80000000, s7  }
0x359: {  	[tilespmem:v46+s29+$0x0] =	vst.idx.msk vm9, v37;
	p0 =	slt.s32 s4, $0x1  }
.Ltmp20:
0x35a: {  	[tilespmem:v46+s30+$0x0] =	vst.idx.msk vm9, v5;
	v5 =	vsel vm9, v7, v8;
	(pc) =	sbr.rel @p0 .LBB2_33-.Ltmp20, $4  }
0x35b: {  	[tilespmem:v45+s30+$0x0] =	vst.idx.msk vm3, v6;
	v6 =	vadd.f32 v10, v5  }
0x35c: {  	[tilespmem:v47+s29+$0x0] =	vst.idx.msk vm4, v39  }
0x35d: {  	[tilespmem:v47+s30+$0x0] =	vst.idx.msk vm4, v5;
	v5 =	vsel vm4, v10, v6  }
0x35e: {  	s6 =	simm.s32 $0x0;
	[tilespmem:v41+s31+$0x0] =	vst.idx.add.f32.msk $0xffff, v5  }
0x35f: {  	v6 =	vadd.s32 s6, v2  }
0x360: {  	p0 =	sne.s32 s4, $0x1  }
.Ltmp21:
0x361: {  	_ = 	snop;
	(pc) =	sbr.rel @!p0 .LBB2_32-.Ltmp21, $3  }
0x362: {  	_ =	sdelay $0x1  }
0x363: {  	v5 =	vld.idx.msk [tilespmem:v6+s29+$0x0], $0xffff  }
0x364: {  	s5 =	simm.s32 $0x1;
	v7 =	vmov s6  }
.LBB2_31:
0x365: {  	v8 =	vld.idx.msk [tilespmem:v6+s30+$0x0], $0xffff;
	vm0 =	vlt.s32 v7, v9;
	s6 =	smov.u32 s5;
	s5 =	sadd.s32 $0x1, s5  }
0x366: {  	p0 =	sne.s32 s4, s5  }
0x367: {  	v6 =	vadd.s32 s6, v2;
	_ =	sdelay $0x1  }
.Ltmp22:
0x368: {  	(pc) =	sbr.rel @p0 .LBB2_31-.Ltmp22, $4  }
0x369: {  	_ = 	snop  }
0x36a: {  	[tilespmem:v5+s31+$0x0] =	vst.idx.add.f32.msk vm0, v8  }
0x36b: {  	v5 =	vld.idx.msk [tilespmem:v6+s29+$0x0], $0xffff  }
0x36c: {  	v7 =	vmov s6  }
.LBB2_32:
0x36d: {  	_ =	sdelay $0x2  }
0x36e: {  	vm0 =	vlt.s32 v7, v9  }
0x36f: {  	v6 =	vld.idx.msk [tilespmem:v6+s30+$0x0], $0xffff;
	_ =	sdelay $0x4  }
0x370: {  	[tilespmem:v5+s31+$0x0] =	vst.idx.add.f32.msk vm0, v6  }
.LBB2_33:
0x371: {  	_ =	swait.ge [sflag:s1], $0x2710  }
0x372: {  	[sflag:s1] =	ssyncset.done $0x0  }
0x373: {  	[sflag:s1] =	ssyncadd.s32 $0xFFFFD8F0  }
0x374: {  	_ =	swait.ge [sflag:s1], $0x2710  }
0x375: {  	[sflag:s1] =	ssyncset.done $0x0  }
0x376: {  	s4 =	simm.s32 $0x1;
	[sflag:s1] =	ssyncadd.s32 $0xFFFFD8F0  }
0x377: {  	v5 =	vadd.s32 s4, v2;
	[tilespmem:s2], [sflag:$0x1] =	stream.linear.gather [hbm4b:s15+s2], $0x2710, $0x38;
	[tilespmem:$0x11480] =	vst v63  }
0x378: {  	s6 =	simm.s32 $0x2  }
0x379: {  	v7 =	vadd.s32 s6, v2;
	[tilespmem:s25], [sflag:$0x1] =	stream.linear.gather [hbm4b:s16+s2], $0x2710, $0x38;
	[tilespmem:$0x11480] =	vst v63  }
0x37a: {  	s7 =	simm.s32 $0x3;
	v6 =	vld.idx.msk [tilespmem:v2+s26+$0x0], $0xffff  }
0x37b: {  	v10 =	vadd.s32 s7, v2;
	v8 =	vld.idx.msk [tilespmem:v2+s28+$0x0], $0xffff  }
0x37c: {  	v9 =	vld.idx.msk [tilespmem:v5+s28+$0x0], $0xffff  }
0x37d: {  	v5 =	vld.idx.msk [tilespmem:v5+s26+$0x0], $0xffff  }
0x37e: {  	s5 =	simm.s32 $0x4;
	v11 =	vld.idx.msk [tilespmem:v7+s28+$0x0], $0xffff  }
0x37f: {  	v12 =	vadd.s32 s5, v2;
	v7 =	vld.idx.msk [tilespmem:v7+s26+$0x0], $0xffff  }
0x380: {  	v15 =	vld.idx.msk [tilespmem:v10+s28+$0x0], $0xffff  }
0x381: {  	s6 =	simm.s32 $0x5;
	v10 =	vld.idx.msk [tilespmem:v10+s26+$0x0], $0xffff  }
0x382: {  	v14 =	vadd.s32 s6, v2;
	v13 =	vadd.f32 v9, v8  }
0x383: {  	s5 =	simm.s32 $0x7;
	vm0 =	vne.s32 v5, v6  }
0x384: {  	v17 =	vadd.s32 s5, v2;
	v18 =	vld.idx.msk [tilespmem:v12+s28+$0x0], $0xffff;
	v9 =	vsel vm0, v9, v13  }
0x385: {  	s7 =	simm.s32 $0x6;
	v12 =	vld.idx.msk [tilespmem:v12+s26+$0x0], $0xffff;
	v16 =	vadd.f32 v11, v9  }
0x386: {  	vm1 =	vne.s32 v7, v5;
	vm3 =	vne.s32 v10, v7;
	v13 =	vadd.s32 s7, v2  }
0x387: {  	v19 =	vld.idx.msk [tilespmem:v14+s26+$0x0], $0xffff;
	v21 =	vsel vm0, $0x1, v3;
	v24 =	vsel vm1, $0x1, v3;
	s7 =	simm.s32 $0x9;
	v11 =	vsel vm1, v11, v16  }
0x388: {  	v14 =	vld.idx.msk [tilespmem:v14+s28+$0x0], $0xffff;
	v21 =	vadd.s32 v21, v2;
	v22 =	vadd.s32 s7, v2;
	v20 =	vadd.f32 v15, v11  }
0x389: {  	s6 =	simm.s32 $0x8;
	v53 =	vld.idx.msk [tilespmem:v17+s26+$0x0], $0xffff;
	v24 =	vadd.s32 v24, v21  }
0x38a: {  	v17 =	vld.idx.msk [tilespmem:v17+s28+$0x0], $0xffff;
	vm5 =	vne.s32 v12, v10;
	v16 =	vadd.s32 s6, v2;
	v15 =	vsel vm3, v15, v20  }
0x38b: {  	s5 =	simm.s32 $0xA;
	v25 =	vsel vm3, $0x1, v3;
	[tilespmem:v2+s29+$0x0] =	vst.idx.msk vm0, v6;
	v23 =	vld.idx.msk [tilespmem:v13+s26+$0x0], $0xffff;
	v26 =	vadd.f32 v18, v15  }
0x38c: {  	v28 =	vadd.s32 s5, v2;
	v6 =	vadd.s32 v25, v24;
	v13 =	vld.idx.msk [tilespmem:v13+s28+$0x0], $0xffff;
	[tilespmem:v2+s30+$0x0] =	vst.idx.msk vm0, v8;
	v8 =	vsel vm5, $0x1, v3  }
0x38d: {  	vm0 =	vne.s32 v19, v12;
	[tilespmem:v21+s29+$0x0] =	vst.idx.msk vm1, v5;
	v55 =	vld.idx.msk [tilespmem:v22+s26+$0x0], $0xffff;
	v18 =	vsel vm5, v18, v26  }
0x38e: {  	v8 =	vadd.s32 v8, v6;
	v5 =	vsel vm0, $0x1, v3;
	[tilespmem:v24+s29+$0x0] =	vst.idx.msk vm3, v7;
	v27 =	vadd.f32 v14, v18  }
0x38f: {  	s6 =	simm.s32 $0xB;
	[tilespmem:v21+s30+$0x0] =	vst.idx.msk vm1, v9;
	v5 =	vadd.s32 v5, v8;
	v54 =	vld.idx.msk [tilespmem:v16+s26+$0x0], $0xffff  }
0x390: {  	[tilespmem:v24+s30+$0x0] =	vst.idx.msk vm3, v11;
	v11 =	vadd.s32 s6, v2;
	vm2 =	vne.s32 v23, v19;
	v14 =	vsel vm0, v14, v27  }
0x391: {  	s7 =	simm.s32 $0xC;
	v9 =	vld.idx.msk [tilespmem:v28+s26+$0x0], $0xffff;
	vm4 =	vne.s32 v53, v23;
	v7 =	vsel vm2, $0x1, v3;
	v56 =	vadd.f32 v13, v14  }
0x392: {  	s5 =	simm.s32 $0xD;
	[tilespmem:v6+s29+$0x0] =	vst.idx.msk vm5, v10;
	v10 =	vld.idx.msk [tilespmem:v16+s28+$0x0], $0xffff;
	v16 =	vadd.s32 s7, v2;
	v7 =	vadd.s32 v7, v5  }
0x393: {  	v59 =	vadd.s32 s5, v2;
	v58 =	vld.idx.msk [tilespmem:v22+s28+$0x0], $0xffff;
	[tilespmem:v6+s30+$0x0] =	vst.idx.msk vm5, v15;
	v6 =	vsel vm2, v13, v56  }
0x394: {  	v57 =	vsel vm4, $0x1, v3;
	[tilespmem:v8+s29+$0x0] =	vst.idx.msk vm0, v12;
	vm14 =	vne.s32 v54, v53;
	v13 =	vadd.f32 v17, v6  }
0x395: {  	[tilespmem:v8+s30+$0x0] =	vst.idx.msk vm0, v18;
	vm3 =	vne.s32 v55, v54;
	v12 =	vadd.s32 v57, v7;
	v15 =	vsel vm14, $0x1, v3  }
0x396: {  	v60 =	vld.idx.msk [tilespmem:v11+s26+$0x0], $0xffff;
	v15 =	vadd.s32 v15, v12;
	[tilespmem:v5+s29+$0x0] =	vst.idx.msk vm2, v19;
	v13 =	vsel vm4, v17, v13  }
0x397: {  	v61 =	vld.idx.msk [tilespmem:v16+s26+$0x0], $0xffff;
	[tilespmem:v7+s29+$0x0] =	vst.idx.msk vm4, v23;
	v62 =	vadd.f32 v10, v13  }
0x398: {  	vm1 =	vne.s32 v9, v55;
	v17 =	vsel vm3, $0x1, v3;
	[tilespmem:v7+s30+$0x0] =	vst.idx.msk vm4, v6;
	v6 =	vld.idx.msk [tilespmem:v28+s28+$0x0], $0xffff  }
0x399: {  	[tilespmem:v5+s30+$0x0] =	vst.idx.msk vm2, v14;
	v5 =	vld.idx.msk [tilespmem:v59+s26+$0x0], $0xffff;
	v17 =	vadd.s32 v17, v15;
	v7 =	vsel vm14, v10, v62  }
0x39a: {  	[tilespmem:v12+s29+$0x0] =	vst.idx.msk vm14, v53;
	v10 =	vsel vm1, $0x1, v3;
	v14 =	vadd.f32 v58, v7  }
0x39b: {  	vm2 =	vne.s32 v60, v9;
	[tilespmem:v15+s29+$0x0] =	vst.idx.msk vm3, v54;
	v63 =	vadd.s32 v10, v17;
	v10 =	vld.idx.msk [tilespmem:v11+s28+$0x0], $0xffff  }
0x39c: {  	s4 =	simm.s32 $0xE;
	vm15 =	vne.s32 v61, v60;
	[tilespmem:v12+s30+$0x0] =	vst.idx.msk vm14, v13;
	v12 =	vsel vm2, $0x1, v3;
	v11 =	vsel vm3, v58, v14  }
0x39d: {  	[tilespmem:v15+s30+$0x0] =	vst.idx.msk vm3, v7;
	v13 =	vadd.s32 v12, v63;
	v14 =	vadd.s32 s4, v2;
	v7 =	vadd.f32 v6, v11  }
0x39e: {  	s5 =	simm.s32 $0xF;
	v8 =	vld.idx.msk [tilespmem:v16+s28+$0x0], $0xffff;
	vm0 =	vne.s32 v5, v61;
	[tilespmem:v17+s29+$0x0] =	vst.idx.msk vm1, v55  }
0x39f: {  	[tilespmem:v17+s30+$0x0] =	vst.idx.msk vm1, v11;
	v17 =	vadd.s32 s5, v2;
	v15 =	vsel vm1, v6, v7;
	v6 =	vsel vm15, $0x1, v3  }
0x3a0: {  	v7 =	vadd.f32 v10, v15;
	v16 =	vadd.s32 v6, v13  }
0x3a1: {  	v12 =	vld.idx.msk [tilespmem:v59+s28+$0x0], $0xffff;
	[tilespmem:v63+s29+$0x0] =	vst.idx.msk vm2, v9  }
0x3a2: {  	s6 =	simm.s32 $0x10;
	[tilespmem:v13+s29+$0x0] =	vst.idx.msk vm15, v60;
	v6 =	vsel vm2, v10, v7;
	v10 =	vld.idx.msk [tilespmem:v14+s28+$0x0], $0xffff  }
0x3a3: {  	[tilespmem:v13+s30+$0x0] =	vst.idx.msk vm15, v6;
	v9 =	vadd.f32 v8, v6;
	v6 =	vld.idx.msk [tilespmem:v14+s26+$0x0], $0xffff;
	v14 =	vadd.s32 s6, v2  }
0x3a4: {  	s7 =	simm.s32 $0x11;
	[tilespmem:v63+s30+$0x0] =	vst.idx.msk vm2, v15;
	v7 =	vsel vm0, $0x1, v3;
	v11 =	vld.idx.msk [tilespmem:v17+s28+$0x0], $0xffff  }
0x3a5: {  	v7 =	vadd.s32 v7, v16;
	s6 =	simm.s32 $0x12;
	v13 =	vadd.s32 s7, v2;
	v8 =	vsel vm15, v8, v9;
	[tilespmem:v16+s29+$0x0] =	vst.idx.msk vm0, v61  }
0x3a6: {  	s5 =	simm.s32 $0x1B;
	v9 =	vadd.s32 s6, v2;
	s6 =	simm.s32 $0x13;
	[tilespmem:v16+s30+$0x0] =	vst.idx.msk vm0, v8;
	v15 =	vadd.f32 v12, v8;
	v8 =	vld.idx.msk [tilespmem:v17+s26+$0x0], $0xffff  }
.LBB2_34:
0x3a7: {  	p0 =	slt.u32 s5, $0x264  }
0x3a8: {  	v16 =	vld.idx.msk [tilespmem:v14+s26+$0x0], $0xffff;
	v17 =	vadd.s32 s6, v2;
	s7 =	sadd.s32 $0x6, s4;
	v12 =	vsel vm0, v12, v15;
	s6 =	smov.u32 s5;
	s5 =	sadd.s32 $0xD, s5  }
0x3a9: {  	v15 =	vadd.f32 v10, v12;
	v14 =	vld.idx.msk [tilespmem:v14+s28+$0x0], $0xffff;
	v18 =	vadd.s32 s7, v2;
	s7 =	sadd.s32 $0x7, s4  }
0x3aa: {  	vm0 =	vne.s32 v6, v5;
	v19 =	vld.idx.msk [tilespmem:v13+s26+$0x0], $0xffff;
	v20 =	vadd.s32 s7, v2  }
0x3ab: {  	v21 =	vsel vm0, $0x1, v3;
	s7 =	sadd.s32 $0x8, s4;
	v10 =	vsel vm0, v10, v15;
	v13 =	vld.idx.msk [tilespmem:v13+s28+$0x0], $0xffff  }
0x3ac: {  	v23 =	vadd.s32 s7, v2;
	v15 =	vadd.f32 v11, v10;
	v22 =	vld.idx.msk [tilespmem:v9+s26+$0x0], $0xffff  }
0x3ad: {  	v21 =	vadd.s32 v21, v7;
	vm1 =	vne.s32 v8, v6;
	v24 =	vld.idx.msk [tilespmem:v17+s26+$0x0], $0xffff  }
0x3ae: {  	v25 =	vsel vm1, $0x1, v3;
	vm4 =	vne.s32 v16, v8;
	v11 =	vsel vm1, v11, v15;
	v15 =	vld.idx.msk [tilespmem:v18+s26+$0x0], $0xffff  }
0x3af: {  	v25 =	vadd.s32 v25, v21;
	v26 =	vsel vm4, $0x1, v3;
	v27 =	vadd.f32 v14, v11;
	v9 =	vld.idx.msk [tilespmem:v9+s28+$0x0], $0xffff  }
0x3b0: {  	vm2 =	vne.s32 v19, v16;
	[tilespmem:v7+s29+$0x0] =	vst.idx.msk vm0, v5;
	v5 =	vadd.s32 v26, v25;
	v26 =	vld.idx.msk [tilespmem:v20+s26+$0x0], $0xffff  }
0x3b1: {  	s7 =	sadd.s32 $0x9, s4;
	[tilespmem:v7+s30+$0x0] =	vst.idx.msk vm0, v12;
	v7 =	vsel vm4, v14, v27;
	v12 =	vsel vm2, $0x1, v3;
	v14 =	vld.idx.msk [tilespmem:v23+s26+$0x0], $0xffff  }
0x3b2: {  	vm0 =	vne.s32 v22, v19;
	v12 =	vadd.s32 v12, v5;
	v27 =	vadd.f32 v13, v7;
	v17 =	vld.idx.msk [tilespmem:v17+s28+$0x0], $0xffff  }
0x3b3: {  	v28 =	vadd.s32 s7, v2;
	vm3 =	vne.s32 v24, v22;
	[tilespmem:v21+s29+$0x0] =	vst.idx.msk vm1, v6;
	v6 =	vsel vm0, $0x1, v3;
	v18 =	vld.idx.msk [tilespmem:v18+s28+$0x0], $0xffff  }
0x3b4: {  	vm5 =	vne.s32 v15, v24;
	[tilespmem:v25+s29+$0x0] =	vst.idx.msk vm4, v8;
	v8 =	vsel vm2, v13, v27;
	v13 =	vsel vm3, $0x1, v3  }
0x3b5: {  	v6 =	vadd.s32 v6, v12;
	[tilespmem:v25+s30+$0x0] =	vst.idx.msk vm4, v11;
	v11 =	vadd.f32 v9, v8;
	v25 =	vsel vm5, $0x1, v3  }
0x3b6: {  	s7 =	sadd.s32 $0xA, s4;
	v13 =	vadd.s32 v13, v6;
	vm4 =	vne.s32 v26, v15;
	[tilespmem:v5+s29+$0x0] =	vst.idx.msk vm2, v16;
	v16 =	vld.idx.msk [tilespmem:v20+s28+$0x0], $0xffff  }
0x3b7: {  	[tilespmem:v5+s30+$0x0] =	vst.idx.msk vm2, v7;
	v5 =	vsel vm0, v9, v11;
	vm2 =	vne.s32 v14, v26;
	v7 =	vadd.s32 s7, v2;
	s7 =	sadd.s32 $0xB, s4  }
0x3b8: {  	[tilespmem:v21+s30+$0x0] =	vst.idx.msk vm1, v10;
	v9 =	vadd.f32 v17, v5;
	v10 =	vsel vm2, $0x1, v3;
	v11 =	vld.idx.msk [tilespmem:v28+s26+$0x0], $0xffff;
	v20 =	vadd.s32 s7, v2  }
0x3b9: {  	v21 =	vsel vm4, $0x1, v3;
	[tilespmem:v12+s29+$0x0] =	vst.idx.msk vm0, v19;
	v19 =	vadd.s32 v25, v13  }
0x3ba: {  	s7 =	sadd.s32 $0xC, s4;
	s4 =	smov.u32 s6;
	[tilespmem:v6+s29+$0x0] =	vst.idx.msk vm3, v22;
	v9 =	vsel vm3, v17, v9;
	v17 =	vadd.s32 v21, v19;
	v21 =	vld.idx.msk [tilespmem:v23+s28+$0x0], $0xffff  }
0x3bb: {  	v23 =	vadd.s32 s7, v2;
	[tilespmem:v13+s29+$0x0] =	vst.idx.msk vm5, v24;
	v22 =	vadd.f32 v18, v9;
	v10 =	vadd.s32 v10, v17  }
0x3bc: {  	[tilespmem:v13+s30+$0x0] =	vst.idx.msk vm5, v9;
	v9 =	vld.idx.msk [tilespmem:v7+s26+$0x0], $0xffff  }
0x3bd: {  	[tilespmem:v6+s30+$0x0] =	vst.idx.msk vm3, v5;
	v5 =	vsel vm5, v18, v22;
	v18 =	vld.idx.msk [tilespmem:v20+s26+$0x0], $0xffff  }
0x3be: {  	vm3 =	vne.s32 v11, v14;
	[tilespmem:v19+s29+$0x0] =	vst.idx.msk vm4, v15;
	v6 =	vadd.f32 v16, v5;
	v13 =	vld.idx.msk [tilespmem:v28+s28+$0x0], $0xffff  }
0x3bf: {  	v15 =	vsel vm3, $0x1, v3;
	[tilespmem:v17+s29+$0x0] =	vst.idx.msk vm2, v26  }
0x3c0: {  	v15 =	vadd.s32 v15, v10;
	[tilespmem:v19+s30+$0x0] =	vst.idx.msk vm4, v5;
	v6 =	vsel vm4, v16, v6;
	v5 =	vld.idx.msk [tilespmem:v23+s26+$0x0], $0xffff  }
0x3c1: {  	[tilespmem:v17+s30+$0x0] =	vst.idx.msk vm2, v6;
	v6 =	vadd.f32 v21, v6;
	v16 =	vld.idx.msk [tilespmem:v7+s28+$0x0], $0xffff  }
0x3c2: {  	vm1 =	vne.s32 v9, v11;
	[tilespmem:v12+s30+$0x0] =	vst.idx.msk vm0, v8  }
0x3c3: {  	v7 =	vsel vm1, $0x1, v3;
	v6 =	vsel vm2, v21, v6;
	vm2 =	vne.s32 v18, v9  }
0x3c4: {  	v17 =	vadd.s32 v7, v15;
	[tilespmem:v10+s29+$0x0] =	vst.idx.msk vm3, v14;
	v8 =	vadd.f32 v13, v6;
	v19 =	vld.idx.msk [tilespmem:v20+s28+$0x0], $0xffff  }
0x3c5: {  	v20 =	vadd.s32 s4, v2;
	[tilespmem:v10+s30+$0x0] =	vst.idx.msk vm3, v6  }
0x3c6: {  	v6 =	vsel vm2, $0x1, v3;
	vm0 =	vne.s32 v5, v18;
	v8 =	vsel vm3, v13, v8  }
0x3c7: {  	s6 =	sadd.s32 $0x1, s4;
	v21 =	vadd.s32 v6, v17;
	v6 =	vsel vm0, $0x1, v3;
	v10 =	vadd.f32 v16, v8;
	v12 =	vld.idx.msk [tilespmem:v23+s28+$0x0], $0xffff  }
0x3c8: {  	v22 =	vadd.s32 s6, v2;
	v7 =	vadd.s32 v6, v21;
	[tilespmem:v15+s29+$0x0] =	vst.idx.msk vm1, v11  }
0x3c9: {  	s6 =	sadd.s32 $0x2, s4;
	v6 =	vsel vm1, v16, v10;
	[tilespmem:v17+s29+$0x0] =	vst.idx.msk vm2, v9  }
.Ltmp23:
0x3ca: {  	v14 =	vadd.s32 s6, v2;
	v10 =	vld.idx.msk [tilespmem:v20+s28+$0x0], $0xffff;
	[tilespmem:v17+s30+$0x0] =	vst.idx.msk vm2, v6;
	v9 =	vadd.f32 v19, v6;
	(pc) =	sbr.rel @p0 .LBB2_34-.Ltmp23, $4  }
0x3cb: {  	s6 =	sadd.s32 $0x3, s4;
	v6 =	vld.idx.msk [tilespmem:v20+s26+$0x0], $0xffff;
	[tilespmem:v15+s30+$0x0] =	vst.idx.msk vm1, v8  }
0x3cc: {  	v13 =	vadd.s32 s6, v2;
	s6 =	sadd.s32 $0x4, s4;
	v8 =	vsel vm2, v19, v9;
	[tilespmem:v21+s29+$0x0] =	vst.idx.msk vm0, v18  }
0x3cd: {  	v9 =	vadd.s32 s6, v2;
	v11 =	vld.idx.msk [tilespmem:v22+s28+$0x0], $0xffff;
	[tilespmem:v21+s30+$0x0] =	vst.idx.msk vm0, v8;
	v15 =	vadd.f32 v12, v8  }
0x3ce: {  	s6 =	sadd.s32 $0x5, s4;
	v8 =	vld.idx.msk [tilespmem:v22+s26+$0x0], $0xffff  }
0x3cf: {  	_ =	sdelay $0x2  }
0x3d0: {  	v16 =	vadd.s32 s6, v2;
	s5 =	sadd.s32 $0x6, s4  }
0x3d1: {  	v56 =	vld.idx.msk [tilespmem:v14+s26+$0x0], $0xffff;
	s7 =	sadd.s32 $0x7, s4;
	v18 =	vadd.s32 s5, v2  }
0x3d2: {  	v12 =	vsel vm0, v12, v15;
	v19 =	vld.idx.msk [tilespmem:v13+s26+$0x0], $0xffff;
	s6 =	sadd.s32 $0x8, s4;
	v20 =	vadd.s32 s7, v2  }
0x3d3: {  	v23 =	vld.idx.msk [tilespmem:v9+s26+$0x0], $0xffff;
	v17 =	vadd.f32 v10, v12;
	vm1 =	vne.s32 v6, v5;
	v22 =	vadd.s32 s6, v2;
	s7 =	sadd.s32 $0x9, s4;
	s6 =	sadd.s32 $0xA, s4  }
0x3d4: {  	v21 =	vsel vm1, $0x1, v3;
	v25 =	vadd.s32 s7, v2;
	v59 =	vadd.s32 s6, v2;
	s7 =	sadd.s32 $0xB, s4  }
0x3d5: {  	s6 =	sadd.s32 $0xC, s4;
	v10 =	vsel vm1, v10, v17;
	v21 =	vadd.s32 v21, v7;
	v29 =	vadd.s32 s7, v2;
	v26 =	vld.idx.msk [tilespmem:v16+s26+$0x0], $0xffff  }
0x3d6: {  	v32 =	vadd.s32 s6, v2;
	v17 =	vadd.f32 v11, v10;
	vm0 =	vne.s32 v8, v6;
	v27 =	vld.idx.msk [tilespmem:v18+s26+$0x0], $0xffff  }
0x3d7: {  	v24 =	vsel vm0, $0x1, v3;
	vm5 =	vne.s32 v56, v8;
	vm10 =	vne.s32 v19, v56;
	v31 =	vld.idx.msk [tilespmem:v20+s26+$0x0], $0xffff  }
0x3d8: {  	vm2 =	vne.s32 v23, v19;
	v24 =	vadd.s32 v24, v21;
	v28 =	vsel vm5, $0x1, v3;
	v34 =	vld.idx.msk [tilespmem:v22+s26+$0x0], $0xffff  }
0x3d9: {  	v11 =	vsel vm0, v11, v17;
	v33 =	vsel vm10, $0x1, v3;
	v28 =	vadd.s32 v28, v24;
	v61 =	vld.idx.msk [tilespmem:v25+s26+$0x0], $0xffff  }
0x3da: {  	v36 =	vsel vm2, $0x1, v3;
	v37 =	vld.idx.msk [tilespmem:v59+s26+$0x0], $0xffff;
	v60 =	vadd.s32 v33, v28;
	vm7 =	vne.s32 v26, v23  }
0x3db: {  	v39 =	vld.idx.msk [tilespmem:v29+s26+$0x0], $0xffff;
	v36 =	vadd.s32 v36, v60;
	v38 =	vsel vm7, $0x1, v3;
	vm12 =	vne.s32 v27, v26  }
0x3dc: {  	v41 =	vld.idx.msk [tilespmem:v32+s26+$0x0], $0xffff;
	vm11 =	vne.s32 v31, v27;
	v40 =	vsel vm12, $0x1, v3;
	v38 =	vadd.s32 v38, v36  }
0x3dd: {  	v57 =	vld.idx.msk [tilespmem:v14+s28+$0x0], $0xffff;
	vm8 =	vne.s32 v34, v31;
	v42 =	vsel vm11, $0x1, v3;
	v40 =	vadd.s32 v40, v38  }
0x3de: {  	v43 =	vsel vm8, $0x1, v3;
	vm6 =	vne.s32 v61, v34;
	v42 =	vadd.s32 v42, v40  }
0x3df: {  	v44 =	vld.idx.msk [tilespmem:v9+s28+$0x0], $0xffff;
	vm3 =	vne.s32 v37, v61;
	v9 =	vsel vm6, $0x1, v3;
	v43 =	vadd.s32 v43, v42  }
0x3e0: {  	v58 =	vld.idx.msk [tilespmem:v13+s28+$0x0], $0xffff;
	vm9 =	vne.s32 v39, v37;
	v45 =	vadd.s32 v9, v43;
	v9 =	vsel vm3, $0x1, v3  }
0x3e1: {  	vm4 =	vne.s32 v41, v39;
	v46 =	vadd.s32 v9, v45;
	v9 =	vsel vm9, $0x1, v3  }
0x3e2: {  	v30 =	vadd.f32 v57, v11;
	v47 =	vadd.s32 v9, v46;
	v9 =	vsel vm4, $0x1, v3  }
0x3e3: {  	v9 =	vadd.s32 v9, v47  }
0x3e4: {  	v14 =	vsel vm5, v57, v30;
	v9 =	vadd.s32 v4, v9  }
0x3e5: {  	v35 =	vadd.f32 v58, v14;
	v62 =	vxor.u32 $0x80000000, v9  }
0x3e6: {  	v16 =	vld.idx.msk [tilespmem:v16+s28+$0x0], $0xffff;
	(xrf0) =	vmax.scan.msk.u32 $0xffff, v62  }
0x3e7: {  	[tilespmem:v7+s29+$0x0] =	vst.idx.msk vm1, v5;
	v13 =	vsel vm10, v58, v35  }
0x3e8: {  	[tilespmem:v7+s30+$0x0] =	vst.idx.msk vm1, v12;
	v35 =	vadd.f32 v44, v13  }
0x3e9: {  	v5 =	vld.idx.msk [tilespmem:v18+s28+$0x0], $0xffff;
	[tilespmem:v21+s29+$0x0] =	vst.idx.msk vm0, v6  }
0x3ea: {  	[tilespmem:v24+s29+$0x0] =	vst.idx.msk vm5, v8;
	v7 =	vsel vm2, v44, v35  }
0x3eb: {  	[tilespmem:v21+s30+$0x0] =	vst.idx.msk vm0, v10;
	v8 =	vadd.f32 v16, v7  }
0x3ec: {  	[tilespmem:v24+s30+$0x0] =	vst.idx.msk vm5, v11;
	v11 =	vld.idx.msk [tilespmem:v20+s28+$0x0], $0xffff;
	v10, _, _ =	vpop (xrf0)  }
0x3ed: {  	v8 =	vsel vm7, v16, v8;
	(v2sf) =	vpush v10, $0xF  }
0x3ee: {  	v63 =	vadd.f32 v5, v8  }
0x3ef: {  	v6 =	vld.idx.msk [tilespmem:v22+s28+$0x0], $0xffff;
	[tilespmem:v28+s29+$0x0] =	vst.idx.msk vm10, v56  }
0x3f0: {  	[tilespmem:v28+s30+$0x0] =	vst.idx.msk vm10, v14;
	v5 =	vsel vm12, v5, v63  }
0x3f1: {  	[tilespmem:v38+s29+$0x0] =	vst.idx.msk vm12, v26;
	v10 =	vadd.f32 v11, v5  }
0x3f2: {  	[tilespmem:v38+s30+$0x0] =	vst.idx.msk vm12, v8;
	v8 =	vld.idx.msk [tilespmem:v25+s28+$0x0], $0xffff  }
0x3f3: {  	[tilespmem:v36+s29+$0x0] =	vst.idx.msk vm7, v23;
	v10 =	vsel vm11, v11, v10  }
0x3f4: {  	[tilespmem:v36+s30+$0x0] =	vst.idx.msk vm7, v7;
	v7 =	vadd.f32 v6, v10  }
0x3f5: {  	[tilespmem:v40+s29+$0x0] =	vst.idx.msk vm11, v27;
	v11 =	vld.idx.msk [tilespmem:v59+s28+$0x0], $0xffff  }
0x3f6: {  	[tilespmem:v40+s30+$0x0] =	vst.idx.msk vm11, v5;
	v5 =	vsel vm8, v6, v7  }
0x3f7: {  	[tilespmem:v60+s29+$0x0] =	vst.idx.msk vm2, v19;
	v6 =	vadd.f32 v8, v5  }
0x3f8: {  	[tilespmem:v60+s30+$0x0] =	vst.idx.msk vm2, v13;
	v7 =	vld.idx.msk [tilespmem:v29+s28+$0x0], $0xffff  }
0x3f9: {  	[tilespmem:v42+s29+$0x0] =	vst.idx.msk vm8, v31;
	v6 =	vsel vm6, v8, v6  }
0x3fa: {  	[tilespmem:v43+s29+$0x0] =	vst.idx.msk vm6, v34;
	v8 =	vadd.f32 v11, v6  }
0x3fb: {  	[tilespmem:v42+s30+$0x0] =	vst.idx.msk vm8, v10;
	v10 =	vld.idx.msk [tilespmem:v32+s28+$0x0], $0xffff  }
0x3fc: {  	[tilespmem:v43+s30+$0x0] =	vst.idx.msk vm6, v5;
	v5 =	vsel vm3, v11, v8;
	s7 =	spop (v2sf)  }
0x3fd: {  	[tilespmem:v45+s29+$0x0] =	vst.idx.msk vm3, v61;
	v8 =	vadd.f32 v7, v5;
	s4 =	sxor.u32 $0x80000000, s7  }
0x3fe: {  	[tilespmem:v46+s29+$0x0] =	vst.idx.msk vm9, v37;
	p0 =	slt.s32 s4, $0x1  }
.Ltmp24:
0x3ff: {  	[tilespmem:v46+s30+$0x0] =	vst.idx.msk vm9, v5;
	v5 =	vsel vm9, v7, v8;
	(pc) =	sbr.rel @p0 .LBB2_39-.Ltmp24, $4  }
0x400: {  	[tilespmem:v45+s30+$0x0] =	vst.idx.msk vm3, v6;
	v6 =	vadd.f32 v10, v5  }
0x401: {  	[tilespmem:v47+s29+$0x0] =	vst.idx.msk vm4, v39  }
0x402: {  	[tilespmem:v47+s30+$0x0] =	vst.idx.msk vm4, v5;
	v5 =	vsel vm4, v10, v6  }
0x403: {  	s6 =	simm.s32 $0x0;
	[tilespmem:v41+s31+$0x0] =	vst.idx.add.f32.msk $0xffff, v5  }
0x404: {  	v6 =	vadd.s32 s6, v2  }
0x405: {  	p0 =	sne.s32 s4, $0x1  }
.Ltmp25:
0x406: {  	_ = 	snop;
	(pc) =	sbr.rel @!p0 .LBB2_38-.Ltmp25, $3  }
0x407: {  	_ =	sdelay $0x1  }
0x408: {  	v5 =	vld.idx.msk [tilespmem:v6+s29+$0x0], $0xffff  }
0x409: {  	s5 =	simm.s32 $0x1;
	v7 =	vmov s6  }
.LBB2_37:
0x40a: {  	v8 =	vld.idx.msk [tilespmem:v6+s30+$0x0], $0xffff;
	vm0 =	vlt.s32 v7, v9;
	s6 =	smov.u32 s5;
	s5 =	sadd.s32 $0x1, s5  }
0x40b: {  	p0 =	sne.s32 s4, s5  }
0x40c: {  	v6 =	vadd.s32 s6, v2;
	_ =	sdelay $0x1  }
.Ltmp26:
0x40d: {  	(pc) =	sbr.rel @p0 .LBB2_37-.Ltmp26, $4  }
0x40e: {  	_ = 	snop  }
0x40f: {  	[tilespmem:v5+s31+$0x0] =	vst.idx.add.f32.msk vm0, v8  }
0x410: {  	v5 =	vld.idx.msk [tilespmem:v6+s29+$0x0], $0xffff  }
0x411: {  	v7 =	vmov s6  }
.LBB2_38:
0x412: {  	_ =	sdelay $0x2  }
0x413: {  	vm0 =	vlt.s32 v7, v9  }
0x414: {  	v6 =	vld.idx.msk [tilespmem:v6+s30+$0x0], $0xffff;
	_ =	sdelay $0x4  }
0x415: {  	[tilespmem:v5+s31+$0x0] =	vst.idx.add.f32.msk vm0, v6  }
.LBB2_39:
0x416: {  	s4 =	simm.s32 $0x1  }
0x417: {  	_ =	swait.ge [sflag:s4], $0x2710  }
0x418: {  	[sflag:s4] =	ssyncset.done $0x0  }
0x419: {  	[sflag:s4] =	ssyncadd.s32 $0xFFFFD8F0  }
0x41a: {  	_ =	swait.ge [sflag:s4], $0x2710  }
0x41b: {  	[sflag:s4] =	ssyncset.done $0x0  }
0x41c: {  	[sflag:s4] =	ssyncadd.s32 $0xFFFFD8F0  }
0x41d: {  	v5 =	vadd.s32 s4, v2;
	[tilespmem:s26], [sflag:$0x2] =	stream.linear.gather [hbm4b:s17+s2], $0x2710, $0x38;
	[tilespmem:$0x11480] =	vst v63  }
0x41e: {  	s6 =	simm.s32 $0x2  }
0x41f: {  	v7 =	vadd.s32 s6, v2;
	[tilespmem:s28], [sflag:$0x2] =	stream.linear.gather [hbm4b:s18+s2], $0x2710, $0x38;
	[tilespmem:$0x11480] =	vst v63  }
0x420: {  	s7 =	simm.s32 $0x3;
	v6 =	vld.idx.msk [tilespmem:v2+s2+$0x0], $0xffff  }
0x421: {  	v10 =	vadd.s32 s7, v2;
	v8 =	vld.idx.msk [tilespmem:v2+s25+$0x0], $0xffff  }
0x422: {  	v9 =	vld.idx.msk [tilespmem:v5+s25+$0x0], $0xffff  }
0x423: {  	v5 =	vld.idx.msk [tilespmem:v5+s2+$0x0], $0xffff  }
0x424: {  	s5 =	simm.s32 $0x4;
	v11 =	vld.idx.msk [tilespmem:v7+s25+$0x0], $0xffff  }
0x425: {  	v12 =	vadd.s32 s5, v2;
	v7 =	vld.idx.msk [tilespmem:v7+s2+$0x0], $0xffff  }
0x426: {  	v15 =	vld.idx.msk [tilespmem:v10+s25+$0x0], $0xffff  }
0x427: {  	s6 =	simm.s32 $0x5;
	v10 =	vld.idx.msk [tilespmem:v10+s2+$0x0], $0xffff  }
0x428: {  	v14 =	vadd.s32 s6, v2;
	v13 =	vadd.f32 v9, v8  }
0x429: {  	s5 =	simm.s32 $0x7;
	vm0 =	vne.s32 v5, v6  }
0x42a: {  	v17 =	vadd.s32 s5, v2;
	v18 =	vld.idx.msk [tilespmem:v12+s25+$0x0], $0xffff;
	v9 =	vsel vm0, v9, v13  }
0x42b: {  	s7 =	simm.s32 $0x6;
	v12 =	vld.idx.msk [tilespmem:v12+s2+$0x0], $0xffff;
	v16 =	vadd.f32 v11, v9  }
0x42c: {  	vm1 =	vne.s32 v7, v5;
	vm3 =	vne.s32 v10, v7;
	v13 =	vadd.s32 s7, v2  }
0x42d: {  	v19 =	vld.idx.msk [tilespmem:v14+s2+$0x0], $0xffff;
	v21 =	vsel vm0, $0x1, v3;
	v24 =	vsel vm1, $0x1, v3;
	s7 =	simm.s32 $0x9;
	v11 =	vsel vm1, v11, v16  }
0x42e: {  	v14 =	vld.idx.msk [tilespmem:v14+s25+$0x0], $0xffff;
	v21 =	vadd.s32 v21, v2;
	v22 =	vadd.s32 s7, v2;
	v20 =	vadd.f32 v15, v11  }
0x42f: {  	s6 =	simm.s32 $0x8;
	v53 =	vld.idx.msk [tilespmem:v17+s2+$0x0], $0xffff;
	v24 =	vadd.s32 v24, v21  }
0x430: {  	v17 =	vld.idx.msk [tilespmem:v17+s25+$0x0], $0xffff;
	vm5 =	vne.s32 v12, v10;
	v16 =	vadd.s32 s6, v2;
	v15 =	vsel vm3, v15, v20  }
0x431: {  	s5 =	simm.s32 $0xA;
	v25 =	vsel vm3, $0x1, v3;
	[tilespmem:v2+s29+$0x0] =	vst.idx.msk vm0, v6;
	v23 =	vld.idx.msk [tilespmem:v13+s2+$0x0], $0xffff;
	v26 =	vadd.f32 v18, v15  }
0x432: {  	v28 =	vadd.s32 s5, v2;
	v6 =	vadd.s32 v25, v24;
	v13 =	vld.idx.msk [tilespmem:v13+s25+$0x0], $0xffff;
	[tilespmem:v2+s30+$0x0] =	vst.idx.msk vm0, v8;
	v8 =	vsel vm5, $0x1, v3  }
0x433: {  	vm0 =	vne.s32 v19, v12;
	[tilespmem:v21+s29+$0x0] =	vst.idx.msk vm1, v5;
	v55 =	vld.idx.msk [tilespmem:v22+s2+$0x0], $0xffff;
	v18 =	vsel vm5, v18, v26  }
0x434: {  	v8 =	vadd.s32 v8, v6;
	v5 =	vsel vm0, $0x1, v3;
	[tilespmem:v24+s29+$0x0] =	vst.idx.msk vm3, v7;
	v27 =	vadd.f32 v14, v18  }
0x435: {  	s6 =	simm.s32 $0xB;
	[tilespmem:v21+s30+$0x0] =	vst.idx.msk vm1, v9;
	v5 =	vadd.s32 v5, v8;
	v54 =	vld.idx.msk [tilespmem:v16+s2+$0x0], $0xffff  }
0x436: {  	[tilespmem:v24+s30+$0x0] =	vst.idx.msk vm3, v11;
	v11 =	vadd.s32 s6, v2;
	vm2 =	vne.s32 v23, v19;
	v14 =	vsel vm0, v14, v27  }
0x437: {  	s7 =	simm.s32 $0xC;
	v9 =	vld.idx.msk [tilespmem:v28+s2+$0x0], $0xffff;
	vm4 =	vne.s32 v53, v23;
	v7 =	vsel vm2, $0x1, v3;
	v56 =	vadd.f32 v13, v14  }
0x438: {  	s5 =	simm.s32 $0xD;
	[tilespmem:v6+s29+$0x0] =	vst.idx.msk vm5, v10;
	v10 =	vld.idx.msk [tilespmem:v16+s25+$0x0], $0xffff;
	v16 =	vadd.s32 s7, v2;
	v7 =	vadd.s32 v7, v5  }
0x439: {  	v59 =	vadd.s32 s5, v2;
	v58 =	vld.idx.msk [tilespmem:v22+s25+$0x0], $0xffff;
	[tilespmem:v6+s30+$0x0] =	vst.idx.msk vm5, v15;
	v6 =	vsel vm2, v13, v56  }
0x43a: {  	v57 =	vsel vm4, $0x1, v3;
	[tilespmem:v8+s29+$0x0] =	vst.idx.msk vm0, v12;
	vm14 =	vne.s32 v54, v53;
	v13 =	vadd.f32 v17, v6  }
0x43b: {  	[tilespmem:v8+s30+$0x0] =	vst.idx.msk vm0, v18;
	vm3 =	vne.s32 v55, v54;
	v12 =	vadd.s32 v57, v7;
	v15 =	vsel vm14, $0x1, v3  }
0x43c: {  	v60 =	vld.idx.msk [tilespmem:v11+s2+$0x0], $0xffff;
	v15 =	vadd.s32 v15, v12;
	[tilespmem:v5+s29+$0x0] =	vst.idx.msk vm2, v19;
	v13 =	vsel vm4, v17, v13  }
0x43d: {  	v61 =	vld.idx.msk [tilespmem:v16+s2+$0x0], $0xffff;
	[tilespmem:v7+s29+$0x0] =	vst.idx.msk vm4, v23;
	v62 =	vadd.f32 v10, v13  }
0x43e: {  	vm1 =	vne.s32 v9, v55;
	v17 =	vsel vm3, $0x1, v3;
	[tilespmem:v7+s30+$0x0] =	vst.idx.msk vm4, v6;
	v6 =	vld.idx.msk [tilespmem:v28+s25+$0x0], $0xffff  }
0x43f: {  	[tilespmem:v5+s30+$0x0] =	vst.idx.msk vm2, v14;
	v5 =	vld.idx.msk [tilespmem:v59+s2+$0x0], $0xffff;
	v17 =	vadd.s32 v17, v15;
	v7 =	vsel vm14, v10, v62  }
0x440: {  	[tilespmem:v12+s29+$0x0] =	vst.idx.msk vm14, v53;
	v10 =	vsel vm1, $0x1, v3;
	v14 =	vadd.f32 v58, v7  }
0x441: {  	vm2 =	vne.s32 v60, v9;
	[tilespmem:v15+s29+$0x0] =	vst.idx.msk vm3, v54;
	v63 =	vadd.s32 v10, v17;
	v10 =	vld.idx.msk [tilespmem:v11+s25+$0x0], $0xffff  }
0x442: {  	s4 =	simm.s32 $0xE;
	vm15 =	vne.s32 v61, v60;
	[tilespmem:v12+s30+$0x0] =	vst.idx.msk vm14, v13;
	v12 =	vsel vm2, $0x1, v3;
	v11 =	vsel vm3, v58, v14  }
0x443: {  	[tilespmem:v15+s30+$0x0] =	vst.idx.msk vm3, v7;
	v13 =	vadd.s32 v12, v63;
	v14 =	vadd.s32 s4, v2;
	v7 =	vadd.f32 v6, v11  }
0x444: {  	s5 =	simm.s32 $0xF;
	v8 =	vld.idx.msk [tilespmem:v16+s25+$0x0], $0xffff;
	vm0 =	vne.s32 v5, v61;
	[tilespmem:v17+s29+$0x0] =	vst.idx.msk vm1, v55  }
0x445: {  	[tilespmem:v17+s30+$0x0] =	vst.idx.msk vm1, v11;
	v17 =	vadd.s32 s5, v2;
	v15 =	vsel vm1, v6, v7;
	v6 =	vsel vm15, $0x1, v3  }
0x446: {  	v7 =	vadd.f32 v10, v15;
	v16 =	vadd.s32 v6, v13  }
0x447: {  	v12 =	vld.idx.msk [tilespmem:v59+s25+$0x0], $0xffff;
	[tilespmem:v63+s29+$0x0] =	vst.idx.msk vm2, v9  }
0x448: {  	s6 =	simm.s32 $0x10;
	[tilespmem:v13+s29+$0x0] =	vst.idx.msk vm15, v60;
	v6 =	vsel vm2, v10, v7;
	v10 =	vld.idx.msk [tilespmem:v14+s25+$0x0], $0xffff  }
0x449: {  	[tilespmem:v13+s30+$0x0] =	vst.idx.msk vm15, v6;
	v9 =	vadd.f32 v8, v6;
	v6 =	vld.idx.msk [tilespmem:v14+s2+$0x0], $0xffff;
	v14 =	vadd.s32 s6, v2  }
0x44a: {  	s7 =	simm.s32 $0x11;
	[tilespmem:v63+s30+$0x0] =	vst.idx.msk vm2, v15;
	v7 =	vsel vm0, $0x1, v3;
	v11 =	vld.idx.msk [tilespmem:v17+s25+$0x0], $0xffff  }
0x44b: {  	v7 =	vadd.s32 v7, v16;
	s6 =	simm.s32 $0x12;
	v13 =	vadd.s32 s7, v2;
	v8 =	vsel vm15, v8, v9;
	[tilespmem:v16+s29+$0x0] =	vst.idx.msk vm0, v61  }
0x44c: {  	s5 =	simm.s32 $0x1B;
	v9 =	vadd.s32 s6, v2;
	s6 =	simm.s32 $0x13;
	[tilespmem:v16+s30+$0x0] =	vst.idx.msk vm0, v8;
	v15 =	vadd.f32 v12, v8;
	v8 =	vld.idx.msk [tilespmem:v17+s2+$0x0], $0xffff  }
.LBB2_40:
0x44d: {  	p0 =	slt.u32 s5, $0x264  }
0x44e: {  	v16 =	vld.idx.msk [tilespmem:v14+s2+$0x0], $0xffff;
	v17 =	vadd.s32 s6, v2;
	s7 =	sadd.s32 $0x6, s4;
	v12 =	vsel vm0, v12, v15;
	s6 =	smov.u32 s5;
	s5 =	sadd.s32 $0xD, s5  }
0x44f: {  	v15 =	vadd.f32 v10, v12;
	v14 =	vld.idx.msk [tilespmem:v14+s25+$0x0], $0xffff;
	v18 =	vadd.s32 s7, v2;
	s7 =	sadd.s32 $0x7, s4  }
0x450: {  	vm0 =	vne.s32 v6, v5;
	v19 =	vld.idx.msk [tilespmem:v13+s2+$0x0], $0xffff;
	v20 =	vadd.s32 s7, v2  }
0x451: {  	v21 =	vsel vm0, $0x1, v3;
	s7 =	sadd.s32 $0x8, s4;
	v10 =	vsel vm0, v10, v15;
	v13 =	vld.idx.msk [tilespmem:v13+s25+$0x0], $0xffff  }
0x452: {  	v23 =	vadd.s32 s7, v2;
	v15 =	vadd.f32 v11, v10;
	v22 =	vld.idx.msk [tilespmem:v9+s2+$0x0], $0xffff  }
0x453: {  	v21 =	vadd.s32 v21, v7;
	vm1 =	vne.s32 v8, v6;
	v24 =	vld.idx.msk [tilespmem:v17+s2+$0x0], $0xffff  }
0x454: {  	v25 =	vsel vm1, $0x1, v3;
	vm4 =	vne.s32 v16, v8;
	v11 =	vsel vm1, v11, v15;
	v15 =	vld.idx.msk [tilespmem:v18+s2+$0x0], $0xffff  }
0x455: {  	v25 =	vadd.s32 v25, v21;
	v26 =	vsel vm4, $0x1, v3;
	v27 =	vadd.f32 v14, v11;
	v9 =	vld.idx.msk [tilespmem:v9+s25+$0x0], $0xffff  }
0x456: {  	vm2 =	vne.s32 v19, v16;
	[tilespmem:v7+s29+$0x0] =	vst.idx.msk vm0, v5;
	v5 =	vadd.s32 v26, v25;
	v26 =	vld.idx.msk [tilespmem:v20+s2+$0x0], $0xffff  }
0x457: {  	s7 =	sadd.s32 $0x9, s4;
	[tilespmem:v7+s30+$0x0] =	vst.idx.msk vm0, v12;
	v7 =	vsel vm4, v14, v27;
	v12 =	vsel vm2, $0x1, v3;
	v14 =	vld.idx.msk [tilespmem:v23+s2+$0x0], $0xffff  }
0x458: {  	vm0 =	vne.s32 v22, v19;
	v12 =	vadd.s32 v12, v5;
	v27 =	vadd.f32 v13, v7;
	v17 =	vld.idx.msk [tilespmem:v17+s25+$0x0], $0xffff  }
0x459: {  	v28 =	vadd.s32 s7, v2;
	vm3 =	vne.s32 v24, v22;
	[tilespmem:v21+s29+$0x0] =	vst.idx.msk vm1, v6;
	v6 =	vsel vm0, $0x1, v3;
	v18 =	vld.idx.msk [tilespmem:v18+s25+$0x0], $0xffff  }
0x45a: {  	vm5 =	vne.s32 v15, v24;
	[tilespmem:v25+s29+$0x0] =	vst.idx.msk vm4, v8;
	v8 =	vsel vm2, v13, v27;
	v13 =	vsel vm3, $0x1, v3  }
0x45b: {  	v6 =	vadd.s32 v6, v12;
	[tilespmem:v25+s30+$0x0] =	vst.idx.msk vm4, v11;
	v11 =	vadd.f32 v9, v8;
	v25 =	vsel vm5, $0x1, v3  }
0x45c: {  	s7 =	sadd.s32 $0xA, s4;
	v13 =	vadd.s32 v13, v6;
	vm4 =	vne.s32 v26, v15;
	[tilespmem:v5+s29+$0x0] =	vst.idx.msk vm2, v16;
	v16 =	vld.idx.msk [tilespmem:v20+s25+$0x0], $0xffff  }
0x45d: {  	[tilespmem:v5+s30+$0x0] =	vst.idx.msk vm2, v7;
	v5 =	vsel vm0, v9, v11;
	vm2 =	vne.s32 v14, v26;
	v7 =	vadd.s32 s7, v2;
	s7 =	sadd.s32 $0xB, s4  }
0x45e: {  	[tilespmem:v21+s30+$0x0] =	vst.idx.msk vm1, v10;
	v9 =	vadd.f32 v17, v5;
	v10 =	vsel vm2, $0x1, v3;
	v11 =	vld.idx.msk [tilespmem:v28+s2+$0x0], $0xffff;
	v20 =	vadd.s32 s7, v2  }
0x45f: {  	v21 =	vsel vm4, $0x1, v3;
	[tilespmem:v12+s29+$0x0] =	vst.idx.msk vm0, v19;
	v19 =	vadd.s32 v25, v13  }
0x460: {  	s7 =	sadd.s32 $0xC, s4;
	s4 =	smov.u32 s6;
	[tilespmem:v6+s29+$0x0] =	vst.idx.msk vm3, v22;
	v9 =	vsel vm3, v17, v9;
	v17 =	vadd.s32 v21, v19;
	v21 =	vld.idx.msk [tilespmem:v23+s25+$0x0], $0xffff  }
0x461: {  	v23 =	vadd.s32 s7, v2;
	[tilespmem:v13+s29+$0x0] =	vst.idx.msk vm5, v24;
	v22 =	vadd.f32 v18, v9;
	v10 =	vadd.s32 v10, v17  }
0x462: {  	[tilespmem:v13+s30+$0x0] =	vst.idx.msk vm5, v9;
	v9 =	vld.idx.msk [tilespmem:v7+s2+$0x0], $0xffff  }
0x463: {  	[tilespmem:v6+s30+$0x0] =	vst.idx.msk vm3, v5;
	v5 =	vsel vm5, v18, v22;
	v18 =	vld.idx.msk [tilespmem:v20+s2+$0x0], $0xffff  }
0x464: {  	vm3 =	vne.s32 v11, v14;
	[tilespmem:v19+s29+$0x0] =	vst.idx.msk vm4, v15;
	v6 =	vadd.f32 v16, v5;
	v13 =	vld.idx.msk [tilespmem:v28+s25+$0x0], $0xffff  }
0x465: {  	v15 =	vsel vm3, $0x1, v3;
	[tilespmem:v17+s29+$0x0] =	vst.idx.msk vm2, v26  }
0x466: {  	v15 =	vadd.s32 v15, v10;
	[tilespmem:v19+s30+$0x0] =	vst.idx.msk vm4, v5;
	v6 =	vsel vm4, v16, v6;
	v5 =	vld.idx.msk [tilespmem:v23+s2+$0x0], $0xffff  }
0x467: {  	[tilespmem:v17+s30+$0x0] =	vst.idx.msk vm2, v6;
	v6 =	vadd.f32 v21, v6;
	v16 =	vld.idx.msk [tilespmem:v7+s25+$0x0], $0xffff  }
0x468: {  	vm1 =	vne.s32 v9, v11;
	[tilespmem:v12+s30+$0x0] =	vst.idx.msk vm0, v8  }
0x469: {  	v7 =	vsel vm1, $0x1, v3;
	v6 =	vsel vm2, v21, v6;
	vm2 =	vne.s32 v18, v9  }
0x46a: {  	v17 =	vadd.s32 v7, v15;
	[tilespmem:v10+s29+$0x0] =	vst.idx.msk vm3, v14;
	v8 =	vadd.f32 v13, v6;
	v19 =	vld.idx.msk [tilespmem:v20+s25+$0x0], $0xffff  }
0x46b: {  	v20 =	vadd.s32 s4, v2;
	[tilespmem:v10+s30+$0x0] =	vst.idx.msk vm3, v6  }
0x46c: {  	v6 =	vsel vm2, $0x1, v3;
	vm0 =	vne.s32 v5, v18;
	v8 =	vsel vm3, v13, v8  }
0x46d: {  	s6 =	sadd.s32 $0x1, s4;
	v21 =	vadd.s32 v6, v17;
	v6 =	vsel vm0, $0x1, v3;
	v10 =	vadd.f32 v16, v8;
	v12 =	vld.idx.msk [tilespmem:v23+s25+$0x0], $0xffff  }
0x46e: {  	v22 =	vadd.s32 s6, v2;
	v7 =	vadd.s32 v6, v21;
	[tilespmem:v15+s29+$0x0] =	vst.idx.msk vm1, v11  }
0x46f: {  	s6 =	sadd.s32 $0x2, s4;
	v6 =	vsel vm1, v16, v10;
	[tilespmem:v17+s29+$0x0] =	vst.idx.msk vm2, v9  }
.Ltmp27:
0x470: {  	v14 =	vadd.s32 s6, v2;
	v10 =	vld.idx.msk [tilespmem:v20+s25+$0x0], $0xffff;
	[tilespmem:v17+s30+$0x0] =	vst.idx.msk vm2, v6;
	v9 =	vadd.f32 v19, v6;
	(pc) =	sbr.rel @p0 .LBB2_40-.Ltmp27, $4  }
0x471: {  	s6 =	sadd.s32 $0x3, s4;
	v6 =	vld.idx.msk [tilespmem:v20+s2+$0x0], $0xffff;
	[tilespmem:v15+s30+$0x0] =	vst.idx.msk vm1, v8  }
0x472: {  	v13 =	vadd.s32 s6, v2;
	s6 =	sadd.s32 $0x4, s4;
	v8 =	vsel vm2, v19, v9;
	[tilespmem:v21+s29+$0x0] =	vst.idx.msk vm0, v18  }
0x473: {  	v9 =	vadd.s32 s6, v2;
	v11 =	vld.idx.msk [tilespmem:v22+s25+$0x0], $0xffff;
	[tilespmem:v21+s30+$0x0] =	vst.idx.msk vm0, v8;
	v15 =	vadd.f32 v12, v8  }
0x474: {  	s6 =	sadd.s32 $0x5, s4;
	v8 =	vld.idx.msk [tilespmem:v22+s2+$0x0], $0xffff  }
0x475: {  	_ =	sdelay $0x2  }
0x476: {  	v16 =	vadd.s32 s6, v2;
	s5 =	sadd.s32 $0x6, s4  }
0x477: {  	v56 =	vld.idx.msk [tilespmem:v14+s2+$0x0], $0xffff;
	s7 =	sadd.s32 $0x7, s4;
	v18 =	vadd.s32 s5, v2  }
0x478: {  	v12 =	vsel vm0, v12, v15;
	v19 =	vld.idx.msk [tilespmem:v13+s2+$0x0], $0xffff;
	s6 =	sadd.s32 $0x8, s4;
	v20 =	vadd.s32 s7, v2  }
0x479: {  	v23 =	vld.idx.msk [tilespmem:v9+s2+$0x0], $0xffff;
	v17 =	vadd.f32 v10, v12;
	vm1 =	vne.s32 v6, v5;
	v22 =	vadd.s32 s6, v2;
	s7 =	sadd.s32 $0x9, s4;
	s6 =	sadd.s32 $0xA, s4  }
0x47a: {  	v21 =	vsel vm1, $0x1, v3;
	v25 =	vadd.s32 s7, v2;
	v59 =	vadd.s32 s6, v2;
	s7 =	sadd.s32 $0xB, s4  }
0x47b: {  	s6 =	sadd.s32 $0xC, s4;
	v10 =	vsel vm1, v10, v17;
	v21 =	vadd.s32 v21, v7;
	v29 =	vadd.s32 s7, v2;
	v26 =	vld.idx.msk [tilespmem:v16+s2+$0x0], $0xffff  }
0x47c: {  	v32 =	vadd.s32 s6, v2;
	v17 =	vadd.f32 v11, v10;
	vm0 =	vne.s32 v8, v6;
	v27 =	vld.idx.msk [tilespmem:v18+s2+$0x0], $0xffff  }
0x47d: {  	v24 =	vsel vm0, $0x1, v3;
	vm5 =	vne.s32 v56, v8;
	vm10 =	vne.s32 v19, v56;
	v31 =	vld.idx.msk [tilespmem:v20+s2+$0x0], $0xffff  }
0x47e: {  	vm2 =	vne.s32 v23, v19;
	v24 =	vadd.s32 v24, v21;
	v28 =	vsel vm5, $0x1, v3;
	v34 =	vld.idx.msk [tilespmem:v22+s2+$0x0], $0xffff  }
0x47f: {  	v11 =	vsel vm0, v11, v17;
	v33 =	vsel vm10, $0x1, v3;
	v28 =	vadd.s32 v28, v24;
	v61 =	vld.idx.msk [tilespmem:v25+s2+$0x0], $0xffff  }
0x480: {  	v36 =	vsel vm2, $0x1, v3;
	v37 =	vld.idx.msk [tilespmem:v59+s2+$0x0], $0xffff;
	v60 =	vadd.s32 v33, v28;
	vm7 =	vne.s32 v26, v23  }
0x481: {  	v39 =	vld.idx.msk [tilespmem:v29+s2+$0x0], $0xffff;
	v36 =	vadd.s32 v36, v60;
	v38 =	vsel vm7, $0x1, v3;
	vm12 =	vne.s32 v27, v26  }
0x482: {  	v41 =	vld.idx.msk [tilespmem:v32+s2+$0x0], $0xffff;
	vm11 =	vne.s32 v31, v27;
	v40 =	vsel vm12, $0x1, v3;
	v38 =	vadd.s32 v38, v36  }
0x483: {  	v57 =	vld.idx.msk [tilespmem:v14+s25+$0x0], $0xffff;
	vm8 =	vne.s32 v34, v31;
	v42 =	vsel vm11, $0x1, v3;
	v40 =	vadd.s32 v40, v38  }
0x484: {  	v43 =	vsel vm8, $0x1, v3;
	vm6 =	vne.s32 v61, v34;
	v42 =	vadd.s32 v42, v40  }
0x485: {  	v44 =	vld.idx.msk [tilespmem:v9+s25+$0x0], $0xffff;
	vm3 =	vne.s32 v37, v61;
	v9 =	vsel vm6, $0x1, v3;
	v43 =	vadd.s32 v43, v42  }
0x486: {  	v58 =	vld.idx.msk [tilespmem:v13+s25+$0x0], $0xffff;
	vm9 =	vne.s32 v39, v37;
	v45 =	vadd.s32 v9, v43;
	v9 =	vsel vm3, $0x1, v3  }
0x487: {  	vm4 =	vne.s32 v41, v39;
	v46 =	vadd.s32 v9, v45;
	v9 =	vsel vm9, $0x1, v3  }
0x488: {  	v30 =	vadd.f32 v57, v11;
	v47 =	vadd.s32 v9, v46;
	v9 =	vsel vm4, $0x1, v3  }
0x489: {  	v9 =	vadd.s32 v9, v47  }
0x48a: {  	v14 =	vsel vm5, v57, v30;
	v9 =	vadd.s32 v4, v9  }
0x48b: {  	v35 =	vadd.f32 v58, v14;
	v62 =	vxor.u32 $0x80000000, v9  }
0x48c: {  	v16 =	vld.idx.msk [tilespmem:v16+s25+$0x0], $0xffff;
	(xrf0) =	vmax.scan.msk.u32 $0xffff, v62  }
0x48d: {  	[tilespmem:v7+s29+$0x0] =	vst.idx.msk vm1, v5;
	v13 =	vsel vm10, v58, v35  }
0x48e: {  	[tilespmem:v7+s30+$0x0] =	vst.idx.msk vm1, v12;
	v35 =	vadd.f32 v44, v13  }
0x48f: {  	v5 =	vld.idx.msk [tilespmem:v18+s25+$0x0], $0xffff;
	[tilespmem:v21+s29+$0x0] =	vst.idx.msk vm0, v6  }
0x490: {  	[tilespmem:v24+s29+$0x0] =	vst.idx.msk vm5, v8;
	v7 =	vsel vm2, v44, v35  }
0x491: {  	[tilespmem:v21+s30+$0x0] =	vst.idx.msk vm0, v10;
	v8 =	vadd.f32 v16, v7  }
0x492: {  	[tilespmem:v24+s30+$0x0] =	vst.idx.msk vm5, v11;
	v11 =	vld.idx.msk [tilespmem:v20+s25+$0x0], $0xffff;
	v10, _, _ =	vpop (xrf0)  }
0x493: {  	v8 =	vsel vm7, v16, v8;
	(v2sf) =	vpush v10, $0xF  }
0x494: {  	v63 =	vadd.f32 v5, v8  }
0x495: {  	v6 =	vld.idx.msk [tilespmem:v22+s25+$0x0], $0xffff;
	[tilespmem:v28+s29+$0x0] =	vst.idx.msk vm10, v56  }
0x496: {  	[tilespmem:v28+s30+$0x0] =	vst.idx.msk vm10, v14;
	v5 =	vsel vm12, v5, v63  }
0x497: {  	[tilespmem:v38+s29+$0x0] =	vst.idx.msk vm12, v26;
	v10 =	vadd.f32 v11, v5  }
0x498: {  	[tilespmem:v38+s30+$0x0] =	vst.idx.msk vm12, v8;
	v8 =	vld.idx.msk [tilespmem:v25+s25+$0x0], $0xffff  }
0x499: {  	[tilespmem:v36+s29+$0x0] =	vst.idx.msk vm7, v23;
	v10 =	vsel vm11, v11, v10  }
0x49a: {  	[tilespmem:v36+s30+$0x0] =	vst.idx.msk vm7, v7;
	v7 =	vadd.f32 v6, v10  }
0x49b: {  	[tilespmem:v40+s29+$0x0] =	vst.idx.msk vm11, v27;
	v11 =	vld.idx.msk [tilespmem:v59+s25+$0x0], $0xffff  }
0x49c: {  	[tilespmem:v40+s30+$0x0] =	vst.idx.msk vm11, v5;
	v5 =	vsel vm8, v6, v7  }
0x49d: {  	[tilespmem:v60+s29+$0x0] =	vst.idx.msk vm2, v19;
	v6 =	vadd.f32 v8, v5  }
0x49e: {  	[tilespmem:v60+s30+$0x0] =	vst.idx.msk vm2, v13;
	v7 =	vld.idx.msk [tilespmem:v29+s25+$0x0], $0xffff  }
0x49f: {  	[tilespmem:v42+s29+$0x0] =	vst.idx.msk vm8, v31;
	v6 =	vsel vm6, v8, v6  }
0x4a0: {  	[tilespmem:v43+s29+$0x0] =	vst.idx.msk vm6, v34;
	v8 =	vadd.f32 v11, v6  }
0x4a1: {  	[tilespmem:v42+s30+$0x0] =	vst.idx.msk vm8, v10;
	v10 =	vld.idx.msk [tilespmem:v32+s25+$0x0], $0xffff  }
0x4a2: {  	[tilespmem:v43+s30+$0x0] =	vst.idx.msk vm6, v5;
	v5 =	vsel vm3, v11, v8;
	s7 =	spop (v2sf)  }
0x4a3: {  	[tilespmem:v45+s29+$0x0] =	vst.idx.msk vm3, v61;
	v8 =	vadd.f32 v7, v5;
	s4 =	sxor.u32 $0x80000000, s7  }
0x4a4: {  	[tilespmem:v46+s29+$0x0] =	vst.idx.msk vm9, v37;
	p0 =	slt.s32 s4, $0x1  }
.Ltmp28:
0x4a5: {  	[tilespmem:v46+s30+$0x0] =	vst.idx.msk vm9, v5;
	v5 =	vsel vm9, v7, v8;
	(pc) =	sbr.rel @p0 .LBB2_45-.Ltmp28, $4  }
0x4a6: {  	[tilespmem:v45+s30+$0x0] =	vst.idx.msk vm3, v6;
	v6 =	vadd.f32 v10, v5  }
0x4a7: {  	[tilespmem:v47+s29+$0x0] =	vst.idx.msk vm4, v39  }
0x4a8: {  	[tilespmem:v47+s30+$0x0] =	vst.idx.msk vm4, v5;
	v5 =	vsel vm4, v10, v6  }
0x4a9: {  	s6 =	simm.s32 $0x0;
	[tilespmem:v41+s31+$0x0] =	vst.idx.add.f32.msk $0xffff, v5  }
0x4aa: {  	v6 =	vadd.s32 s6, v2  }
0x4ab: {  	p0 =	sne.s32 s4, $0x1  }
.Ltmp29:
0x4ac: {  	_ = 	snop;
	(pc) =	sbr.rel @!p0 .LBB2_44-.Ltmp29, $3  }
0x4ad: {  	_ =	sdelay $0x1  }
0x4ae: {  	v5 =	vld.idx.msk [tilespmem:v6+s29+$0x0], $0xffff  }
0x4af: {  	s5 =	simm.s32 $0x1;
	v7 =	vmov s6  }
.LBB2_43:
0x4b0: {  	v8 =	vld.idx.msk [tilespmem:v6+s30+$0x0], $0xffff;
	vm0 =	vlt.s32 v7, v9;
	s6 =	smov.u32 s5;
	s5 =	sadd.s32 $0x1, s5  }
0x4b1: {  	p0 =	sne.s32 s4, s5  }
0x4b2: {  	v6 =	vadd.s32 s6, v2;
	_ =	sdelay $0x1  }
.Ltmp30:
0x4b3: {  	(pc) =	sbr.rel @p0 .LBB2_43-.Ltmp30, $4  }
0x4b4: {  	_ = 	snop  }
0x4b5: {  	[tilespmem:v5+s31+$0x0] =	vst.idx.add.f32.msk vm0, v8  }
0x4b6: {  	v5 =	vld.idx.msk [tilespmem:v6+s29+$0x0], $0xffff  }
0x4b7: {  	v7 =	vmov s6  }
.LBB2_44:
0x4b8: {  	_ =	sdelay $0x2  }
0x4b9: {  	vm0 =	vlt.s32 v7, v9  }
0x4ba: {  	v6 =	vld.idx.msk [tilespmem:v6+s30+$0x0], $0xffff;
	_ =	sdelay $0x4  }
0x4bb: {  	[tilespmem:v5+s31+$0x0] =	vst.idx.add.f32.msk vm0, v6  }
.LBB2_45:
0x4bc: {  	_ =	swait.ge [sflag:s1], $0x2710  }
0x4bd: {  	[sflag:s1] =	ssyncset.done $0x0  }
0x4be: {  	[sflag:s1] =	ssyncadd.s32 $0xFFFFD8F0  }
0x4bf: {  	_ =	swait.ge [sflag:s1], $0x2710  }
0x4c0: {  	[sflag:s1] =	ssyncset.done $0x0  }
0x4c1: {  	s4 =	simm.s32 $0x1;
	[sflag:s1] =	ssyncadd.s32 $0xFFFFD8F0  }
0x4c2: {  	v5 =	vadd.s32 s4, v2;
	[tilespmem:s2], [sflag:$0x1] =	stream.linear.gather [hbm4b:s19+s2], $0x2710, $0x38;
	[tilespmem:$0x11480] =	vst v63  }
0x4c3: {  	s6 =	simm.s32 $0x2  }
0x4c4: {  	v7 =	vadd.s32 s6, v2;
	[tilespmem:s25], [sflag:$0x1] =	stream.linear.gather [hbm4b:s20+s2], $0x2710, $0x38;
	[tilespmem:$0x11480] =	vst v63  }
0x4c5: {  	s7 =	simm.s32 $0x3;
	v6 =	vld.idx.msk [tilespmem:v2+s26+$0x0], $0xffff  }
0x4c6: {  	v10 =	vadd.s32 s7, v2;
	v8 =	vld.idx.msk [tilespmem:v2+s28+$0x0], $0xffff  }
0x4c7: {  	v9 =	vld.idx.msk [tilespmem:v5+s28+$0x0], $0xffff  }
0x4c8: {  	v5 =	vld.idx.msk [tilespmem:v5+s26+$0x0], $0xffff  }
0x4c9: {  	s5 =	simm.s32 $0x4;
	v11 =	vld.idx.msk [tilespmem:v7+s28+$0x0], $0xffff  }
0x4ca: {  	v12 =	vadd.s32 s5, v2;
	v7 =	vld.idx.msk [tilespmem:v7+s26+$0x0], $0xffff  }
0x4cb: {  	v15 =	vld.idx.msk [tilespmem:v10+s28+$0x0], $0xffff  }
0x4cc: {  	s6 =	simm.s32 $0x5;
	v10 =	vld.idx.msk [tilespmem:v10+s26+$0x0], $0xffff  }
0x4cd: {  	v14 =	vadd.s32 s6, v2;
	v13 =	vadd.f32 v9, v8  }
0x4ce: {  	s5 =	simm.s32 $0x7;
	vm0 =	vne.s32 v5, v6  }
0x4cf: {  	v17 =	vadd.s32 s5, v2;
	v18 =	vld.idx.msk [tilespmem:v12+s28+$0x0], $0xffff;
	v9 =	vsel vm0, v9, v13  }
0x4d0: {  	s7 =	simm.s32 $0x6;
	v12 =	vld.idx.msk [tilespmem:v12+s26+$0x0], $0xffff;
	v16 =	vadd.f32 v11, v9  }
0x4d1: {  	vm1 =	vne.s32 v7, v5;
	vm3 =	vne.s32 v10, v7;
	v13 =	vadd.s32 s7, v2  }
0x4d2: {  	v19 =	vld.idx.msk [tilespmem:v14+s26+$0x0], $0xffff;
	v21 =	vsel vm0, $0x1, v3;
	v24 =	vsel vm1, $0x1, v3;
	s7 =	simm.s32 $0x9;
	v11 =	vsel vm1, v11, v16  }
0x4d3: {  	v14 =	vld.idx.msk [tilespmem:v14+s28+$0x0], $0xffff;
	v21 =	vadd.s32 v21, v2;
	v22 =	vadd.s32 s7, v2;
	v20 =	vadd.f32 v15, v11  }
0x4d4: {  	s6 =	simm.s32 $0x8;
	v53 =	vld.idx.msk [tilespmem:v17+s26+$0x0], $0xffff;
	v24 =	vadd.s32 v24, v21  }
0x4d5: {  	v17 =	vld.idx.msk [tilespmem:v17+s28+$0x0], $0xffff;
	vm5 =	vne.s32 v12, v10;
	v16 =	vadd.s32 s6, v2;
	v15 =	vsel vm3, v15, v20  }
0x4d6: {  	s5 =	simm.s32 $0xA;
	v25 =	vsel vm3, $0x1, v3;
	[tilespmem:v2+s29+$0x0] =	vst.idx.msk vm0, v6;
	v23 =	vld.idx.msk [tilespmem:v13+s26+$0x0], $0xffff;
	v26 =	vadd.f32 v18, v15  }
0x4d7: {  	v28 =	vadd.s32 s5, v2;
	v6 =	vadd.s32 v25, v24;
	v13 =	vld.idx.msk [tilespmem:v13+s28+$0x0], $0xffff;
	[tilespmem:v2+s30+$0x0] =	vst.idx.msk vm0, v8;
	v8 =	vsel vm5, $0x1, v3  }
0x4d8: {  	vm0 =	vne.s32 v19, v12;
	[tilespmem:v21+s29+$0x0] =	vst.idx.msk vm1, v5;
	v55 =	vld.idx.msk [tilespmem:v22+s26+$0x0], $0xffff;
	v18 =	vsel vm5, v18, v26  }
0x4d9: {  	v8 =	vadd.s32 v8, v6;
	v5 =	vsel vm0, $0x1, v3;
	[tilespmem:v24+s29+$0x0] =	vst.idx.msk vm3, v7;
	v27 =	vadd.f32 v14, v18  }
0x4da: {  	s6 =	simm.s32 $0xB;
	[tilespmem:v21+s30+$0x0] =	vst.idx.msk vm1, v9;
	v5 =	vadd.s32 v5, v8;
	v54 =	vld.idx.msk [tilespmem:v16+s26+$0x0], $0xffff  }
0x4db: {  	[tilespmem:v24+s30+$0x0] =	vst.idx.msk vm3, v11;
	v11 =	vadd.s32 s6, v2;
	vm2 =	vne.s32 v23, v19;
	v14 =	vsel vm0, v14, v27  }
0x4dc: {  	s7 =	simm.s32 $0xC;
	v9 =	vld.idx.msk [tilespmem:v28+s26+$0x0], $0xffff;
	vm4 =	vne.s32 v53, v23;
	v7 =	vsel vm2, $0x1, v3;
	v56 =	vadd.f32 v13, v14  }
0x4dd: {  	s5 =	simm.s32 $0xD;
	[tilespmem:v6+s29+$0x0] =	vst.idx.msk vm5, v10;
	v10 =	vld.idx.msk [tilespmem:v16+s28+$0x0], $0xffff;
	v16 =	vadd.s32 s7, v2;
	v7 =	vadd.s32 v7, v5  }
0x4de: {  	v59 =	vadd.s32 s5, v2;
	v58 =	vld.idx.msk [tilespmem:v22+s28+$0x0], $0xffff;
	[tilespmem:v6+s30+$0x0] =	vst.idx.msk vm5, v15;
	v6 =	vsel vm2, v13, v56  }
0x4df: {  	v57 =	vsel vm4, $0x1, v3;
	[tilespmem:v8+s29+$0x0] =	vst.idx.msk vm0, v12;
	vm14 =	vne.s32 v54, v53;
	v13 =	vadd.f32 v17, v6  }
0x4e0: {  	[tilespmem:v8+s30+$0x0] =	vst.idx.msk vm0, v18;
	vm3 =	vne.s32 v55, v54;
	v12 =	vadd.s32 v57, v7;
	v15 =	vsel vm14, $0x1, v3  }
0x4e1: {  	v60 =	vld.idx.msk [tilespmem:v11+s26+$0x0], $0xffff;
	v15 =	vadd.s32 v15, v12;
	[tilespmem:v5+s29+$0x0] =	vst.idx.msk vm2, v19;
	v13 =	vsel vm4, v17, v13  }
0x4e2: {  	v61 =	vld.idx.msk [tilespmem:v16+s26+$0x0], $0xffff;
	[tilespmem:v7+s29+$0x0] =	vst.idx.msk vm4, v23;
	v62 =	vadd.f32 v10, v13  }
0x4e3: {  	vm1 =	vne.s32 v9, v55;
	v17 =	vsel vm3, $0x1, v3;
	[tilespmem:v7+s30+$0x0] =	vst.idx.msk vm4, v6;
	v6 =	vld.idx.msk [tilespmem:v28+s28+$0x0], $0xffff  }
0x4e4: {  	[tilespmem:v5+s30+$0x0] =	vst.idx.msk vm2, v14;
	v5 =	vld.idx.msk [tilespmem:v59+s26+$0x0], $0xffff;
	v17 =	vadd.s32 v17, v15;
	v7 =	vsel vm14, v10, v62  }
0x4e5: {  	[tilespmem:v12+s29+$0x0] =	vst.idx.msk vm14, v53;
	v10 =	vsel vm1, $0x1, v3;
	v14 =	vadd.f32 v58, v7  }
0x4e6: {  	vm2 =	vne.s32 v60, v9;
	[tilespmem:v15+s29+$0x0] =	vst.idx.msk vm3, v54;
	v63 =	vadd.s32 v10, v17;
	v10 =	vld.idx.msk [tilespmem:v11+s28+$0x0], $0xffff  }
0x4e7: {  	s4 =	simm.s32 $0xE;
	vm15 =	vne.s32 v61, v60;
	[tilespmem:v12+s30+$0x0] =	vst.idx.msk vm14, v13;
	v12 =	vsel vm2, $0x1, v3;
	v11 =	vsel vm3, v58, v14  }
0x4e8: {  	[tilespmem:v15+s30+$0x0] =	vst.idx.msk vm3, v7;
	v13 =	vadd.s32 v12, v63;
	v14 =	vadd.s32 s4, v2;
	v7 =	vadd.f32 v6, v11  }
0x4e9: {  	s5 =	simm.s32 $0xF;
	v8 =	vld.idx.msk [tilespmem:v16+s28+$0x0], $0xffff;
	vm0 =	vne.s32 v5, v61;
	[tilespmem:v17+s29+$0x0] =	vst.idx.msk vm1, v55  }
0x4ea: {  	[tilespmem:v17+s30+$0x0] =	vst.idx.msk vm1, v11;
	v17 =	vadd.s32 s5, v2;
	v15 =	vsel vm1, v6, v7;
	v6 =	vsel vm15, $0x1, v3  }
0x4eb: {  	v7 =	vadd.f32 v10, v15;
	v16 =	vadd.s32 v6, v13  }
0x4ec: {  	v12 =	vld.idx.msk [tilespmem:v59+s28+$0x0], $0xffff;
	[tilespmem:v63+s29+$0x0] =	vst.idx.msk vm2, v9  }
0x4ed: {  	s6 =	simm.s32 $0x10;
	[tilespmem:v13+s29+$0x0] =	vst.idx.msk vm15, v60;
	v6 =	vsel vm2, v10, v7;
	v10 =	vld.idx.msk [tilespmem:v14+s28+$0x0], $0xffff  }
0x4ee: {  	[tilespmem:v13+s30+$0x0] =	vst.idx.msk vm15, v6;
	v9 =	vadd.f32 v8, v6;
	v6 =	vld.idx.msk [tilespmem:v14+s26+$0x0], $0xffff;
	v14 =	vadd.s32 s6, v2  }
0x4ef: {  	s7 =	simm.s32 $0x11;
	[tilespmem:v63+s30+$0x0] =	vst.idx.msk vm2, v15;
	v7 =	vsel vm0, $0x1, v3;
	v11 =	vld.idx.msk [tilespmem:v17+s28+$0x0], $0xffff  }
0x4f0: {  	v7 =	vadd.s32 v7, v16;
	s6 =	simm.s32 $0x12;
	v13 =	vadd.s32 s7, v2;
	v8 =	vsel vm15, v8, v9;
	[tilespmem:v16+s29+$0x0] =	vst.idx.msk vm0, v61  }
0x4f1: {  	s5 =	simm.s32 $0x1B;
	v9 =	vadd.s32 s6, v2;
	s6 =	simm.s32 $0x13;
	[tilespmem:v16+s30+$0x0] =	vst.idx.msk vm0, v8;
	v15 =	vadd.f32 v12, v8;
	v8 =	vld.idx.msk [tilespmem:v17+s26+$0x0], $0xffff  }
.LBB2_46:
0x4f2: {  	p0 =	slt.u32 s5, $0x264  }
0x4f3: {  	v16 =	vld.idx.msk [tilespmem:v14+s26+$0x0], $0xffff;
	v17 =	vadd.s32 s6, v2;
	s7 =	sadd.s32 $0x6, s4;
	v12 =	vsel vm0, v12, v15;
	s6 =	smov.u32 s5;
	s5 =	sadd.s32 $0xD, s5  }
0x4f4: {  	v15 =	vadd.f32 v10, v12;
	v14 =	vld.idx.msk [tilespmem:v14+s28+$0x0], $0xffff;
	v18 =	vadd.s32 s7, v2;
	s7 =	sadd.s32 $0x7, s4  }
0x4f5: {  	vm0 =	vne.s32 v6, v5;
	v19 =	vld.idx.msk [tilespmem:v13+s26+$0x0], $0xffff;
	v20 =	vadd.s32 s7, v2  }
0x4f6: {  	v21 =	vsel vm0, $0x1, v3;
	s7 =	sadd.s32 $0x8, s4;
	v10 =	vsel vm0, v10, v15;
	v13 =	vld.idx.msk [tilespmem:v13+s28+$0x0], $0xffff  }
0x4f7: {  	v23 =	vadd.s32 s7, v2;
	v15 =	vadd.f32 v11, v10;
	v22 =	vld.idx.msk [tilespmem:v9+s26+$0x0], $0xffff  }
0x4f8: {  	v21 =	vadd.s32 v21, v7;
	vm1 =	vne.s32 v8, v6;
	v24 =	vld.idx.msk [tilespmem:v17+s26+$0x0], $0xffff  }
0x4f9: {  	v25 =	vsel vm1, $0x1, v3;
	vm4 =	vne.s32 v16, v8;
	v11 =	vsel vm1, v11, v15;
	v15 =	vld.idx.msk [tilespmem:v18+s26+$0x0], $0xffff  }
0x4fa: {  	v25 =	vadd.s32 v25, v21;
	v26 =	vsel vm4, $0x1, v3;
	v27 =	vadd.f32 v14, v11;
	v9 =	vld.idx.msk [tilespmem:v9+s28+$0x0], $0xffff  }
0x4fb: {  	vm2 =	vne.s32 v19, v16;
	[tilespmem:v7+s29+$0x0] =	vst.idx.msk vm0, v5;
	v5 =	vadd.s32 v26, v25;
	v26 =	vld.idx.msk [tilespmem:v20+s26+$0x0], $0xffff  }
0x4fc: {  	s7 =	sadd.s32 $0x9, s4;
	[tilespmem:v7+s30+$0x0] =	vst.idx.msk vm0, v12;
	v7 =	vsel vm4, v14, v27;
	v12 =	vsel vm2, $0x1, v3;
	v14 =	vld.idx.msk [tilespmem:v23+s26+$0x0], $0xffff  }
0x4fd: {  	vm0 =	vne.s32 v22, v19;
	v12 =	vadd.s32 v12, v5;
	v27 =	vadd.f32 v13, v7;
	v17 =	vld.idx.msk [tilespmem:v17+s28+$0x0], $0xffff  }
0x4fe: {  	v28 =	vadd.s32 s7, v2;
	vm3 =	vne.s32 v24, v22;
	[tilespmem:v21+s29+$0x0] =	vst.idx.msk vm1, v6;
	v6 =	vsel vm0, $0x1, v3;
	v18 =	vld.idx.msk [tilespmem:v18+s28+$0x0], $0xffff  }
0x4ff: {  	vm5 =	vne.s32 v15, v24;
	[tilespmem:v25+s29+$0x0] =	vst.idx.msk vm4, v8;
	v8 =	vsel vm2, v13, v27;
	v13 =	vsel vm3, $0x1, v3  }
0x500: {  	v6 =	vadd.s32 v6, v12;
	[tilespmem:v25+s30+$0x0] =	vst.idx.msk vm4, v11;
	v11 =	vadd.f32 v9, v8;
	v25 =	vsel vm5, $0x1, v3  }
0x501: {  	s7 =	sadd.s32 $0xA, s4;
	v13 =	vadd.s32 v13, v6;
	vm4 =	vne.s32 v26, v15;
	[tilespmem:v5+s29+$0x0] =	vst.idx.msk vm2, v16;
	v16 =	vld.idx.msk [tilespmem:v20+s28+$0x0], $0xffff  }
0x502: {  	[tilespmem:v5+s30+$0x0] =	vst.idx.msk vm2, v7;
	v5 =	vsel vm0, v9, v11;
	vm2 =	vne.s32 v14, v26;
	v7 =	vadd.s32 s7, v2;
	s7 =	sadd.s32 $0xB, s4  }
0x503: {  	[tilespmem:v21+s30+$0x0] =	vst.idx.msk vm1, v10;
	v9 =	vadd.f32 v17, v5;
	v10 =	vsel vm2, $0x1, v3;
	v11 =	vld.idx.msk [tilespmem:v28+s26+$0x0], $0xffff;
	v20 =	vadd.s32 s7, v2  }
0x504: {  	v21 =	vsel vm4, $0x1, v3;
	[tilespmem:v12+s29+$0x0] =	vst.idx.msk vm0, v19;
	v19 =	vadd.s32 v25, v13  }
0x505: {  	s7 =	sadd.s32 $0xC, s4;
	s4 =	smov.u32 s6;
	[tilespmem:v6+s29+$0x0] =	vst.idx.msk vm3, v22;
	v9 =	vsel vm3, v17, v9;
	v17 =	vadd.s32 v21, v19;
	v21 =	vld.idx.msk [tilespmem:v23+s28+$0x0], $0xffff  }
0x506: {  	v23 =	vadd.s32 s7, v2;
	[tilespmem:v13+s29+$0x0] =	vst.idx.msk vm5, v24;
	v22 =	vadd.f32 v18, v9;
	v10 =	vadd.s32 v10, v17  }
0x507: {  	[tilespmem:v13+s30+$0x0] =	vst.idx.msk vm5, v9;
	v9 =	vld.idx.msk [tilespmem:v7+s26+$0x0], $0xffff  }
0x508: {  	[tilespmem:v6+s30+$0x0] =	vst.idx.msk vm3, v5;
	v5 =	vsel vm5, v18, v22;
	v18 =	vld.idx.msk [tilespmem:v20+s26+$0x0], $0xffff  }
0x509: {  	vm3 =	vne.s32 v11, v14;
	[tilespmem:v19+s29+$0x0] =	vst.idx.msk vm4, v15;
	v6 =	vadd.f32 v16, v5;
	v13 =	vld.idx.msk [tilespmem:v28+s28+$0x0], $0xffff  }
0x50a: {  	v15 =	vsel vm3, $0x1, v3;
	[tilespmem:v17+s29+$0x0] =	vst.idx.msk vm2, v26  }
0x50b: {  	v15 =	vadd.s32 v15, v10;
	[tilespmem:v19+s30+$0x0] =	vst.idx.msk vm4, v5;
	v6 =	vsel vm4, v16, v6;
	v5 =	vld.idx.msk [tilespmem:v23+s26+$0x0], $0xffff  }
0x50c: {  	[tilespmem:v17+s30+$0x0] =	vst.idx.msk vm2, v6;
	v6 =	vadd.f32 v21, v6;
	v16 =	vld.idx.msk [tilespmem:v7+s28+$0x0], $0xffff  }
0x50d: {  	vm1 =	vne.s32 v9, v11;
	[tilespmem:v12+s30+$0x0] =	vst.idx.msk vm0, v8  }
0x50e: {  	v7 =	vsel vm1, $0x1, v3;
	v6 =	vsel vm2, v21, v6;
	vm2 =	vne.s32 v18, v9  }
0x50f: {  	v17 =	vadd.s32 v7, v15;
	[tilespmem:v10+s29+$0x0] =	vst.idx.msk vm3, v14;
	v8 =	vadd.f32 v13, v6;
	v19 =	vld.idx.msk [tilespmem:v20+s28+$0x0], $0xffff  }
0x510: {  	v20 =	vadd.s32 s4, v2;
	[tilespmem:v10+s30+$0x0] =	vst.idx.msk vm3, v6  }
0x511: {  	v6 =	vsel vm2, $0x1, v3;
	vm0 =	vne.s32 v5, v18;
	v8 =	vsel vm3, v13, v8  }
0x512: {  	s6 =	sadd.s32 $0x1, s4;
	v21 =	vadd.s32 v6, v17;
	v6 =	vsel vm0, $0x1, v3;
	v10 =	vadd.f32 v16, v8;
	v12 =	vld.idx.msk [tilespmem:v23+s28+$0x0], $0xffff  }
0x513: {  	v22 =	vadd.s32 s6, v2;
	v7 =	vadd.s32 v6, v21;
	[tilespmem:v15+s29+$0x0] =	vst.idx.msk vm1, v11  }
0x514: {  	s6 =	sadd.s32 $0x2, s4;
	v6 =	vsel vm1, v16, v10;
	[tilespmem:v17+s29+$0x0] =	vst.idx.msk vm2, v9  }
.Ltmp31:
0x515: {  	v14 =	vadd.s32 s6, v2;
	v10 =	vld.idx.msk [tilespmem:v20+s28+$0x0], $0xffff;
	[tilespmem:v17+s30+$0x0] =	vst.idx.msk vm2, v6;
	v9 =	vadd.f32 v19, v6;
	(pc) =	sbr.rel @p0 .LBB2_46-.Ltmp31, $4  }
0x516: {  	s6 =	sadd.s32 $0x3, s4;
	v6 =	vld.idx.msk [tilespmem:v20+s26+$0x0], $0xffff;
	[tilespmem:v15+s30+$0x0] =	vst.idx.msk vm1, v8  }
0x517: {  	v13 =	vadd.s32 s6, v2;
	s6 =	sadd.s32 $0x4, s4;
	v8 =	vsel vm2, v19, v9;
	[tilespmem:v21+s29+$0x0] =	vst.idx.msk vm0, v18  }
0x518: {  	v9 =	vadd.s32 s6, v2;
	v11 =	vld.idx.msk [tilespmem:v22+s28+$0x0], $0xffff;
	[tilespmem:v21+s30+$0x0] =	vst.idx.msk vm0, v8;
	v15 =	vadd.f32 v12, v8  }
0x519: {  	s6 =	sadd.s32 $0x5, s4;
	v8 =	vld.idx.msk [tilespmem:v22+s26+$0x0], $0xffff  }
0x51a: {  	_ =	sdelay $0x2  }
0x51b: {  	v16 =	vadd.s32 s6, v2;
	s5 =	sadd.s32 $0x6, s4  }
0x51c: {  	v56 =	vld.idx.msk [tilespmem:v14+s26+$0x0], $0xffff;
	s7 =	sadd.s32 $0x7, s4;
	v18 =	vadd.s32 s5, v2  }
0x51d: {  	v12 =	vsel vm0, v12, v15;
	v19 =	vld.idx.msk [tilespmem:v13+s26+$0x0], $0xffff;
	s6 =	sadd.s32 $0x8, s4;
	v20 =	vadd.s32 s7, v2  }
0x51e: {  	v23 =	vld.idx.msk [tilespmem:v9+s26+$0x0], $0xffff;
	v17 =	vadd.f32 v10, v12;
	vm1 =	vne.s32 v6, v5;
	v22 =	vadd.s32 s6, v2;
	s7 =	sadd.s32 $0x9, s4;
	s6 =	sadd.s32 $0xA, s4  }
0x51f: {  	v21 =	vsel vm1, $0x1, v3;
	v25 =	vadd.s32 s7, v2;
	v59 =	vadd.s32 s6, v2;
	s7 =	sadd.s32 $0xB, s4  }
0x520: {  	s6 =	sadd.s32 $0xC, s4;
	v10 =	vsel vm1, v10, v17;
	v21 =	vadd.s32 v21, v7;
	v29 =	vadd.s32 s7, v2;
	v26 =	vld.idx.msk [tilespmem:v16+s26+$0x0], $0xffff  }
0x521: {  	v32 =	vadd.s32 s6, v2;
	v17 =	vadd.f32 v11, v10;
	vm0 =	vne.s32 v8, v6;
	v27 =	vld.idx.msk [tilespmem:v18+s26+$0x0], $0xffff  }
0x522: {  	v24 =	vsel vm0, $0x1, v3;
	vm5 =	vne.s32 v56, v8;
	vm10 =	vne.s32 v19, v56;
	v31 =	vld.idx.msk [tilespmem:v20+s26+$0x0], $0xffff  }
0x523: {  	vm2 =	vne.s32 v23, v19;
	v24 =	vadd.s32 v24, v21;
	v28 =	vsel vm5, $0x1, v3;
	v34 =	vld.idx.msk [tilespmem:v22+s26+$0x0], $0xffff  }
0x524: {  	v11 =	vsel vm0, v11, v17;
	v33 =	vsel vm10, $0x1, v3;
	v28 =	vadd.s32 v28, v24;
	v61 =	vld.idx.msk [tilespmem:v25+s26+$0x0], $0xffff  }
0x525: {  	v36 =	vsel vm2, $0x1, v3;
	v37 =	vld.idx.msk [tilespmem:v59+s26+$0x0], $0xffff;
	v60 =	vadd.s32 v33, v28;
	vm7 =	vne.s32 v26, v23  }
0x526: {  	v39 =	vld.idx.msk [tilespmem:v29+s26+$0x0], $0xffff;
	v36 =	vadd.s32 v36, v60;
	v38 =	vsel vm7, $0x1, v3;
	vm12 =	vne.s32 v27, v26  }
0x527: {  	v41 =	vld.idx.msk [tilespmem:v32+s26+$0x0], $0xffff;
	vm11 =	vne.s32 v31, v27;
	v40 =	vsel vm12, $0x1, v3;
	v38 =	vadd.s32 v38, v36  }
0x528: {  	v57 =	vld.idx.msk [tilespmem:v14+s28+$0x0], $0xffff;
	vm8 =	vne.s32 v34, v31;
	v42 =	vsel vm11, $0x1, v3;
	v40 =	vadd.s32 v40, v38  }
0x529: {  	v43 =	vsel vm8, $0x1, v3;
	vm6 =	vne.s32 v61, v34;
	v42 =	vadd.s32 v42, v40  }
0x52a: {  	v44 =	vld.idx.msk [tilespmem:v9+s28+$0x0], $0xffff;
	vm3 =	vne.s32 v37, v61;
	v9 =	vsel vm6, $0x1, v3;
	v43 =	vadd.s32 v43, v42  }
0x52b: {  	v58 =	vld.idx.msk [tilespmem:v13+s28+$0x0], $0xffff;
	vm9 =	vne.s32 v39, v37;
	v45 =	vadd.s32 v9, v43;
	v9 =	vsel vm3, $0x1, v3  }
0x52c: {  	vm4 =	vne.s32 v41, v39;
	v46 =	vadd.s32 v9, v45;
	v9 =	vsel vm9, $0x1, v3  }
0x52d: {  	v30 =	vadd.f32 v57, v11;
	v47 =	vadd.s32 v9, v46;
	v9 =	vsel vm4, $0x1, v3  }
0x52e: {  	v9 =	vadd.s32 v9, v47  }
0x52f: {  	v14 =	vsel vm5, v57, v30;
	v9 =	vadd.s32 v4, v9  }
0x530: {  	v35 =	vadd.f32 v58, v14;
	v62 =	vxor.u32 $0x80000000, v9  }
0x531: {  	v16 =	vld.idx.msk [tilespmem:v16+s28+$0x0], $0xffff;
	(xrf0) =	vmax.scan.msk.u32 $0xffff, v62  }
0x532: {  	[tilespmem:v7+s29+$0x0] =	vst.idx.msk vm1, v5;
	v13 =	vsel vm10, v58, v35  }
0x533: {  	[tilespmem:v7+s30+$0x0] =	vst.idx.msk vm1, v12;
	v35 =	vadd.f32 v44, v13  }
0x534: {  	v5 =	vld.idx.msk [tilespmem:v18+s28+$0x0], $0xffff;
	[tilespmem:v21+s29+$0x0] =	vst.idx.msk vm0, v6  }
0x535: {  	[tilespmem:v24+s29+$0x0] =	vst.idx.msk vm5, v8;
	v7 =	vsel vm2, v44, v35  }
0x536: {  	[tilespmem:v21+s30+$0x0] =	vst.idx.msk vm0, v10;
	v8 =	vadd.f32 v16, v7  }
0x537: {  	[tilespmem:v24+s30+$0x0] =	vst.idx.msk vm5, v11;
	v11 =	vld.idx.msk [tilespmem:v20+s28+$0x0], $0xffff;
	v10, _, _ =	vpop (xrf0)  }
0x538: {  	v8 =	vsel vm7, v16, v8;
	(v2sf) =	vpush v10, $0xF  }
0x539: {  	v63 =	vadd.f32 v5, v8  }
0x53a: {  	v6 =	vld.idx.msk [tilespmem:v22+s28+$0x0], $0xffff;
	[tilespmem:v28+s29+$0x0] =	vst.idx.msk vm10, v56  }
0x53b: {  	[tilespmem:v28+s30+$0x0] =	vst.idx.msk vm10, v14;
	v5 =	vsel vm12, v5, v63  }
0x53c: {  	[tilespmem:v38+s29+$0x0] =	vst.idx.msk vm12, v26;
	v10 =	vadd.f32 v11, v5  }
0x53d: {  	[tilespmem:v38+s30+$0x0] =	vst.idx.msk vm12, v8;
	v8 =	vld.idx.msk [tilespmem:v25+s28+$0x0], $0xffff  }
0x53e: {  	[tilespmem:v36+s29+$0x0] =	vst.idx.msk vm7, v23;
	v10 =	vsel vm11, v11, v10  }
0x53f: {  	[tilespmem:v36+s30+$0x0] =	vst.idx.msk vm7, v7;
	v7 =	vadd.f32 v6, v10  }
0x540: {  	[tilespmem:v40+s29+$0x0] =	vst.idx.msk vm11, v27;
	v11 =	vld.idx.msk [tilespmem:v59+s28+$0x0], $0xffff  }
0x541: {  	[tilespmem:v40+s30+$0x0] =	vst.idx.msk vm11, v5;
	v5 =	vsel vm8, v6, v7  }
0x542: {  	[tilespmem:v60+s29+$0x0] =	vst.idx.msk vm2, v19;
	v6 =	vadd.f32 v8, v5  }
0x543: {  	[tilespmem:v60+s30+$0x0] =	vst.idx.msk vm2, v13;
	v7 =	vld.idx.msk [tilespmem:v29+s28+$0x0], $0xffff  }
0x544: {  	[tilespmem:v42+s29+$0x0] =	vst.idx.msk vm8, v31;
	v6 =	vsel vm6, v8, v6  }
0x545: {  	[tilespmem:v43+s29+$0x0] =	vst.idx.msk vm6, v34;
	v8 =	vadd.f32 v11, v6  }
0x546: {  	[tilespmem:v42+s30+$0x0] =	vst.idx.msk vm8, v10;
	v10 =	vld.idx.msk [tilespmem:v32+s28+$0x0], $0xffff  }
0x547: {  	[tilespmem:v43+s30+$0x0] =	vst.idx.msk vm6, v5;
	v5 =	vsel vm3, v11, v8;
	s7 =	spop (v2sf)  }
0x548: {  	[tilespmem:v45+s29+$0x0] =	vst.idx.msk vm3, v61;
	v8 =	vadd.f32 v7, v5;
	s4 =	sxor.u32 $0x80000000, s7  }
0x549: {  	[tilespmem:v46+s29+$0x0] =	vst.idx.msk vm9, v37;
	p0 =	slt.s32 s4, $0x1  }
.Ltmp32:
0x54a: {  	[tilespmem:v46+s30+$0x0] =	vst.idx.msk vm9, v5;
	v5 =	vsel vm9, v7, v8;
	(pc) =	sbr.rel @p0 .LBB2_51-.Ltmp32, $4  }
0x54b: {  	[tilespmem:v45+s30+$0x0] =	vst.idx.msk vm3, v6;
	v6 =	vadd.f32 v10, v5  }
0x54c: {  	[tilespmem:v47+s29+$0x0] =	vst.idx.msk vm4, v39  }
0x54d: {  	[tilespmem:v47+s30+$0x0] =	vst.idx.msk vm4, v5;
	v5 =	vsel vm4, v10, v6  }
0x54e: {  	s6 =	simm.s32 $0x0;
	[tilespmem:v41+s31+$0x0] =	vst.idx.add.f32.msk $0xffff, v5  }
0x54f: {  	v6 =	vadd.s32 s6, v2  }
0x550: {  	p0 =	sne.s32 s4, $0x1  }
.Ltmp33:
0x551: {  	_ = 	snop;
	(pc) =	sbr.rel @!p0 .LBB2_50-.Ltmp33, $3  }
0x552: {  	_ =	sdelay $0x1  }
0x553: {  	v5 =	vld.idx.msk [tilespmem:v6+s29+$0x0], $0xffff  }
0x554: {  	s5 =	simm.s32 $0x1;
	v7 =	vmov s6  }
.LBB2_49:
0x555: {  	v8 =	vld.idx.msk [tilespmem:v6+s30+$0x0], $0xffff;
	vm0 =	vlt.s32 v7, v9;
	s6 =	smov.u32 s5;
	s5 =	sadd.s32 $0x1, s5  }
0x556: {  	p0 =	sne.s32 s4, s5  }
0x557: {  	v6 =	vadd.s32 s6, v2;
	_ =	sdelay $0x1  }
.Ltmp34:
0x558: {  	(pc) =	sbr.rel @p0 .LBB2_49-.Ltmp34, $4  }
0x559: {  	_ = 	snop  }
0x55a: {  	[tilespmem:v5+s31+$0x0] =	vst.idx.add.f32.msk vm0, v8  }
0x55b: {  	v5 =	vld.idx.msk [tilespmem:v6+s29+$0x0], $0xffff  }
0x55c: {  	v7 =	vmov s6  }
.LBB2_50:
0x55d: {  	_ =	sdelay $0x2  }
0x55e: {  	vm0 =	vlt.s32 v7, v9  }
0x55f: {  	v6 =	vld.idx.msk [tilespmem:v6+s30+$0x0], $0xffff;
	_ =	sdelay $0x4  }
0x560: {  	[tilespmem:v5+s31+$0x0] =	vst.idx.add.f32.msk vm0, v6  }
.LBB2_51:
0x561: {  	s4 =	simm.s32 $0x1  }
0x562: {  	_ =	swait.ge [sflag:s4], $0x2710  }
0x563: {  	[sflag:s4] =	ssyncset.done $0x0  }
0x564: {  	[sflag:s4] =	ssyncadd.s32 $0xFFFFD8F0  }
0x565: {  	_ =	swait.ge [sflag:s4], $0x2710  }
0x566: {  	[sflag:s4] =	ssyncset.done $0x0  }
0x567: {  	[sflag:s4] =	ssyncadd.s32 $0xFFFFD8F0  }
0x568: {  	v5 =	vadd.s32 s4, v2;
	[tilespmem:s26], [sflag:$0x2] =	stream.linear.gather [hbm4b:s21+s2], $0x2710, $0x38;
	[tilespmem:$0x11480] =	vst v63  }
0x569: {  	s6 =	simm.s32 $0x2  }
0x56a: {  	v7 =	vadd.s32 s6, v2;
	[tilespmem:s28], [sflag:$0x2] =	stream.linear.gather [hbm4b:s22+s2], $0x2710, $0x38;
	[tilespmem:$0x11480] =	vst v63  }
0x56b: {  	s7 =	simm.s32 $0x3;
	v6 =	vld.idx.msk [tilespmem:v2+s2+$0x0], $0xffff  }
0x56c: {  	v10 =	vadd.s32 s7, v2;
	v8 =	vld.idx.msk [tilespmem:v2+s25+$0x0], $0xffff  }
0x56d: {  	v9 =	vld.idx.msk [tilespmem:v5+s25+$0x0], $0xffff  }
0x56e: {  	v5 =	vld.idx.msk [tilespmem:v5+s2+$0x0], $0xffff  }
0x56f: {  	s5 =	simm.s32 $0x4;
	v11 =	vld.idx.msk [tilespmem:v7+s25+$0x0], $0xffff  }
0x570: {  	v12 =	vadd.s32 s5, v2;
	v7 =	vld.idx.msk [tilespmem:v7+s2+$0x0], $0xffff  }
0x571: {  	v15 =	vld.idx.msk [tilespmem:v10+s25+$0x0], $0xffff  }
0x572: {  	s6 =	simm.s32 $0x5;
	v10 =	vld.idx.msk [tilespmem:v10+s2+$0x0], $0xffff  }
0x573: {  	v14 =	vadd.s32 s6, v2;
	v13 =	vadd.f32 v9, v8  }
0x574: {  	s5 =	simm.s32 $0x7;
	vm0 =	vne.s32 v5, v6  }
0x575: {  	v17 =	vadd.s32 s5, v2;
	v18 =	vld.idx.msk [tilespmem:v12+s25+$0x0], $0xffff;
	v9 =	vsel vm0, v9, v13  }
0x576: {  	s7 =	simm.s32 $0x6;
	v12 =	vld.idx.msk [tilespmem:v12+s2+$0x0], $0xffff;
	v16 =	vadd.f32 v11, v9  }
0x577: {  	vm1 =	vne.s32 v7, v5;
	vm3 =	vne.s32 v10, v7;
	v13 =	vadd.s32 s7, v2  }
0x578: {  	v19 =	vld.idx.msk [tilespmem:v14+s2+$0x0], $0xffff;
	v21 =	vsel vm0, $0x1, v3;
	v24 =	vsel vm1, $0x1, v3;
	s7 =	simm.s32 $0x9;
	v11 =	vsel vm1, v11, v16  }
0x579: {  	v14 =	vld.idx.msk [tilespmem:v14+s25+$0x0], $0xffff;
	v21 =	vadd.s32 v21, v2;
	v22 =	vadd.s32 s7, v2;
	v20 =	vadd.f32 v15, v11  }
0x57a: {  	s6 =	simm.s32 $0x8;
	v53 =	vld.idx.msk [tilespmem:v17+s2+$0x0], $0xffff;
	v24 =	vadd.s32 v24, v21  }
0x57b: {  	v17 =	vld.idx.msk [tilespmem:v17+s25+$0x0], $0xffff;
	vm5 =	vne.s32 v12, v10;
	v16 =	vadd.s32 s6, v2;
	v15 =	vsel vm3, v15, v20  }
0x57c: {  	s5 =	simm.s32 $0xA;
	v25 =	vsel vm3, $0x1, v3;
	[tilespmem:v2+s29+$0x0] =	vst.idx.msk vm0, v6;
	v23 =	vld.idx.msk [tilespmem:v13+s2+$0x0], $0xffff;
	v26 =	vadd.f32 v18, v15  }
0x57d: {  	v28 =	vadd.s32 s5, v2;
	v6 =	vadd.s32 v25, v24;
	v13 =	vld.idx.msk [tilespmem:v13+s25+$0x0], $0xffff;
	[tilespmem:v2+s30+$0x0] =	vst.idx.msk vm0, v8;
	v8 =	vsel vm5, $0x1, v3  }
0x57e: {  	vm0 =	vne.s32 v19, v12;
	[tilespmem:v21+s29+$0x0] =	vst.idx.msk vm1, v5;
	v55 =	vld.idx.msk [tilespmem:v22+s2+$0x0], $0xffff;
	v18 =	vsel vm5, v18, v26  }
0x57f: {  	v8 =	vadd.s32 v8, v6;
	v5 =	vsel vm0, $0x1, v3;
	[tilespmem:v24+s29+$0x0] =	vst.idx.msk vm3, v7;
	v27 =	vadd.f32 v14, v18  }
0x580: {  	s6 =	simm.s32 $0xB;
	[tilespmem:v21+s30+$0x0] =	vst.idx.msk vm1, v9;
	v5 =	vadd.s32 v5, v8;
	v54 =	vld.idx.msk [tilespmem:v16+s2+$0x0], $0xffff  }
0x581: {  	[tilespmem:v24+s30+$0x0] =	vst.idx.msk vm3, v11;
	v11 =	vadd.s32 s6, v2;
	vm2 =	vne.s32 v23, v19;
	v14 =	vsel vm0, v14, v27  }
0x582: {  	s7 =	simm.s32 $0xC;
	v9 =	vld.idx.msk [tilespmem:v28+s2+$0x0], $0xffff;
	vm4 =	vne.s32 v53, v23;
	v7 =	vsel vm2, $0x1, v3;
	v56 =	vadd.f32 v13, v14  }
0x583: {  	s5 =	simm.s32 $0xD;
	[tilespmem:v6+s29+$0x0] =	vst.idx.msk vm5, v10;
	v10 =	vld.idx.msk [tilespmem:v16+s25+$0x0], $0xffff;
	v16 =	vadd.s32 s7, v2;
	v7 =	vadd.s32 v7, v5  }
0x584: {  	v59 =	vadd.s32 s5, v2;
	v58 =	vld.idx.msk [tilespmem:v22+s25+$0x0], $0xffff;
	[tilespmem:v6+s30+$0x0] =	vst.idx.msk vm5, v15;
	v6 =	vsel vm2, v13, v56  }
0x585: {  	v57 =	vsel vm4, $0x1, v3;
	[tilespmem:v8+s29+$0x0] =	vst.idx.msk vm0, v12;
	vm14 =	vne.s32 v54, v53;
	v13 =	vadd.f32 v17, v6  }
0x586: {  	[tilespmem:v8+s30+$0x0] =	vst.idx.msk vm0, v18;
	vm3 =	vne.s32 v55, v54;
	v12 =	vadd.s32 v57, v7;
	v15 =	vsel vm14, $0x1, v3  }
0x587: {  	v60 =	vld.idx.msk [tilespmem:v11+s2+$0x0], $0xffff;
	v15 =	vadd.s32 v15, v12;
	[tilespmem:v5+s29+$0x0] =	vst.idx.msk vm2, v19;
	v13 =	vsel vm4, v17, v13  }
0x588: {  	v61 =	vld.idx.msk [tilespmem:v16+s2+$0x0], $0xffff;
	[tilespmem:v7+s29+$0x0] =	vst.idx.msk vm4, v23;
	v62 =	vadd.f32 v10, v13  }
0x589: {  	vm1 =	vne.s32 v9, v55;
	v17 =	vsel vm3, $0x1, v3;
	[tilespmem:v7+s30+$0x0] =	vst.idx.msk vm4, v6;
	v6 =	vld.idx.msk [tilespmem:v28+s25+$0x0], $0xffff  }
0x58a: {  	[tilespmem:v5+s30+$0x0] =	vst.idx.msk vm2, v14;
	v5 =	vld.idx.msk [tilespmem:v59+s2+$0x0], $0xffff;
	v17 =	vadd.s32 v17, v15;
	v7 =	vsel vm14, v10, v62  }
0x58b: {  	[tilespmem:v12+s29+$0x0] =	vst.idx.msk vm14, v53;
	v10 =	vsel vm1, $0x1, v3;
	v14 =	vadd.f32 v58, v7  }
0x58c: {  	vm2 =	vne.s32 v60, v9;
	[tilespmem:v15+s29+$0x0] =	vst.idx.msk vm3, v54;
	v63 =	vadd.s32 v10, v17;
	v10 =	vld.idx.msk [tilespmem:v11+s25+$0x0], $0xffff  }
0x58d: {  	s4 =	simm.s32 $0xE;
	vm15 =	vne.s32 v61, v60;
	[tilespmem:v12+s30+$0x0] =	vst.idx.msk vm14, v13;
	v12 =	vsel vm2, $0x1, v3;
	v11 =	vsel vm3, v58, v14  }
0x58e: {  	[tilespmem:v15+s30+$0x0] =	vst.idx.msk vm3, v7;
	v13 =	vadd.s32 v12, v63;
	v14 =	vadd.s32 s4, v2;
	v7 =	vadd.f32 v6, v11  }
0x58f: {  	s5 =	simm.s32 $0xF;
	v8 =	vld.idx.msk [tilespmem:v16+s25+$0x0], $0xffff;
	vm0 =	vne.s32 v5, v61;
	[tilespmem:v17+s29+$0x0] =	vst.idx.msk vm1, v55  }
0x590: {  	[tilespmem:v17+s30+$0x0] =	vst.idx.msk vm1, v11;
	v17 =	vadd.s32 s5, v2;
	v15 =	vsel vm1, v6, v7;
	v6 =	vsel vm15, $0x1, v3  }
0x591: {  	v7 =	vadd.f32 v10, v15;
	v16 =	vadd.s32 v6, v13  }
0x592: {  	v12 =	vld.idx.msk [tilespmem:v59+s25+$0x0], $0xffff;
	[tilespmem:v63+s29+$0x0] =	vst.idx.msk vm2, v9  }
0x593: {  	s6 =	simm.s32 $0x10;
	[tilespmem:v13+s29+$0x0] =	vst.idx.msk vm15, v60;
	v6 =	vsel vm2, v10, v7;
	v10 =	vld.idx.msk [tilespmem:v14+s25+$0x0], $0xffff  }
0x594: {  	[tilespmem:v13+s30+$0x0] =	vst.idx.msk vm15, v6;
	v9 =	vadd.f32 v8, v6;
	v6 =	vld.idx.msk [tilespmem:v14+s2+$0x0], $0xffff;
	v14 =	vadd.s32 s6, v2  }
0x595: {  	s7 =	simm.s32 $0x11;
	[tilespmem:v63+s30+$0x0] =	vst.idx.msk vm2, v15;
	v7 =	vsel vm0, $0x1, v3;
	v11 =	vld.idx.msk [tilespmem:v17+s25+$0x0], $0xffff  }
0x596: {  	v7 =	vadd.s32 v7, v16;
	s6 =	simm.s32 $0x12;
	v13 =	vadd.s32 s7, v2;
	v8 =	vsel vm15, v8, v9;
	[tilespmem:v16+s29+$0x0] =	vst.idx.msk vm0, v61  }
0x597: {  	s5 =	simm.s32 $0x1B;
	v9 =	vadd.s32 s6, v2;
	s6 =	simm.s32 $0x13;
	[tilespmem:v16+s30+$0x0] =	vst.idx.msk vm0, v8;
	v15 =	vadd.f32 v12, v8;
	v8 =	vld.idx.msk [tilespmem:v17+s2+$0x0], $0xffff  }
.LBB2_52:
0x598: {  	p0 =	slt.u32 s5, $0x264  }
0x599: {  	v16 =	vld.idx.msk [tilespmem:v14+s2+$0x0], $0xffff;
	v17 =	vadd.s32 s6, v2;
	s7 =	sadd.s32 $0x6, s4;
	v12 =	vsel vm0, v12, v15;
	s6 =	smov.u32 s5;
	s5 =	sadd.s32 $0xD, s5  }
0x59a: {  	v15 =	vadd.f32 v10, v12;
	v14 =	vld.idx.msk [tilespmem:v14+s25+$0x0], $0xffff;
	v18 =	vadd.s32 s7, v2;
	s7 =	sadd.s32 $0x7, s4  }
0x59b: {  	vm0 =	vne.s32 v6, v5;
	v19 =	vld.idx.msk [tilespmem:v13+s2+$0x0], $0xffff;
	v20 =	vadd.s32 s7, v2  }
0x59c: {  	v21 =	vsel vm0, $0x1, v3;
	s7 =	sadd.s32 $0x8, s4;
	v10 =	vsel vm0, v10, v15;
	v13 =	vld.idx.msk [tilespmem:v13+s25+$0x0], $0xffff  }
0x59d: {  	v23 =	vadd.s32 s7, v2;
	v15 =	vadd.f32 v11, v10;
	v22 =	vld.idx.msk [tilespmem:v9+s2+$0x0], $0xffff  }
0x59e: {  	v21 =	vadd.s32 v21, v7;
	vm1 =	vne.s32 v8, v6;
	v24 =	vld.idx.msk [tilespmem:v17+s2+$0x0], $0xffff  }
0x59f: {  	v25 =	vsel vm1, $0x1, v3;
	vm4 =	vne.s32 v16, v8;
	v11 =	vsel vm1, v11, v15;
	v15 =	vld.idx.msk [tilespmem:v18+s2+$0x0], $0xffff  }
0x5a0: {  	v25 =	vadd.s32 v25, v21;
	v26 =	vsel vm4, $0x1, v3;
	v27 =	vadd.f32 v14, v11;
	v9 =	vld.idx.msk [tilespmem:v9+s25+$0x0], $0xffff  }
0x5a1: {  	vm2 =	vne.s32 v19, v16;
	[tilespmem:v7+s29+$0x0] =	vst.idx.msk vm0, v5;
	v5 =	vadd.s32 v26, v25;
	v26 =	vld.idx.msk [tilespmem:v20+s2+$0x0], $0xffff  }
0x5a2: {  	s7 =	sadd.s32 $0x9, s4;
	[tilespmem:v7+s30+$0x0] =	vst.idx.msk vm0, v12;
	v7 =	vsel vm4, v14, v27;
	v12 =	vsel vm2, $0x1, v3;
	v14 =	vld.idx.msk [tilespmem:v23+s2+$0x0], $0xffff  }
0x5a3: {  	vm0 =	vne.s32 v22, v19;
	v12 =	vadd.s32 v12, v5;
	v27 =	vadd.f32 v13, v7;
	v17 =	vld.idx.msk [tilespmem:v17+s25+$0x0], $0xffff  }
0x5a4: {  	v28 =	vadd.s32 s7, v2;
	vm3 =	vne.s32 v24, v22;
	[tilespmem:v21+s29+$0x0] =	vst.idx.msk vm1, v6;
	v6 =	vsel vm0, $0x1, v3;
	v18 =	vld.idx.msk [tilespmem:v18+s25+$0x0], $0xffff  }
0x5a5: {  	vm5 =	vne.s32 v15, v24;
	[tilespmem:v25+s29+$0x0] =	vst.idx.msk vm4, v8;
	v8 =	vsel vm2, v13, v27;
	v13 =	vsel vm3, $0x1, v3  }
0x5a6: {  	v6 =	vadd.s32 v6, v12;
	[tilespmem:v25+s30+$0x0] =	vst.idx.msk vm4, v11;
	v11 =	vadd.f32 v9, v8;
	v25 =	vsel vm5, $0x1, v3  }
0x5a7: {  	s7 =	sadd.s32 $0xA, s4;
	v13 =	vadd.s32 v13, v6;
	vm4 =	vne.s32 v26, v15;
	[tilespmem:v5+s29+$0x0] =	vst.idx.msk vm2, v16;
	v16 =	vld.idx.msk [tilespmem:v20+s25+$0x0], $0xffff  }
0x5a8: {  	[tilespmem:v5+s30+$0x0] =	vst.idx.msk vm2, v7;
	v5 =	vsel vm0, v9, v11;
	vm2 =	vne.s32 v14, v26;
	v7 =	vadd.s32 s7, v2;
	s7 =	sadd.s32 $0xB, s4  }
0x5a9: {  	[tilespmem:v21+s30+$0x0] =	vst.idx.msk vm1, v10;
	v9 =	vadd.f32 v17, v5;
	v10 =	vsel vm2, $0x1, v3;
	v11 =	vld.idx.msk [tilespmem:v28+s2+$0x0], $0xffff;
	v20 =	vadd.s32 s7, v2  }
0x5aa: {  	v21 =	vsel vm4, $0x1, v3;
	[tilespmem:v12+s29+$0x0] =	vst.idx.msk vm0, v19;
	v19 =	vadd.s32 v25, v13  }
0x5ab: {  	s7 =	sadd.s32 $0xC, s4;
	s4 =	smov.u32 s6;
	[tilespmem:v6+s29+$0x0] =	vst.idx.msk vm3, v22;
	v9 =	vsel vm3, v17, v9;
	v17 =	vadd.s32 v21, v19;
	v21 =	vld.idx.msk [tilespmem:v23+s25+$0x0], $0xffff  }
0x5ac: {  	v23 =	vadd.s32 s7, v2;
	[tilespmem:v13+s29+$0x0] =	vst.idx.msk vm5, v24;
	v22 =	vadd.f32 v18, v9;
	v10 =	vadd.s32 v10, v17  }
0x5ad: {  	[tilespmem:v13+s30+$0x0] =	vst.idx.msk vm5, v9;
	v9 =	vld.idx.msk [tilespmem:v7+s2+$0x0], $0xffff  }
0x5ae: {  	[tilespmem:v6+s30+$0x0] =	vst.idx.msk vm3, v5;
	v5 =	vsel vm5, v18, v22;
	v18 =	vld.idx.msk [tilespmem:v20+s2+$0x0], $0xffff  }
0x5af: {  	vm3 =	vne.s32 v11, v14;
	[tilespmem:v19+s29+$0x0] =	vst.idx.msk vm4, v15;
	v6 =	vadd.f32 v16, v5;
	v13 =	vld.idx.msk [tilespmem:v28+s25+$0x0], $0xffff  }
0x5b0: {  	v15 =	vsel vm3, $0x1, v3;
	[tilespmem:v17+s29+$0x0] =	vst.idx.msk vm2, v26  }
0x5b1: {  	v15 =	vadd.s32 v15, v10;
	[tilespmem:v19+s30+$0x0] =	vst.idx.msk vm4, v5;
	v6 =	vsel vm4, v16, v6;
	v5 =	vld.idx.msk [tilespmem:v23+s2+$0x0], $0xffff  }
0x5b2: {  	[tilespmem:v17+s30+$0x0] =	vst.idx.msk vm2, v6;
	v6 =	vadd.f32 v21, v6;
	v16 =	vld.idx.msk [tilespmem:v7+s25+$0x0], $0xffff  }
0x5b3: {  	vm1 =	vne.s32 v9, v11;
	[tilespmem:v12+s30+$0x0] =	vst.idx.msk vm0, v8  }
0x5b4: {  	v7 =	vsel vm1, $0x1, v3;
	v6 =	vsel vm2, v21, v6;
	vm2 =	vne.s32 v18, v9  }
0x5b5: {  	v17 =	vadd.s32 v7, v15;
	[tilespmem:v10+s29+$0x0] =	vst.idx.msk vm3, v14;
	v8 =	vadd.f32 v13, v6;
	v19 =	vld.idx.msk [tilespmem:v20+s25+$0x0], $0xffff  }
0x5b6: {  	v20 =	vadd.s32 s4, v2;
	[tilespmem:v10+s30+$0x0] =	vst.idx.msk vm3, v6  }
0x5b7: {  	v6 =	vsel vm2, $0x1, v3;
	vm0 =	vne.s32 v5, v18;
	v8 =	vsel vm3, v13, v8  }
0x5b8: {  	s6 =	sadd.s32 $0x1, s4;
	v21 =	vadd.s32 v6, v17;
	v6 =	vsel vm0, $0x1, v3;
	v10 =	vadd.f32 v16, v8;
	v12 =	vld.idx.msk [tilespmem:v23+s25+$0x0], $0xffff  }
0x5b9: {  	v22 =	vadd.s32 s6, v2;
	v7 =	vadd.s32 v6, v21;
	[tilespmem:v15+s29+$0x0] =	vst.idx.msk vm1, v11  }
0x5ba: {  	s6 =	sadd.s32 $0x2, s4;
	v6 =	vsel vm1, v16, v10;
	[tilespmem:v17+s29+$0x0] =	vst.idx.msk vm2, v9  }
.Ltmp35:
0x5bb: {  	v14 =	vadd.s32 s6, v2;
	v10 =	vld.idx.msk [tilespmem:v20+s25+$0x0], $0xffff;
	[tilespmem:v17+s30+$0x0] =	vst.idx.msk vm2, v6;
	v9 =	vadd.f32 v19, v6;
	(pc) =	sbr.rel @p0 .LBB2_52-.Ltmp35, $4  }
0x5bc: {  	s6 =	sadd.s32 $0x3, s4;
	v6 =	vld.idx.msk [tilespmem:v20+s2+$0x0], $0xffff;
	[tilespmem:v15+s30+$0x0] =	vst.idx.msk vm1, v8  }
0x5bd: {  	v13 =	vadd.s32 s6, v2;
	s6 =	sadd.s32 $0x4, s4;
	v8 =	vsel vm2, v19, v9;
	[tilespmem:v21+s29+$0x0] =	vst.idx.msk vm0, v18  }
0x5be: {  	v9 =	vadd.s32 s6, v2;
	v11 =	vld.idx.msk [tilespmem:v22+s25+$0x0], $0xffff;
	[tilespmem:v21+s30+$0x0] =	vst.idx.msk vm0, v8;
	v15 =	vadd.f32 v12, v8  }
0x5bf: {  	s6 =	sadd.s32 $0x5, s4;
	v8 =	vld.idx.msk [tilespmem:v22+s2+$0x0], $0xffff  }
0x5c0: {  	_ =	sdelay $0x2  }
0x5c1: {  	v16 =	vadd.s32 s6, v2;
	s5 =	sadd.s32 $0x6, s4  }
0x5c2: {  	v56 =	vld.idx.msk [tilespmem:v14+s2+$0x0], $0xffff;
	s7 =	sadd.s32 $0x7, s4;
	v18 =	vadd.s32 s5, v2  }
0x5c3: {  	v12 =	vsel vm0, v12, v15;
	v19 =	vld.idx.msk [tilespmem:v13+s2+$0x0], $0xffff;
	s6 =	sadd.s32 $0x8, s4;
	v20 =	vadd.s32 s7, v2  }
0x5c4: {  	v23 =	vld.idx.msk [tilespmem:v9+s2+$0x0], $0xffff;
	v17 =	vadd.f32 v10, v12;
	vm1 =	vne.s32 v6, v5;
	v22 =	vadd.s32 s6, v2;
	s7 =	sadd.s32 $0x9, s4;
	s6 =	sadd.s32 $0xA, s4  }
0x5c5: {  	v21 =	vsel vm1, $0x1, v3;
	v25 =	vadd.s32 s7, v2;
	v59 =	vadd.s32 s6, v2;
	s7 =	sadd.s32 $0xB, s4  }
0x5c6: {  	s6 =	sadd.s32 $0xC, s4;
	v10 =	vsel vm1, v10, v17;
	v21 =	vadd.s32 v21, v7;
	v29 =	vadd.s32 s7, v2;
	v26 =	vld.idx.msk [tilespmem:v16+s2+$0x0], $0xffff  }
0x5c7: {  	v32 =	vadd.s32 s6, v2;
	v17 =	vadd.f32 v11, v10;
	vm0 =	vne.s32 v8, v6;
	v27 =	vld.idx.msk [tilespmem:v18+s2+$0x0], $0xffff  }
0x5c8: {  	v24 =	vsel vm0, $0x1, v3;
	vm5 =	vne.s32 v56, v8;
	vm10 =	vne.s32 v19, v56;
	v31 =	vld.idx.msk [tilespmem:v20+s2+$0x0], $0xffff  }
0x5c9: {  	vm2 =	vne.s32 v23, v19;
	v24 =	vadd.s32 v24, v21;
	v28 =	vsel vm5, $0x1, v3;
	v34 =	vld.idx.msk [tilespmem:v22+s2+$0x0], $0xffff  }
0x5ca: {  	v11 =	vsel vm0, v11, v17;
	v33 =	vsel vm10, $0x1, v3;
	v28 =	vadd.s32 v28, v24;
	v61 =	vld.idx.msk [tilespmem:v25+s2+$0x0], $0xffff  }
0x5cb: {  	v36 =	vsel vm2, $0x1, v3;
	v37 =	vld.idx.msk [tilespmem:v59+s2+$0x0], $0xffff;
	v60 =	vadd.s32 v33, v28;
	vm7 =	vne.s32 v26, v23  }
0x5cc: {  	v39 =	vld.idx.msk [tilespmem:v29+s2+$0x0], $0xffff;
	v36 =	vadd.s32 v36, v60;
	v38 =	vsel vm7, $0x1, v3;
	vm12 =	vne.s32 v27, v26  }
0x5cd: {  	v41 =	vld.idx.msk [tilespmem:v32+s2+$0x0], $0xffff;
	vm11 =	vne.s32 v31, v27;
	v40 =	vsel vm12, $0x1, v3;
	v38 =	vadd.s32 v38, v36  }
0x5ce: {  	v57 =	vld.idx.msk [tilespmem:v14+s25+$0x0], $0xffff;
	vm8 =	vne.s32 v34, v31;
	v42 =	vsel vm11, $0x1, v3;
	v40 =	vadd.s32 v40, v38  }
0x5cf: {  	v43 =	vsel vm8, $0x1, v3;
	vm6 =	vne.s32 v61, v34;
	v42 =	vadd.s32 v42, v40  }
0x5d0: {  	v44 =	vld.idx.msk [tilespmem:v9+s25+$0x0], $0xffff;
	vm3 =	vne.s32 v37, v61;
	v9 =	vsel vm6, $0x1, v3;
	v43 =	vadd.s32 v43, v42  }
0x5d1: {  	v58 =	vld.idx.msk [tilespmem:v13+s25+$0x0], $0xffff;
	vm9 =	vne.s32 v39, v37;
	v45 =	vadd.s32 v9, v43;
	v9 =	vsel vm3, $0x1, v3  }
0x5d2: {  	vm4 =	vne.s32 v41, v39;
	v46 =	vadd.s32 v9, v45;
	v9 =	vsel vm9, $0x1, v3  }
0x5d3: {  	v30 =	vadd.f32 v57, v11;
	v47 =	vadd.s32 v9, v46;
	v9 =	vsel vm4, $0x1, v3  }
0x5d4: {  	v9 =	vadd.s32 v9, v47  }
0x5d5: {  	v14 =	vsel vm5, v57, v30;
	v9 =	vadd.s32 v4, v9  }
0x5d6: {  	v35 =	vadd.f32 v58, v14;
	v62 =	vxor.u32 $0x80000000, v9  }
0x5d7: {  	v16 =	vld.idx.msk [tilespmem:v16+s25+$0x0], $0xffff;
	(xrf0) =	vmax.scan.msk.u32 $0xffff, v62  }
0x5d8: {  	[tilespmem:v7+s29+$0x0] =	vst.idx.msk vm1, v5;
	v13 =	vsel vm10, v58, v35  }
0x5d9: {  	[tilespmem:v7+s30+$0x0] =	vst.idx.msk vm1, v12;
	v35 =	vadd.f32 v44, v13  }
0x5da: {  	v5 =	vld.idx.msk [tilespmem:v18+s25+$0x0], $0xffff;
	[tilespmem:v21+s29+$0x0] =	vst.idx.msk vm0, v6  }
0x5db: {  	[tilespmem:v24+s29+$0x0] =	vst.idx.msk vm5, v8;
	v7 =	vsel vm2, v44, v35  }
0x5dc: {  	[tilespmem:v21+s30+$0x0] =	vst.idx.msk vm0, v10;
	v8 =	vadd.f32 v16, v7  }
0x5dd: {  	[tilespmem:v24+s30+$0x0] =	vst.idx.msk vm5, v11;
	v11 =	vld.idx.msk [tilespmem:v20+s25+$0x0], $0xffff;
	v10, _, _ =	vpop (xrf0)  }
0x5de: {  	v8 =	vsel vm7, v16, v8;
	(v2sf) =	vpush v10, $0xF  }
0x5df: {  	v63 =	vadd.f32 v5, v8  }
0x5e0: {  	v6 =	vld.idx.msk [tilespmem:v22+s25+$0x0], $0xffff;
	[tilespmem:v28+s29+$0x0] =	vst.idx.msk vm10, v56  }
0x5e1: {  	[tilespmem:v28+s30+$0x0] =	vst.idx.msk vm10, v14;
	v5 =	vsel vm12, v5, v63  }
0x5e2: {  	[tilespmem:v38+s29+$0x0] =	vst.idx.msk vm12, v26;
	v10 =	vadd.f32 v11, v5  }
0x5e3: {  	[tilespmem:v38+s30+$0x0] =	vst.idx.msk vm12, v8;
	v8 =	vld.idx.msk [tilespmem:v25+s25+$0x0], $0xffff  }
0x5e4: {  	[tilespmem:v36+s29+$0x0] =	vst.idx.msk vm7, v23;
	v10 =	vsel vm11, v11, v10  }
0x5e5: {  	[tilespmem:v36+s30+$0x0] =	vst.idx.msk vm7, v7;
	v7 =	vadd.f32 v6, v10  }
0x5e6: {  	[tilespmem:v40+s29+$0x0] =	vst.idx.msk vm11, v27;
	v11 =	vld.idx.msk [tilespmem:v59+s25+$0x0], $0xffff  }
0x5e7: {  	[tilespmem:v40+s30+$0x0] =	vst.idx.msk vm11, v5;
	v5 =	vsel vm8, v6, v7  }
0x5e8: {  	[tilespmem:v60+s29+$0x0] =	vst.idx.msk vm2, v19;
	v6 =	vadd.f32 v8, v5  }
0x5e9: {  	[tilespmem:v60+s30+$0x0] =	vst.idx.msk vm2, v13;
	v7 =	vld.idx.msk [tilespmem:v29+s25+$0x0], $0xffff  }
0x5ea: {  	[tilespmem:v42+s29+$0x0] =	vst.idx.msk vm8, v31;
	v6 =	vsel vm6, v8, v6  }
0x5eb: {  	[tilespmem:v43+s29+$0x0] =	vst.idx.msk vm6, v34;
	v8 =	vadd.f32 v11, v6  }
0x5ec: {  	[tilespmem:v42+s30+$0x0] =	vst.idx.msk vm8, v10;
	v10 =	vld.idx.msk [tilespmem:v32+s25+$0x0], $0xffff  }
0x5ed: {  	[tilespmem:v43+s30+$0x0] =	vst.idx.msk vm6, v5;
	v5 =	vsel vm3, v11, v8;
	s7 =	spop (v2sf)  }
0x5ee: {  	[tilespmem:v45+s29+$0x0] =	vst.idx.msk vm3, v61;
	v8 =	vadd.f32 v7, v5;
	s4 =	sxor.u32 $0x80000000, s7  }
0x5ef: {  	[tilespmem:v46+s29+$0x0] =	vst.idx.msk vm9, v37;
	p0 =	slt.s32 s4, $0x1  }
.Ltmp36:
0x5f0: {  	[tilespmem:v46+s30+$0x0] =	vst.idx.msk vm9, v5;
	v5 =	vsel vm9, v7, v8;
	(pc) =	sbr.rel @p0 .LBB2_57-.Ltmp36, $4  }
0x5f1: {  	[tilespmem:v45+s30+$0x0] =	vst.idx.msk vm3, v6;
	v6 =	vadd.f32 v10, v5  }
0x5f2: {  	[tilespmem:v47+s29+$0x0] =	vst.idx.msk vm4, v39  }
0x5f3: {  	[tilespmem:v47+s30+$0x0] =	vst.idx.msk vm4, v5;
	v5 =	vsel vm4, v10, v6  }
0x5f4: {  	s6 =	simm.s32 $0x0;
	[tilespmem:v41+s31+$0x0] =	vst.idx.add.f32.msk $0xffff, v5  }
0x5f5: {  	v6 =	vadd.s32 s6, v2  }
0x5f6: {  	p0 =	sne.s32 s4, $0x1  }
.Ltmp37:
0x5f7: {  	_ = 	snop;
	(pc) =	sbr.rel @!p0 .LBB2_56-.Ltmp37, $3  }
0x5f8: {  	_ =	sdelay $0x1  }
0x5f9: {  	v5 =	vld.idx.msk [tilespmem:v6+s29+$0x0], $0xffff  }
0x5fa: {  	s5 =	simm.s32 $0x1;
	v7 =	vmov s6  }
.LBB2_55:
0x5fb: {  	v8 =	vld.idx.msk [tilespmem:v6+s30+$0x0], $0xffff;
	vm0 =	vlt.s32 v7, v9;
	s6 =	smov.u32 s5;
	s5 =	sadd.s32 $0x1, s5  }
0x5fc: {  	p0 =	sne.s32 s4, s5  }
0x5fd: {  	v6 =	vadd.s32 s6, v2;
	_ =	sdelay $0x1  }
.Ltmp38:
0x5fe: {  	(pc) =	sbr.rel @p0 .LBB2_55-.Ltmp38, $4  }
0x5ff: {  	_ = 	snop  }
0x600: {  	[tilespmem:v5+s31+$0x0] =	vst.idx.add.f32.msk vm0, v8  }
0x601: {  	v5 =	vld.idx.msk [tilespmem:v6+s29+$0x0], $0xffff  }
0x602: {  	v7 =	vmov s6  }
.LBB2_56:
0x603: {  	_ =	sdelay $0x2  }
0x604: {  	vm0 =	vlt.s32 v7, v9  }
0x605: {  	v6 =	vld.idx.msk [tilespmem:v6+s30+$0x0], $0xffff;
	_ =	sdelay $0x4  }
0x606: {  	[tilespmem:v5+s31+$0x0] =	vst.idx.add.f32.msk vm0, v6  }
.LBB2_57:
0x607: {  	_ =	swait.ge [sflag:s1], $0x2710  }
0x608: {  	[sflag:s1] =	ssyncset.done $0x0  }
0x609: {  	s4 =	simm.s32 $0x1;
	[sflag:s1] =	ssyncadd.s32 $0xFFFFD8F0  }
0x60a: {  	v5 =	vadd.s32 s4, v2;
	_ =	swait.ge [sflag:s1], $0x2710  }
0x60b: {  	s6 =	simm.s32 $0x2;
	[sflag:s1] =	ssyncset.done $0x0  }
0x60c: {  	v7 =	vadd.s32 s6, v2;
	[sflag:s1] =	ssyncadd.s32 $0xFFFFD8F0  }
0x60d: {  	s7 =	simm.s32 $0x3;
	v6 =	vld.idx.msk [tilespmem:v2+s26+$0x0], $0xffff  }
0x60e: {  	v10 =	vadd.s32 s7, v2;
	v8 =	vld.idx.msk [tilespmem:v2+s28+$0x0], $0xffff  }
0x60f: {  	v9 =	vld.idx.msk [tilespmem:v5+s28+$0x0], $0xffff  }
0x610: {  	v5 =	vld.idx.msk [tilespmem:v5+s26+$0x0], $0xffff  }
0x611: {  	s5 =	simm.s32 $0x4;
	v11 =	vld.idx.msk [tilespmem:v7+s28+$0x0], $0xffff  }
0x612: {  	v12 =	vadd.s32 s5, v2;
	v7 =	vld.idx.msk [tilespmem:v7+s26+$0x0], $0xffff  }
0x613: {  	v15 =	vld.idx.msk [tilespmem:v10+s28+$0x0], $0xffff  }
0x614: {  	s6 =	simm.s32 $0x5;
	v10 =	vld.idx.msk [tilespmem:v10+s26+$0x0], $0xffff  }
0x615: {  	v14 =	vadd.s32 s6, v2;
	v13 =	vadd.f32 v9, v8  }
0x616: {  	s5 =	simm.s32 $0x7;
	vm0 =	vne.s32 v5, v6  }
0x617: {  	v17 =	vadd.s32 s5, v2;
	v18 =	vld.idx.msk [tilespmem:v12+s28+$0x0], $0xffff;
	v9 =	vsel vm0, v9, v13  }
0x618: {  	s7 =	simm.s32 $0x6;
	v12 =	vld.idx.msk [tilespmem:v12+s26+$0x0], $0xffff;
	v16 =	vadd.f32 v11, v9  }
0x619: {  	vm1 =	vne.s32 v7, v5;
	vm3 =	vne.s32 v10, v7;
	v13 =	vadd.s32 s7, v2  }
0x61a: {  	v19 =	vld.idx.msk [tilespmem:v14+s26+$0x0], $0xffff;
	v21 =	vsel vm0, $0x1, v3;
	v24 =	vsel vm1, $0x1, v3;
	s7 =	simm.s32 $0x9;
	v11 =	vsel vm1, v11, v16  }
0x61b: {  	v14 =	vld.idx.msk [tilespmem:v14+s28+$0x0], $0xffff;
	v21 =	vadd.s32 v21, v2;
	v22 =	vadd.s32 s7, v2;
	v20 =	vadd.f32 v15, v11  }
0x61c: {  	s6 =	simm.s32 $0x8;
	v53 =	vld.idx.msk [tilespmem:v17+s26+$0x0], $0xffff;
	v24 =	vadd.s32 v24, v21  }
0x61d: {  	v17 =	vld.idx.msk [tilespmem:v17+s28+$0x0], $0xffff;
	vm5 =	vne.s32 v12, v10;
	v16 =	vadd.s32 s6, v2;
	v15 =	vsel vm3, v15, v20  }
0x61e: {  	s5 =	simm.s32 $0xA;
	v25 =	vsel vm3, $0x1, v3;
	[tilespmem:v2+s29+$0x0] =	vst.idx.msk vm0, v6;
	v23 =	vld.idx.msk [tilespmem:v13+s26+$0x0], $0xffff;
	v26 =	vadd.f32 v18, v15  }
0x61f: {  	v28 =	vadd.s32 s5, v2;
	v6 =	vadd.s32 v25, v24;
	v13 =	vld.idx.msk [tilespmem:v13+s28+$0x0], $0xffff;
	[tilespmem:v2+s30+$0x0] =	vst.idx.msk vm0, v8;
	v8 =	vsel vm5, $0x1, v3  }
0x620: {  	vm0 =	vne.s32 v19, v12;
	[tilespmem:v21+s29+$0x0] =	vst.idx.msk vm1, v5;
	v55 =	vld.idx.msk [tilespmem:v22+s26+$0x0], $0xffff;
	v18 =	vsel vm5, v18, v26  }
0x621: {  	v8 =	vadd.s32 v8, v6;
	v5 =	vsel vm0, $0x1, v3;
	[tilespmem:v24+s29+$0x0] =	vst.idx.msk vm3, v7;
	v27 =	vadd.f32 v14, v18  }
0x622: {  	s6 =	simm.s32 $0xB;
	[tilespmem:v21+s30+$0x0] =	vst.idx.msk vm1, v9;
	v5 =	vadd.s32 v5, v8;
	v54 =	vld.idx.msk [tilespmem:v16+s26+$0x0], $0xffff  }
0x623: {  	[tilespmem:v24+s30+$0x0] =	vst.idx.msk vm3, v11;
	v11 =	vadd.s32 s6, v2;
	vm2 =	vne.s32 v23, v19;
	v14 =	vsel vm0, v14, v27  }
0x624: {  	s7 =	simm.s32 $0xC;
	v9 =	vld.idx.msk [tilespmem:v28+s26+$0x0], $0xffff;
	vm4 =	vne.s32 v53, v23;
	v7 =	vsel vm2, $0x1, v3;
	v56 =	vadd.f32 v13, v14  }
0x625: {  	s5 =	simm.s32 $0xD;
	[tilespmem:v6+s29+$0x0] =	vst.idx.msk vm5, v10;
	v10 =	vld.idx.msk [tilespmem:v16+s28+$0x0], $0xffff;
	v16 =	vadd.s32 s7, v2;
	v7 =	vadd.s32 v7, v5  }
0x626: {  	v59 =	vadd.s32 s5, v2;
	v58 =	vld.idx.msk [tilespmem:v22+s28+$0x0], $0xffff;
	[tilespmem:v6+s30+$0x0] =	vst.idx.msk vm5, v15;
	v6 =	vsel vm2, v13, v56  }
0x627: {  	v57 =	vsel vm4, $0x1, v3;
	[tilespmem:v8+s29+$0x0] =	vst.idx.msk vm0, v12;
	vm14 =	vne.s32 v54, v53;
	v13 =	vadd.f32 v17, v6  }
0x628: {  	[tilespmem:v8+s30+$0x0] =	vst.idx.msk vm0, v18;
	vm3 =	vne.s32 v55, v54;
	v12 =	vadd.s32 v57, v7;
	v15 =	vsel vm14, $0x1, v3  }
0x629: {  	v60 =	vld.idx.msk [tilespmem:v11+s26+$0x0], $0xffff;
	v15 =	vadd.s32 v15, v12;
	[tilespmem:v5+s29+$0x0] =	vst.idx.msk vm2, v19;
	v13 =	vsel vm4, v17, v13  }
0x62a: {  	v61 =	vld.idx.msk [tilespmem:v16+s26+$0x0], $0xffff;
	[tilespmem:v7+s29+$0x0] =	vst.idx.msk vm4, v23;
	v62 =	vadd.f32 v10, v13  }
0x62b: {  	vm1 =	vne.s32 v9, v55;
	v17 =	vsel vm3, $0x1, v3;
	[tilespmem:v7+s30+$0x0] =	vst.idx.msk vm4, v6;
	v6 =	vld.idx.msk [tilespmem:v28+s28+$0x0], $0xffff  }
0x62c: {  	[tilespmem:v5+s30+$0x0] =	vst.idx.msk vm2, v14;
	v5 =	vld.idx.msk [tilespmem:v59+s26+$0x0], $0xffff;
	v17 =	vadd.s32 v17, v15;
	v7 =	vsel vm14, v10, v62  }
0x62d: {  	[tilespmem:v12+s29+$0x0] =	vst.idx.msk vm14, v53;
	v10 =	vsel vm1, $0x1, v3;
	v14 =	vadd.f32 v58, v7  }
0x62e: {  	vm2 =	vne.s32 v60, v9;
	[tilespmem:v15+s29+$0x0] =	vst.idx.msk vm3, v54;
	v63 =	vadd.s32 v10, v17;
	v10 =	vld.idx.msk [tilespmem:v11+s28+$0x0], $0xffff  }
0x62f: {  	s4 =	simm.s32 $0xE;
	vm15 =	vne.s32 v61, v60;
	[tilespmem:v12+s30+$0x0] =	vst.idx.msk vm14, v13;
	v12 =	vsel vm2, $0x1, v3;
	v11 =	vsel vm3, v58, v14  }
0x630: {  	[tilespmem:v15+s30+$0x0] =	vst.idx.msk vm3, v7;
	v13 =	vadd.s32 v12, v63;
	v14 =	vadd.s32 s4, v2;
	v7 =	vadd.f32 v6, v11  }
0x631: {  	s5 =	simm.s32 $0xF;
	v8 =	vld.idx.msk [tilespmem:v16+s28+$0x0], $0xffff;
	vm0 =	vne.s32 v5, v61;
	[tilespmem:v17+s29+$0x0] =	vst.idx.msk vm1, v55  }
0x632: {  	[tilespmem:v17+s30+$0x0] =	vst.idx.msk vm1, v11;
	v17 =	vadd.s32 s5, v2;
	v15 =	vsel vm1, v6, v7;
	v6 =	vsel vm15, $0x1, v3  }
0x633: {  	v7 =	vadd.f32 v10, v15;
	v16 =	vadd.s32 v6, v13  }
0x634: {  	v12 =	vld.idx.msk [tilespmem:v59+s28+$0x0], $0xffff;
	[tilespmem:v63+s29+$0x0] =	vst.idx.msk vm2, v9  }
0x635: {  	s6 =	simm.s32 $0x10;
	[tilespmem:v13+s29+$0x0] =	vst.idx.msk vm15, v60;
	v6 =	vsel vm2, v10, v7;
	v10 =	vld.idx.msk [tilespmem:v14+s28+$0x0], $0xffff  }
0x636: {  	[tilespmem:v13+s30+$0x0] =	vst.idx.msk vm15, v6;
	v9 =	vadd.f32 v8, v6;
	v6 =	vld.idx.msk [tilespmem:v14+s26+$0x0], $0xffff;
	v14 =	vadd.s32 s6, v2  }
0x637: {  	s7 =	simm.s32 $0x11;
	[tilespmem:v63+s30+$0x0] =	vst.idx.msk vm2, v15;
	v7 =	vsel vm0, $0x1, v3;
	v11 =	vld.idx.msk [tilespmem:v17+s28+$0x0], $0xffff  }
0x638: {  	v7 =	vadd.s32 v7, v16;
	s6 =	simm.s32 $0x12;
	v13 =	vadd.s32 s7, v2;
	v8 =	vsel vm15, v8, v9;
	[tilespmem:v16+s29+$0x0] =	vst.idx.msk vm0, v61  }
0x639: {  	s5 =	simm.s32 $0x1B;
	v9 =	vadd.s32 s6, v2;
	s6 =	simm.s32 $0x13;
	[tilespmem:v16+s30+$0x0] =	vst.idx.msk vm0, v8;
	v15 =	vadd.f32 v12, v8;
	v8 =	vld.idx.msk [tilespmem:v17+s26+$0x0], $0xffff  }
.LBB2_58:
0x63a: {  	p0 =	slt.u32 s5, $0x264  }
0x63b: {  	v16 =	vld.idx.msk [tilespmem:v14+s26+$0x0], $0xffff;
	v17 =	vadd.s32 s6, v2;
	s7 =	sadd.s32 $0x6, s4;
	v12 =	vsel vm0, v12, v15;
	s6 =	smov.u32 s5;
	s5 =	sadd.s32 $0xD, s5  }
0x63c: {  	v15 =	vadd.f32 v10, v12;
	v14 =	vld.idx.msk [tilespmem:v14+s28+$0x0], $0xffff;
	v18 =	vadd.s32 s7, v2;
	s7 =	sadd.s32 $0x7, s4  }
0x63d: {  	vm0 =	vne.s32 v6, v5;
	v19 =	vld.idx.msk [tilespmem:v13+s26+$0x0], $0xffff;
	v20 =	vadd.s32 s7, v2  }
0x63e: {  	v21 =	vsel vm0, $0x1, v3;
	s7 =	sadd.s32 $0x8, s4;
	v10 =	vsel vm0, v10, v15;
	v13 =	vld.idx.msk [tilespmem:v13+s28+$0x0], $0xffff  }
0x63f: {  	v23 =	vadd.s32 s7, v2;
	v15 =	vadd.f32 v11, v10;
	v22 =	vld.idx.msk [tilespmem:v9+s26+$0x0], $0xffff  }
0x640: {  	v21 =	vadd.s32 v21, v7;
	vm1 =	vne.s32 v8, v6;
	v24 =	vld.idx.msk [tilespmem:v17+s26+$0x0], $0xffff  }
0x641: {  	v25 =	vsel vm1, $0x1, v3;
	vm4 =	vne.s32 v16, v8;
	v11 =	vsel vm1, v11, v15;
	v15 =	vld.idx.msk [tilespmem:v18+s26+$0x0], $0xffff  }
0x642: {  	v25 =	vadd.s32 v25, v21;
	v26 =	vsel vm4, $0x1, v3;
	v27 =	vadd.f32 v14, v11;
	v9 =	vld.idx.msk [tilespmem:v9+s28+$0x0], $0xffff  }
0x643: {  	vm2 =	vne.s32 v19, v16;
	[tilespmem:v7+s29+$0x0] =	vst.idx.msk vm0, v5;
	v5 =	vadd.s32 v26, v25;
	v26 =	vld.idx.msk [tilespmem:v20+s26+$0x0], $0xffff  }
0x644: {  	s7 =	sadd.s32 $0x9, s4;
	[tilespmem:v7+s30+$0x0] =	vst.idx.msk vm0, v12;
	v7 =	vsel vm4, v14, v27;
	v12 =	vsel vm2, $0x1, v3;
	v14 =	vld.idx.msk [tilespmem:v23+s26+$0x0], $0xffff  }
0x645: {  	vm0 =	vne.s32 v22, v19;
	v12 =	vadd.s32 v12, v5;
	v27 =	vadd.f32 v13, v7;
	v17 =	vld.idx.msk [tilespmem:v17+s28+$0x0], $0xffff  }
0x646: {  	v28 =	vadd.s32 s7, v2;
	vm3 =	vne.s32 v24, v22;
	[tilespmem:v21+s29+$0x0] =	vst.idx.msk vm1, v6;
	v6 =	vsel vm0, $0x1, v3;
	v18 =	vld.idx.msk [tilespmem:v18+s28+$0x0], $0xffff  }
0x647: {  	vm5 =	vne.s32 v15, v24;
	[tilespmem:v25+s29+$0x0] =	vst.idx.msk vm4, v8;
	v8 =	vsel vm2, v13, v27;
	v13 =	vsel vm3, $0x1, v3  }
0x648: {  	v6 =	vadd.s32 v6, v12;
	[tilespmem:v25+s30+$0x0] =	vst.idx.msk vm4, v11;
	v11 =	vadd.f32 v9, v8;
	v25 =	vsel vm5, $0x1, v3  }
0x649: {  	s7 =	sadd.s32 $0xA, s4;
	v13 =	vadd.s32 v13, v6;
	vm4 =	vne.s32 v26, v15;
	[tilespmem:v5+s29+$0x0] =	vst.idx.msk vm2, v16;
	v16 =	vld.idx.msk [tilespmem:v20+s28+$0x0], $0xffff  }
0x64a: {  	[tilespmem:v5+s30+$0x0] =	vst.idx.msk vm2, v7;
	v5 =	vsel vm0, v9, v11;
	vm2 =	vne.s32 v14, v26;
	v7 =	vadd.s32 s7, v2;
	s7 =	sadd.s32 $0xB, s4  }
0x64b: {  	[tilespmem:v21+s30+$0x0] =	vst.idx.msk vm1, v10;
	v9 =	vadd.f32 v17, v5;
	v10 =	vsel vm2, $0x1, v3;
	v11 =	vld.idx.msk [tilespmem:v28+s26+$0x0], $0xffff;
	v20 =	vadd.s32 s7, v2  }
0x64c: {  	v21 =	vsel vm4, $0x1, v3;
	[tilespmem:v12+s29+$0x0] =	vst.idx.msk vm0, v19;
	v19 =	vadd.s32 v25, v13  }
0x64d: {  	s7 =	sadd.s32 $0xC, s4;
	s4 =	smov.u32 s6;
	[tilespmem:v6+s29+$0x0] =	vst.idx.msk vm3, v22;
	v9 =	vsel vm3, v17, v9;
	v17 =	vadd.s32 v21, v19;
	v21 =	vld.idx.msk [tilespmem:v23+s28+$0x0], $0xffff  }
0x64e: {  	v23 =	vadd.s32 s7, v2;
	[tilespmem:v13+s29+$0x0] =	vst.idx.msk vm5, v24;
	v22 =	vadd.f32 v18, v9;
	v10 =	vadd.s32 v10, v17  }
0x64f: {  	[tilespmem:v13+s30+$0x0] =	vst.idx.msk vm5, v9;
	v9 =	vld.idx.msk [tilespmem:v7+s26+$0x0], $0xffff  }
0x650: {  	[tilespmem:v6+s30+$0x0] =	vst.idx.msk vm3, v5;
	v5 =	vsel vm5, v18, v22;
	v18 =	vld.idx.msk [tilespmem:v20+s26+$0x0], $0xffff  }
0x651: {  	vm3 =	vne.s32 v11, v14;
	[tilespmem:v19+s29+$0x0] =	vst.idx.msk vm4, v15;
	v6 =	vadd.f32 v16, v5;
	v13 =	vld.idx.msk [tilespmem:v28+s28+$0x0], $0xffff  }
0x652: {  	v15 =	vsel vm3, $0x1, v3;
	[tilespmem:v17+s29+$0x0] =	vst.idx.msk vm2, v26  }
0x653: {  	v15 =	vadd.s32 v15, v10;
	[tilespmem:v19+s30+$0x0] =	vst.idx.msk vm4, v5;
	v6 =	vsel vm4, v16, v6;
	v5 =	vld.idx.msk [tilespmem:v23+s26+$0x0], $0xffff  }
0x654: {  	[tilespmem:v17+s30+$0x0] =	vst.idx.msk vm2, v6;
	v6 =	vadd.f32 v21, v6;
	v16 =	vld.idx.msk [tilespmem:v7+s28+$0x0], $0xffff  }
0x655: {  	vm1 =	vne.s32 v9, v11;
	[tilespmem:v12+s30+$0x0] =	vst.idx.msk vm0, v8  }
0x656: {  	v7 =	vsel vm1, $0x1, v3;
	v6 =	vsel vm2, v21, v6;
	vm2 =	vne.s32 v18, v9  }
0x657: {  	v17 =	vadd.s32 v7, v15;
	[tilespmem:v10+s29+$0x0] =	vst.idx.msk vm3, v14;
	v8 =	vadd.f32 v13, v6;
	v19 =	vld.idx.msk [tilespmem:v20+s28+$0x0], $0xffff  }
0x658: {  	v20 =	vadd.s32 s4, v2;
	[tilespmem:v10+s30+$0x0] =	vst.idx.msk vm3, v6  }
0x659: {  	v6 =	vsel vm2, $0x1, v3;
	vm0 =	vne.s32 v5, v18;
	v8 =	vsel vm3, v13, v8  }
0x65a: {  	s6 =	sadd.s32 $0x1, s4;
	v21 =	vadd.s32 v6, v17;
	v6 =	vsel vm0, $0x1, v3;
	v10 =	vadd.f32 v16, v8;
	v12 =	vld.idx.msk [tilespmem:v23+s28+$0x0], $0xffff  }
0x65b: {  	v22 =	vadd.s32 s6, v2;
	v7 =	vadd.s32 v6, v21;
	[tilespmem:v15+s29+$0x0] =	vst.idx.msk vm1, v11  }
0x65c: {  	s6 =	sadd.s32 $0x2, s4;
	v6 =	vsel vm1, v16, v10;
	[tilespmem:v17+s29+$0x0] =	vst.idx.msk vm2, v9  }
.Ltmp39:
0x65d: {  	v14 =	vadd.s32 s6, v2;
	v10 =	vld.idx.msk [tilespmem:v20+s28+$0x0], $0xffff;
	[tilespmem:v17+s30+$0x0] =	vst.idx.msk vm2, v6;
	v9 =	vadd.f32 v19, v6;
	(pc) =	sbr.rel @p0 .LBB2_58-.Ltmp39, $4  }
0x65e: {  	s6 =	sadd.s32 $0x3, s4;
	v6 =	vld.idx.msk [tilespmem:v20+s26+$0x0], $0xffff;
	[tilespmem:v15+s30+$0x0] =	vst.idx.msk vm1, v8  }
0x65f: {  	v13 =	vadd.s32 s6, v2;
	s6 =	sadd.s32 $0x4, s4;
	v8 =	vsel vm2, v19, v9;
	[tilespmem:v21+s29+$0x0] =	vst.idx.msk vm0, v18  }
0x660: {  	v9 =	vadd.s32 s6, v2;
	v11 =	vld.idx.msk [tilespmem:v22+s28+$0x0], $0xffff;
	[tilespmem:v21+s30+$0x0] =	vst.idx.msk vm0, v8;
	v15 =	vadd.f32 v12, v8  }
0x661: {  	s6 =	sadd.s32 $0x5, s4;
	v8 =	vld.idx.msk [tilespmem:v22+s26+$0x0], $0xffff  }
0x662: {  	_ =	sdelay $0x3  }
0x663: {  	v63 =	vld.idx.msk [tilespmem:v14+s26+$0x0], $0xffff;
	v16 =	vadd.s32 s6, v2;
	s5 =	sadd.s32 $0x6, s4  }
0x664: {  	v12 =	vsel vm0, v12, v15;
	s7 =	sadd.s32 $0x7, s4;
	v19 =	vld.idx.msk [tilespmem:v13+s26+$0x0], $0xffff;
	v18 =	vadd.s32 s5, v2  }
0x665: {  	s6 =	sadd.s32 $0x8, s4;
	v23 =	vld.idx.msk [tilespmem:v9+s26+$0x0], $0xffff;
	v17 =	vadd.f32 v10, v12;
	vm1 =	vne.s32 v6, v5;
	v20 =	vadd.s32 s7, v2  }
0x666: {  	v22 =	vadd.s32 s6, v2;
	s7 =	sadd.s32 $0x9, s4;
	s6 =	sadd.s32 $0xA, s4;
	v21 =	vsel vm1, $0x1, v3  }
0x667: {  	v47 =	vld.idx.msk [tilespmem:v14+s28+$0x0], $0xffff;
	v25 =	vadd.s32 s7, v2;
	v49 =	vadd.s32 s6, v2;
	s7 =	sadd.s32 $0xB, s4;
	v10 =	vsel vm1, v10, v17  }
0x668: {  	s6 =	sadd.s32 $0xC, s4;
	v21 =	vadd.s32 v21, v7;
	v29 =	vadd.s32 s7, v2;
	vm0 =	vne.s32 v8, v6;
	v26 =	vld.idx.msk [tilespmem:v16+s26+$0x0], $0xffff  }
0x669: {  	v32 =	vadd.s32 s6, v2;
	v17 =	vadd.f32 v11, v10;
	v24 =	vsel vm0, $0x1, v3;
	v27 =	vld.idx.msk [tilespmem:v18+s26+$0x0], $0xffff  }
0x66a: {  	vm5 =	vne.s32 v63, v8;
	vm10 =	vne.s32 v19, v63;
	vm2 =	vne.s32 v23, v19;
	v31 =	vld.idx.msk [tilespmem:v20+s26+$0x0], $0xffff  }
0x66b: {  	v11 =	vsel vm0, v11, v17;
	v24 =	vadd.s32 v24, v21;
	v28 =	vsel vm5, $0x1, v3;
	v34 =	vld.idx.msk [tilespmem:v22+s26+$0x0], $0xffff  }
0x66c: {  	v33 =	vsel vm10, $0x1, v3;
	v36 =	vsel vm2, $0x1, v3;
	v28 =	vadd.s32 v28, v24;
	v51 =	vld.idx.msk [tilespmem:v25+s26+$0x0], $0xffff  }
0x66d: {  	v30 =	vadd.f32 v47, v11;
	v37 =	vld.idx.msk [tilespmem:v49+s26+$0x0], $0xffff;
	v50 =	vadd.s32 v33, v28;
	vm7 =	vne.s32 v26, v23  }
0x66e: {  	v39 =	vld.idx.msk [tilespmem:v29+s26+$0x0], $0xffff;
	v36 =	vadd.s32 v36, v50;
	v38 =	vsel vm7, $0x1, v3;
	vm12 =	vne.s32 v27, v26  }
0x66f: {  	v41 =	vld.idx.msk [tilespmem:v32+s26+$0x0], $0xffff;
	vm11 =	vne.s32 v31, v27;
	v40 =	vsel vm12, $0x1, v3;
	v38 =	vadd.s32 v38, v36  }
0x670: {  	vm8 =	vne.s32 v34, v31;
	v42 =	vsel vm11, $0x1, v3;
	v40 =	vadd.s32 v40, v38  }
0x671: {  	v43 =	vsel vm8, $0x1, v3;
	vm6 =	vne.s32 v51, v34;
	v42 =	vadd.s32 v42, v40  }
0x672: {  	vm3 =	vne.s32 v37, v51;
	v44 =	vsel vm6, $0x1, v3;
	v43 =	vadd.s32 v43, v42  }
0x673: {  	v48 =	vld.idx.msk [tilespmem:v13+s28+$0x0], $0xffff;
	v45 =	vsel vm3, $0x1, v3;
	vm9 =	vne.s32 v39, v37;
	v44 =	vadd.s32 v44, v43  }
0x674: {  	vm4 =	vne.s32 v41, v39;
	v46 =	vsel vm9, $0x1, v3;
	v45 =	vadd.s32 v45, v44  }
0x675: {  	v14 =	vsel vm5, v47, v30;
	v47 =	vsel vm4, $0x1, v3;
	v46 =	vadd.s32 v46, v45  }
0x676: {  	v52 =	vld.idx.msk [tilespmem:v9+s28+$0x0], $0xffff;
	v53 =	vadd.s32 v47, v46  }
0x677: {  	v4 =	vadd.s32 v4, v53  }
0x678: {  	v35 =	vadd.f32 v48, v14;
	v55 =	vxor.u32 $0x80000000, v4  }
0x679: {  	v16 =	vld.idx.msk [tilespmem:v16+s28+$0x0], $0xffff;
	(xrf0) =	vmax.scan.msk.u32 $0xffff, v55  }
0x67a: {  	v13 =	vsel vm10, v48, v35  }
0x67b: {  	v54 =	vadd.f32 v52, v13  }
0x67c: {  	[tilespmem:v7+s29+$0x0] =	vst.idx.msk vm1, v5;
	v5 =	vld.idx.msk [tilespmem:v18+s28+$0x0], $0xffff  }
0x67d: {  	[tilespmem:v7+s30+$0x0] =	vst.idx.msk vm1, v12;
	v7 =	vsel vm2, v52, v54  }
0x67e: {  	[tilespmem:v21+s29+$0x0] =	vst.idx.msk vm0, v6;
	v56 =	vadd.f32 v16, v7  }
0x67f: {  	v57 =	vld.idx.msk [tilespmem:v20+s28+$0x0], $0xffff;
	[tilespmem:v24+s29+$0x0] =	vst.idx.msk vm5, v8;
	v59, _, _ =	vpop (xrf0)  }
0x680: {  	[tilespmem:v21+s30+$0x0] =	vst.idx.msk vm0, v10;
	v8 =	vsel vm7, v16, v56;
	(v2sf) =	vpush v59, $0xF  }
0x681: {  	[tilespmem:v24+s30+$0x0] =	vst.idx.msk vm5, v11;
	v58 =	vadd.f32 v5, v8  }
0x682: {  	v6 =	vld.idx.msk [tilespmem:v22+s28+$0x0], $0xffff;
	[tilespmem:v28+s29+$0x0] =	vst.idx.msk vm10, v63  }
0x683: {  	[tilespmem:v28+s30+$0x0] =	vst.idx.msk vm10, v14;
	v5 =	vsel vm12, v5, v58  }
0x684: {  	[tilespmem:v50+s29+$0x0] =	vst.idx.msk vm2, v19;
	v60 =	vadd.f32 v57, v5  }
0x685: {  	v61 =	vld.idx.msk [tilespmem:v25+s28+$0x0], $0xffff;
	[tilespmem:v50+s30+$0x0] =	vst.idx.msk vm2, v13  }
0x686: {  	[tilespmem:v36+s29+$0x0] =	vst.idx.msk vm7, v23;
	v9 =	vsel vm11, v57, v60  }
0x687: {  	[tilespmem:v36+s30+$0x0] =	vst.idx.msk vm7, v7;
	v7 =	vadd.f32 v6, v9  }
0x688: {  	v62 =	vld.idx.msk [tilespmem:v49+s28+$0x0], $0xffff;
	[tilespmem:v40+s29+$0x0] =	vst.idx.msk vm11, v27  }
0x689: {  	[tilespmem:v40+s30+$0x0] =	vst.idx.msk vm11, v5;
	v5 =	vsel vm8, v6, v7  }
0x68a: {  	[tilespmem:v38+s29+$0x0] =	vst.idx.msk vm12, v26;
	v6 =	vadd.f32 v61, v5  }
0x68b: {  	[tilespmem:v38+s30+$0x0] =	vst.idx.msk vm12, v8;
	v7 =	vld.idx.msk [tilespmem:v29+s28+$0x0], $0xffff  }
0x68c: {  	[tilespmem:v42+s29+$0x0] =	vst.idx.msk vm8, v31;
	v6 =	vsel vm6, v61, v6  }
0x68d: {  	[tilespmem:v43+s29+$0x0] =	vst.idx.msk vm6, v34;
	v8 =	vadd.f32 v62, v6  }
0x68e: {  	v63 =	vld.idx.msk [tilespmem:v32+s28+$0x0], $0xffff;
	[tilespmem:v44+s29+$0x0] =	vst.idx.msk vm3, v51  }
0x68f: {  	[tilespmem:v43+s30+$0x0] =	vst.idx.msk vm6, v5;
	v5 =	vsel vm3, v62, v8;
	s7 =	spop (v2sf)  }
0x690: {  	[tilespmem:v46+s29+$0x0] =	vst.idx.msk vm4, v39;
	v8 =	vadd.f32 v7, v5;
	s4 =	sxor.u32 $0x80000000, s7  }
0x691: {  	[tilespmem:v45+s29+$0x0] =	vst.idx.msk vm9, v37;
	p0 =	slt.s32 s4, $0x1  }
.Ltmp40:
0x692: {  	[tilespmem:v45+s30+$0x0] =	vst.idx.msk vm9, v5;
	v5 =	vsel vm9, v7, v8;
	(pc) =	sbr.rel @p0 .LBB2_63-.Ltmp40, $4  }
0x693: {  	[tilespmem:v44+s30+$0x0] =	vst.idx.msk vm3, v6;
	v6 =	vadd.f32 v63, v5  }
0x694: {  	[tilespmem:v42+s30+$0x0] =	vst.idx.msk vm8, v9  }
0x695: {  	[tilespmem:v46+s30+$0x0] =	vst.idx.msk vm4, v5;
	v5 =	vsel vm4, v63, v6  }
0x696: {  	s6 =	simm.s32 $0x0;
	[tilespmem:v41+s31+$0x0] =	vst.idx.add.f32.msk $0xffff, v5  }
0x697: {  	v6 =	vadd.s32 s6, v2  }
0x698: {  	p0 =	sne.s32 s4, $0x1  }
.Ltmp41:
0x699: {  	_ = 	snop;
	(pc) =	sbr.rel @!p0 .LBB2_62-.Ltmp41, $3  }
0x69a: {  	_ =	sdelay $0x1  }
0x69b: {  	v5 =	vld.idx.msk [tilespmem:v6+s29+$0x0], $0xffff  }
0x69c: {  	s5 =	simm.s32 $0x1;
	v7 =	vmov s6  }
.LBB2_61:
0x69d: {  	v8 =	vld.idx.msk [tilespmem:v6+s30+$0x0], $0xffff;
	vm0 =	vlt.s32 v7, v4;
	s6 =	smov.u32 s5;
	s5 =	sadd.s32 $0x1, s5  }
0x69e: {  	p0 =	sne.s32 s4, s5  }
0x69f: {  	v6 =	vadd.s32 s6, v2;
	_ =	sdelay $0x1  }
.Ltmp42:
0x6a0: {  	(pc) =	sbr.rel @p0 .LBB2_61-.Ltmp42, $4  }
0x6a1: {  	_ = 	snop  }
0x6a2: {  	[tilespmem:v5+s31+$0x0] =	vst.idx.add.f32.msk vm0, v8  }
0x6a3: {  	v5 =	vld.idx.msk [tilespmem:v6+s29+$0x0], $0xffff  }
0x6a4: {  	v7 =	vmov s6  }
.Ltmp43:
0x6a5: {  	_ = 	snop;
	(pc) =	sbr.rel .LBB2_62-.Ltmp43, $1  }
0x6a6: {  	_ =	sdelay $0x3  }
.LBB2_64:
0x6a7: {  	_ =	sfence.sel $0x180000  }
0x6a8: {  	[bflag:$0x0] =	sbarrier.arrive $0xFFFF  }
0x6a9: {  	_ =	strace $0x90000047  }
0x6aa: {  	s0 =	stileid.u32;
	[bflag:$0x2] =	sbarrier.arrive $0xFFFF  }
0x6ab: {  	p0 =	sne.s32 s0, $0x0;
	s0 =	rddreg [dreg:$0x3]  }
0x6ac: {  	s0 =	sadd.s32 @!p0 $0x100000, s0  }
0x6ad: {  	[sflag:s0] =	ssyncadd.tile.s32 @!p0 $0x1;
	_ =	shalt  }
.Lfunc_end2:
_tile_overlayer_lowered:
.L_overlay_start_2:
0x6ae: {  	(tag) =	ssettag $0x2  }
0x6af: {  	s0 =	rddreg [dreg:$0x0];
	s2 =	stileid.u32  }
0x6b0: {  	s1 =	rddreg [dreg:$0x1];
	p0 =	sne.s32 s2, $0x0  }
0x6b1: {  	s3 =	rddreg [dreg:$0x2];
	[bflag:$0x3] =	sbarrier.arrive $0xFFFF;
	s2 =	simm.s32 @!p0 $0x1C03  }
0x6b2: {  	[timem:s3], [sflag:s2] =	dma.local @!p0 [hbm:s0], s1  }
0x6b3: {  	s0 =	simm.s32 @!p0 $0x3  }
0x6b4: {  	_ =	swait.ge @!p0 [sflag:s0], s1  }
0x6b5: {  	s1 =	ssub.s32 @!p0 $0x0, s1;
	[sflag:s0] =	ssyncset.done @!p0 $0x0  }
0x6b6: {  	[sflag:s0] =	ssyncadd.s32 @!p0 s1  }
0x6b7: {  	[bflag:$0x3] =	sbarrier.arrive $0xFFFF  }
0x6b8: {  	_ =	shalt  }

</sc_bundles>
